<compile_context>
chip_gen: v7x
topology: tpu7x:2x2x1
jax: 0.10.2.dev20260603
libtpu: 0.0.44.dev20260713+nightly
codegen_flags: <defaults>
</compile_context>

<pallas_src>
import jax
import jax.numpy as jnp
import numpy as np
from jax import lax
from jax.experimental import pallas as pl
from jax.experimental.pallas import tpu as pltpu
from jax.experimental.pallas import tpu_sc as plsc

N_NODES = 10000
N_EDGES = 320000
IN_F = 128
OUT_F = 32
HEADS = 4
D = 128
HALF = N_NODES // 2

NSUB = 16
EPW = 10624
CAP = NSUB * EPW
CHUNK = 128
NCHUNK = EPW // CHUNK
ACC_N_ROWS = 5120
ACC_D_ROWS = 640



def _qkv_body(x_ref, w_ref, q_ref, k_ref, v_ref):
    r = jnp.dot(x_ref[...], w_ref[...], preferred_element_type=jnp.float32)
    q_ref[...] = r[:, :D]
    k_ref[...] = r[:, D:2 * D]
    v_ref[...] = r[:, 2 * D:]


def _qkv(x, w_all):
    blk = 1000
    shp = jax.ShapeDtypeStruct((N_NODES, D), jnp.float32)
    return pl.pallas_call(
        _qkv_body,
        grid=(N_NODES // blk,),
        in_specs=[
            pl.BlockSpec((blk, IN_F), lambda i: (i, 0)),
            pl.BlockSpec((IN_F, 3 * D), lambda i: (0, 0)),
        ],
        out_specs=[pl.BlockSpec((blk, D), lambda i: (i, 0))] * 3,
        out_shape=[shp, shp, shp],
    )(x, w_all)



def _edge_body(q_hbm, k_hbm, v_hbm, packed_hbm, outn_hbm, outd_hbm,
               pk_v, rowg_v, colg_v, rows2_v, drows_v,
               qbuf, kbuf, vbuf, mbuf, dbuf, ebuf, acc_n, acc_d, sem):
    c = lax.axis_index("c")
    s = lax.axis_index("s")
    base = c * CAP + s * EPW
    zvec = jnp.zeros((16,), jnp.float32)
    lane = jnp.arange(16, dtype=jnp.int32)
    nmax = jnp.full((16,), N_NODES - 1, jnp.int32)
    cmask = jnp.full((16,), 16383, jnp.int32)

    if True:
        @pl.loop(0, CHUNK)
        def _(r):
            for k in range(D // 16):
                mbuf[r, pl.ds(16 * k, 16)] = zvec
                dbuf[r, pl.ds(16 * k, 16)] = zvec

        pltpu.sync_copy(mbuf, acc_n.at[pl.ds(s * 320, 128)])
        pltpu.sync_copy(mbuf, acc_n.at[pl.ds(s * 320 + 128, 128)])
        pltpu.sync_copy(mbuf.at[pl.ds(0, 64)],
                        acc_n.at[pl.ds(s * 320 + 256, 64)])
        pltpu.sync_copy(mbuf.at[pl.ds(0, 40)], acc_d.at[pl.ds(s * 40, 40)])

        plsc.subcore_barrier()

        @pl.loop(0, NCHUNK)
        def _(j):
            e0 = base + j * CHUNK
            pltpu.sync_copy(packed_hbm.at[pl.ds(e0, CHUNK)], pk_v)

            @pl.loop(0, CHUNK // 16)
            def _(g):
                p = pk_v[pl.ds(g * 16, 16)]
                dst = jnp.right_shift(p, 14)
                src = jnp.bitwise_and(p, cmask)
                rowg_v[pl.ds(g * 16, 16)] = jnp.minimum(dst, nmax)
                colg_v[pl.ds(g * 16, 16)] = src
                loc = dst - c * HALF
                rows2_v[pl.ds(g * 16, 16)] = loc
                drows_v[pl.ds(g * 16, 16)] = jnp.right_shift(loc, 3)

            cp_q = pltpu.async_copy(q_hbm.at[rowg_v], qbuf, sem)
            cp_k = pltpu.async_copy(k_hbm.at[colg_v], kbuf, sem)
            cp_v = pltpu.async_copy(v_hbm.at[colg_v], vbuf, sem)
            cp_q.wait()
            cp_k.wait()
            cp_v.wait()

            @pl.loop(0, CHUNK // 16)
            def _(g):
                eidx = lane + g * 16
                loc = rows2_v[pl.ds(g * 16, 16)]
                for h in range(HEADS):
                    accv = zvec
                    for dd in range(OUT_F):
                        dsp = jnp.full((16,), 32 * h + dd, jnp.int32)
                        qd = plsc.load_gather(qbuf, [eidx, dsp])
                        kd = plsc.load_gather(kbuf, [eidx, dsp])
                        accv = accv + qd * kd
                    ebuf[h, pl.ds(g * 16, 16)] = jnp.exp(accv)

                dcol16 = jnp.left_shift(jnp.bitwise_and(loc, 7), 4)
                for h in range(HEADS):
                    ev = ebuf[h, pl.ds(g * 16, 16)]
                    for dd in range(OUT_F):
                        d = 32 * h + dd
                        dsp = jnp.full((16,), d, jnp.int32)
                        vd = plsc.load_gather(vbuf, [eidx, dsp])
                        plsc.store_scatter(mbuf, [eidx, dsp], vd * ev)
                    plsc.store_scatter(dbuf, [eidx, dcol16 + h], ev)

            pltpu.sync_copy(mbuf, acc_n.at[rows2_v], add=True)
            pltpu.sync_copy(dbuf, acc_d.at[drows_v], add=True)

            @pl.loop(0, CHUNK // 16)
            def _(g):
                eidx = lane + g * 16
                loc = rows2_v[pl.ds(g * 16, 16)]
                dcol16 = jnp.left_shift(jnp.bitwise_and(loc, 7), 4)
                for h in range(HEADS):
                    plsc.store_scatter(dbuf, [eidx, dcol16 + h], zvec)

        plsc.subcore_barrier()

        pltpu.sync_copy(acc_n.at[pl.ds(s * 320, 128)],
                        outn_hbm.at[c].at[pl.ds(s * 320, 128)])
        pltpu.sync_copy(acc_n.at[pl.ds(s * 320 + 128, 128)],
                        outn_hbm.at[c].at[pl.ds(s * 320 + 128, 128)])
        pltpu.sync_copy(acc_n.at[pl.ds(s * 320 + 256, 64)],
                        outn_hbm.at[c].at[pl.ds(s * 320 + 256, 64)])
        pltpu.sync_copy(acc_d.at[pl.ds(s * 40, 40)],
                        outd_hbm.at[c].at[pl.ds(s * 40, 40)])


def _edge_sc(q_tab, k_tab, v_tab, packed):
    mesh = plsc.VectorSubcoreMesh(core_axis_name="c", subcore_axis_name="s")
    cp = pltpu.CompilerParams(needs_layout_passes=False)
    kern = pl.kernel(
        _edge_body,
        out_type=[
            jax.ShapeDtypeStruct((2, ACC_N_ROWS, D), jnp.float32),
            jax.ShapeDtypeStruct((2, ACC_D_ROWS, D), jnp.float32),
        ],
        mesh=mesh,
        compiler_params=cp,
        scratch_types=[
            pltpu.VMEM((CHUNK,), jnp.int32),
            pltpu.VMEM((CHUNK,), jnp.int32),
            pltpu.VMEM((CHUNK,), jnp.int32),
            pltpu.VMEM((CHUNK,), jnp.int32),
            pltpu.VMEM((CHUNK,), jnp.int32),
            pltpu.VMEM((CHUNK, D), jnp.float32),
            pltpu.VMEM((CHUNK, D), jnp.float32),
            pltpu.VMEM((CHUNK, D), jnp.float32),
            pltpu.VMEM((CHUNK, D), jnp.float32),
            pltpu.VMEM((CHUNK, D), jnp.float32),
            pltpu.VMEM((HEADS, CHUNK), jnp.float32),
            pltpu.VMEM_SHARED((ACC_N_ROWS, D), jnp.float32),
            pltpu.VMEM_SHARED((ACC_D_ROWS, D), jnp.float32),
            pltpu.SemaphoreType.DMA,
        ],
    )
    return kern(q_tab, k_tab, v_tab, packed)



def _combine_body(n_ref, d_ref, o_ref):
    num = n_ref[...]
    den = d_ref[...]
    for h in range(HEADS):
        o_ref[:, 32 * h:32 * (h + 1)] = (
            num[:, 32 * h:32 * (h + 1)] / (den[:, h:h + 1] + 1e-16))


def _combine(num, den):
    blk = 1000
    return pl.pallas_call(
        _combine_body,
        grid=(N_NODES // blk,),
        in_specs=[
            pl.BlockSpec((blk, D), lambda i: (i, 0)),
            pl.BlockSpec((blk, HEADS), lambda i: (i, 0)),
        ],
        out_specs=pl.BlockSpec((blk, D), lambda i: (i, 0)),
        out_shape=jax.ShapeDtypeStruct((N_NODES, D), jnp.float32),
    )(num, den)



def kernel(x, edge_index, W_q, W_k, W_v):
    scale = np.float32(1.0 / np.sqrt(OUT_F))
    row = edge_index[0].astype(jnp.int32)
    col = edge_index[1].astype(jnp.int32)
    w_all = jnp.concatenate([W_q * scale, W_k, W_v], axis=1)
    q_tab, k_tab, v_tab = _qkv(x, w_all)

    mask = row < HALF
    pos_l = jnp.cumsum(mask.astype(jnp.int32)) - 1
    pos_h = jnp.cumsum((~mask).astype(jnp.int32)) - 1
    dest = jnp.where(mask, pos_l, CAP + pos_h)
    packed_vals = jnp.left_shift(row, 14) | col
    slot = jnp.arange(2 * CAP, dtype=jnp.int32)
    dummy_dst = HALF * (slot // CAP) + HALF + (slot % 120)
    init = jnp.left_shift(dummy_dst, 14)
    packed = init.at[dest].set(packed_vals)

    numer, den_packed = _edge_sc(q_tab, k_tab, v_tab, packed)
    num = jnp.concatenate([numer[0, :HALF], numer[1, :HALF]], axis=0)
    den = jnp.concatenate(
        [den_packed[c].reshape(8 * ACC_D_ROWS, 16)[:HALF, :HEADS]
         for c in range(2)], axis=0)
    return _combine(num, den)

# --- scband reference (transcript-rebuilt; emitter-appended) ---
"""Pipeline reference for scband-scaled-dot-product-gat-77360950936036 (READ-ONLY COPY).

The authoritative reference and input builder live on the scoring server;
editing this copy changes nothing except your own understanding.
"""

import jax, jax.numpy as jnp
import numpy as np

N_NODES = 10000
N_EDGES = 320000
IN_FEATURES = 128
OUT_FEATURES = 32
HEADS = 4
D_TOTAL = OUT_FEATURES * HEADS


def setup_inputs(seed: int = 0) -> dict:
    key = jax.random.key(seed)
    k1, k2, k3, k4, k5 = jax.random.split(key, 5)
    x = jax.random.normal(k1, (N_NODES, IN_FEATURES), dtype=jnp.float32)
    edge_index = jax.random.randint(k2, (2, N_EDGES), 0, N_NODES, dtype=jnp.int64)
    # xavier_uniform for Linear weights of shape [out, in]; stored as [in, out] for x @ W
    limit = np.sqrt(6.0 / (IN_FEATURES + D_TOTAL))
    W_q = jax.random.uniform(k3, (IN_FEATURES, D_TOTAL), minval=-limit, maxval=limit, dtype=jnp.float32)
    W_k = jax.random.uniform(k4, (IN_FEATURES, D_TOTAL), minval=-limit, maxval=limit, dtype=jnp.float32)
    W_v = jax.random.uniform(k5, (IN_FEATURES, D_TOTAL), minval=-limit, maxval=limit, dtype=jnp.float32)
    return {"x": x, "edge_index": edge_index, "W_q": W_q, "W_k": W_k, "W_v": W_v}


def reference(x, edge_index, W_q, W_k, W_v):
    num_nodes = x.shape[0]
    scale = 1.0 / np.sqrt(OUT_FEATURES)
    Q = (x @ W_q).reshape(num_nodes, HEADS, OUT_FEATURES)
    K = (x @ W_k).reshape(num_nodes, HEADS, OUT_FEATURES)
    V = (x @ W_v).reshape(num_nodes, HEADS, OUT_FEATURES)
    row = edge_index[0]
    col = edge_index[1]
    scores = (Q[row] * K[col]).sum(axis=-1) * scale  # [E, heads]
    # segment softmax over destination node (row)
    seg_max = jax.ops.segment_max(scores, row, num_segments=num_nodes)  # [N, heads]
    seg_max = jnp.where(jnp.isfinite(seg_max), seg_max, 0.0)
    exp_scores = jnp.exp(scores - seg_max[row])
    denom = jax.ops.segment_sum(exp_scores, row, num_segments=num_nodes)  # [N, heads]
    alpha = exp_scores / (denom[row] + 1e-16)  # [E, heads]
    msgs = alpha[..., None] * V[col]  # [E, heads, d_k]
    out = jnp.zeros((num_nodes, HEADS, OUT_FEATURES), dtype=x.dtype).at[row].add(msgs)
    return out.reshape(num_nodes, D_TOTAL)

if __name__ == "__main__":
    import jax
    _d = setup_inputs()
    print(jax.jit(kernel)(*tuple(_d.values())))

</pallas_src>

<mosaic_0001>
#map = affine_map<(d0, d1) -> (0, 0)>
#map1 = affine_map<(d0, d1) -> (0)>
#map2 = affine_map<(d0, d1) -> (0, 0, 0)>
module attributes {stable_mosaic.version = 14 : i64} {
  func.func @_edge_body(%arg0: i32, %arg1: i32, %arg2: memref<10000x128xf32, #tpu.memory_space<hbm>>, %arg3: memref<10000x128xf32, #tpu.memory_space<hbm>>, %arg4: memref<10000x128xf32, #tpu.memory_space<hbm>>, %arg5: memref<339968xi32, #tpu.memory_space<hbm>>, %arg6: memref<2x5120x128xf32, #tpu.memory_space<hbm>>, %arg7: memref<2x640x128xf32, #tpu.memory_space<hbm>>, %arg8: memref<128xi32, #tpu.memory_space<vmem>>, %arg9: memref<128xi32, #tpu.memory_space<vmem>>, %arg10: memref<128xi32, #tpu.memory_space<vmem>>, %arg11: memref<128xi32, #tpu.memory_space<vmem>>, %arg12: memref<128xi32, #tpu.memory_space<vmem>>, %arg13: memref<128x128xf32, #tpu.memory_space<vmem>>, %arg14: memref<128x128xf32, #tpu.memory_space<vmem>>, %arg15: memref<128x128xf32, #tpu.memory_space<vmem>>, %arg16: memref<128x128xf32, #tpu.memory_space<vmem>>, %arg17: memref<128x128xf32, #tpu.memory_space<vmem>>, %arg18: memref<4x128xf32, #tpu.memory_space<vmem>>, %arg19: memref<5120x128xf32, #tpu.memory_space<vmem_shared>>, %arg20: memref<640x128xf32, #tpu.memory_space<vmem_shared>>, %arg21: memref<!tpu.dma_semaphore, #tpu.memory_space<semaphore_mem>>) attributes {dimension_semantics = [#tpu.dimension_semantics<core_parallel>, #tpu.dimension_semantics<subcore_parallel>], iteration_bounds = array<i64: 2, 16>, scalar_prefetch = 0 : i64, scratch_operands = 14 : i64, tpu.core_type = #tpu.core_type<sc_vector_subcore>, window_params = [{transform_indices = #map}, {transform_indices = #map}, {transform_indices = #map}, {transform_indices = #map1}, {transform_indices = #map2}, {transform_indices = #map2}]} {
    %mul3A = arith.constant 169984 : i32
    %mul3A_0 = arith.muli %arg0, %mul3A : i32
    %mul3A_1 = arith.constant 10624 : i32
    %mul3A_2 = arith.muli %arg1, %mul3A_1 : i32
    %add3A = arith.addi %mul3A_0, %mul3A_2 : i32
    %broadcast_in_dim3A = arith.constant 0.000000e+00 : f32
    %broadcast_in_dim3A_3 = vector.broadcast %broadcast_in_dim3A : f32 to vector<16xf32>
    %iota3A = tpu.iota {dimensions = array<i32: 0>} : vector<16xi32>
    %broadcast_in_dim3A_4 = arith.constant 9999 : i32
    %broadcast_in_dim3A_5 = vector.broadcast %broadcast_in_dim3A_4 : i32 to vector<16xi32>
    %broadcast_in_dim3A_6 = arith.constant 16383 : i32
    %broadcast_in_dim3A_7 = vector.broadcast %broadcast_in_dim3A_6 : i32 to vector<16xi32>
    %scan3A = arith.constant 0 : i32
    %scan3A_8 = arith.constant 128 : i32
    %scan3A_9 = arith.addi %scan3A, %scan3A_8 : i32
    %scan3A_10 = arith.constant 1 : i32
    scf.for %scan3A_54 = %scan3A to %scan3A_9 step %scan3A_10  : i32 {
      %mul3A_55 = arith.constant 1 : i32
      %mul3A_56 = arith.muli %scan3A_54, %mul3A_55 : i32
      %add3A_57 = arith.constant 0 : i32
      %add3A_58 = arith.addi %add3A_57, %mul3A_56 : i32
      %swap3A = arith.index_cast %add3A_58 : i32 to index
      %swap3A_59 = arith.constant 0 : index
      %swap3A_60 = tpu.vector_load %arg16[%swap3A, %swap3A_59] {strides = array<i32>} : memref<128x128xf32, #tpu.memory_space<vmem>>, vector<16xf32>,
      tpu.vector_store %arg16[%swap3A, %swap3A_59], %broadcast_in_dim3A_3 {strides = array<i32>} : memref<128x128xf32, #tpu.memory_space<vmem>>, vector<16xf32>,
      %swap3A_61 = arith.index_cast %add3A_58 : i32 to index
      %swap3A_62 = arith.constant 0 : index
      %swap3A_63 = tpu.vector_load %arg17[%swap3A_61, %swap3A_62] {strides = array<i32>} : memref<128x128xf32, #tpu.memory_space<vmem>>, vector<16xf32>,
      tpu.vector_store %arg17[%swap3A_61, %swap3A_62], %broadcast_in_dim3A_3 {strides = array<i32>} : memref<128x128xf32, #tpu.memory_space<vmem>>, vector<16xf32>,
      %swap3A_64 = arith.index_cast %add3A_58 : i32 to index
      %swap3A_65 = arith.constant 16 : index
      %swap3A_66 = tpu.vector_load %arg16[%swap3A_64, %swap3A_65] {strides = array<i32>} : memref<128x128xf32, #tpu.memory_space<vmem>>, vector<16xf32>,
      tpu.vector_store %arg16[%swap3A_64, %swap3A_65], %broadcast_in_dim3A_3 {strides = array<i32>} : memref<128x128xf32, #tpu.memory_space<vmem>>, vector<16xf32>,
      %swap3A_67 = arith.index_cast %add3A_58 : i32 to index
      %swap3A_68 = arith.constant 16 : index
      %swap3A_69 = tpu.vector_load %arg17[%swap3A_67, %swap3A_68] {strides = array<i32>} : memref<128x128xf32, #tpu.memory_space<vmem>>, vector<16xf32>,
      tpu.vector_store %arg17[%swap3A_67, %swap3A_68], %broadcast_in_dim3A_3 {strides = array<i32>} : memref<128x128xf32, #tpu.memory_space<vmem>>, vector<16xf32>,
      %swap3A_70 = arith.index_cast %add3A_58 : i32 to index
      %swap3A_71 = arith.constant 32 : index
      %swap3A_72 = tpu.vector_load %arg16[%swap3A_70, %swap3A_71] {strides = array<i32>} : memref<128x128xf32, #tpu.memory_space<vmem>>, vector<16xf32>,
      tpu.vector_store %arg16[%swap3A_70, %swap3A_71], %broadcast_in_dim3A_3 {strides = array<i32>} : memref<128x128xf32, #tpu.memory_space<vmem>>, vector<16xf32>,
      %swap3A_73 = arith.index_cast %add3A_58 : i32 to index
      %swap3A_74 = arith.constant 32 : index
      %swap3A_75 = tpu.vector_load %arg17[%swap3A_73, %swap3A_74] {strides = array<i32>} : memref<128x128xf32, #tpu.memory_space<vmem>>, vector<16xf32>,
      tpu.vector_store %arg17[%swap3A_73, %swap3A_74], %broadcast_in_dim3A_3 {strides = array<i32>} : memref<128x128xf32, #tpu.memory_space<vmem>>, vector<16xf32>,
      %swap3A_76 = arith.index_cast %add3A_58 : i32 to index
      %swap3A_77 = arith.constant 48 : index
      %swap3A_78 = tpu.vector_load %arg16[%swap3A_76, %swap3A_77] {strides = array<i32>} : memref<128x128xf32, #tpu.memory_space<vmem>>, vector<16xf32>,
      tpu.vector_store %arg16[%swap3A_76, %swap3A_77], %broadcast_in_dim3A_3 {strides = array<i32>} : memref<128x128xf32, #tpu.memory_space<vmem>>, vector<16xf32>,
      %swap3A_79 = arith.index_cast %add3A_58 : i32 to index
      %swap3A_80 = arith.constant 48 : index
      %swap3A_81 = tpu.vector_load %arg17[%swap3A_79, %swap3A_80] {strides = array<i32>} : memref<128x128xf32, #tpu.memory_space<vmem>>, vector<16xf32>,
      tpu.vector_store %arg17[%swap3A_79, %swap3A_80], %broadcast_in_dim3A_3 {strides = array<i32>} : memref<128x128xf32, #tpu.memory_space<vmem>>, vector<16xf32>,
      %swap3A_82 = arith.index_cast %add3A_58 : i32 to index
      %swap3A_83 = arith.constant 64 : index
      %swap3A_84 = tpu.vector_load %arg16[%swap3A_82, %swap3A_83] {strides = array<i32>} : memref<128x128xf32, #tpu.memory_space<vmem>>, vector<16xf32>,
      tpu.vector_store %arg16[%swap3A_82, %swap3A_83], %broadcast_in_dim3A_3 {strides = array<i32>} : memref<128x128xf32, #tpu.memory_space<vmem>>, vector<16xf32>,
      %swap3A_85 = arith.index_cast %add3A_58 : i32 to index
      %swap3A_86 = arith.constant 64 : index
      %swap3A_87 = tpu.vector_load %arg17[%swap3A_85, %swap3A_86] {strides = array<i32>} : memref<128x128xf32, #tpu.memory_space<vmem>>, vector<16xf32>,
      tpu.vector_store %arg17[%swap3A_85, %swap3A_86], %broadcast_in_dim3A_3 {strides = array<i32>} : memref<128x128xf32, #tpu.memory_space<vmem>>, vector<16xf32>,
      %swap3A_88 = arith.index_cast %add3A_58 : i32 to index
      %swap3A_89 = arith.constant 80 : index
      %swap3A_90 = tpu.vector_load %arg16[%swap3A_88, %swap3A_89] {strides = array<i32>} : memref<128x128xf32, #tpu.memory_space<vmem>>, vector<16xf32>,
      tpu.vector_store %arg16[%swap3A_88, %swap3A_89], %broadcast_in_dim3A_3 {strides = array<i32>} : memref<128x128xf32, #tpu.memory_space<vmem>>, vector<16xf32>,
      %swap3A_91 = arith.index_cast %add3A_58 : i32 to index
      %swap3A_92 = arith.constant 80 : index
      %swap3A_93 = tpu.vector_load %arg17[%swap3A_91, %swap3A_92] {strides = array<i32>} : memref<128x128xf32, #tpu.memory_space<vmem>>, vector<16xf32>,
      tpu.vector_store %arg17[%swap3A_91, %swap3A_92], %broadcast_in_dim3A_3 {strides = array<i32>} : memref<128x128xf32, #tpu.memory_space<vmem>>, vector<16xf32>,
      %swap3A_94 = arith.index_cast %add3A_58 : i32 to index
      %swap3A_95 = arith.constant 96 : index
      %swap3A_96 = tpu.vector_load %arg16[%swap3A_94, %swap3A_95] {strides = array<i32>} : memref<128x128xf32, #tpu.memory_space<vmem>>, vector<16xf32>,
      tpu.vector_store %arg16[%swap3A_94, %swap3A_95], %broadcast_in_dim3A_3 {strides = array<i32>} : memref<128x128xf32, #tpu.memory_space<vmem>>, vector<16xf32>,
      %swap3A_97 = arith.index_cast %add3A_58 : i32 to index
      %swap3A_98 = arith.constant 96 : index
      %swap3A_99 = tpu.vector_load %arg17[%swap3A_97, %swap3A_98] {strides = array<i32>} : memref<128x128xf32, #tpu.memory_space<vmem>>, vector<16xf32>,
      tpu.vector_store %arg17[%swap3A_97, %swap3A_98], %broadcast_in_dim3A_3 {strides = array<i32>} : memref<128x128xf32, #tpu.memory_space<vmem>>, vector<16xf32>,
      %swap3A_100 = arith.index_cast %add3A_58 : i32 to index
      %swap3A_101 = arith.constant 112 : index
      %swap3A_102 = tpu.vector_load %arg16[%swap3A_100, %swap3A_101] {strides = array<i32>} : memref<128x128xf32, #tpu.memory_space<vmem>>, vector<16xf32>,
      tpu.vector_store %arg16[%swap3A_100, %swap3A_101], %broadcast_in_dim3A_3 {strides = array<i32>} : memref<128x128xf32, #tpu.memory_space<vmem>>, vector<16xf32>,
      %swap3A_103 = arith.index_cast %add3A_58 : i32 to index
      %swap3A_104 = arith.constant 112 : index
      %swap3A_105 = tpu.vector_load %arg17[%swap3A_103, %swap3A_104] {strides = array<i32>} : memref<128x128xf32, #tpu.memory_space<vmem>>, vector<16xf32>,
      tpu.vector_store %arg17[%swap3A_103, %swap3A_104], %broadcast_in_dim3A_3 {strides = array<i32>} : memref<128x128xf32, #tpu.memory_space<vmem>>, vector<16xf32>,
    }
    %scan3A_11 = arith.constant 128 : i32
    %mul3A_12 = arith.constant 320 : i32
    %mul3A_13 = arith.muli %arg1, %mul3A_12 : i32
    "tpu.region"() ({
      %run_scoped3A = tpu.sem_alloc : memref<!tpu.dma_semaphore, #tpu.memory_space<semaphore_mem>>
      %dma_start3A = arith.constant 0 : i32
      %dma_start3A_54 = tpu.memref_slice %arg19[%mul3A_13, %dma_start3A] : memref<5120x128xf32, #tpu.memory_space<vmem_shared>> -> memref<128x128xf32, #tpu.memory_space<vmem_shared>>
      %dma_start3A_55 = arith.constant 0 : i32
      %dma_start3A_56 = tpu.memref_slice %arg19[%mul3A_13, %dma_start3A_55] : memref<5120x128xf32, #tpu.memory_space<vmem_shared>> -> memref<128x128xf32, #tpu.memory_space<vmem_shared>>
      tpu.enqueue_dma source(%arg16 : memref<128x128xf32, #tpu.memory_space<vmem>>) target(%dma_start3A_56 : memref<128x128xf32, #tpu.memory_space<vmem_shared>>) target_semaphore(%run_scoped3A : memref<!tpu.dma_semaphore, #tpu.memory_space<semaphore_mem>>)
      %dma_wait3A = arith.constant 0 : i32
      %dma_wait3A_57 = tpu.memref_slice %arg19[%mul3A_13, %dma_wait3A] : memref<5120x128xf32, #tpu.memory_space<vmem_shared>> -> memref<128x128xf32, #tpu.memory_space<vmem_shared>>
      %dma_wait3A_58 = arith.constant 0 : i32
      %dma_wait3A_59 = tpu.memref_slice %arg19[%mul3A_13, %dma_wait3A_58] : memref<5120x128xf32, #tpu.memory_space<vmem_shared>> -> memref<128x128xf32, #tpu.memory_space<vmem_shared>>
      tpu.wait_dma2 semaphore(%run_scoped3A : memref<!tpu.dma_semaphore, #tpu.memory_space<semaphore_mem>>) src(%arg16 : memref<128x128xf32, #tpu.memory_space<vmem>>) dst(%dma_wait3A_59 : memref<128x128xf32, #tpu.memory_space<vmem_shared>>)
      tpu.yield
    }) : () -> ()
    %mul3A_14 = arith.constant 320 : i32
    %mul3A_15 = arith.muli %arg1, %mul3A_14 : i32
    %add3A_16 = arith.constant 128 : i32
    %add3A_17 = arith.addi %mul3A_15, %add3A_16 : i32
    "tpu.region"() ({
      %run_scoped3A = tpu.sem_alloc : memref<!tpu.dma_semaphore, #tpu.memory_space<semaphore_mem>>
      %dma_start3A = arith.constant 0 : i32
      %dma_start3A_54 = tpu.memref_slice %arg19[%add3A_17, %dma_start3A] : memref<5120x128xf32, #tpu.memory_space<vmem_shared>> -> memref<128x128xf32, #tpu.memory_space<vmem_shared>>
      %dma_start3A_55 = arith.constant 0 : i32
      %dma_start3A_56 = tpu.memref_slice %arg19[%add3A_17, %dma_start3A_55] : memref<5120x128xf32, #tpu.memory_space<vmem_shared>> -> memref<128x128xf32, #tpu.memory_space<vmem_shared>>
      tpu.enqueue_dma source(%arg16 : memref<128x128xf32, #tpu.memory_space<vmem>>) target(%dma_start3A_56 : memref<128x128xf32, #tpu.memory_space<vmem_shared>>) target_semaphore(%run_scoped3A : memref<!tpu.dma_semaphore, #tpu.memory_space<semaphore_mem>>)
      %dma_wait3A = arith.constant 0 : i32
      %dma_wait3A_57 = tpu.memref_slice %arg19[%add3A_17, %dma_wait3A] : memref<5120x128xf32, #tpu.memory_space<vmem_shared>> -> memref<128x128xf32, #tpu.memory_space<vmem_shared>>
      %dma_wait3A_58 = arith.constant 0 : i32
      %dma_wait3A_59 = tpu.memref_slice %arg19[%add3A_17, %dma_wait3A_58] : memref<5120x128xf32, #tpu.memory_space<vmem_shared>> -> memref<128x128xf32, #tpu.memory_space<vmem_shared>>
      tpu.wait_dma2 semaphore(%run_scoped3A : memref<!tpu.dma_semaphore, #tpu.memory_space<semaphore_mem>>) src(%arg16 : memref<128x128xf32, #tpu.memory_space<vmem>>) dst(%dma_wait3A_59 : memref<128x128xf32, #tpu.memory_space<vmem_shared>>)
      tpu.yield
    }) : () -> ()
    %mul3A_18 = arith.constant 320 : i32
    %mul3A_19 = arith.muli %arg1, %mul3A_18 : i32
    %add3A_20 = arith.constant 256 : i32
    %add3A_21 = arith.addi %mul3A_19, %add3A_20 : i32
    "tpu.region"() ({
      %run_scoped3A = tpu.sem_alloc : memref<!tpu.dma_semaphore, #tpu.memory_space<semaphore_mem>>
      %dma_start3A = arith.constant 0 : i32
      %dma_start3A_54 = arith.constant 0 : i32
      %dma_start3A_55 = tpu.memref_slice %arg16[%dma_start3A, %dma_start3A_54] : memref<128x128xf32, #tpu.memory_space<vmem>> -> memref<64x128xf32, #tpu.memory_space<vmem>>
      %dma_start3A_56 = arith.constant 0 : i32
      %dma_start3A_57 = tpu.memref_slice %arg19[%add3A_21, %dma_start3A_56] : memref<5120x128xf32, #tpu.memory_space<vmem_shared>> -> memref<64x128xf32, #tpu.memory_space<vmem_shared>>
      %dma_start3A_58 = arith.constant 0 : i32
      %dma_start3A_59 = tpu.memref_slice %arg19[%add3A_21, %dma_start3A_58] : memref<5120x128xf32, #tpu.memory_space<vmem_shared>> -> memref<64x128xf32, #tpu.memory_space<vmem_shared>>
      %dma_start3A_60 = arith.constant 0 : i32
      %dma_start3A_61 = arith.constant 0 : i32
      %dma_start3A_62 = tpu.memref_slice %arg16[%dma_start3A_60, %dma_start3A_61] : memref<128x128xf32, #tpu.memory_space<vmem>> -> memref<64x128xf32, #tpu.memory_space<vmem>>
      tpu.enqueue_dma source(%dma_start3A_62 : memref<64x128xf32, #tpu.memory_space<vmem>>) target(%dma_start3A_59 : memref<64x128xf32, #tpu.memory_space<vmem_shared>>) target_semaphore(%run_scoped3A : memref<!tpu.dma_semaphore, #tpu.memory_space<semaphore_mem>>)
      %dma_wait3A = arith.constant 0 : i32
      %dma_wait3A_63 = arith.constant 0 : i32
      %dma_wait3A_64 = tpu.memref_slice %arg16[%dma_wait3A, %dma_wait3A_63] : memref<128x128xf32, #tpu.memory_space<vmem>> -> memref<64x128xf32, #tpu.memory_space<vmem>>
      %dma_wait3A_65 = arith.constant 0 : i32
      %dma_wait3A_66 = tpu.memref_slice %arg19[%add3A_21, %dma_wait3A_65] : memref<5120x128xf32, #tpu.memory_space<vmem_shared>> -> memref<64x128xf32, #tpu.memory_space<vmem_shared>>
      %dma_wait3A_67 = arith.constant 0 : i32
      %dma_wait3A_68 = tpu.memref_slice %arg19[%add3A_21, %dma_wait3A_67] : memref<5120x128xf32, #tpu.memory_space<vmem_shared>> -> memref<64x128xf32, #tpu.memory_space<vmem_shared>>
      %dma_wait3A_69 = arith.constant 0 : i32
      %dma_wait3A_70 = arith.constant 0 : i32
      %dma_wait3A_71 = tpu.memref_slice %arg16[%dma_wait3A_69, %dma_wait3A_70] : memref<128x128xf32, #tpu.memory_space<vmem>> -> memref<64x128xf32, #tpu.memory_space<vmem>>
      tpu.wait_dma2 semaphore(%run_scoped3A : memref<!tpu.dma_semaphore, #tpu.memory_space<semaphore_mem>>) src(%dma_wait3A_71 : memref<64x128xf32, #tpu.memory_space<vmem>>) dst(%dma_wait3A_68 : memref<64x128xf32, #tpu.memory_space<vmem_shared>>)
      tpu.yield
    }) : () -> ()
    %mul3A_22 = arith.constant 40 : i32
    %mul3A_23 = arith.muli %arg1, %mul3A_22 : i32
    "tpu.region"() ({
      %run_scoped3A = tpu.sem_alloc : memref<!tpu.dma_semaphore, #tpu.memory_space<semaphore_mem>>
      %dma_start3A = arith.constant 0 : i32
      %dma_start3A_54 = arith.constant 0 : i32
      %dma_start3A_55 = tpu.memref_slice %arg16[%dma_start3A, %dma_start3A_54] : memref<128x128xf32, #tpu.memory_space<vmem>> -> memref<40x128xf32, #tpu.memory_space<vmem>>
      %dma_start3A_56 = arith.constant 0 : i32
      %dma_start3A_57 = tpu.memref_slice %arg20[%mul3A_23, %dma_start3A_56] : memref<640x128xf32, #tpu.memory_space<vmem_shared>> -> memref<40x128xf32, #tpu.memory_space<vmem_shared>>
      %dma_start3A_58 = arith.constant 0 : i32
      %dma_start3A_59 = tpu.memref_slice %arg20[%mul3A_23, %dma_start3A_58] : memref<640x128xf32, #tpu.memory_space<vmem_shared>> -> memref<40x128xf32, #tpu.memory_space<vmem_shared>>
      %dma_start3A_60 = arith.constant 0 : i32
      %dma_start3A_61 = arith.constant 0 : i32
      %dma_start3A_62 = tpu.memref_slice %arg16[%dma_start3A_60, %dma_start3A_61] : memref<128x128xf32, #tpu.memory_space<vmem>> -> memref<40x128xf32, #tpu.memory_space<vmem>>
      tpu.enqueue_dma source(%dma_start3A_62 : memref<40x128xf32, #tpu.memory_space<vmem>>) target(%dma_start3A_59 : memref<40x128xf32, #tpu.memory_space<vmem_shared>>) target_semaphore(%run_scoped3A : memref<!tpu.dma_semaphore, #tpu.memory_space<semaphore_mem>>)
      %dma_wait3A = arith.constant 0 : i32
      %dma_wait3A_63 = arith.constant 0 : i32
      %dma_wait3A_64 = tpu.memref_slice %arg16[%dma_wait3A, %dma_wait3A_63] : memref<128x128xf32, #tpu.memory_space<vmem>> -> memref<40x128xf32, #tpu.memory_space<vmem>>
      %dma_wait3A_65 = arith.constant 0 : i32
      %dma_wait3A_66 = tpu.memref_slice %arg20[%mul3A_23, %dma_wait3A_65] : memref<640x128xf32, #tpu.memory_space<vmem_shared>> -> memref<40x128xf32, #tpu.memory_space<vmem_shared>>
      %dma_wait3A_67 = arith.constant 0 : i32
      %dma_wait3A_68 = tpu.memref_slice %arg20[%mul3A_23, %dma_wait3A_67] : memref<640x128xf32, #tpu.memory_space<vmem_shared>> -> memref<40x128xf32, #tpu.memory_space<vmem_shared>>
      %dma_wait3A_69 = arith.constant 0 : i32
      %dma_wait3A_70 = arith.constant 0 : i32
      %dma_wait3A_71 = tpu.memref_slice %arg16[%dma_wait3A_69, %dma_wait3A_70] : memref<128x128xf32, #tpu.memory_space<vmem>> -> memref<40x128xf32, #tpu.memory_space<vmem>>
      tpu.wait_dma2 semaphore(%run_scoped3A : memref<!tpu.dma_semaphore, #tpu.memory_space<semaphore_mem>>) src(%dma_wait3A_71 : memref<40x128xf32, #tpu.memory_space<vmem>>) dst(%dma_wait3A_68 : memref<40x128xf32, #tpu.memory_space<vmem_shared>>)
      tpu.yield
    }) : () -> ()
    %barrier3A = arith.constant 0 : index
    tpu.barrier barrier_id(%barrier3A)
    %scan3A_24 = arith.constant 0 : i32
    %scan3A_25 = arith.constant 83 : i32
    %scan3A_26 = arith.addi %scan3A_24, %scan3A_25 : i32
    %scan3A_27 = arith.constant 1 : i32
    scf.for %scan3A_54 = %scan3A_24 to %scan3A_26 step %scan3A_27  : i32 {
      %mul3A_55 = arith.constant 1 : i32
      %mul3A_56 = arith.muli %scan3A_54, %mul3A_55 : i32
      %add3A_57 = arith.constant 0 : i32
      %add3A_58 = arith.addi %add3A_57, %mul3A_56 : i32
      %mul3A_59 = arith.constant 128 : i32
      %mul3A_60 = arith.muli %add3A_58, %mul3A_59 : i32
      %add3A_61 = arith.addi %add3A, %mul3A_60 : i32
      "tpu.region"() ({
        %run_scoped3A = tpu.sem_alloc : memref<!tpu.dma_semaphore, #tpu.memory_space<semaphore_mem>>
        %dma_start3A_93 = tpu.memref_slice %arg5[%add3A_61] : memref<339968xi32, #tpu.memory_space<hbm>> -> memref<128xi32, #tpu.memory_space<hbm>>
        %dma_start3A_94 = tpu.memref_slice %arg5[%add3A_61] : memref<339968xi32, #tpu.memory_space<hbm>> -> memref<128xi32, #tpu.memory_space<hbm>>
        tpu.enqueue_dma source(%dma_start3A_94 : memref<128xi32, #tpu.memory_space<hbm>>) target(%arg8 : memref<128xi32, #tpu.memory_space<vmem>>) target_semaphore(%run_scoped3A : memref<!tpu.dma_semaphore, #tpu.memory_space<semaphore_mem>>)
        %dma_wait3A_95 = tpu.memref_slice %arg5[%add3A_61] : memref<339968xi32, #tpu.memory_space<hbm>> -> memref<128xi32, #tpu.memory_space<hbm>>
        %dma_wait3A_96 = tpu.memref_slice %arg5[%add3A_61] : memref<339968xi32, #tpu.memory_space<hbm>> -> memref<128xi32, #tpu.memory_space<hbm>>
        tpu.wait_dma2 semaphore(%run_scoped3A : memref<!tpu.dma_semaphore, #tpu.memory_space<semaphore_mem>>) src(%dma_wait3A_96 : memref<128xi32, #tpu.memory_space<hbm>>) dst(%arg8 : memref<128xi32, #tpu.memory_space<vmem>>)
        tpu.yield
      }) : () -> ()
      %scan3A_62 = arith.constant 0 : i32
      %scan3A_63 = arith.constant 8 : i32
      %scan3A_64 = arith.addi %scan3A_62, %scan3A_63 : i32
      %scan3A_65 = arith.constant 1 : i32
      scf.for %scan3A_93 = %scan3A_62 to %scan3A_64 step %scan3A_65  : i32 {
        %mul3A_94 = arith.constant 1 : i32
        %mul3A_95 = arith.muli %scan3A_93, %mul3A_94 : i32
        %add3A_96 = arith.constant 0 : i32
        %add3A_97 = arith.addi %add3A_96, %mul3A_95 : i32
        %mul3A_98 = arith.constant 16 : i32
        %mul3A_99 = arith.muli %add3A_97, %mul3A_98 : i32
        %get3A = arith.index_cast %mul3A_99 : i32 to index
        %get3A_100 = tpu.vector_load %arg8[%get3A] {strides = array<i32>} : memref<128xi32, #tpu.memory_space<vmem>>, vector<16xi32>,
        %shift_right_arithmetic3A = arith.constant 14 : i32
        %shift_right_arithmetic3A_101 = vector.broadcast %shift_right_arithmetic3A : i32 to vector<16xi32>
        %shift_right_arithmetic3A_102 = arith.shrsi %get3A_100, %shift_right_arithmetic3A_101 : vector<16xi32>
        %and3A = arith.andi %get3A_100, %broadcast_in_dim3A_7 : vector<16xi32>
        %min3A = arith.minsi %shift_right_arithmetic3A_102, %broadcast_in_dim3A_5 : vector<16xi32>
        %mul3A_103 = arith.constant 16 : i32
        %mul3A_104 = arith.muli %add3A_97, %mul3A_103 : i32
        %swap3A = arith.index_cast %mul3A_104 : i32 to index
        %swap3A_105 = tpu.vector_load %arg9[%swap3A] {strides = array<i32>} : memref<128xi32, #tpu.memory_space<vmem>>, vector<16xi32>,
        tpu.vector_store %arg9[%swap3A], %min3A {strides = array<i32>} : memref<128xi32, #tpu.memory_space<vmem>>, vector<16xi32>,
        %mul3A_106 = arith.constant 16 : i32
        %mul3A_107 = arith.muli %add3A_97, %mul3A_106 : i32
        %swap3A_108 = arith.index_cast %mul3A_107 : i32 to index
        %swap3A_109 = tpu.vector_load %arg10[%swap3A_108] {strides = array<i32>} : memref<128xi32, #tpu.memory_space<vmem>>, vector<16xi32>,
        tpu.vector_store %arg10[%swap3A_108], %and3A {strides = array<i32>} : memref<128xi32, #tpu.memory_space<vmem>>, vector<16xi32>,
        %mul3A_110 = arith.constant 5000 : i32
        %mul3A_111 = arith.muli %arg0, %mul3A_110 : i32
        %sub3A = vector.broadcast %mul3A_111 : i32 to vector<16xi32>
        %sub3A_112 = arith.subi %shift_right_arithmetic3A_102, %sub3A : vector<16xi32>
        %mul3A_113 = arith.constant 16 : i32
        %mul3A_114 = arith.muli %add3A_97, %mul3A_113 : i32
        %swap3A_115 = arith.index_cast %mul3A_114 : i32 to index
        %swap3A_116 = tpu.vector_load %arg11[%swap3A_115] {strides = array<i32>} : memref<128xi32, #tpu.memory_space<vmem>>, vector<16xi32>,
        tpu.vector_store %arg11[%swap3A_115], %sub3A_112 {strides = array<i32>} : memref<128xi32, #tpu.memory_space<vmem>>, vector<16xi32>,
        %shift_right_arithmetic3A_117 = arith.constant 3 : i32
        %shift_right_arithmetic3A_118 = vector.broadcast %shift_right_arithmetic3A_117 : i32 to vector<16xi32>
        %shift_right_arithmetic3A_119 = arith.shrsi %sub3A_112, %shift_right_arithmetic3A_118 : vector<16xi32>
        %mul3A_120 = arith.constant 16 : i32
        %mul3A_121 = arith.muli %add3A_97, %mul3A_120 : i32
        %swap3A_122 = arith.index_cast %mul3A_121 : i32 to index
        %swap3A_123 = tpu.vector_load %arg12[%swap3A_122] {strides = array<i32>} : memref<128xi32, #tpu.memory_space<vmem>>, vector<16xi32>,
        tpu.vector_store %arg12[%swap3A_122], %shift_right_arithmetic3A_119 {strides = array<i32>} : memref<128xi32, #tpu.memory_space<vmem>>, vector<16xi32>,
      }
      %scan3A_66 = arith.constant 8 : i32
      %dma_start3A = arith.constant 0 : i32
      %dma_start3A_67 = arith.constant 0 : i32
      %dma_start3A_68 = tpu.memref_slice %arg2[%dma_start3A, %dma_start3A_67] : memref<10000x128xf32, #tpu.memory_space<hbm>> -> memref<10000x128xf32, #tpu.memory_space<hbm>>
      tpu.enqueue_indirect_dma source(%dma_start3A_68 : memref<10000x128xf32, #tpu.memory_space<hbm>>) target(%arg13 : memref<128x128xf32, #tpu.memory_space<vmem>>) offsets(%arg9 : memref<128xi32, #tpu.memory_space<vmem>>) semaphore(%arg21 : memref<!tpu.dma_semaphore, #tpu.memory_space<semaphore_mem>>)
      %dma_start3A_69 = arith.constant 0 : i32
      %dma_start3A_70 = arith.constant 0 : i32
      %dma_start3A_71 = tpu.memref_slice %arg3[%dma_start3A_69, %dma_start3A_70] : memref<10000x128xf32, #tpu.memory_space<hbm>> -> memref<10000x128xf32, #tpu.memory_space<hbm>>
      tpu.enqueue_indirect_dma source(%dma_start3A_71 : memref<10000x128xf32, #tpu.memory_space<hbm>>) target(%arg14 : memref<128x128xf32, #tpu.memory_space<vmem>>) offsets(%arg10 : memref<128xi32, #tpu.memory_space<vmem>>) semaphore(%arg21 : memref<!tpu.dma_semaphore, #tpu.memory_space<semaphore_mem>>)
      %dma_start3A_72 = arith.constant 0 : i32
      %dma_start3A_73 = arith.constant 0 : i32
      %dma_start3A_74 = tpu.memref_slice %arg4[%dma_start3A_72, %dma_start3A_73] : memref<10000x128xf32, #tpu.memory_space<hbm>> -> memref<10000x128xf32, #tpu.memory_space<hbm>>
      tpu.enqueue_indirect_dma source(%dma_start3A_74 : memref<10000x128xf32, #tpu.memory_space<hbm>>) target(%arg15 : memref<128x128xf32, #tpu.memory_space<vmem>>) offsets(%arg10 : memref<128xi32, #tpu.memory_space<vmem>>) semaphore(%arg21 : memref<!tpu.dma_semaphore, #tpu.memory_space<semaphore_mem>>)
      %dma_wait3A = arith.constant 0 : i32
      %dma_wait3A_75 = arith.constant 0 : i32
      %dma_wait3A_76 = tpu.memref_slice %arg2[%dma_wait3A, %dma_wait3A_75] : memref<10000x128xf32, #tpu.memory_space<hbm>> -> memref<10000x128xf32, #tpu.memory_space<hbm>>
      tpu.wait_indirect_dma semaphore(%arg21 : memref<!tpu.dma_semaphore, #tpu.memory_space<semaphore_mem>>) src(%dma_wait3A_76 : memref<10000x128xf32, #tpu.memory_space<hbm>>) dst(%arg13 : memref<128x128xf32, #tpu.memory_space<vmem>>)
      %dma_wait3A_77 = arith.constant 0 : i32
      %dma_wait3A_78 = arith.constant 0 : i32
      %dma_wait3A_79 = tpu.memref_slice %arg3[%dma_wait3A_77, %dma_wait3A_78] : memref<10000x128xf32, #tpu.memory_space<hbm>> -> memref<10000x128xf32, #tpu.memory_space<hbm>>
      tpu.wait_indirect_dma semaphore(%arg21 : memref<!tpu.dma_semaphore, #tpu.memory_space<semaphore_mem>>) src(%dma_wait3A_79 : memref<10000x128xf32, #tpu.memory_space<hbm>>) dst(%arg14 : memref<128x128xf32, #tpu.memory_space<vmem>>)
      %dma_wait3A_80 = arith.constant 0 : i32
      %dma_wait3A_81 = arith.constant 0 : i32
      %dma_wait3A_82 = tpu.memref_slice %arg4[%dma_wait3A_80, %dma_wait3A_81] : memref<10000x128xf32, #tpu.memory_space<hbm>> -> memref<10000x128xf32, #tpu.memory_space<hbm>>
      tpu.wait_indirect_dma semaphore(%arg21 : memref<!tpu.dma_semaphore, #tpu.memory_space<semaphore_mem>>) src(%dma_wait3A_82 : memref<10000x128xf32, #tpu.memory_space<hbm>>) dst(%arg15 : memref<128x128xf32, #tpu.memory_space<vmem>>)
      %scan3A_83 = arith.constant 0 : i32
      %scan3A_84 = arith.constant 8 : i32
      %scan3A_85 = arith.addi %scan3A_83, %scan3A_84 : i32
      %scan3A_86 = arith.constant 1 : i32
      scf.for %scan3A_93 = %scan3A_83 to %scan3A_85 step %scan3A_86  : i32 {
        %mul3A_94 = arith.constant 1 : i32
        %mul3A_95 = arith.muli %scan3A_93, %mul3A_94 : i32
        %add3A_96 = arith.constant 0 : i32
        %add3A_97 = arith.addi %add3A_96, %mul3A_95 : i32
        %mul3A_98 = arith.constant 16 : i32
        %mul3A_99 = arith.muli %add3A_97, %mul3A_98 : i32
        %add3A_100 = vector.broadcast %mul3A_99 : i32 to vector<16xi32>
        %add3A_101 = arith.addi %iota3A, %add3A_100 : vector<16xi32>
        %mul3A_102 = arith.constant 16 : i32
        %mul3A_103 = arith.muli %add3A_97, %mul3A_102 : i32
        %get3A = arith.index_cast %mul3A_103 : i32 to index
        %get3A_104 = tpu.vector_load %arg11[%get3A] {strides = array<i32>} : memref<128xi32, #tpu.memory_space<vmem>>, vector<16xi32>,
        %broadcast_in_dim3A_105 = arith.constant 0 : i32
        %broadcast_in_dim3A_106 = vector.broadcast %broadcast_in_dim3A_105 : i32 to vector<16xi32>
        %gather3A = tpu.vector_load_idx %arg13[%add3A_101, %broadcast_in_dim3A_106] : memref<128x128xf32, #tpu.memory_space<vmem>>[vector<16xi32>, vector<16xi32>], vector<16xf32>,
        %gather3A_107 = tpu.vector_load_idx %arg14[%add3A_101, %broadcast_in_dim3A_106] : memref<128x128xf32, #tpu.memory_space<vmem>>[vector<16xi32>, vector<16xi32>], vector<16xf32>,
        %mul3A_108 = arith.mulf %gather3A, %gather3A_107 : vector<16xf32>
        %add3A_109 = arith.addf %broadcast_in_dim3A_3, %mul3A_108 : vector<16xf32>
        %broadcast_in_dim3A_110 = arith.constant 1 : i32
        %broadcast_in_dim3A_111 = vector.broadcast %broadcast_in_dim3A_110 : i32 to vector<16xi32>
        %gather3A_112 = tpu.vector_load_idx %arg13[%add3A_101, %broadcast_in_dim3A_111] : memref<128x128xf32, #tpu.memory_space<vmem>>[vector<16xi32>, vector<16xi32>], vector<16xf32>,
        %gather3A_113 = tpu.vector_load_idx %arg14[%add3A_101, %broadcast_in_dim3A_111] : memref<128x128xf32, #tpu.memory_space<vmem>>[vector<16xi32>, vector<16xi32>], vector<16xf32>,
        %mul3A_114 = arith.mulf %gather3A_112, %gather3A_113 : vector<16xf32>
        %add3A_115 = arith.addf %add3A_109, %mul3A_114 : vector<16xf32>
        %broadcast_in_dim3A_116 = arith.constant 2 : i32
        %broadcast_in_dim3A_117 = vector.broadcast %broadcast_in_dim3A_116 : i32 to vector<16xi32>
        %gather3A_118 = tpu.vector_load_idx %arg13[%add3A_101, %broadcast_in_dim3A_117] : memref<128x128xf32, #tpu.memory_space<vmem>>[vector<16xi32>, vector<16xi32>], vector<16xf32>,
        %gather3A_119 = tpu.vector_load_idx %arg14[%add3A_101, %broadcast_in_dim3A_117] : memref<128x128xf32, #tpu.memory_space<vmem>>[vector<16xi32>, vector<16xi32>], vector<16xf32>,
        %mul3A_120 = arith.mulf %gather3A_118, %gather3A_119 : vector<16xf32>
        %add3A_121 = arith.addf %add3A_115, %mul3A_120 : vector<16xf32>
        %broadcast_in_dim3A_122 = arith.constant 3 : i32
        %broadcast_in_dim3A_123 = vector.broadcast %broadcast_in_dim3A_122 : i32 to vector<16xi32>
        %gather3A_124 = tpu.vector_load_idx %arg13[%add3A_101, %broadcast_in_dim3A_123] : memref<128x128xf32, #tpu.memory_space<vmem>>[vector<16xi32>, vector<16xi32>], vector<16xf32>,
        %gather3A_125 = tpu.vector_load_idx %arg14[%add3A_101, %broadcast_in_dim3A_123] : memref<128x128xf32, #tpu.memory_space<vmem>>[vector<16xi32>, vector<16xi32>], vector<16xf32>,
        %mul3A_126 = arith.mulf %gather3A_124, %gather3A_125 : vector<16xf32>
        %add3A_127 = arith.addf %add3A_121, %mul3A_126 : vector<16xf32>
        %broadcast_in_dim3A_128 = arith.constant 4 : i32
        %broadcast_in_dim3A_129 = vector.broadcast %broadcast_in_dim3A_128 : i32 to vector<16xi32>
        %gather3A_130 = tpu.vector_load_idx %arg13[%add3A_101, %broadcast_in_dim3A_129] : memref<128x128xf32, #tpu.memory_space<vmem>>[vector<16xi32>, vector<16xi32>], vector<16xf32>,
        %gather3A_131 = tpu.vector_load_idx %arg14[%add3A_101, %broadcast_in_dim3A_129] : memref<128x128xf32, #tpu.memory_space<vmem>>[vector<16xi32>, vector<16xi32>], vector<16xf32>,
        %mul3A_132 = arith.mulf %gather3A_130, %gather3A_131 : vector<16xf32>
        %add3A_133 = arith.addf %add3A_127, %mul3A_132 : vector<16xf32>
        %broadcast_in_dim3A_134 = arith.constant 5 : i32
        %broadcast_in_dim3A_135 = vector.broadcast %broadcast_in_dim3A_134 : i32 to vector<16xi32>
        %gather3A_136 = tpu.vector_load_idx %arg13[%add3A_101, %broadcast_in_dim3A_135] : memref<128x128xf32, #tpu.memory_space<vmem>>[vector<16xi32>, vector<16xi32>], vector<16xf32>,
        %gather3A_137 = tpu.vector_load_idx %arg14[%add3A_101, %broadcast_in_dim3A_135] : memref<128x128xf32, #tpu.memory_space<vmem>>[vector<16xi32>, vector<16xi32>], vector<16xf32>,
        %mul3A_138 = arith.mulf %gather3A_136, %gather3A_137 : vector<16xf32>
        %add3A_139 = arith.addf %add3A_133, %mul3A_138 : vector<16xf32>
        %broadcast_in_dim3A_140 = arith.constant 6 : i32
        %broadcast_in_dim3A_141 = vector.broadcast %broadcast_in_dim3A_140 : i32 to vector<16xi32>
        %gather3A_142 = tpu.vector_load_idx %arg13[%add3A_101, %broadcast_in_dim3A_141] : memref<128x128xf32, #tpu.memory_space<vmem>>[vector<16xi32>, vector<16xi32>], vector<16xf32>,
        %gather3A_143 = tpu.vector_load_idx %arg14[%add3A_101, %broadcast_in_dim3A_141] : memref<128x128xf32, #tpu.memory_space<vmem>>[vector<16xi32>, vector<16xi32>], vector<16xf32>,
        %mul3A_144 = arith.mulf %gather3A_142, %gather3A_143 : vector<16xf32>
        %add3A_145 = arith.addf %add3A_139, %mul3A_144 : vector<16xf32>
        %broadcast_in_dim3A_146 = arith.constant 7 : i32
        %broadcast_in_dim3A_147 = vector.broadcast %broadcast_in_dim3A_146 : i32 to vector<16xi32>
        %gather3A_148 = tpu.vector_load_idx %arg13[%add3A_101, %broadcast_in_dim3A_147] : memref<128x128xf32, #tpu.memory_space<vmem>>[vector<16xi32>, vector<16xi32>], vector<16xf32>,
        %gather3A_149 = tpu.vector_load_idx %arg14[%add3A_101, %broadcast_in_dim3A_147] : memref<128x128xf32, #tpu.memory_space<vmem>>[vector<16xi32>, vector<16xi32>], vector<16xf32>,
        %mul3A_150 = arith.mulf %gather3A_148, %gather3A_149 : vector<16xf32>
        %add3A_151 = arith.addf %add3A_145, %mul3A_150 : vector<16xf32>
        %broadcast_in_dim3A_152 = arith.constant 8 : i32
        %broadcast_in_dim3A_153 = vector.broadcast %broadcast_in_dim3A_152 : i32 to vector<16xi32>
        %gather3A_154 = tpu.vector_load_idx %arg13[%add3A_101, %broadcast_in_dim3A_153] : memref<128x128xf32, #tpu.memory_space<vmem>>[vector<16xi32>, vector<16xi32>], vector<16xf32>,
        %gather3A_155 = tpu.vector_load_idx %arg14[%add3A_101, %broadcast_in_dim3A_153] : memref<128x128xf32, #tpu.memory_space<vmem>>[vector<16xi32>, vector<16xi32>], vector<16xf32>,
        %mul3A_156 = arith.mulf %gather3A_154, %gather3A_155 : vector<16xf32>
        %add3A_157 = arith.addf %add3A_151, %mul3A_156 : vector<16xf32>
        %broadcast_in_dim3A_158 = arith.constant 9 : i32
        %broadcast_in_dim3A_159 = vector.broadcast %broadcast_in_dim3A_158 : i32 to vector<16xi32>
        %gather3A_160 = tpu.vector_load_idx %arg13[%add3A_101, %broadcast_in_dim3A_159] : memref<128x128xf32, #tpu.memory_space<vmem>>[vector<16xi32>, vector<16xi32>], vector<16xf32>,
        %gather3A_161 = tpu.vector_load_idx %arg14[%add3A_101, %broadcast_in_dim3A_159] : memref<128x128xf32, #tpu.memory_space<vmem>>[vector<16xi32>, vector<16xi32>], vector<16xf32>,
        %mul3A_162 = arith.mulf %gather3A_160, %gather3A_161 : vector<16xf32>
        %add3A_163 = arith.addf %add3A_157, %mul3A_162 : vector<16xf32>
        %broadcast_in_dim3A_164 = arith.constant 10 : i32
        %broadcast_in_dim3A_165 = vector.broadcast %broadcast_in_dim3A_164 : i32 to vector<16xi32>
        %gather3A_166 = tpu.vector_load_idx %arg13[%add3A_101, %broadcast_in_dim3A_165] : memref<128x128xf32, #tpu.memory_space<vmem>>[vector<16xi32>, vector<16xi32>], vector<16xf32>,
        %gather3A_167 = tpu.vector_load_idx %arg14[%add3A_101, %broadcast_in_dim3A_165] : memref<128x128xf32, #tpu.memory_space<vmem>>[vector<16xi32>, vector<16xi32>], vector<16xf32>,
        %mul3A_168 = arith.mulf %gather3A_166, %gather3A_167 : vector<16xf32>
        %add3A_169 = arith.addf %add3A_163, %mul3A_168 : vector<16xf32>
        %broadcast_in_dim3A_170 = arith.constant 11 : i32
        %broadcast_in_dim3A_171 = vector.broadcast %broadcast_in_dim3A_170 : i32 to vector<16xi32>
        %gather3A_172 = tpu.vector_load_idx %arg13[%add3A_101, %broadcast_in_dim3A_171] : memref<128x128xf32, #tpu.memory_space<vmem>>[vector<16xi32>, vector<16xi32>], vector<16xf32>,
        %gather3A_173 = tpu.vector_load_idx %arg14[%add3A_101, %broadcast_in_dim3A_171] : memref<128x128xf32, #tpu.memory_space<vmem>>[vector<16xi32>, vector<16xi32>], vector<16xf32>,
        %mul3A_174 = arith.mulf %gather3A_172, %gather3A_173 : vector<16xf32>
        %add3A_175 = arith.addf %add3A_169, %mul3A_174 : vector<16xf32>
        %broadcast_in_dim3A_176 = arith.constant 12 : i32
        %broadcast_in_dim3A_177 = vector.broadcast %broadcast_in_dim3A_176 : i32 to vector<16xi32>
        %gather3A_178 = tpu.vector_load_idx %arg13[%add3A_101, %broadcast_in_dim3A_177] : memref<128x128xf32, #tpu.memory_space<vmem>>[vector<16xi32>, vector<16xi32>], vector<16xf32>,
        %gather3A_179 = tpu.vector_load_idx %arg14[%add3A_101, %broadcast_in_dim3A_177] : memref<128x128xf32, #tpu.memory_space<vmem>>[vector<16xi32>, vector<16xi32>], vector<16xf32>,
        %mul3A_180 = arith.mulf %gather3A_178, %gather3A_179 : vector<16xf32>
        %add3A_181 = arith.addf %add3A_175, %mul3A_180 : vector<16xf32>
        %broadcast_in_dim3A_182 = arith.constant 13 : i32
        %broadcast_in_dim3A_183 = vector.broadcast %broadcast_in_dim3A_182 : i32 to vector<16xi32>
        %gather3A_184 = tpu.vector_load_idx %arg13[%add3A_101, %broadcast_in_dim3A_183] : memref<128x128xf32, #tpu.memory_space<vmem>>[vector<16xi32>, vector<16xi32>], vector<16xf32>,
        %gather3A_185 = tpu.vector_load_idx %arg14[%add3A_101, %broadcast_in_dim3A_183] : memref<128x128xf32, #tpu.memory_space<vmem>>[vector<16xi32>, vector<16xi32>], vector<16xf32>,
        %mul3A_186 = arith.mulf %gather3A_184, %gather3A_185 : vector<16xf32>
        %add3A_187 = arith.addf %add3A_181, %mul3A_186 : vector<16xf32>
        %broadcast_in_dim3A_188 = arith.constant 14 : i32
        %broadcast_in_dim3A_189 = vector.broadcast %broadcast_in_dim3A_188 : i32 to vector<16xi32>
        %gather3A_190 = tpu.vector_load_idx %arg13[%add3A_101, %broadcast_in_dim3A_189] : memref<128x128xf32, #tpu.memory_space<vmem>>[vector<16xi32>, vector<16xi32>], vector<16xf32>,
        %gather3A_191 = tpu.vector_load_idx %arg14[%add3A_101, %broadcast_in_dim3A_189] : memref<128x128xf32, #tpu.memory_space<vmem>>[vector<16xi32>, vector<16xi32>], vector<16xf32>,
        %mul3A_192 = arith.mulf %gather3A_190, %gather3A_191 : vector<16xf32>
        %add3A_193 = arith.addf %add3A_187, %mul3A_192 : vector<16xf32>
        %broadcast_in_dim3A_194 = arith.constant 15 : i32
        %broadcast_in_dim3A_195 = vector.broadcast %broadcast_in_dim3A_194 : i32 to vector<16xi32>
        %gather3A_196 = tpu.vector_load_idx %arg13[%add3A_101, %broadcast_in_dim3A_195] : memref<128x128xf32, #tpu.memory_space<vmem>>[vector<16xi32>, vector<16xi32>], vector<16xf32>,
        %gather3A_197 = tpu.vector_load_idx %arg14[%add3A_101, %broadcast_in_dim3A_195] : memref<128x128xf32, #tpu.memory_space<vmem>>[vector<16xi32>, vector<16xi32>], vector<16xf32>,
        %mul3A_198 = arith.mulf %gather3A_196, %gather3A_197 : vector<16xf32>
        %add3A_199 = arith.addf %add3A_193, %mul3A_198 : vector<16xf32>
        %broadcast_in_dim3A_200 = arith.constant 16 : i32
        %broadcast_in_dim3A_201 = vector.broadcast %broadcast_in_dim3A_200 : i32 to vector<16xi32>
        %gather3A_202 = tpu.vector_load_idx %arg13[%add3A_101, %broadcast_in_dim3A_201] : memref<128x128xf32, #tpu.memory_space<vmem>>[vector<16xi32>, vector<16xi32>], vector<16xf32>,
        %gather3A_203 = tpu.vector_load_idx %arg14[%add3A_101, %broadcast_in_dim3A_201] : memref<128x128xf32, #tpu.memory_space<vmem>>[vector<16xi32>, vector<16xi32>], vector<16xf32>,
        %mul3A_204 = arith.mulf %gather3A_202, %gather3A_203 : vector<16xf32>
        %add3A_205 = arith.addf %add3A_199, %mul3A_204 : vector<16xf32>
        %broadcast_in_dim3A_206 = arith.constant 17 : i32
        %broadcast_in_dim3A_207 = vector.broadcast %broadcast_in_dim3A_206 : i32 to vector<16xi32>
        %gather3A_208 = tpu.vector_load_idx %arg13[%add3A_101, %broadcast_in_dim3A_207] : memref<128x128xf32, #tpu.memory_space<vmem>>[vector<16xi32>, vector<16xi32>], vector<16xf32>,
        %gather3A_209 = tpu.vector_load_idx %arg14[%add3A_101, %broadcast_in_dim3A_207] : memref<128x128xf32, #tpu.memory_space<vmem>>[vector<16xi32>, vector<16xi32>], vector<16xf32>,
        %mul3A_210 = arith.mulf %gather3A_208, %gather3A_209 : vector<16xf32>
        %add3A_211 = arith.addf %add3A_205, %mul3A_210 : vector<16xf32>
        %broadcast_in_dim3A_212 = arith.constant 18 : i32
        %broadcast_in_dim3A_213 = vector.broadcast %broadcast_in_dim3A_212 : i32 to vector<16xi32>
        %gather3A_214 = tpu.vector_load_idx %arg13[%add3A_101, %broadcast_in_dim3A_213] : memref<128x128xf32, #tpu.memory_space<vmem>>[vector<16xi32>, vector<16xi32>], vector<16xf32>,
        %gather3A_215 = tpu.vector_load_idx %arg14[%add3A_101, %broadcast_in_dim3A_213] : memref<128x128xf32, #tpu.memory_space<vmem>>[vector<16xi32>, vector<16xi32>], vector<16xf32>,
        %mul3A_216 = arith.mulf %gather3A_214, %gather3A_215 : vector<16xf32>
        %add3A_217 = arith.addf %add3A_211, %mul3A_216 : vector<16xf32>
        %broadcast_in_dim3A_218 = arith.constant 19 : i32
        %broadcast_in_dim3A_219 = vector.broadcast %broadcast_in_dim3A_218 : i32 to vector<16xi32>
        %gather3A_220 = tpu.vector_load_idx %arg13[%add3A_101, %broadcast_in_dim3A_219] : memref<128x128xf32, #tpu.memory_space<vmem>>[vector<16xi32>, vector<16xi32>], vector<16xf32>,
        %gather3A_221 = tpu.vector_load_idx %arg14[%add3A_101, %broadcast_in_dim3A_219] : memref<128x128xf32, #tpu.memory_space<vmem>>[vector<16xi32>, vector<16xi32>], vector<16xf32>,
        %mul3A_222 = arith.mulf %gather3A_220, %gather3A_221 : vector<16xf32>
        %add3A_223 = arith.addf %add3A_217, %mul3A_222 : vector<16xf32>
        %broadcast_in_dim3A_224 = arith.constant 20 : i32
        %broadcast_in_dim3A_225 = vector.broadcast %broadcast_in_dim3A_224 : i32 to vector<16xi32>
        %gather3A_226 = tpu.vector_load_idx %arg13[%add3A_101, %broadcast_in_dim3A_225] : memref<128x128xf32, #tpu.memory_space<vmem>>[vector<16xi32>, vector<16xi32>], vector<16xf32>,
        %gather3A_227 = tpu.vector_load_idx %arg14[%add3A_101, %broadcast_in_dim3A_225] : memref<128x128xf32, #tpu.memory_space<vmem>>[vector<16xi32>, vector<16xi32>], vector<16xf32>,
        %mul3A_228 = arith.mulf %gather3A_226, %gather3A_227 : vector<16xf32>
        %add3A_229 = arith.addf %add3A_223, %mul3A_228 : vector<16xf32>
        %broadcast_in_dim3A_230 = arith.constant 21 : i32
        %broadcast_in_dim3A_231 = vector.broadcast %broadcast_in_dim3A_230 : i32 to vector<16xi32>
        %gather3A_232 = tpu.vector_load_idx %arg13[%add3A_101, %broadcast_in_dim3A_231] : memref<128x128xf32, #tpu.memory_space<vmem>>[vector<16xi32>, vector<16xi32>], vector<16xf32>,
        %gather3A_233 = tpu.vector_load_idx %arg14[%add3A_101, %broadcast_in_dim3A_231] : memref<128x128xf32, #tpu.memory_space<vmem>>[vector<16xi32>, vector<16xi32>], vector<16xf32>,
        %mul3A_234 = arith.mulf %gather3A_232, %gather3A_233 : vector<16xf32>
        %add3A_235 = arith.addf %add3A_229, %mul3A_234 : vector<16xf32>
        %broadcast_in_dim3A_236 = arith.constant 22 : i32
        %broadcast_in_dim3A_237 = vector.broadcast %broadcast_in_dim3A_236 : i32 to vector<16xi32>
        %gather3A_238 = tpu.vector_load_idx %arg13[%add3A_101, %broadcast_in_dim3A_237] : memref<128x128xf32, #tpu.memory_space<vmem>>[vector<16xi32>, vector<16xi32>], vector<16xf32>,
        %gather3A_239 = tpu.vector_load_idx %arg14[%add3A_101, %broadcast_in_dim3A_237] : memref<128x128xf32, #tpu.memory_space<vmem>>[vector<16xi32>, vector<16xi32>], vector<16xf32>,
        %mul3A_240 = arith.mulf %gather3A_238, %gather3A_239 : vector<16xf32>
        %add3A_241 = arith.addf %add3A_235, %mul3A_240 : vector<16xf32>
        %broadcast_in_dim3A_242 = arith.constant 23 : i32
        %broadcast_in_dim3A_243 = vector.broadcast %broadcast_in_dim3A_242 : i32 to vector<16xi32>
        %gather3A_244 = tpu.vector_load_idx %arg13[%add3A_101, %broadcast_in_dim3A_243] : memref<128x128xf32, #tpu.memory_space<vmem>>[vector<16xi32>, vector<16xi32>], vector<16xf32>,
        %gather3A_245 = tpu.vector_load_idx %arg14[%add3A_101, %broadcast_in_dim3A_243] : memref<128x128xf32, #tpu.memory_space<vmem>>[vector<16xi32>, vector<16xi32>], vector<16xf32>,
        %mul3A_246 = arith.mulf %gather3A_244, %gather3A_245 : vector<16xf32>
        %add3A_247 = arith.addf %add3A_241, %mul3A_246 : vector<16xf32>
        %broadcast_in_dim3A_248 = arith.constant 24 : i32
        %broadcast_in_dim3A_249 = vector.broadcast %broadcast_in_dim3A_248 : i32 to vector<16xi32>
        %gather3A_250 = tpu.vector_load_idx %arg13[%add3A_101, %broadcast_in_dim3A_249] : memref<128x128xf32, #tpu.memory_space<vmem>>[vector<16xi32>, vector<16xi32>], vector<16xf32>,
        %gather3A_251 = tpu.vector_load_idx %arg14[%add3A_101, %broadcast_in_dim3A_249] : memref<128x128xf32, #tpu.memory_space<vmem>>[vector<16xi32>, vector<16xi32>], vector<16xf32>,
        %mul3A_252 = arith.mulf %gather3A_250, %gather3A_251 : vector<16xf32>
        %add3A_253 = arith.addf %add3A_247, %mul3A_252 : vector<16xf32>
        %broadcast_in_dim3A_254 = arith.constant 25 : i32
        %broadcast_in_dim3A_255 = vector.broadcast %broadcast_in_dim3A_254 : i32 to vector<16xi32>
        %gather3A_256 = tpu.vector_load_idx %arg13[%add3A_101, %broadcast_in_dim3A_255] : memref<128x128xf32, #tpu.memory_space<vmem>>[vector<16xi32>, vector<16xi32>], vector<16xf32>,
        %gather3A_257 = tpu.vector_load_idx %arg14[%add3A_101, %broadcast_in_dim3A_255] : memref<128x128xf32, #tpu.memory_space<vmem>>[vector<16xi32>, vector<16xi32>], vector<16xf32>,
        %mul3A_258 = arith.mulf %gather3A_256, %gather3A_257 : vector<16xf32>
        %add3A_259 = arith.addf %add3A_253, %mul3A_258 : vector<16xf32>
        %broadcast_in_dim3A_260 = arith.constant 26 : i32
        %broadcast_in_dim3A_261 = vector.broadcast %broadcast_in_dim3A_260 : i32 to vector<16xi32>
        %gather3A_262 = tpu.vector_load_idx %arg13[%add3A_101, %broadcast_in_dim3A_261] : memref<128x128xf32, #tpu.memory_space<vmem>>[vector<16xi32>, vector<16xi32>], vector<16xf32>,
        %gather3A_263 = tpu.vector_load_idx %arg14[%add3A_101, %broadcast_in_dim3A_261] : memref<128x128xf32, #tpu.memory_space<vmem>>[vector<16xi32>, vector<16xi32>], vector<16xf32>,
        %mul3A_264 = arith.mulf %gather3A_262, %gather3A_263 : vector<16xf32>
        %add3A_265 = arith.addf %add3A_259, %mul3A_264 : vector<16xf32>
        %broadcast_in_dim3A_266 = arith.constant 27 : i32
        %broadcast_in_dim3A_267 = vector.broadcast %broadcast_in_dim3A_266 : i32 to vector<16xi32>
        %gather3A_268 = tpu.vector_load_idx %arg13[%add3A_101, %broadcast_in_dim3A_267] : memref<128x128xf32, #tpu.memory_space<vmem>>[vector<16xi32>, vector<16xi32>], vector<16xf32>,
        %gather3A_269 = tpu.vector_load_idx %arg14[%add3A_101, %broadcast_in_dim3A_267] : memref<128x128xf32, #tpu.memory_space<vmem>>[vector<16xi32>, vector<16xi32>], vector<16xf32>,
        %mul3A_270 = arith.mulf %gather3A_268, %gather3A_269 : vector<16xf32>
        %add3A_271 = arith.addf %add3A_265, %mul3A_270 : vector<16xf32>
        %broadcast_in_dim3A_272 = arith.constant 28 : i32
        %broadcast_in_dim3A_273 = vector.broadcast %broadcast_in_dim3A_272 : i32 to vector<16xi32>
        %gather3A_274 = tpu.vector_load_idx %arg13[%add3A_101, %broadcast_in_dim3A_273] : memref<128x128xf32, #tpu.memory_space<vmem>>[vector<16xi32>, vector<16xi32>], vector<16xf32>,
        %gather3A_275 = tpu.vector_load_idx %arg14[%add3A_101, %broadcast_in_dim3A_273] : memref<128x128xf32, #tpu.memory_space<vmem>>[vector<16xi32>, vector<16xi32>], vector<16xf32>,
        %mul3A_276 = arith.mulf %gather3A_274, %gather3A_275 : vector<16xf32>
        %add3A_277 = arith.addf %add3A_271, %mul3A_276 : vector<16xf32>
        %broadcast_in_dim3A_278 = arith.constant 29 : i32
        %broadcast_in_dim3A_279 = vector.broadcast %broadcast_in_dim3A_278 : i32 to vector<16xi32>
        %gather3A_280 = tpu.vector_load_idx %arg13[%add3A_101, %broadcast_in_dim3A_279] : memref<128x128xf32, #tpu.memory_space<vmem>>[vector<16xi32>, vector<16xi32>], vector<16xf32>,
        %gather3A_281 = tpu.vector_load_idx %arg14[%add3A_101, %broadcast_in_dim3A_279] : memref<128x128xf32, #tpu.memory_space<vmem>>[vector<16xi32>, vector<16xi32>], vector<16xf32>,
        %mul3A_282 = arith.mulf %gather3A_280, %gather3A_281 : vector<16xf32>
        %add3A_283 = arith.addf %add3A_277, %mul3A_282 : vector<16xf32>
        %broadcast_in_dim3A_284 = arith.constant 30 : i32
        %broadcast_in_dim3A_285 = vector.broadcast %broadcast_in_dim3A_284 : i32 to vector<16xi32>
        %gather3A_286 = tpu.vector_load_idx %arg13[%add3A_101, %broadcast_in_dim3A_285] : memref<128x128xf32, #tpu.memory_space<vmem>>[vector<16xi32>, vector<16xi32>], vector<16xf32>,
        %gather3A_287 = tpu.vector_load_idx %arg14[%add3A_101, %broadcast_in_dim3A_285] : memref<128x128xf32, #tpu.memory_space<vmem>>[vector<16xi32>, vector<16xi32>], vector<16xf32>,
        %mul3A_288 = arith.mulf %gather3A_286, %gather3A_287 : vector<16xf32>
        %add3A_289 = arith.addf %add3A_283, %mul3A_288 : vector<16xf32>
        %broadcast_in_dim3A_290 = arith.constant 31 : i32
        %broadcast_in_dim3A_291 = vector.broadcast %broadcast_in_dim3A_290 : i32 to vector<16xi32>
        %gather3A_292 = tpu.vector_load_idx %arg13[%add3A_101, %broadcast_in_dim3A_291] : memref<128x128xf32, #tpu.memory_space<vmem>>[vector<16xi32>, vector<16xi32>], vector<16xf32>,
        %gather3A_293 = tpu.vector_load_idx %arg14[%add3A_101, %broadcast_in_dim3A_291] : memref<128x128xf32, #tpu.memory_space<vmem>>[vector<16xi32>, vector<16xi32>], vector<16xf32>,
        %mul3A_294 = arith.mulf %gather3A_292, %gather3A_293 : vector<16xf32>
        %add3A_295 = arith.addf %add3A_289, %mul3A_294 : vector<16xf32>
        %exp3A = math.exp %add3A_295 : vector<16xf32>
        %mul3A_296 = arith.constant 16 : i32
        %mul3A_297 = arith.muli %add3A_97, %mul3A_296 : i32
        %swap3A = arith.constant 0 : i32
        %swap3A_298 = arith.index_cast %swap3A : i32 to index
        %swap3A_299 = arith.index_cast %mul3A_297 : i32 to index
        %swap3A_300 = tpu.vector_load %arg18[%swap3A_298, %swap3A_299] {strides = array<i32>} : memref<4x128xf32, #tpu.memory_space<vmem>>, vector<16xf32>,
        tpu.vector_store %arg18[%swap3A_298, %swap3A_299], %exp3A {strides = array<i32>} : memref<4x128xf32, #tpu.memory_space<vmem>>, vector<16xf32>,
        %broadcast_in_dim3A_301 = arith.constant 32 : i32
        %broadcast_in_dim3A_302 = vector.broadcast %broadcast_in_dim3A_301 : i32 to vector<16xi32>
        %gather3A_303 = tpu.vector_load_idx %arg13[%add3A_101, %broadcast_in_dim3A_302] : memref<128x128xf32, #tpu.memory_space<vmem>>[vector<16xi32>, vector<16xi32>], vector<16xf32>,
        %gather3A_304 = tpu.vector_load_idx %arg14[%add3A_101, %broadcast_in_dim3A_302] : memref<128x128xf32, #tpu.memory_space<vmem>>[vector<16xi32>, vector<16xi32>], vector<16xf32>,
        %mul3A_305 = arith.mulf %gather3A_303, %gather3A_304 : vector<16xf32>
        %add3A_306 = arith.addf %broadcast_in_dim3A_3, %mul3A_305 : vector<16xf32>
        %broadcast_in_dim3A_307 = arith.constant 33 : i32
        %broadcast_in_dim3A_308 = vector.broadcast %broadcast_in_dim3A_307 : i32 to vector<16xi32>
        %gather3A_309 = tpu.vector_load_idx %arg13[%add3A_101, %broadcast_in_dim3A_308] : memref<128x128xf32, #tpu.memory_space<vmem>>[vector<16xi32>, vector<16xi32>], vector<16xf32>,
        %gather3A_310 = tpu.vector_load_idx %arg14[%add3A_101, %broadcast_in_dim3A_308] : memref<128x128xf32, #tpu.memory_space<vmem>>[vector<16xi32>, vector<16xi32>], vector<16xf32>,
        %mul3A_311 = arith.mulf %gather3A_309, %gather3A_310 : vector<16xf32>
        %add3A_312 = arith.addf %add3A_306, %mul3A_311 : vector<16xf32>
        %broadcast_in_dim3A_313 = arith.constant 34 : i32
        %broadcast_in_dim3A_314 = vector.broadcast %broadcast_in_dim3A_313 : i32 to vector<16xi32>
        %gather3A_315 = tpu.vector_load_idx %arg13[%add3A_101, %broadcast_in_dim3A_314] : memref<128x128xf32, #tpu.memory_space<vmem>>[vector<16xi32>, vector<16xi32>], vector<16xf32>,
        %gather3A_316 = tpu.vector_load_idx %arg14[%add3A_101, %broadcast_in_dim3A_314] : memref<128x128xf32, #tpu.memory_space<vmem>>[vector<16xi32>, vector<16xi32>], vector<16xf32>,
        %mul3A_317 = arith.mulf %gather3A_315, %gather3A_316 : vector<16xf32>
        %add3A_318 = arith.addf %add3A_312, %mul3A_317 : vector<16xf32>
        %broadcast_in_dim3A_319 = arith.constant 35 : i32
        %broadcast_in_dim3A_320 = vector.broadcast %broadcast_in_dim3A_319 : i32 to vector<16xi32>
        %gather3A_321 = tpu.vector_load_idx %arg13[%add3A_101, %broadcast_in_dim3A_320] : memref<128x128xf32, #tpu.memory_space<vmem>>[vector<16xi32>, vector<16xi32>], vector<16xf32>,
        %gather3A_322 = tpu.vector_load_idx %arg14[%add3A_101, %broadcast_in_dim3A_320] : memref<128x128xf32, #tpu.memory_space<vmem>>[vector<16xi32>, vector<16xi32>], vector<16xf32>,
        %mul3A_323 = arith.mulf %gather3A_321, %gather3A_322 : vector<16xf32>
        %add3A_324 = arith.addf %add3A_318, %mul3A_323 : vector<16xf32>
        %broadcast_in_dim3A_325 = arith.constant 36 : i32
        %broadcast_in_dim3A_326 = vector.broadcast %broadcast_in_dim3A_325 : i32 to vector<16xi32>
        %gather3A_327 = tpu.vector_load_idx %arg13[%add3A_101, %broadcast_in_dim3A_326] : memref<128x128xf32, #tpu.memory_space<vmem>>[vector<16xi32>, vector<16xi32>], vector<16xf32>,
        %gather3A_328 = tpu.vector_load_idx %arg14[%add3A_101, %broadcast_in_dim3A_326] : memref<128x128xf32, #tpu.memory_space<vmem>>[vector<16xi32>, vector<16xi32>], vector<16xf32>,
        %mul3A_329 = arith.mulf %gather3A_327, %gather3A_328 : vector<16xf32>
        %add3A_330 = arith.addf %add3A_324, %mul3A_329 : vector<16xf32>
        %broadcast_in_dim3A_331 = arith.constant 37 : i32
        %broadcast_in_dim3A_332 = vector.broadcast %broadcast_in_dim3A_331 : i32 to vector<16xi32>
        %gather3A_333 = tpu.vector_load_idx %arg13[%add3A_101, %broadcast_in_dim3A_332] : memref<128x128xf32, #tpu.memory_space<vmem>>[vector<16xi32>, vector<16xi32>], vector<16xf32>,
        %gather3A_334 = tpu.vector_load_idx %arg14[%add3A_101, %broadcast_in_dim3A_332] : memref<128x128xf32, #tpu.memory_space<vmem>>[vector<16xi32>, vector<16xi32>], vector<16xf32>,
        %mul3A_335 = arith.mulf %gather3A_333, %gather3A_334 : vector<16xf32>
        %add3A_336 = arith.addf %add3A_330, %mul3A_335 : vector<16xf32>
        %broadcast_in_dim3A_337 = arith.constant 38 : i32
        %broadcast_in_dim3A_338 = vector.broadcast %broadcast_in_dim3A_337 : i32 to vector<16xi32>
        %gather3A_339 = tpu.vector_load_idx %arg13[%add3A_101, %broadcast_in_dim3A_338] : memref<128x128xf32, #tpu.memory_space<vmem>>[vector<16xi32>, vector<16xi32>], vector<16xf32>,
        %gather3A_340 = tpu.vector_load_idx %arg14[%add3A_101, %broadcast_in_dim3A_338] : memref<128x128xf32, #tpu.memory_space<vmem>>[vector<16xi32>, vector<16xi32>], vector<16xf32>,
        %mul3A_341 = arith.mulf %gather3A_339, %gather3A_340 : vector<16xf32>
        %add3A_342 = arith.addf %add3A_336, %mul3A_341 : vector<16xf32>
        %broadcast_in_dim3A_343 = arith.constant 39 : i32
        %broadcast_in_dim3A_344 = vector.broadcast %broadcast_in_dim3A_343 : i32 to vector<16xi32>
        %gather3A_345 = tpu.vector_load_idx %arg13[%add3A_101, %broadcast_in_dim3A_344] : memref<128x128xf32, #tpu.memory_space<vmem>>[vector<16xi32>, vector<16xi32>], vector<16xf32>,
        %gather3A_346 = tpu.vector_load_idx %arg14[%add3A_101, %broadcast_in_dim3A_344] : memref<128x128xf32, #tpu.memory_space<vmem>>[vector<16xi32>, vector<16xi32>], vector<16xf32>,
        %mul3A_347 = arith.mulf %gather3A_345, %gather3A_346 : vector<16xf32>
        %add3A_348 = arith.addf %add3A_342, %mul3A_347 : vector<16xf32>
        %broadcast_in_dim3A_349 = arith.constant 40 : i32
        %broadcast_in_dim3A_350 = vector.broadcast %broadcast_in_dim3A_349 : i32 to vector<16xi32>
        %gather3A_351 = tpu.vector_load_idx %arg13[%add3A_101, %broadcast_in_dim3A_350] : memref<128x128xf32, #tpu.memory_space<vmem>>[vector<16xi32>, vector<16xi32>], vector<16xf32>,
        %gather3A_352 = tpu.vector_load_idx %arg14[%add3A_101, %broadcast_in_dim3A_350] : memref<128x128xf32, #tpu.memory_space<vmem>>[vector<16xi32>, vector<16xi32>], vector<16xf32>,
        %mul3A_353 = arith.mulf %gather3A_351, %gather3A_352 : vector<16xf32>
        %add3A_354 = arith.addf %add3A_348, %mul3A_353 : vector<16xf32>
        %broadcast_in_dim3A_355 = arith.constant 41 : i32
        %broadcast_in_dim3A_356 = vector.broadcast %broadcast_in_dim3A_355 : i32 to vector<16xi32>
        %gather3A_357 = tpu.vector_load_idx %arg13[%add3A_101, %broadcast_in_dim3A_356] : memref<128x128xf32, #tpu.memory_space<vmem>>[vector<16xi32>, vector<16xi32>], vector<16xf32>,
        %gather3A_358 = tpu.vector_load_idx %arg14[%add3A_101, %broadcast_in_dim3A_356] : memref<128x128xf32, #tpu.memory_space<vmem>>[vector<16xi32>, vector<16xi32>], vector<16xf32>,
        %mul3A_359 = arith.mulf %gather3A_357, %gather3A_358 : vector<16xf32>
        %add3A_360 = arith.addf %add3A_354, %mul3A_359 : vector<16xf32>
        %broadcast_in_dim3A_361 = arith.constant 42 : i32
        %broadcast_in_dim3A_362 = vector.broadcast %broadcast_in_dim3A_361 : i32 to vector<16xi32>
        %gather3A_363 = tpu.vector_load_idx %arg13[%add3A_101, %broadcast_in_dim3A_362] : memref<128x128xf32, #tpu.memory_space<vmem>>[vector<16xi32>, vector<16xi32>], vector<16xf32>,
        %gather3A_364 = tpu.vector_load_idx %arg14[%add3A_101, %broadcast_in_dim3A_362] : memref<128x128xf32, #tpu.memory_space<vmem>>[vector<16xi32>, vector<16xi32>], vector<16xf32>,
        %mul3A_365 = arith.mulf %gather3A_363, %gather3A_364 : vector<16xf32>
        %add3A_366 = arith.addf %add3A_360, %mul3A_365 : vector<16xf32>
        %broadcast_in_dim3A_367 = arith.constant 43 : i32
        %broadcast_in_dim3A_368 = vector.broadcast %broadcast_in_dim3A_367 : i32 to vector<16xi32>
        %gather3A_369 = tpu.vector_load_idx %arg13[%add3A_101, %broadcast_in_dim3A_368] : memref<128x128xf32, #tpu.memory_space<vmem>>[vector<16xi32>, vector<16xi32>], vector<16xf32>,
        %gather3A_370 = tpu.vector_load_idx %arg14[%add3A_101, %broadcast_in_dim3A_368] : memref<128x128xf32, #tpu.memory_space<vmem>>[vector<16xi32>, vector<16xi32>], vector<16xf32>,
        %mul3A_371 = arith.mulf %gather3A_369, %gather3A_370 : vector<16xf32>
        %add3A_372 = arith.addf %add3A_366, %mul3A_371 : vector<16xf32>
        %broadcast_in_dim3A_373 = arith.constant 44 : i32
        %broadcast_in_dim3A_374 = vector.broadcast %broadcast_in_dim3A_373 : i32 to vector<16xi32>
        %gather3A_375 = tpu.vector_load_idx %arg13[%add3A_101, %broadcast_in_dim3A_374] : memref<128x128xf32, #tpu.memory_space<vmem>>[vector<16xi32>, vector<16xi32>], vector<16xf32>,
        %gather3A_376 = tpu.vector_load_idx %arg14[%add3A_101, %broadcast_in_dim3A_374] : memref<128x128xf32, #tpu.memory_space<vmem>>[vector<16xi32>, vector<16xi32>], vector<16xf32>,
        %mul3A_377 = arith.mulf %gather3A_375, %gather3A_376 : vector<16xf32>
        %add3A_378 = arith.addf %add3A_372, %mul3A_377 : vector<16xf32>
        %broadcast_in_dim3A_379 = arith.constant 45 : i32
        %broadcast_in_dim3A_380 = vector.broadcast %broadcast_in_dim3A_379 : i32 to vector<16xi32>
        %gather3A_381 = tpu.vector_load_idx %arg13[%add3A_101, %broadcast_in_dim3A_380] : memref<128x128xf32, #tpu.memory_space<vmem>>[vector<16xi32>, vector<16xi32>], vector<16xf32>,
        %gather3A_382 = tpu.vector_load_idx %arg14[%add3A_101, %broadcast_in_dim3A_380] : memref<128x128xf32, #tpu.memory_space<vmem>>[vector<16xi32>, vector<16xi32>], vector<16xf32>,
        %mul3A_383 = arith.mulf %gather3A_381, %gather3A_382 : vector<16xf32>
        %add3A_384 = arith.addf %add3A_378, %mul3A_383 : vector<16xf32>
        %broadcast_in_dim3A_385 = arith.constant 46 : i32
        %broadcast_in_dim3A_386 = vector.broadcast %broadcast_in_dim3A_385 : i32 to vector<16xi32>
        %gather3A_387 = tpu.vector_load_idx %arg13[%add3A_101, %broadcast_in_dim3A_386] : memref<128x128xf32, #tpu.memory_space<vmem>>[vector<16xi32>, vector<16xi32>], vector<16xf32>,
        %gather3A_388 = tpu.vector_load_idx %arg14[%add3A_101, %broadcast_in_dim3A_386] : memref<128x128xf32, #tpu.memory_space<vmem>>[vector<16xi32>, vector<16xi32>], vector<16xf32>,
        %mul3A_389 = arith.mulf %gather3A_387, %gather3A_388 : vector<16xf32>
        %add3A_390 = arith.addf %add3A_384, %mul3A_389 : vector<16xf32>
        %broadcast_in_dim3A_391 = arith.constant 47 : i32
        %broadcast_in_dim3A_392 = vector.broadcast %broadcast_in_dim3A_391 : i32 to vector<16xi32>
        %gather3A_393 = tpu.vector_load_idx %arg13[%add3A_101, %broadcast_in_dim3A_392] : memref<128x128xf32, #tpu.memory_space<vmem>>[vector<16xi32>, vector<16xi32>], vector<16xf32>,
        %gather3A_394 = tpu.vector_load_idx %arg14[%add3A_101, %broadcast_in_dim3A_392] : memref<128x128xf32, #tpu.memory_space<vmem>>[vector<16xi32>, vector<16xi32>], vector<16xf32>,
        %mul3A_395 = arith.mulf %gather3A_393, %gather3A_394 : vector<16xf32>
        %add3A_396 = arith.addf %add3A_390, %mul3A_395 : vector<16xf32>
        %broadcast_in_dim3A_397 = arith.constant 48 : i32
        %broadcast_in_dim3A_398 = vector.broadcast %broadcast_in_dim3A_397 : i32 to vector<16xi32>
        %gather3A_399 = tpu.vector_load_idx %arg13[%add3A_101, %broadcast_in_dim3A_398] : memref<128x128xf32, #tpu.memory_space<vmem>>[vector<16xi32>, vector<16xi32>], vector<16xf32>,
        %gather3A_400 = tpu.vector_load_idx %arg14[%add3A_101, %broadcast_in_dim3A_398] : memref<128x128xf32, #tpu.memory_space<vmem>>[vector<16xi32>, vector<16xi32>], vector<16xf32>,
        %mul3A_401 = arith.mulf %gather3A_399, %gather3A_400 : vector<16xf32>
        %add3A_402 = arith.addf %add3A_396, %mul3A_401 : vector<16xf32>
        %broadcast_in_dim3A_403 = arith.constant 49 : i32
        %broadcast_in_dim3A_404 = vector.broadcast %broadcast_in_dim3A_403 : i32 to vector<16xi32>
        %gather3A_405 = tpu.vector_load_idx %arg13[%add3A_101, %broadcast_in_dim3A_404] : memref<128x128xf32, #tpu.memory_space<vmem>>[vector<16xi32>, vector<16xi32>], vector<16xf32>,
        %gather3A_406 = tpu.vector_load_idx %arg14[%add3A_101, %broadcast_in_dim3A_404] : memref<128x128xf32, #tpu.memory_space<vmem>>[vector<16xi32>, vector<16xi32>], vector<16xf32>,
        %mul3A_407 = arith.mulf %gather3A_405, %gather3A_406 : vector<16xf32>
        %add3A_408 = arith.addf %add3A_402, %mul3A_407 : vector<16xf32>
        %broadcast_in_dim3A_409 = arith.constant 50 : i32
        %broadcast_in_dim3A_410 = vector.broadcast %broadcast_in_dim3A_409 : i32 to vector<16xi32>
        %gather3A_411 = tpu.vector_load_idx %arg13[%add3A_101, %broadcast_in_dim3A_410] : memref<128x128xf32, #tpu.memory_space<vmem>>[vector<16xi32>, vector<16xi32>], vector<16xf32>,
        %gather3A_412 = tpu.vector_load_idx %arg14[%add3A_101, %broadcast_in_dim3A_410] : memref<128x128xf32, #tpu.memory_space<vmem>>[vector<16xi32>, vector<16xi32>], vector<16xf32>,
        %mul3A_413 = arith.mulf %gather3A_411, %gather3A_412 : vector<16xf32>
        %add3A_414 = arith.addf %add3A_408, %mul3A_413 : vector<16xf32>
        %broadcast_in_dim3A_415 = arith.constant 51 : i32
        %broadcast_in_dim3A_416 = vector.broadcast %broadcast_in_dim3A_415 : i32 to vector<16xi32>
        %gather3A_417 = tpu.vector_load_idx %arg13[%add3A_101, %broadcast_in_dim3A_416] : memref<128x128xf32, #tpu.memory_space<vmem>>[vector<16xi32>, vector<16xi32>], vector<16xf32>,
        %gather3A_418 = tpu.vector_load_idx %arg14[%add3A_101, %broadcast_in_dim3A_416] : memref<128x128xf32, #tpu.memory_space<vmem>>[vector<16xi32>, vector<16xi32>], vector<16xf32>,
        %mul3A_419 = arith.mulf %gather3A_417, %gather3A_418 : vector<16xf32>
        %add3A_420 = arith.addf %add3A_414, %mul3A_419 : vector<16xf32>
        %broadcast_in_dim3A_421 = arith.constant 52 : i32
        %broadcast_in_dim3A_422 = vector.broadcast %broadcast_in_dim3A_421 : i32 to vector<16xi32>
        %gather3A_423 = tpu.vector_load_idx %arg13[%add3A_101, %broadcast_in_dim3A_422] : memref<128x128xf32, #tpu.memory_space<vmem>>[vector<16xi32>, vector<16xi32>], vector<16xf32>,
        %gather3A_424 = tpu.vector_load_idx %arg14[%add3A_101, %broadcast_in_dim3A_422] : memref<128x128xf32, #tpu.memory_space<vmem>>[vector<16xi32>, vector<16xi32>], vector<16xf32>,
        %mul3A_425 = arith.mulf %gather3A_423, %gather3A_424 : vector<16xf32>
        %add3A_426 = arith.addf %add3A_420, %mul3A_425 : vector<16xf32>
        %broadcast_in_dim3A_427 = arith.constant 53 : i32
        %broadcast_in_dim3A_428 = vector.broadcast %broadcast_in_dim3A_427 : i32 to vector<16xi32>
        %gather3A_429 = tpu.vector_load_idx %arg13[%add3A_101, %broadcast_in_dim3A_428] : memref<128x128xf32, #tpu.memory_space<vmem>>[vector<16xi32>, vector<16xi32>], vector<16xf32>,
        %gather3A_430 = tpu.vector_load_idx %arg14[%add3A_101, %broadcast_in_dim3A_428] : memref<128x128xf32, #tpu.memory_space<vmem>>[vector<16xi32>, vector<16xi32>], vector<16xf32>,
        %mul3A_431 = arith.mulf %gather3A_429, %gather3A_430 : vector<16xf32>
        %add3A_432 = arith.addf %add3A_426, %mul3A_431 : vector<16xf32>
        %broadcast_in_dim3A_433 = arith.constant 54 : i32
        %broadcast_in_dim3A_434 = vector.broadcast %broadcast_in_dim3A_433 : i32 to vector<16xi32>
        %gather3A_435 = tpu.vector_load_idx %arg13[%add3A_101, %broadcast_in_dim3A_434] : memref<128x128xf32, #tpu.memory_space<vmem>>[vector<16xi32>, vector<16xi32>], vector<16xf32>,
        %gather3A_436 = tpu.vector_load_idx %arg14[%add3A_101, %broadcast_in_dim3A_434] : memref<128x128xf32, #tpu.memory_space<vmem>>[vector<16xi32>, vector<16xi32>], vector<16xf32>,
        %mul3A_437 = arith.mulf %gather3A_435, %gather3A_436 : vector<16xf32>
        %add3A_438 = arith.addf %add3A_432, %mul3A_437 : vector<16xf32>
        %broadcast_in_dim3A_439 = arith.constant 55 : i32
        %broadcast_in_dim3A_440 = vector.broadcast %broadcast_in_dim3A_439 : i32 to vector<16xi32>
        %gather3A_441 = tpu.vector_load_idx %arg13[%add3A_101, %broadcast_in_dim3A_440] : memref<128x128xf32, #tpu.memory_space<vmem>>[vector<16xi32>, vector<16xi32>], vector<16xf32>,
        %gather3A_442 = tpu.vector_load_idx %arg14[%add3A_101, %broadcast_in_dim3A_440] : memref<128x128xf32, #tpu.memory_space<vmem>>[vector<16xi32>, vector<16xi32>], vector<16xf32>,
        %mul3A_443 = arith.mulf %gather3A_441, %gather3A_442 : vector<16xf32>
        %add3A_444 = arith.addf %add3A_438, %mul3A_443 : vector<16xf32>
        %broadcast_in_dim3A_445 = arith.constant 56 : i32
        %broadcast_in_dim3A_446 = vector.broadcast %broadcast_in_dim3A_445 : i32 to vector<16xi32>
        %gather3A_447 = tpu.vector_load_idx %arg13[%add3A_101, %broadcast_in_dim3A_446] : memref<128x128xf32, #tpu.memory_space<vmem>>[vector<16xi32>, vector<16xi32>], vector<16xf32>,
        %gather3A_448 = tpu.vector_load_idx %arg14[%add3A_101, %broadcast_in_dim3A_446] : memref<128x128xf32, #tpu.memory_space<vmem>>[vector<16xi32>, vector<16xi32>], vector<16xf32>,
        %mul3A_449 = arith.mulf %gather3A_447, %gather3A_448 : vector<16xf32>
        %add3A_450 = arith.addf %add3A_444, %mul3A_449 : vector<16xf32>
        %broadcast_in_dim3A_451 = arith.constant 57 : i32
        %broadcast_in_dim3A_452 = vector.broadcast %broadcast_in_dim3A_451 : i32 to vector<16xi32>
        %gather3A_453 = tpu.vector_load_idx %arg13[%add3A_101, %broadcast_in_dim3A_452] : memref<128x128xf32, #tpu.memory_space<vmem>>[vector<16xi32>, vector<16xi32>], vector<16xf32>,
        %gather3A_454 = tpu.vector_load_idx %arg14[%add3A_101, %broadcast_in_dim3A_452] : memref<128x128xf32, #tpu.memory_space<vmem>>[vector<16xi32>, vector<16xi32>], vector<16xf32>,
        %mul3A_455 = arith.mulf %gather3A_453, %gather3A_454 : vector<16xf32>
        %add3A_456 = arith.addf %add3A_450, %mul3A_455 : vector<16xf32>
        %broadcast_in_dim3A_457 = arith.constant 58 : i32
        %broadcast_in_dim3A_458 = vector.broadcast %broadcast_in_dim3A_457 : i32 to vector<16xi32>
        %gather3A_459 = tpu.vector_load_idx %arg13[%add3A_101, %broadcast_in_dim3A_458] : memref<128x128xf32, #tpu.memory_space<vmem>>[vector<16xi32>, vector<16xi32>], vector<16xf32>,
        %gather3A_460 = tpu.vector_load_idx %arg14[%add3A_101, %broadcast_in_dim3A_458] : memref<128x128xf32, #tpu.memory_space<vmem>>[vector<16xi32>, vector<16xi32>], vector<16xf32>,
        %mul3A_461 = arith.mulf %gather3A_459, %gather3A_460 : vector<16xf32>
        %add3A_462 = arith.addf %add3A_456, %mul3A_461 : vector<16xf32>
        %broadcast_in_dim3A_463 = arith.constant 59 : i32
        %broadcast_in_dim3A_464 = vector.broadcast %broadcast_in_dim3A_463 : i32 to vector<16xi32>
        %gather3A_465 = tpu.vector_load_idx %arg13[%add3A_101, %broadcast_in_dim3A_464] : memref<128x128xf32, #tpu.memory_space<vmem>>[vector<16xi32>, vector<16xi32>], vector<16xf32>,
        %gather3A_466 = tpu.vector_load_idx %arg14[%add3A_101, %broadcast_in_dim3A_464] : memref<128x128xf32, #tpu.memory_space<vmem>>[vector<16xi32>, vector<16xi32>], vector<16xf32>,
        %mul3A_467 = arith.mulf %gather3A_465, %gather3A_466 : vector<16xf32>
        %add3A_468 = arith.addf %add3A_462, %mul3A_467 : vector<16xf32>
        %broadcast_in_dim3A_469 = arith.constant 60 : i32
        %broadcast_in_dim3A_470 = vector.broadcast %broadcast_in_dim3A_469 : i32 to vector<16xi32>
        %gather3A_471 = tpu.vector_load_idx %arg13[%add3A_101, %broadcast_in_dim3A_470] : memref<128x128xf32, #tpu.memory_space<vmem>>[vector<16xi32>, vector<16xi32>], vector<16xf32>,
        %gather3A_472 = tpu.vector_load_idx %arg14[%add3A_101, %broadcast_in_dim3A_470] : memref<128x128xf32, #tpu.memory_space<vmem>>[vector<16xi32>, vector<16xi32>], vector<16xf32>,
        %mul3A_473 = arith.mulf %gather3A_471, %gather3A_472 : vector<16xf32>
        %add3A_474 = arith.addf %add3A_468, %mul3A_473 : vector<16xf32>
        %broadcast_in_dim3A_475 = arith.constant 61 : i32
        %broadcast_in_dim3A_476 = vector.broadcast %broadcast_in_dim3A_475 : i32 to vector<16xi32>
        %gather3A_477 = tpu.vector_load_idx %arg13[%add3A_101, %broadcast_in_dim3A_476] : memref<128x128xf32, #tpu.memory_space<vmem>>[vector<16xi32>, vector<16xi32>], vector<16xf32>,
        %gather3A_478 = tpu.vector_load_idx %arg14[%add3A_101, %broadcast_in_dim3A_476] : memref<128x128xf32, #tpu.memory_space<vmem>>[vector<16xi32>, vector<16xi32>], vector<16xf32>,
        %mul3A_479 = arith.mulf %gather3A_477, %gather3A_478 : vector<16xf32>
        %add3A_480 = arith.addf %add3A_474, %mul3A_479 : vector<16xf32>
        %broadcast_in_dim3A_481 = arith.constant 62 : i32
        %broadcast_in_dim3A_482 = vector.broadcast %broadcast_in_dim3A_481 : i32 to vector<16xi32>
        %gather3A_483 = tpu.vector_load_idx %arg13[%add3A_101, %broadcast_in_dim3A_482] : memref<128x128xf32, #tpu.memory_space<vmem>>[vector<16xi32>, vector<16xi32>], vector<16xf32>,
        %gather3A_484 = tpu.vector_load_idx %arg14[%add3A_101, %broadcast_in_dim3A_482] : memref<128x128xf32, #tpu.memory_space<vmem>>[vector<16xi32>, vector<16xi32>], vector<16xf32>,
        %mul3A_485 = arith.mulf %gather3A_483, %gather3A_484 : vector<16xf32>
        %add3A_486 = arith.addf %add3A_480, %mul3A_485 : vector<16xf32>
        %broadcast_in_dim3A_487 = arith.constant 63 : i32
        %broadcast_in_dim3A_488 = vector.broadcast %broadcast_in_dim3A_487 : i32 to vector<16xi32>
        %gather3A_489 = tpu.vector_load_idx %arg13[%add3A_101, %broadcast_in_dim3A_488] : memref<128x128xf32, #tpu.memory_space<vmem>>[vector<16xi32>, vector<16xi32>], vector<16xf32>,
        %gather3A_490 = tpu.vector_load_idx %arg14[%add3A_101, %broadcast_in_dim3A_488] : memref<128x128xf32, #tpu.memory_space<vmem>>[vector<16xi32>, vector<16xi32>], vector<16xf32>,
        %mul3A_491 = arith.mulf %gather3A_489, %gather3A_490 : vector<16xf32>
        %add3A_492 = arith.addf %add3A_486, %mul3A_491 : vector<16xf32>
        %exp3A_493 = math.exp %add3A_492 : vector<16xf32>
        %mul3A_494 = arith.constant 16 : i32
        %mul3A_495 = arith.muli %add3A_97, %mul3A_494 : i32
        %swap3A_496 = arith.constant 1 : i32
        %swap3A_497 = arith.index_cast %swap3A_496 : i32 to index
        %swap3A_498 = arith.index_cast %mul3A_495 : i32 to index
        %swap3A_499 = tpu.vector_load %arg18[%swap3A_497, %swap3A_498] {strides = array<i32>} : memref<4x128xf32, #tpu.memory_space<vmem>>, vector<16xf32>,
        tpu.vector_store %arg18[%swap3A_497, %swap3A_498], %exp3A_493 {strides = array<i32>} : memref<4x128xf32, #tpu.memory_space<vmem>>, vector<16xf32>,
        %broadcast_in_dim3A_500 = arith.constant 64 : i32
        %broadcast_in_dim3A_501 = vector.broadcast %broadcast_in_dim3A_500 : i32 to vector<16xi32>
        %gather3A_502 = tpu.vector_load_idx %arg13[%add3A_101, %broadcast_in_dim3A_501] : memref<128x128xf32, #tpu.memory_space<vmem>>[vector<16xi32>, vector<16xi32>], vector<16xf32>,
        %gather3A_503 = tpu.vector_load_idx %arg14[%add3A_101, %broadcast_in_dim3A_501] : memref<128x128xf32, #tpu.memory_space<vmem>>[vector<16xi32>, vector<16xi32>], vector<16xf32>,
        %mul3A_504 = arith.mulf %gather3A_502, %gather3A_503 : vector<16xf32>
        %add3A_505 = arith.addf %broadcast_in_dim3A_3, %mul3A_504 : vector<16xf32>
        %broadcast_in_dim3A_506 = arith.constant 65 : i32
        %broadcast_in_dim3A_507 = vector.broadcast %broadcast_in_dim3A_506 : i32 to vector<16xi32>
        %gather3A_508 = tpu.vector_load_idx %arg13[%add3A_101, %broadcast_in_dim3A_507] : memref<128x128xf32, #tpu.memory_space<vmem>>[vector<16xi32>, vector<16xi32>], vector<16xf32>,
        %gather3A_509 = tpu.vector_load_idx %arg14[%add3A_101, %broadcast_in_dim3A_507] : memref<128x128xf32, #tpu.memory_space<vmem>>[vector<16xi32>, vector<16xi32>], vector<16xf32>,
        %mul3A_510 = arith.mulf %gather3A_508, %gather3A_509 : vector<16xf32>
        %add3A_511 = arith.addf %add3A_505, %mul3A_510 : vector<16xf32>
        %broadcast_in_dim3A_512 = arith.constant 66 : i32
        %broadcast_in_dim3A_513 = vector.broadcast %broadcast_in_dim3A_512 : i32 to vector<16xi32>
        %gather3A_514 = tpu.vector_load_idx %arg13[%add3A_101, %broadcast_in_dim3A_513] : memref<128x128xf32, #tpu.memory_space<vmem>>[vector<16xi32>, vector<16xi32>], vector<16xf32>,
        %gather3A_515 = tpu.vector_load_idx %arg14[%add3A_101, %broadcast_in_dim3A_513] : memref<128x128xf32, #tpu.memory_space<vmem>>[vector<16xi32>, vector<16xi32>], vector<16xf32>,
        %mul3A_516 = arith.mulf %gather3A_514, %gather3A_515 : vector<16xf32>
        %add3A_517 = arith.addf %add3A_511, %mul3A_516 : vector<16xf32>
        %broadcast_in_dim3A_518 = arith.constant 67 : i32
        %broadcast_in_dim3A_519 = vector.broadcast %broadcast_in_dim3A_518 : i32 to vector<16xi32>
        %gather3A_520 = tpu.vector_load_idx %arg13[%add3A_101, %broadcast_in_dim3A_519] : memref<128x128xf32, #tpu.memory_space<vmem>>[vector<16xi32>, vector<16xi32>], vector<16xf32>,
        %gather3A_521 = tpu.vector_load_idx %arg14[%add3A_101, %broadcast_in_dim3A_519] : memref<128x128xf32, #tpu.memory_space<vmem>>[vector<16xi32>, vector<16xi32>], vector<16xf32>,
        %mul3A_522 = arith.mulf %gather3A_520, %gather3A_521 : vector<16xf32>
        %add3A_523 = arith.addf %add3A_517, %mul3A_522 : vector<16xf32>
        %broadcast_in_dim3A_524 = arith.constant 68 : i32
        %broadcast_in_dim3A_525 = vector.broadcast %broadcast_in_dim3A_524 : i32 to vector<16xi32>
        %gather3A_526 = tpu.vector_load_idx %arg13[%add3A_101, %broadcast_in_dim3A_525] : memref<128x128xf32, #tpu.memory_space<vmem>>[vector<16xi32>, vector<16xi32>], vector<16xf32>,
        %gather3A_527 = tpu.vector_load_idx %arg14[%add3A_101, %broadcast_in_dim3A_525] : memref<128x128xf32, #tpu.memory_space<vmem>>[vector<16xi32>, vector<16xi32>], vector<16xf32>,
        %mul3A_528 = arith.mulf %gather3A_526, %gather3A_527 : vector<16xf32>
        %add3A_529 = arith.addf %add3A_523, %mul3A_528 : vector<16xf32>
        %broadcast_in_dim3A_530 = arith.constant 69 : i32
        %broadcast_in_dim3A_531 = vector.broadcast %broadcast_in_dim3A_530 : i32 to vector<16xi32>
        %gather3A_532 = tpu.vector_load_idx %arg13[%add3A_101, %broadcast_in_dim3A_531] : memref<128x128xf32, #tpu.memory_space<vmem>>[vector<16xi32>, vector<16xi32>], vector<16xf32>,
        %gather3A_533 = tpu.vector_load_idx %arg14[%add3A_101, %broadcast_in_dim3A_531] : memref<128x128xf32, #tpu.memory_space<vmem>>[vector<16xi32>, vector<16xi32>], vector<16xf32>,
        %mul3A_534 = arith.mulf %gather3A_532, %gather3A_533 : vector<16xf32>
        %add3A_535 = arith.addf %add3A_529, %mul3A_534 : vector<16xf32>
        %broadcast_in_dim3A_536 = arith.constant 70 : i32
        %broadcast_in_dim3A_537 = vector.broadcast %broadcast_in_dim3A_536 : i32 to vector<16xi32>
        %gather3A_538 = tpu.vector_load_idx %arg13[%add3A_101, %broadcast_in_dim3A_537] : memref<128x128xf32, #tpu.memory_space<vmem>>[vector<16xi32>, vector<16xi32>], vector<16xf32>,
        %gather3A_539 = tpu.vector_load_idx %arg14[%add3A_101, %broadcast_in_dim3A_537] : memref<128x128xf32, #tpu.memory_space<vmem>>[vector<16xi32>, vector<16xi32>], vector<16xf32>,
        %mul3A_540 = arith.mulf %gather3A_538, %gather3A_539 : vector<16xf32>
        %add3A_541 = arith.addf %add3A_535, %mul3A_540 : vector<16xf32>
        %broadcast_in_dim3A_542 = arith.constant 71 : i32
        %broadcast_in_dim3A_543 = vector.broadcast %broadcast_in_dim3A_542 : i32 to vector<16xi32>
        %gather3A_544 = tpu.vector_load_idx %arg13[%add3A_101, %broadcast_in_dim3A_543] : memref<128x128xf32, #tpu.memory_space<vmem>>[vector<16xi32>, vector<16xi32>], vector<16xf32>,
        %gather3A_545 = tpu.vector_load_idx %arg14[%add3A_101, %broadcast_in_dim3A_543] : memref<128x128xf32, #tpu.memory_space<vmem>>[vector<16xi32>, vector<16xi32>], vector<16xf32>,
        %mul3A_546 = arith.mulf %gather3A_544, %gather3A_545 : vector<16xf32>
        %add3A_547 = arith.addf %add3A_541, %mul3A_546 : vector<16xf32>
        %broadcast_in_dim3A_548 = arith.constant 72 : i32
        %broadcast_in_dim3A_549 = vector.broadcast %broadcast_in_dim3A_548 : i32 to vector<16xi32>
        %gather3A_550 = tpu.vector_load_idx %arg13[%add3A_101, %broadcast_in_dim3A_549] : memref<128x128xf32, #tpu.memory_space<vmem>>[vector<16xi32>, vector<16xi32>], vector<16xf32>,
        %gather3A_551 = tpu.vector_load_idx %arg14[%add3A_101, %broadcast_in_dim3A_549] : memref<128x128xf32, #tpu.memory_space<vmem>>[vector<16xi32>, vector<16xi32>], vector<16xf32>,
        %mul3A_552 = arith.mulf %gather3A_550, %gather3A_551 : vector<16xf32>
        %add3A_553 = arith.addf %add3A_547, %mul3A_552 : vector<16xf32>
        %broadcast_in_dim3A_554 = arith.constant 73 : i32
        %broadcast_in_dim3A_555 = vector.broadcast %broadcast_in_dim3A_554 : i32 to vector<16xi32>
        %gather3A_556 = tpu.vector_load_idx %arg13[%add3A_101, %broadcast_in_dim3A_555] : memref<128x128xf32, #tpu.memory_space<vmem>>[vector<16xi32>, vector<16xi32>], vector<16xf32>,
        %gather3A_557 = tpu.vector_load_idx %arg14[%add3A_101, %broadcast_in_dim3A_555] : memref<128x128xf32, #tpu.memory_space<vmem>>[vector<16xi32>, vector<16xi32>], vector<16xf32>,
        %mul3A_558 = arith.mulf %gather3A_556, %gather3A_557 : vector<16xf32>
        %add3A_559 = arith.addf %add3A_553, %mul3A_558 : vector<16xf32>
        %broadcast_in_dim3A_560 = arith.constant 74 : i32
        %broadcast_in_dim3A_561 = vector.broadcast %broadcast_in_dim3A_560 : i32 to vector<16xi32>
        %gather3A_562 = tpu.vector_load_idx %arg13[%add3A_101, %broadcast_in_dim3A_561] : memref<128x128xf32, #tpu.memory_space<vmem>>[vector<16xi32>, vector<16xi32>], vector<16xf32>,
        %gather3A_563 = tpu.vector_load_idx %arg14[%add3A_101, %broadcast_in_dim3A_561] : memref<128x128xf32, #tpu.memory_space<vmem>>[vector<16xi32>, vector<16xi32>], vector<16xf32>,
        %mul3A_564 = arith.mulf %gather3A_562, %gather3A_563 : vector<16xf32>
        %add3A_565 = arith.addf %add3A_559, %mul3A_564 : vector<16xf32>
        %broadcast_in_dim3A_566 = arith.constant 75 : i32
        %broadcast_in_dim3A_567 = vector.broadcast %broadcast_in_dim3A_566 : i32 to vector<16xi32>
        %gather3A_568 = tpu.vector_load_idx %arg13[%add3A_101, %broadcast_in_dim3A_567] : memref<128x128xf32, #tpu.memory_space<vmem>>[vector<16xi32>, vector<16xi32>], vector<16xf32>,
        %gather3A_569 = tpu.vector_load_idx %arg14[%add3A_101, %broadcast_in_dim3A_567] : memref<128x128xf32, #tpu.memory_space<vmem>>[vector<16xi32>, vector<16xi32>], vector<16xf32>,
        %mul3A_570 = arith.mulf %gather3A_568, %gather3A_569 : vector<16xf32>
        %add3A_571 = arith.addf %add3A_565, %mul3A_570 : vector<16xf32>
        %broadcast_in_dim3A_572 = arith.constant 76 : i32
        %broadcast_in_dim3A_573 = vector.broadcast %broadcast_in_dim3A_572 : i32 to vector<16xi32>
        %gather3A_574 = tpu.vector_load_idx %arg13[%add3A_101, %broadcast_in_dim3A_573] : memref<128x128xf32, #tpu.memory_space<vmem>>[vector<16xi32>, vector<16xi32>], vector<16xf32>,
        %gather3A_575 = tpu.vector_load_idx %arg14[%add3A_101, %broadcast_in_dim3A_573] : memref<128x128xf32, #tpu.memory_space<vmem>>[vector<16xi32>, vector<16xi32>], vector<16xf32>,
        %mul3A_576 = arith.mulf %gather3A_574, %gather3A_575 : vector<16xf32>
        %add3A_577 = arith.addf %add3A_571, %mul3A_576 : vector<16xf32>
        %broadcast_in_dim3A_578 = arith.constant 77 : i32
        %broadcast_in_dim3A_579 = vector.broadcast %broadcast_in_dim3A_578 : i32 to vector<16xi32>
        %gather3A_580 = tpu.vector_load_idx %arg13[%add3A_101, %broadcast_in_dim3A_579] : memref<128x128xf32, #tpu.memory_space<vmem>>[vector<16xi32>, vector<16xi32>], vector<16xf32>,
        %gather3A_581 = tpu.vector_load_idx %arg14[%add3A_101, %broadcast_in_dim3A_579] : memref<128x128xf32, #tpu.memory_space<vmem>>[vector<16xi32>, vector<16xi32>], vector<16xf32>,
        %mul3A_582 = arith.mulf %gather3A_580, %gather3A_581 : vector<16xf32>
        %add3A_583 = arith.addf %add3A_577, %mul3A_582 : vector<16xf32>
        %broadcast_in_dim3A_584 = arith.constant 78 : i32
        %broadcast_in_dim3A_585 = vector.broadcast %broadcast_in_dim3A_584 : i32 to vector<16xi32>
        %gather3A_586 = tpu.vector_load_idx %arg13[%add3A_101, %broadcast_in_dim3A_585] : memref<128x128xf32, #tpu.memory_space<vmem>>[vector<16xi32>, vector<16xi32>], vector<16xf32>,
        %gather3A_587 = tpu.vector_load_idx %arg14[%add3A_101, %broadcast_in_dim3A_585] : memref<128x128xf32, #tpu.memory_space<vmem>>[vector<16xi32>, vector<16xi32>], vector<16xf32>,
        %mul3A_588 = arith.mulf %gather3A_586, %gather3A_587 : vector<16xf32>
        %add3A_589 = arith.addf %add3A_583, %mul3A_588 : vector<16xf32>
        %broadcast_in_dim3A_590 = arith.constant 79 : i32
        %broadcast_in_dim3A_591 = vector.broadcast %broadcast_in_dim3A_590 : i32 to vector<16xi32>
        %gather3A_592 = tpu.vector_load_idx %arg13[%add3A_101, %broadcast_in_dim3A_591] : memref<128x128xf32, #tpu.memory_space<vmem>>[vector<16xi32>, vector<16xi32>], vector<16xf32>,
        %gather3A_593 = tpu.vector_load_idx %arg14[%add3A_101, %broadcast_in_dim3A_591] : memref<128x128xf32, #tpu.memory_space<vmem>>[vector<16xi32>, vector<16xi32>], vector<16xf32>,
        %mul3A_594 = arith.mulf %gather3A_592, %gather3A_593 : vector<16xf32>
        %add3A_595 = arith.addf %add3A_589, %mul3A_594 : vector<16xf32>
        %broadcast_in_dim3A_596 = arith.constant 80 : i32
        %broadcast_in_dim3A_597 = vector.broadcast %broadcast_in_dim3A_596 : i32 to vector<16xi32>
        %gather3A_598 = tpu.vector_load_idx %arg13[%add3A_101, %broadcast_in_dim3A_597] : memref<128x128xf32, #tpu.memory_space<vmem>>[vector<16xi32>, vector<16xi32>], vector<16xf32>,
        %gather3A_599 = tpu.vector_load_idx %arg14[%add3A_101, %broadcast_in_dim3A_597] : memref<128x128xf32, #tpu.memory_space<vmem>>[vector<16xi32>, vector<16xi32>], vector<16xf32>,
        %mul3A_600 = arith.mulf %gather3A_598, %gather3A_599 : vector<16xf32>
        %add3A_601 = arith.addf %add3A_595, %mul3A_600 : vector<16xf32>
        %broadcast_in_dim3A_602 = arith.constant 81 : i32
        %broadcast_in_dim3A_603 = vector.broadcast %broadcast_in_dim3A_602 : i32 to vector<16xi32>
        %gather3A_604 = tpu.vector_load_idx %arg13[%add3A_101, %broadcast_in_dim3A_603] : memref<128x128xf32, #tpu.memory_space<vmem>>[vector<16xi32>, vector<16xi32>], vector<16xf32>,
        %gather3A_605 = tpu.vector_load_idx %arg14[%add3A_101, %broadcast_in_dim3A_603] : memref<128x128xf32, #tpu.memory_space<vmem>>[vector<16xi32>, vector<16xi32>], vector<16xf32>,
        %mul3A_606 = arith.mulf %gather3A_604, %gather3A_605 : vector<16xf32>
        %add3A_607 = arith.addf %add3A_601, %mul3A_606 : vector<16xf32>
        %broadcast_in_dim3A_608 = arith.constant 82 : i32
        %broadcast_in_dim3A_609 = vector.broadcast %broadcast_in_dim3A_608 : i32 to vector<16xi32>
        %gather3A_610 = tpu.vector_load_idx %arg13[%add3A_101, %broadcast_in_dim3A_609] : memref<128x128xf32, #tpu.memory_space<vmem>>[vector<16xi32>, vector<16xi32>], vector<16xf32>,
        %gather3A_611 = tpu.vector_load_idx %arg14[%add3A_101, %broadcast_in_dim3A_609] : memref<128x128xf32, #tpu.memory_space<vmem>>[vector<16xi32>, vector<16xi32>], vector<16xf32>,
        %mul3A_612 = arith.mulf %gather3A_610, %gather3A_611 : vector<16xf32>
        %add3A_613 = arith.addf %add3A_607, %mul3A_612 : vector<16xf32>
        %broadcast_in_dim3A_614 = arith.constant 83 : i32
        %broadcast_in_dim3A_615 = vector.broadcast %broadcast_in_dim3A_614 : i32 to vector<16xi32>
        %gather3A_616 = tpu.vector_load_idx %arg13[%add3A_101, %broadcast_in_dim3A_615] : memref<128x128xf32, #tpu.memory_space<vmem>>[vector<16xi32>, vector<16xi32>], vector<16xf32>,
        %gather3A_617 = tpu.vector_load_idx %arg14[%add3A_101, %broadcast_in_dim3A_615] : memref<128x128xf32, #tpu.memory_space<vmem>>[vector<16xi32>, vector<16xi32>], vector<16xf32>,
        %mul3A_618 = arith.mulf %gather3A_616, %gather3A_617 : vector<16xf32>
        %add3A_619 = arith.addf %add3A_613, %mul3A_618 : vector<16xf32>
        %broadcast_in_dim3A_620 = arith.constant 84 : i32
        %broadcast_in_dim3A_621 = vector.broadcast %broadcast_in_dim3A_620 : i32 to vector<16xi32>
        %gather3A_622 = tpu.vector_load_idx %arg13[%add3A_101, %broadcast_in_dim3A_621] : memref<128x128xf32, #tpu.memory_space<vmem>>[vector<16xi32>, vector<16xi32>], vector<16xf32>,
        %gather3A_623 = tpu.vector_load_idx %arg14[%add3A_101, %broadcast_in_dim3A_621] : memref<128x128xf32, #tpu.memory_space<vmem>>[vector<16xi32>, vector<16xi32>], vector<16xf32>,
        %mul3A_624 = arith.mulf %gather3A_622, %gather3A_623 : vector<16xf32>
        %add3A_625 = arith.addf %add3A_619, %mul3A_624 : vector<16xf32>
        %broadcast_in_dim3A_626 = arith.constant 85 : i32
        %broadcast_in_dim3A_627 = vector.broadcast %broadcast_in_dim3A_626 : i32 to vector<16xi32>
        %gather3A_628 = tpu.vector_load_idx %arg13[%add3A_101, %broadcast_in_dim3A_627] : memref<128x128xf32, #tpu.memory_space<vmem>>[vector<16xi32>, vector<16xi32>], vector<16xf32>,
        %gather3A_629 = tpu.vector_load_idx %arg14[%add3A_101, %broadcast_in_dim3A_627] : memref<128x128xf32, #tpu.memory_space<vmem>>[vector<16xi32>, vector<16xi32>], vector<16xf32>,
        %mul3A_630 = arith.mulf %gather3A_628, %gather3A_629 : vector<16xf32>
        %add3A_631 = arith.addf %add3A_625, %mul3A_630 : vector<16xf32>
        %broadcast_in_dim3A_632 = arith.constant 86 : i32
        %broadcast_in_dim3A_633 = vector.broadcast %broadcast_in_dim3A_632 : i32 to vector<16xi32>
        %gather3A_634 = tpu.vector_load_idx %arg13[%add3A_101, %broadcast_in_dim3A_633] : memref<128x128xf32, #tpu.memory_space<vmem>>[vector<16xi32>, vector<16xi32>], vector<16xf32>,
        %gather3A_635 = tpu.vector_load_idx %arg14[%add3A_101, %broadcast_in_dim3A_633] : memref<128x128xf32, #tpu.memory_space<vmem>>[vector<16xi32>, vector<16xi32>], vector<16xf32>,
        %mul3A_636 = arith.mulf %gather3A_634, %gather3A_635 : vector<16xf32>
        %add3A_637 = arith.addf %add3A_631, %mul3A_636 : vector<16xf32>
        %broadcast_in_dim3A_638 = arith.constant 87 : i32
        %broadcast_in_dim3A_639 = vector.broadcast %broadcast_in_dim3A_638 : i32 to vector<16xi32>
        %gather3A_640 = tpu.vector_load_idx %arg13[%add3A_101, %broadcast_in_dim3A_639] : memref<128x128xf32, #tpu.memory_space<vmem>>[vector<16xi32>, vector<16xi32>], vector<16xf32>,
        %gather3A_641 = tpu.vector_load_idx %arg14[%add3A_101, %broadcast_in_dim3A_639] : memref<128x128xf32, #tpu.memory_space<vmem>>[vector<16xi32>, vector<16xi32>], vector<16xf32>,
        %mul3A_642 = arith.mulf %gather3A_640, %gather3A_641 : vector<16xf32>
        %add3A_643 = arith.addf %add3A_637, %mul3A_642 : vector<16xf32>
        %broadcast_in_dim3A_644 = arith.constant 88 : i32
        %broadcast_in_dim3A_645 = vector.broadcast %broadcast_in_dim3A_644 : i32 to vector<16xi32>
        %gather3A_646 = tpu.vector_load_idx %arg13[%add3A_101, %broadcast_in_dim3A_645] : memref<128x128xf32, #tpu.memory_space<vmem>>[vector<16xi32>, vector<16xi32>], vector<16xf32>,
        %gather3A_647 = tpu.vector_load_idx %arg14[%add3A_101, %broadcast_in_dim3A_645] : memref<128x128xf32, #tpu.memory_space<vmem>>[vector<16xi32>, vector<16xi32>], vector<16xf32>,
        %mul3A_648 = arith.mulf %gather3A_646, %gather3A_647 : vector<16xf32>
        %add3A_649 = arith.addf %add3A_643, %mul3A_648 : vector<16xf32>
        %broadcast_in_dim3A_650 = arith.constant 89 : i32
        %broadcast_in_dim3A_651 = vector.broadcast %broadcast_in_dim3A_650 : i32 to vector<16xi32>
        %gather3A_652 = tpu.vector_load_idx %arg13[%add3A_101, %broadcast_in_dim3A_651] : memref<128x128xf32, #tpu.memory_space<vmem>>[vector<16xi32>, vector<16xi32>], vector<16xf32>,
        %gather3A_653 = tpu.vector_load_idx %arg14[%add3A_101, %broadcast_in_dim3A_651] : memref<128x128xf32, #tpu.memory_space<vmem>>[vector<16xi32>, vector<16xi32>], vector<16xf32>,
        %mul3A_654 = arith.mulf %gather3A_652, %gather3A_653 : vector<16xf32>
        %add3A_655 = arith.addf %add3A_649, %mul3A_654 : vector<16xf32>
        %broadcast_in_dim3A_656 = arith.constant 90 : i32
        %broadcast_in_dim3A_657 = vector.broadcast %broadcast_in_dim3A_656 : i32 to vector<16xi32>
        %gather3A_658 = tpu.vector_load_idx %arg13[%add3A_101, %broadcast_in_dim3A_657] : memref<128x128xf32, #tpu.memory_space<vmem>>[vector<16xi32>, vector<16xi32>], vector<16xf32>,
        %gather3A_659 = tpu.vector_load_idx %arg14[%add3A_101, %broadcast_in_dim3A_657] : memref<128x128xf32, #tpu.memory_space<vmem>>[vector<16xi32>, vector<16xi32>], vector<16xf32>,
        %mul3A_660 = arith.mulf %gather3A_658, %gather3A_659 : vector<16xf32>
        %add3A_661 = arith.addf %add3A_655, %mul3A_660 : vector<16xf32>
        %broadcast_in_dim3A_662 = arith.constant 91 : i32
        %broadcast_in_dim3A_663 = vector.broadcast %broadcast_in_dim3A_662 : i32 to vector<16xi32>
        %gather3A_664 = tpu.vector_load_idx %arg13[%add3A_101, %broadcast_in_dim3A_663] : memref<128x128xf32, #tpu.memory_space<vmem>>[vector<16xi32>, vector<16xi32>], vector<16xf32>,
        %gather3A_665 = tpu.vector_load_idx %arg14[%add3A_101, %broadcast_in_dim3A_663] : memref<128x128xf32, #tpu.memory_space<vmem>>[vector<16xi32>, vector<16xi32>], vector<16xf32>,
        %mul3A_666 = arith.mulf %gather3A_664, %gather3A_665 : vector<16xf32>
        %add3A_667 = arith.addf %add3A_661, %mul3A_666 : vector<16xf32>
        %broadcast_in_dim3A_668 = arith.constant 92 : i32
        %broadcast_in_dim3A_669 = vector.broadcast %broadcast_in_dim3A_668 : i32 to vector<16xi32>
        %gather3A_670 = tpu.vector_load_idx %arg13[%add3A_101, %broadcast_in_dim3A_669] : memref<128x128xf32, #tpu.memory_space<vmem>>[vector<16xi32>, vector<16xi32>], vector<16xf32>,
        %gather3A_671 = tpu.vector_load_idx %arg14[%add3A_101, %broadcast_in_dim3A_669] : memref<128x128xf32, #tpu.memory_space<vmem>>[vector<16xi32>, vector<16xi32>], vector<16xf32>,
        %mul3A_672 = arith.mulf %gather3A_670, %gather3A_671 : vector<16xf32>
        %add3A_673 = arith.addf %add3A_667, %mul3A_672 : vector<16xf32>
        %broadcast_in_dim3A_674 = arith.constant 93 : i32
        %broadcast_in_dim3A_675 = vector.broadcast %broadcast_in_dim3A_674 : i32 to vector<16xi32>
        %gather3A_676 = tpu.vector_load_idx %arg13[%add3A_101, %broadcast_in_dim3A_675] : memref<128x128xf32, #tpu.memory_space<vmem>>[vector<16xi32>, vector<16xi32>], vector<16xf32>,
        %gather3A_677 = tpu.vector_load_idx %arg14[%add3A_101, %broadcast_in_dim3A_675] : memref<128x128xf32, #tpu.memory_space<vmem>>[vector<16xi32>, vector<16xi32>], vector<16xf32>,
        %mul3A_678 = arith.mulf %gather3A_676, %gather3A_677 : vector<16xf32>
        %add3A_679 = arith.addf %add3A_673, %mul3A_678 : vector<16xf32>
        %broadcast_in_dim3A_680 = arith.constant 94 : i32
        %broadcast_in_dim3A_681 = vector.broadcast %broadcast_in_dim3A_680 : i32 to vector<16xi32>
        %gather3A_682 = tpu.vector_load_idx %arg13[%add3A_101, %broadcast_in_dim3A_681] : memref<128x128xf32, #tpu.memory_space<vmem>>[vector<16xi32>, vector<16xi32>], vector<16xf32>,
        %gather3A_683 = tpu.vector_load_idx %arg14[%add3A_101, %broadcast_in_dim3A_681] : memref<128x128xf32, #tpu.memory_space<vmem>>[vector<16xi32>, vector<16xi32>], vector<16xf32>,
        %mul3A_684 = arith.mulf %gather3A_682, %gather3A_683 : vector<16xf32>
        %add3A_685 = arith.addf %add3A_679, %mul3A_684 : vector<16xf32>
        %broadcast_in_dim3A_686 = arith.constant 95 : i32
        %broadcast_in_dim3A_687 = vector.broadcast %broadcast_in_dim3A_686 : i32 to vector<16xi32>
        %gather3A_688 = tpu.vector_load_idx %arg13[%add3A_101, %broadcast_in_dim3A_687] : memref<128x128xf32, #tpu.memory_space<vmem>>[vector<16xi32>, vector<16xi32>], vector<16xf32>,
        %gather3A_689 = tpu.vector_load_idx %arg14[%add3A_101, %broadcast_in_dim3A_687] : memref<128x128xf32, #tpu.memory_space<vmem>>[vector<16xi32>, vector<16xi32>], vector<16xf32>,
        %mul3A_690 = arith.mulf %gather3A_688, %gather3A_689 : vector<16xf32>
        %add3A_691 = arith.addf %add3A_685, %mul3A_690 : vector<16xf32>
        %exp3A_692 = math.exp %add3A_691 : vector<16xf32>
        %mul3A_693 = arith.constant 16 : i32
        %mul3A_694 = arith.muli %add3A_97, %mul3A_693 : i32
        %swap3A_695 = arith.constant 2 : i32
        %swap3A_696 = arith.index_cast %swap3A_695 : i32 to index
        %swap3A_697 = arith.index_cast %mul3A_694 : i32 to index
        %swap3A_698 = tpu.vector_load %arg18[%swap3A_696, %swap3A_697] {strides = array<i32>} : memref<4x128xf32, #tpu.memory_space<vmem>>, vector<16xf32>,
        tpu.vector_store %arg18[%swap3A_696, %swap3A_697], %exp3A_692 {strides = array<i32>} : memref<4x128xf32, #tpu.memory_space<vmem>>, vector<16xf32>,
        %broadcast_in_dim3A_699 = arith.constant 96 : i32
        %broadcast_in_dim3A_700 = vector.broadcast %broadcast_in_dim3A_699 : i32 to vector<16xi32>
        %gather3A_701 = tpu.vector_load_idx %arg13[%add3A_101, %broadcast_in_dim3A_700] : memref<128x128xf32, #tpu.memory_space<vmem>>[vector<16xi32>, vector<16xi32>], vector<16xf32>,
        %gather3A_702 = tpu.vector_load_idx %arg14[%add3A_101, %broadcast_in_dim3A_700] : memref<128x128xf32, #tpu.memory_space<vmem>>[vector<16xi32>, vector<16xi32>], vector<16xf32>,
        %mul3A_703 = arith.mulf %gather3A_701, %gather3A_702 : vector<16xf32>
        %add3A_704 = arith.addf %broadcast_in_dim3A_3, %mul3A_703 : vector<16xf32>
        %broadcast_in_dim3A_705 = arith.constant 97 : i32
        %broadcast_in_dim3A_706 = vector.broadcast %broadcast_in_dim3A_705 : i32 to vector<16xi32>
        %gather3A_707 = tpu.vector_load_idx %arg13[%add3A_101, %broadcast_in_dim3A_706] : memref<128x128xf32, #tpu.memory_space<vmem>>[vector<16xi32>, vector<16xi32>], vector<16xf32>,
        %gather3A_708 = tpu.vector_load_idx %arg14[%add3A_101, %broadcast_in_dim3A_706] : memref<128x128xf32, #tpu.memory_space<vmem>>[vector<16xi32>, vector<16xi32>], vector<16xf32>,
        %mul3A_709 = arith.mulf %gather3A_707, %gather3A_708 : vector<16xf32>
        %add3A_710 = arith.addf %add3A_704, %mul3A_709 : vector<16xf32>
        %broadcast_in_dim3A_711 = arith.constant 98 : i32
        %broadcast_in_dim3A_712 = vector.broadcast %broadcast_in_dim3A_711 : i32 to vector<16xi32>
        %gather3A_713 = tpu.vector_load_idx %arg13[%add3A_101, %broadcast_in_dim3A_712] : memref<128x128xf32, #tpu.memory_space<vmem>>[vector<16xi32>, vector<16xi32>], vector<16xf32>,
        %gather3A_714 = tpu.vector_load_idx %arg14[%add3A_101, %broadcast_in_dim3A_712] : memref<128x128xf32, #tpu.memory_space<vmem>>[vector<16xi32>, vector<16xi32>], vector<16xf32>,
        %mul3A_715 = arith.mulf %gather3A_713, %gather3A_714 : vector<16xf32>
        %add3A_716 = arith.addf %add3A_710, %mul3A_715 : vector<16xf32>
        %broadcast_in_dim3A_717 = arith.constant 99 : i32
        %broadcast_in_dim3A_718 = vector.broadcast %broadcast_in_dim3A_717 : i32 to vector<16xi32>
        %gather3A_719 = tpu.vector_load_idx %arg13[%add3A_101, %broadcast_in_dim3A_718] : memref<128x128xf32, #tpu.memory_space<vmem>>[vector<16xi32>, vector<16xi32>], vector<16xf32>,
        %gather3A_720 = tpu.vector_load_idx %arg14[%add3A_101, %broadcast_in_dim3A_718] : memref<128x128xf32, #tpu.memory_space<vmem>>[vector<16xi32>, vector<16xi32>], vector<16xf32>,
        %mul3A_721 = arith.mulf %gather3A_719, %gather3A_720 : vector<16xf32>
        %add3A_722 = arith.addf %add3A_716, %mul3A_721 : vector<16xf32>
        %broadcast_in_dim3A_723 = arith.constant 100 : i32
        %broadcast_in_dim3A_724 = vector.broadcast %broadcast_in_dim3A_723 : i32 to vector<16xi32>
        %gather3A_725 = tpu.vector_load_idx %arg13[%add3A_101, %broadcast_in_dim3A_724] : memref<128x128xf32, #tpu.memory_space<vmem>>[vector<16xi32>, vector<16xi32>], vector<16xf32>,
        %gather3A_726 = tpu.vector_load_idx %arg14[%add3A_101, %broadcast_in_dim3A_724] : memref<128x128xf32, #tpu.memory_space<vmem>>[vector<16xi32>, vector<16xi32>], vector<16xf32>,
        %mul3A_727 = arith.mulf %gather3A_725, %gather3A_726 : vector<16xf32>
        %add3A_728 = arith.addf %add3A_722, %mul3A_727 : vector<16xf32>
        %broadcast_in_dim3A_729 = arith.constant 101 : i32
        %broadcast_in_dim3A_730 = vector.broadcast %broadcast_in_dim3A_729 : i32 to vector<16xi32>
        %gather3A_731 = tpu.vector_load_idx %arg13[%add3A_101, %broadcast_in_dim3A_730] : memref<128x128xf32, #tpu.memory_space<vmem>>[vector<16xi32>, vector<16xi32>], vector<16xf32>,
        %gather3A_732 = tpu.vector_load_idx %arg14[%add3A_101, %broadcast_in_dim3A_730] : memref<128x128xf32, #tpu.memory_space<vmem>>[vector<16xi32>, vector<16xi32>], vector<16xf32>,
        %mul3A_733 = arith.mulf %gather3A_731, %gather3A_732 : vector<16xf32>
        %add3A_734 = arith.addf %add3A_728, %mul3A_733 : vector<16xf32>
        %broadcast_in_dim3A_735 = arith.constant 102 : i32
        %broadcast_in_dim3A_736 = vector.broadcast %broadcast_in_dim3A_735 : i32 to vector<16xi32>
        %gather3A_737 = tpu.vector_load_idx %arg13[%add3A_101, %broadcast_in_dim3A_736] : memref<128x128xf32, #tpu.memory_space<vmem>>[vector<16xi32>, vector<16xi32>], vector<16xf32>,
        %gather3A_738 = tpu.vector_load_idx %arg14[%add3A_101, %broadcast_in_dim3A_736] : memref<128x128xf32, #tpu.memory_space<vmem>>[vector<16xi32>, vector<16xi32>], vector<16xf32>,
        %mul3A_739 = arith.mulf %gather3A_737, %gather3A_738 : vector<16xf32>
        %add3A_740 = arith.addf %add3A_734, %mul3A_739 : vector<16xf32>
        %broadcast_in_dim3A_741 = arith.constant 103 : i32
        %broadcast_in_dim3A_742 = vector.broadcast %broadcast_in_dim3A_741 : i32 to vector<16xi32>
        %gather3A_743 = tpu.vector_load_idx %arg13[%add3A_101, %broadcast_in_dim3A_742] : memref<128x128xf32, #tpu.memory_space<vmem>>[vector<16xi32>, vector<16xi32>], vector<16xf32>,
        %gather3A_744 = tpu.vector_load_idx %arg14[%add3A_101, %broadcast_in_dim3A_742] : memref<128x128xf32, #tpu.memory_space<vmem>>[vector<16xi32>, vector<16xi32>], vector<16xf32>,
        %mul3A_745 = arith.mulf %gather3A_743, %gather3A_744 : vector<16xf32>
        %add3A_746 = arith.addf %add3A_740, %mul3A_745 : vector<16xf32>
        %broadcast_in_dim3A_747 = arith.constant 104 : i32
        %broadcast_in_dim3A_748 = vector.broadcast %broadcast_in_dim3A_747 : i32 to vector<16xi32>
        %gather3A_749 = tpu.vector_load_idx %arg13[%add3A_101, %broadcast_in_dim3A_748] : memref<128x128xf32, #tpu.memory_space<vmem>>[vector<16xi32>, vector<16xi32>], vector<16xf32>,
        %gather3A_750 = tpu.vector_load_idx %arg14[%add3A_101, %broadcast_in_dim3A_748] : memref<128x128xf32, #tpu.memory_space<vmem>>[vector<16xi32>, vector<16xi32>], vector<16xf32>,
        %mul3A_751 = arith.mulf %gather3A_749, %gather3A_750 : vector<16xf32>
        %add3A_752 = arith.addf %add3A_746, %mul3A_751 : vector<16xf32>
        %broadcast_in_dim3A_753 = arith.constant 105 : i32
        %broadcast_in_dim3A_754 = vector.broadcast %broadcast_in_dim3A_753 : i32 to vector<16xi32>
        %gather3A_755 = tpu.vector_load_idx %arg13[%add3A_101, %broadcast_in_dim3A_754] : memref<128x128xf32, #tpu.memory_space<vmem>>[vector<16xi32>, vector<16xi32>], vector<16xf32>,
        %gather3A_756 = tpu.vector_load_idx %arg14[%add3A_101, %broadcast_in_dim3A_754] : memref<128x128xf32, #tpu.memory_space<vmem>>[vector<16xi32>, vector<16xi32>], vector<16xf32>,
        %mul3A_757 = arith.mulf %gather3A_755, %gather3A_756 : vector<16xf32>
        %add3A_758 = arith.addf %add3A_752, %mul3A_757 : vector<16xf32>
        %broadcast_in_dim3A_759 = arith.constant 106 : i32
        %broadcast_in_dim3A_760 = vector.broadcast %broadcast_in_dim3A_759 : i32 to vector<16xi32>
        %gather3A_761 = tpu.vector_load_idx %arg13[%add3A_101, %broadcast_in_dim3A_760] : memref<128x128xf32, #tpu.memory_space<vmem>>[vector<16xi32>, vector<16xi32>], vector<16xf32>,
        %gather3A_762 = tpu.vector_load_idx %arg14[%add3A_101, %broadcast_in_dim3A_760] : memref<128x128xf32, #tpu.memory_space<vmem>>[vector<16xi32>, vector<16xi32>], vector<16xf32>,
        %mul3A_763 = arith.mulf %gather3A_761, %gather3A_762 : vector<16xf32>
        %add3A_764 = arith.addf %add3A_758, %mul3A_763 : vector<16xf32>
        %broadcast_in_dim3A_765 = arith.constant 107 : i32
        %broadcast_in_dim3A_766 = vector.broadcast %broadcast_in_dim3A_765 : i32 to vector<16xi32>
        %gather3A_767 = tpu.vector_load_idx %arg13[%add3A_101, %broadcast_in_dim3A_766] : memref<128x128xf32, #tpu.memory_space<vmem>>[vector<16xi32>, vector<16xi32>], vector<16xf32>,
        %gather3A_768 = tpu.vector_load_idx %arg14[%add3A_101, %broadcast_in_dim3A_766] : memref<128x128xf32, #tpu.memory_space<vmem>>[vector<16xi32>, vector<16xi32>], vector<16xf32>,
        %mul3A_769 = arith.mulf %gather3A_767, %gather3A_768 : vector<16xf32>
        %add3A_770 = arith.addf %add3A_764, %mul3A_769 : vector<16xf32>
        %broadcast_in_dim3A_771 = arith.constant 108 : i32
        %broadcast_in_dim3A_772 = vector.broadcast %broadcast_in_dim3A_771 : i32 to vector<16xi32>
        %gather3A_773 = tpu.vector_load_idx %arg13[%add3A_101, %broadcast_in_dim3A_772] : memref<128x128xf32, #tpu.memory_space<vmem>>[vector<16xi32>, vector<16xi32>], vector<16xf32>,
        %gather3A_774 = tpu.vector_load_idx %arg14[%add3A_101, %broadcast_in_dim3A_772] : memref<128x128xf32, #tpu.memory_space<vmem>>[vector<16xi32>, vector<16xi32>], vector<16xf32>,
        %mul3A_775 = arith.mulf %gather3A_773, %gather3A_774 : vector<16xf32>
        %add3A_776 = arith.addf %add3A_770, %mul3A_775 : vector<16xf32>
        %broadcast_in_dim3A_777 = arith.constant 109 : i32
        %broadcast_in_dim3A_778 = vector.broadcast %broadcast_in_dim3A_777 : i32 to vector<16xi32>
        %gather3A_779 = tpu.vector_load_idx %arg13[%add3A_101, %broadcast_in_dim3A_778] : memref<128x128xf32, #tpu.memory_space<vmem>>[vector<16xi32>, vector<16xi32>], vector<16xf32>,
        %gather3A_780 = tpu.vector_load_idx %arg14[%add3A_101, %broadcast_in_dim3A_778] : memref<128x128xf32, #tpu.memory_space<vmem>>[vector<16xi32>, vector<16xi32>], vector<16xf32>,
        %mul3A_781 = arith.mulf %gather3A_779, %gather3A_780 : vector<16xf32>
        %add3A_782 = arith.addf %add3A_776, %mul3A_781 : vector<16xf32>
        %broadcast_in_dim3A_783 = arith.constant 110 : i32
        %broadcast_in_dim3A_784 = vector.broadcast %broadcast_in_dim3A_783 : i32 to vector<16xi32>
        %gather3A_785 = tpu.vector_load_idx %arg13[%add3A_101, %broadcast_in_dim3A_784] : memref<128x128xf32, #tpu.memory_space<vmem>>[vector<16xi32>, vector<16xi32>], vector<16xf32>,
        %gather3A_786 = tpu.vector_load_idx %arg14[%add3A_101, %broadcast_in_dim3A_784] : memref<128x128xf32, #tpu.memory_space<vmem>>[vector<16xi32>, vector<16xi32>], vector<16xf32>,
        %mul3A_787 = arith.mulf %gather3A_785, %gather3A_786 : vector<16xf32>
        %add3A_788 = arith.addf %add3A_782, %mul3A_787 : vector<16xf32>
        %broadcast_in_dim3A_789 = arith.constant 111 : i32
        %broadcast_in_dim3A_790 = vector.broadcast %broadcast_in_dim3A_789 : i32 to vector<16xi32>
        %gather3A_791 = tpu.vector_load_idx %arg13[%add3A_101, %broadcast_in_dim3A_790] : memref<128x128xf32, #tpu.memory_space<vmem>>[vector<16xi32>, vector<16xi32>], vector<16xf32>,
        %gather3A_792 = tpu.vector_load_idx %arg14[%add3A_101, %broadcast_in_dim3A_790] : memref<128x128xf32, #tpu.memory_space<vmem>>[vector<16xi32>, vector<16xi32>], vector<16xf32>,
        %mul3A_793 = arith.mulf %gather3A_791, %gather3A_792 : vector<16xf32>
        %add3A_794 = arith.addf %add3A_788, %mul3A_793 : vector<16xf32>
        %broadcast_in_dim3A_795 = arith.constant 112 : i32
        %broadcast_in_dim3A_796 = vector.broadcast %broadcast_in_dim3A_795 : i32 to vector<16xi32>
        %gather3A_797 = tpu.vector_load_idx %arg13[%add3A_101, %broadcast_in_dim3A_796] : memref<128x128xf32, #tpu.memory_space<vmem>>[vector<16xi32>, vector<16xi32>], vector<16xf32>,
        %gather3A_798 = tpu.vector_load_idx %arg14[%add3A_101, %broadcast_in_dim3A_796] : memref<128x128xf32, #tpu.memory_space<vmem>>[vector<16xi32>, vector<16xi32>], vector<16xf32>,
        %mul3A_799 = arith.mulf %gather3A_797, %gather3A_798 : vector<16xf32>
        %add3A_800 = arith.addf %add3A_794, %mul3A_799 : vector<16xf32>
        %broadcast_in_dim3A_801 = arith.constant 113 : i32
        %broadcast_in_dim3A_802 = vector.broadcast %broadcast_in_dim3A_801 : i32 to vector<16xi32>
        %gather3A_803 = tpu.vector_load_idx %arg13[%add3A_101, %broadcast_in_dim3A_802] : memref<128x128xf32, #tpu.memory_space<vmem>>[vector<16xi32>, vector<16xi32>], vector<16xf32>,
        %gather3A_804 = tpu.vector_load_idx %arg14[%add3A_101, %broadcast_in_dim3A_802] : memref<128x128xf32, #tpu.memory_space<vmem>>[vector<16xi32>, vector<16xi32>], vector<16xf32>,
        %mul3A_805 = arith.mulf %gather3A_803, %gather3A_804 : vector<16xf32>
        %add3A_806 = arith.addf %add3A_800, %mul3A_805 : vector<16xf32>
        %broadcast_in_dim3A_807 = arith.constant 114 : i32
        %broadcast_in_dim3A_808 = vector.broadcast %broadcast_in_dim3A_807 : i32 to vector<16xi32>
        %gather3A_809 = tpu.vector_load_idx %arg13[%add3A_101, %broadcast_in_dim3A_808] : memref<128x128xf32, #tpu.memory_space<vmem>>[vector<16xi32>, vector<16xi32>], vector<16xf32>,
        %gather3A_810 = tpu.vector_load_idx %arg14[%add3A_101, %broadcast_in_dim3A_808] : memref<128x128xf32, #tpu.memory_space<vmem>>[vector<16xi32>, vector<16xi32>], vector<16xf32>,
        %mul3A_811 = arith.mulf %gather3A_809, %gather3A_810 : vector<16xf32>
        %add3A_812 = arith.addf %add3A_806, %mul3A_811 : vector<16xf32>
        %broadcast_in_dim3A_813 = arith.constant 115 : i32
        %broadcast_in_dim3A_814 = vector.broadcast %broadcast_in_dim3A_813 : i32 to vector<16xi32>
        %gather3A_815 = tpu.vector_load_idx %arg13[%add3A_101, %broadcast_in_dim3A_814] : memref<128x128xf32, #tpu.memory_space<vmem>>[vector<16xi32>, vector<16xi32>], vector<16xf32>,
        %gather3A_816 = tpu.vector_load_idx %arg14[%add3A_101, %broadcast_in_dim3A_814] : memref<128x128xf32, #tpu.memory_space<vmem>>[vector<16xi32>, vector<16xi32>], vector<16xf32>,
        %mul3A_817 = arith.mulf %gather3A_815, %gather3A_816 : vector<16xf32>
        %add3A_818 = arith.addf %add3A_812, %mul3A_817 : vector<16xf32>
        %broadcast_in_dim3A_819 = arith.constant 116 : i32
        %broadcast_in_dim3A_820 = vector.broadcast %broadcast_in_dim3A_819 : i32 to vector<16xi32>
        %gather3A_821 = tpu.vector_load_idx %arg13[%add3A_101, %broadcast_in_dim3A_820] : memref<128x128xf32, #tpu.memory_space<vmem>>[vector<16xi32>, vector<16xi32>], vector<16xf32>,
        %gather3A_822 = tpu.vector_load_idx %arg14[%add3A_101, %broadcast_in_dim3A_820] : memref<128x128xf32, #tpu.memory_space<vmem>>[vector<16xi32>, vector<16xi32>], vector<16xf32>,
        %mul3A_823 = arith.mulf %gather3A_821, %gather3A_822 : vector<16xf32>
        %add3A_824 = arith.addf %add3A_818, %mul3A_823 : vector<16xf32>
        %broadcast_in_dim3A_825 = arith.constant 117 : i32
        %broadcast_in_dim3A_826 = vector.broadcast %broadcast_in_dim3A_825 : i32 to vector<16xi32>
        %gather3A_827 = tpu.vector_load_idx %arg13[%add3A_101, %broadcast_in_dim3A_826] : memref<128x128xf32, #tpu.memory_space<vmem>>[vector<16xi32>, vector<16xi32>], vector<16xf32>,
        %gather3A_828 = tpu.vector_load_idx %arg14[%add3A_101, %broadcast_in_dim3A_826] : memref<128x128xf32, #tpu.memory_space<vmem>>[vector<16xi32>, vector<16xi32>], vector<16xf32>,
        %mul3A_829 = arith.mulf %gather3A_827, %gather3A_828 : vector<16xf32>
        %add3A_830 = arith.addf %add3A_824, %mul3A_829 : vector<16xf32>
        %broadcast_in_dim3A_831 = arith.constant 118 : i32
        %broadcast_in_dim3A_832 = vector.broadcast %broadcast_in_dim3A_831 : i32 to vector<16xi32>
        %gather3A_833 = tpu.vector_load_idx %arg13[%add3A_101, %broadcast_in_dim3A_832] : memref<128x128xf32, #tpu.memory_space<vmem>>[vector<16xi32>, vector<16xi32>], vector<16xf32>,
        %gather3A_834 = tpu.vector_load_idx %arg14[%add3A_101, %broadcast_in_dim3A_832] : memref<128x128xf32, #tpu.memory_space<vmem>>[vector<16xi32>, vector<16xi32>], vector<16xf32>,
        %mul3A_835 = arith.mulf %gather3A_833, %gather3A_834 : vector<16xf32>
        %add3A_836 = arith.addf %add3A_830, %mul3A_835 : vector<16xf32>
        %broadcast_in_dim3A_837 = arith.constant 119 : i32
        %broadcast_in_dim3A_838 = vector.broadcast %broadcast_in_dim3A_837 : i32 to vector<16xi32>
        %gather3A_839 = tpu.vector_load_idx %arg13[%add3A_101, %broadcast_in_dim3A_838] : memref<128x128xf32, #tpu.memory_space<vmem>>[vector<16xi32>, vector<16xi32>], vector<16xf32>,
        %gather3A_840 = tpu.vector_load_idx %arg14[%add3A_101, %broadcast_in_dim3A_838] : memref<128x128xf32, #tpu.memory_space<vmem>>[vector<16xi32>, vector<16xi32>], vector<16xf32>,
        %mul3A_841 = arith.mulf %gather3A_839, %gather3A_840 : vector<16xf32>
        %add3A_842 = arith.addf %add3A_836, %mul3A_841 : vector<16xf32>
        %broadcast_in_dim3A_843 = arith.constant 120 : i32
        %broadcast_in_dim3A_844 = vector.broadcast %broadcast_in_dim3A_843 : i32 to vector<16xi32>
        %gather3A_845 = tpu.vector_load_idx %arg13[%add3A_101, %broadcast_in_dim3A_844] : memref<128x128xf32, #tpu.memory_space<vmem>>[vector<16xi32>, vector<16xi32>], vector<16xf32>,
        %gather3A_846 = tpu.vector_load_idx %arg14[%add3A_101, %broadcast_in_dim3A_844] : memref<128x128xf32, #tpu.memory_space<vmem>>[vector<16xi32>, vector<16xi32>], vector<16xf32>,
        %mul3A_847 = arith.mulf %gather3A_845, %gather3A_846 : vector<16xf32>
        %add3A_848 = arith.addf %add3A_842, %mul3A_847 : vector<16xf32>
        %broadcast_in_dim3A_849 = arith.constant 121 : i32
        %broadcast_in_dim3A_850 = vector.broadcast %broadcast_in_dim3A_849 : i32 to vector<16xi32>
        %gather3A_851 = tpu.vector_load_idx %arg13[%add3A_101, %broadcast_in_dim3A_850] : memref<128x128xf32, #tpu.memory_space<vmem>>[vector<16xi32>, vector<16xi32>], vector<16xf32>,
        %gather3A_852 = tpu.vector_load_idx %arg14[%add3A_101, %broadcast_in_dim3A_850] : memref<128x128xf32, #tpu.memory_space<vmem>>[vector<16xi32>, vector<16xi32>], vector<16xf32>,
        %mul3A_853 = arith.mulf %gather3A_851, %gather3A_852 : vector<16xf32>
        %add3A_854 = arith.addf %add3A_848, %mul3A_853 : vector<16xf32>
        %broadcast_in_dim3A_855 = arith.constant 122 : i32
        %broadcast_in_dim3A_856 = vector.broadcast %broadcast_in_dim3A_855 : i32 to vector<16xi32>
        %gather3A_857 = tpu.vector_load_idx %arg13[%add3A_101, %broadcast_in_dim3A_856] : memref<128x128xf32, #tpu.memory_space<vmem>>[vector<16xi32>, vector<16xi32>], vector<16xf32>,
        %gather3A_858 = tpu.vector_load_idx %arg14[%add3A_101, %broadcast_in_dim3A_856] : memref<128x128xf32, #tpu.memory_space<vmem>>[vector<16xi32>, vector<16xi32>], vector<16xf32>,
        %mul3A_859 = arith.mulf %gather3A_857, %gather3A_858 : vector<16xf32>
        %add3A_860 = arith.addf %add3A_854, %mul3A_859 : vector<16xf32>
        %broadcast_in_dim3A_861 = arith.constant 123 : i32
        %broadcast_in_dim3A_862 = vector.broadcast %broadcast_in_dim3A_861 : i32 to vector<16xi32>
        %gather3A_863 = tpu.vector_load_idx %arg13[%add3A_101, %broadcast_in_dim3A_862] : memref<128x128xf32, #tpu.memory_space<vmem>>[vector<16xi32>, vector<16xi32>], vector<16xf32>,
        %gather3A_864 = tpu.vector_load_idx %arg14[%add3A_101, %broadcast_in_dim3A_862] : memref<128x128xf32, #tpu.memory_space<vmem>>[vector<16xi32>, vector<16xi32>], vector<16xf32>,
        %mul3A_865 = arith.mulf %gather3A_863, %gather3A_864 : vector<16xf32>
        %add3A_866 = arith.addf %add3A_860, %mul3A_865 : vector<16xf32>
        %broadcast_in_dim3A_867 = arith.constant 124 : i32
        %broadcast_in_dim3A_868 = vector.broadcast %broadcast_in_dim3A_867 : i32 to vector<16xi32>
        %gather3A_869 = tpu.vector_load_idx %arg13[%add3A_101, %broadcast_in_dim3A_868] : memref<128x128xf32, #tpu.memory_space<vmem>>[vector<16xi32>, vector<16xi32>], vector<16xf32>,
        %gather3A_870 = tpu.vector_load_idx %arg14[%add3A_101, %broadcast_in_dim3A_868] : memref<128x128xf32, #tpu.memory_space<vmem>>[vector<16xi32>, vector<16xi32>], vector<16xf32>,
        %mul3A_871 = arith.mulf %gather3A_869, %gather3A_870 : vector<16xf32>
        %add3A_872 = arith.addf %add3A_866, %mul3A_871 : vector<16xf32>
        %broadcast_in_dim3A_873 = arith.constant 125 : i32
        %broadcast_in_dim3A_874 = vector.broadcast %broadcast_in_dim3A_873 : i32 to vector<16xi32>
        %gather3A_875 = tpu.vector_load_idx %arg13[%add3A_101, %broadcast_in_dim3A_874] : memref<128x128xf32, #tpu.memory_space<vmem>>[vector<16xi32>, vector<16xi32>], vector<16xf32>,
        %gather3A_876 = tpu.vector_load_idx %arg14[%add3A_101, %broadcast_in_dim3A_874] : memref<128x128xf32, #tpu.memory_space<vmem>>[vector<16xi32>, vector<16xi32>], vector<16xf32>,
        %mul3A_877 = arith.mulf %gather3A_875, %gather3A_876 : vector<16xf32>
        %add3A_878 = arith.addf %add3A_872, %mul3A_877 : vector<16xf32>
        %broadcast_in_dim3A_879 = arith.constant 126 : i32
        %broadcast_in_dim3A_880 = vector.broadcast %broadcast_in_dim3A_879 : i32 to vector<16xi32>
        %gather3A_881 = tpu.vector_load_idx %arg13[%add3A_101, %broadcast_in_dim3A_880] : memref<128x128xf32, #tpu.memory_space<vmem>>[vector<16xi32>, vector<16xi32>], vector<16xf32>,
        %gather3A_882 = tpu.vector_load_idx %arg14[%add3A_101, %broadcast_in_dim3A_880] : memref<128x128xf32, #tpu.memory_space<vmem>>[vector<16xi32>, vector<16xi32>], vector<16xf32>,
        %mul3A_883 = arith.mulf %gather3A_881, %gather3A_882 : vector<16xf32>
        %add3A_884 = arith.addf %add3A_878, %mul3A_883 : vector<16xf32>
        %broadcast_in_dim3A_885 = arith.constant 127 : i32
        %broadcast_in_dim3A_886 = vector.broadcast %broadcast_in_dim3A_885 : i32 to vector<16xi32>
        %gather3A_887 = tpu.vector_load_idx %arg13[%add3A_101, %broadcast_in_dim3A_886] : memref<128x128xf32, #tpu.memory_space<vmem>>[vector<16xi32>, vector<16xi32>], vector<16xf32>,
        %gather3A_888 = tpu.vector_load_idx %arg14[%add3A_101, %broadcast_in_dim3A_886] : memref<128x128xf32, #tpu.memory_space<vmem>>[vector<16xi32>, vector<16xi32>], vector<16xf32>,
        %mul3A_889 = arith.mulf %gather3A_887, %gather3A_888 : vector<16xf32>
        %add3A_890 = arith.addf %add3A_884, %mul3A_889 : vector<16xf32>
        %exp3A_891 = math.exp %add3A_890 : vector<16xf32>
        %mul3A_892 = arith.constant 16 : i32
        %mul3A_893 = arith.muli %add3A_97, %mul3A_892 : i32
        %swap3A_894 = arith.constant 3 : i32
        %swap3A_895 = arith.index_cast %swap3A_894 : i32 to index
        %swap3A_896 = arith.index_cast %mul3A_893 : i32 to index
        %swap3A_897 = tpu.vector_load %arg18[%swap3A_895, %swap3A_896] {strides = array<i32>} : memref<4x128xf32, #tpu.memory_space<vmem>>, vector<16xf32>,
        tpu.vector_store %arg18[%swap3A_895, %swap3A_896], %exp3A_891 {strides = array<i32>} : memref<4x128xf32, #tpu.memory_space<vmem>>, vector<16xf32>,
        %and3A = arith.constant 7 : i32
        %and3A_898 = vector.broadcast %and3A : i32 to vector<16xi32>
        %and3A_899 = arith.andi %get3A_104, %and3A_898 : vector<16xi32>
        %shift_left3A = arith.constant 4 : i32
        %shift_left3A_900 = vector.broadcast %shift_left3A : i32 to vector<16xi32>
        %shift_left3A_901 = arith.shli %and3A_899, %shift_left3A_900 : vector<16xi32>
        %mul3A_902 = arith.constant 16 : i32
        %mul3A_903 = arith.muli %add3A_97, %mul3A_902 : i32
        %get3A_904 = arith.constant 0 : i32
        %get3A_905 = arith.index_cast %get3A_904 : i32 to index
        %get3A_906 = arith.index_cast %mul3A_903 : i32 to index
        %get3A_907 = tpu.vector_load %arg18[%get3A_905, %get3A_906] {strides = array<i32>} : memref<4x128xf32, #tpu.memory_space<vmem>>, vector<16xf32>,
        %broadcast_in_dim3A_908 = arith.constant 0 : i32
        %broadcast_in_dim3A_909 = vector.broadcast %broadcast_in_dim3A_908 : i32 to vector<16xi32>
        %gather3A_910 = tpu.vector_load_idx %arg15[%add3A_101, %broadcast_in_dim3A_909] : memref<128x128xf32, #tpu.memory_space<vmem>>[vector<16xi32>, vector<16xi32>], vector<16xf32>,
        %mul3A_911 = arith.mulf %gather3A_910, %get3A_907 : vector<16xf32>
        tpu.vector_store_idx %arg16[%add3A_101, %broadcast_in_dim3A_909], %mul3A_911 : memref<128x128xf32, #tpu.memory_space<vmem>>[vector<16xi32>, vector<16xi32>], vector<16xf32>,
        %broadcast_in_dim3A_912 = arith.constant 1 : i32
        %broadcast_in_dim3A_913 = vector.broadcast %broadcast_in_dim3A_912 : i32 to vector<16xi32>
        %gather3A_914 = tpu.vector_load_idx %arg15[%add3A_101, %broadcast_in_dim3A_913] : memref<128x128xf32, #tpu.memory_space<vmem>>[vector<16xi32>, vector<16xi32>], vector<16xf32>,
        %mul3A_915 = arith.mulf %gather3A_914, %get3A_907 : vector<16xf32>
        tpu.vector_store_idx %arg16[%add3A_101, %broadcast_in_dim3A_913], %mul3A_915 : memref<128x128xf32, #tpu.memory_space<vmem>>[vector<16xi32>, vector<16xi32>], vector<16xf32>,
        %broadcast_in_dim3A_916 = arith.constant 2 : i32
        %broadcast_in_dim3A_917 = vector.broadcast %broadcast_in_dim3A_916 : i32 to vector<16xi32>
        %gather3A_918 = tpu.vector_load_idx %arg15[%add3A_101, %broadcast_in_dim3A_917] : memref<128x128xf32, #tpu.memory_space<vmem>>[vector<16xi32>, vector<16xi32>], vector<16xf32>,
        %mul3A_919 = arith.mulf %gather3A_918, %get3A_907 : vector<16xf32>
        tpu.vector_store_idx %arg16[%add3A_101, %broadcast_in_dim3A_917], %mul3A_919 : memref<128x128xf32, #tpu.memory_space<vmem>>[vector<16xi32>, vector<16xi32>], vector<16xf32>,
        %broadcast_in_dim3A_920 = arith.constant 3 : i32
        %broadcast_in_dim3A_921 = vector.broadcast %broadcast_in_dim3A_920 : i32 to vector<16xi32>
        %gather3A_922 = tpu.vector_load_idx %arg15[%add3A_101, %broadcast_in_dim3A_921] : memref<128x128xf32, #tpu.memory_space<vmem>>[vector<16xi32>, vector<16xi32>], vector<16xf32>,
        %mul3A_923 = arith.mulf %gather3A_922, %get3A_907 : vector<16xf32>
        tpu.vector_store_idx %arg16[%add3A_101, %broadcast_in_dim3A_921], %mul3A_923 : memref<128x128xf32, #tpu.memory_space<vmem>>[vector<16xi32>, vector<16xi32>], vector<16xf32>,
        %broadcast_in_dim3A_924 = arith.constant 4 : i32
        %broadcast_in_dim3A_925 = vector.broadcast %broadcast_in_dim3A_924 : i32 to vector<16xi32>
        %gather3A_926 = tpu.vector_load_idx %arg15[%add3A_101, %broadcast_in_dim3A_925] : memref<128x128xf32, #tpu.memory_space<vmem>>[vector<16xi32>, vector<16xi32>], vector<16xf32>,
        %mul3A_927 = arith.mulf %gather3A_926, %get3A_907 : vector<16xf32>
        tpu.vector_store_idx %arg16[%add3A_101, %broadcast_in_dim3A_925], %mul3A_927 : memref<128x128xf32, #tpu.memory_space<vmem>>[vector<16xi32>, vector<16xi32>], vector<16xf32>,
        %broadcast_in_dim3A_928 = arith.constant 5 : i32
        %broadcast_in_dim3A_929 = vector.broadcast %broadcast_in_dim3A_928 : i32 to vector<16xi32>
        %gather3A_930 = tpu.vector_load_idx %arg15[%add3A_101, %broadcast_in_dim3A_929] : memref<128x128xf32, #tpu.memory_space<vmem>>[vector<16xi32>, vector<16xi32>], vector<16xf32>,
        %mul3A_931 = arith.mulf %gather3A_930, %get3A_907 : vector<16xf32>
        tpu.vector_store_idx %arg16[%add3A_101, %broadcast_in_dim3A_929], %mul3A_931 : memref<128x128xf32, #tpu.memory_space<vmem>>[vector<16xi32>, vector<16xi32>], vector<16xf32>,
        %broadcast_in_dim3A_932 = arith.constant 6 : i32
        %broadcast_in_dim3A_933 = vector.broadcast %broadcast_in_dim3A_932 : i32 to vector<16xi32>
        %gather3A_934 = tpu.vector_load_idx %arg15[%add3A_101, %broadcast_in_dim3A_933] : memref<128x128xf32, #tpu.memory_space<vmem>>[vector<16xi32>, vector<16xi32>], vector<16xf32>,
        %mul3A_935 = arith.mulf %gather3A_934, %get3A_907 : vector<16xf32>
        tpu.vector_store_idx %arg16[%add3A_101, %broadcast_in_dim3A_933], %mul3A_935 : memref<128x128xf32, #tpu.memory_space<vmem>>[vector<16xi32>, vector<16xi32>], vector<16xf32>,
        %broadcast_in_dim3A_936 = arith.constant 7 : i32
        %broadcast_in_dim3A_937 = vector.broadcast %broadcast_in_dim3A_936 : i32 to vector<16xi32>
        %gather3A_938 = tpu.vector_load_idx %arg15[%add3A_101, %broadcast_in_dim3A_937] : memref<128x128xf32, #tpu.memory_space<vmem>>[vector<16xi32>, vector<16xi32>], vector<16xf32>,
        %mul3A_939 = arith.mulf %gather3A_938, %get3A_907 : vector<16xf32>
        tpu.vector_store_idx %arg16[%add3A_101, %broadcast_in_dim3A_937], %mul3A_939 : memref<128x128xf32, #tpu.memory_space<vmem>>[vector<16xi32>, vector<16xi32>], vector<16xf32>,
        %broadcast_in_dim3A_940 = arith.constant 8 : i32
        %broadcast_in_dim3A_941 = vector.broadcast %broadcast_in_dim3A_940 : i32 to vector<16xi32>
        %gather3A_942 = tpu.vector_load_idx %arg15[%add3A_101, %broadcast_in_dim3A_941] : memref<128x128xf32, #tpu.memory_space<vmem>>[vector<16xi32>, vector<16xi32>], vector<16xf32>,
        %mul3A_943 = arith.mulf %gather3A_942, %get3A_907 : vector<16xf32>
        tpu.vector_store_idx %arg16[%add3A_101, %broadcast_in_dim3A_941], %mul3A_943 : memref<128x128xf32, #tpu.memory_space<vmem>>[vector<16xi32>, vector<16xi32>], vector<16xf32>,
        %broadcast_in_dim3A_944 = arith.constant 9 : i32
        %broadcast_in_dim3A_945 = vector.broadcast %broadcast_in_dim3A_944 : i32 to vector<16xi32>
        %gather3A_946 = tpu.vector_load_idx %arg15[%add3A_101, %broadcast_in_dim3A_945] : memref<128x128xf32, #tpu.memory_space<vmem>>[vector<16xi32>, vector<16xi32>], vector<16xf32>,
        %mul3A_947 = arith.mulf %gather3A_946, %get3A_907 : vector<16xf32>
        tpu.vector_store_idx %arg16[%add3A_101, %broadcast_in_dim3A_945], %mul3A_947 : memref<128x128xf32, #tpu.memory_space<vmem>>[vector<16xi32>, vector<16xi32>], vector<16xf32>,
        %broadcast_in_dim3A_948 = arith.constant 10 : i32
        %broadcast_in_dim3A_949 = vector.broadcast %broadcast_in_dim3A_948 : i32 to vector<16xi32>
        %gather3A_950 = tpu.vector_load_idx %arg15[%add3A_101, %broadcast_in_dim3A_949] : memref<128x128xf32, #tpu.memory_space<vmem>>[vector<16xi32>, vector<16xi32>], vector<16xf32>,
        %mul3A_951 = arith.mulf %gather3A_950, %get3A_907 : vector<16xf32>
        tpu.vector_store_idx %arg16[%add3A_101, %broadcast_in_dim3A_949], %mul3A_951 : memref<128x128xf32, #tpu.memory_space<vmem>>[vector<16xi32>, vector<16xi32>], vector<16xf32>,
        %broadcast_in_dim3A_952 = arith.constant 11 : i32
        %broadcast_in_dim3A_953 = vector.broadcast %broadcast_in_dim3A_952 : i32 to vector<16xi32>
        %gather3A_954 = tpu.vector_load_idx %arg15[%add3A_101, %broadcast_in_dim3A_953] : memref<128x128xf32, #tpu.memory_space<vmem>>[vector<16xi32>, vector<16xi32>], vector<16xf32>,
        %mul3A_955 = arith.mulf %gather3A_954, %get3A_907 : vector<16xf32>
        tpu.vector_store_idx %arg16[%add3A_101, %broadcast_in_dim3A_953], %mul3A_955 : memref<128x128xf32, #tpu.memory_space<vmem>>[vector<16xi32>, vector<16xi32>], vector<16xf32>,
        %broadcast_in_dim3A_956 = arith.constant 12 : i32
        %broadcast_in_dim3A_957 = vector.broadcast %broadcast_in_dim3A_956 : i32 to vector<16xi32>
        %gather3A_958 = tpu.vector_load_idx %arg15[%add3A_101, %broadcast_in_dim3A_957] : memref<128x128xf32, #tpu.memory_space<vmem>>[vector<16xi32>, vector<16xi32>], vector<16xf32>,
        %mul3A_959 = arith.mulf %gather3A_958, %get3A_907 : vector<16xf32>
        tpu.vector_store_idx %arg16[%add3A_101, %broadcast_in_dim3A_957], %mul3A_959 : memref<128x128xf32, #tpu.memory_space<vmem>>[vector<16xi32>, vector<16xi32>], vector<16xf32>,
        %broadcast_in_dim3A_960 = arith.constant 13 : i32
        %broadcast_in_dim3A_961 = vector.broadcast %broadcast_in_dim3A_960 : i32 to vector<16xi32>
        %gather3A_962 = tpu.vector_load_idx %arg15[%add3A_101, %broadcast_in_dim3A_961] : memref<128x128xf32, #tpu.memory_space<vmem>>[vector<16xi32>, vector<16xi32>], vector<16xf32>,
        %mul3A_963 = arith.mulf %gather3A_962, %get3A_907 : vector<16xf32>
        tpu.vector_store_idx %arg16[%add3A_101, %broadcast_in_dim3A_961], %mul3A_963 : memref<128x128xf32, #tpu.memory_space<vmem>>[vector<16xi32>, vector<16xi32>], vector<16xf32>,
        %broadcast_in_dim3A_964 = arith.constant 14 : i32
        %broadcast_in_dim3A_965 = vector.broadcast %broadcast_in_dim3A_964 : i32 to vector<16xi32>
        %gather3A_966 = tpu.vector_load_idx %arg15[%add3A_101, %broadcast_in_dim3A_965] : memref<128x128xf32, #tpu.memory_space<vmem>>[vector<16xi32>, vector<16xi32>], vector<16xf32>,
        %mul3A_967 = arith.mulf %gather3A_966, %get3A_907 : vector<16xf32>
        tpu.vector_store_idx %arg16[%add3A_101, %broadcast_in_dim3A_965], %mul3A_967 : memref<128x128xf32, #tpu.memory_space<vmem>>[vector<16xi32>, vector<16xi32>], vector<16xf32>,
        %broadcast_in_dim3A_968 = arith.constant 15 : i32
        %broadcast_in_dim3A_969 = vector.broadcast %broadcast_in_dim3A_968 : i32 to vector<16xi32>
        %gather3A_970 = tpu.vector_load_idx %arg15[%add3A_101, %broadcast_in_dim3A_969] : memref<128x128xf32, #tpu.memory_space<vmem>>[vector<16xi32>, vector<16xi32>], vector<16xf32>,
        %mul3A_971 = arith.mulf %gather3A_970, %get3A_907 : vector<16xf32>
        tpu.vector_store_idx %arg16[%add3A_101, %broadcast_in_dim3A_969], %mul3A_971 : memref<128x128xf32, #tpu.memory_space<vmem>>[vector<16xi32>, vector<16xi32>], vector<16xf32>,
        %broadcast_in_dim3A_972 = arith.constant 16 : i32
        %broadcast_in_dim3A_973 = vector.broadcast %broadcast_in_dim3A_972 : i32 to vector<16xi32>
        %gather3A_974 = tpu.vector_load_idx %arg15[%add3A_101, %broadcast_in_dim3A_973] : memref<128x128xf32, #tpu.memory_space<vmem>>[vector<16xi32>, vector<16xi32>], vector<16xf32>,
        %mul3A_975 = arith.mulf %gather3A_974, %get3A_907 : vector<16xf32>
        tpu.vector_store_idx %arg16[%add3A_101, %broadcast_in_dim3A_973], %mul3A_975 : memref<128x128xf32, #tpu.memory_space<vmem>>[vector<16xi32>, vector<16xi32>], vector<16xf32>,
        %broadcast_in_dim3A_976 = arith.constant 17 : i32
        %broadcast_in_dim3A_977 = vector.broadcast %broadcast_in_dim3A_976 : i32 to vector<16xi32>
        %gather3A_978 = tpu.vector_load_idx %arg15[%add3A_101, %broadcast_in_dim3A_977] : memref<128x128xf32, #tpu.memory_space<vmem>>[vector<16xi32>, vector<16xi32>], vector<16xf32>,
        %mul3A_979 = arith.mulf %gather3A_978, %get3A_907 : vector<16xf32>
        tpu.vector_store_idx %arg16[%add3A_101, %broadcast_in_dim3A_977], %mul3A_979 : memref<128x128xf32, #tpu.memory_space<vmem>>[vector<16xi32>, vector<16xi32>], vector<16xf32>,
        %broadcast_in_dim3A_980 = arith.constant 18 : i32
        %broadcast_in_dim3A_981 = vector.broadcast %broadcast_in_dim3A_980 : i32 to vector<16xi32>
        %gather3A_982 = tpu.vector_load_idx %arg15[%add3A_101, %broadcast_in_dim3A_981] : memref<128x128xf32, #tpu.memory_space<vmem>>[vector<16xi32>, vector<16xi32>], vector<16xf32>,
        %mul3A_983 = arith.mulf %gather3A_982, %get3A_907 : vector<16xf32>
        tpu.vector_store_idx %arg16[%add3A_101, %broadcast_in_dim3A_981], %mul3A_983 : memref<128x128xf32, #tpu.memory_space<vmem>>[vector<16xi32>, vector<16xi32>], vector<16xf32>,
        %broadcast_in_dim3A_984 = arith.constant 19 : i32
        %broadcast_in_dim3A_985 = vector.broadcast %broadcast_in_dim3A_984 : i32 to vector<16xi32>
        %gather3A_986 = tpu.vector_load_idx %arg15[%add3A_101, %broadcast_in_dim3A_985] : memref<128x128xf32, #tpu.memory_space<vmem>>[vector<16xi32>, vector<16xi32>], vector<16xf32>,
        %mul3A_987 = arith.mulf %gather3A_986, %get3A_907 : vector<16xf32>
        tpu.vector_store_idx %arg16[%add3A_101, %broadcast_in_dim3A_985], %mul3A_987 : memref<128x128xf32, #tpu.memory_space<vmem>>[vector<16xi32>, vector<16xi32>], vector<16xf32>,
        %broadcast_in_dim3A_988 = arith.constant 20 : i32
        %broadcast_in_dim3A_989 = vector.broadcast %broadcast_in_dim3A_988 : i32 to vector<16xi32>
        %gather3A_990 = tpu.vector_load_idx %arg15[%add3A_101, %broadcast_in_dim3A_989] : memref<128x128xf32, #tpu.memory_space<vmem>>[vector<16xi32>, vector<16xi32>], vector<16xf32>,
        %mul3A_991 = arith.mulf %gather3A_990, %get3A_907 : vector<16xf32>
        tpu.vector_store_idx %arg16[%add3A_101, %broadcast_in_dim3A_989], %mul3A_991 : memref<128x128xf32, #tpu.memory_space<vmem>>[vector<16xi32>, vector<16xi32>], vector<16xf32>,
        %broadcast_in_dim3A_992 = arith.constant 21 : i32
        %broadcast_in_dim3A_993 = vector.broadcast %broadcast_in_dim3A_992 : i32 to vector<16xi32>
        %gather3A_994 = tpu.vector_load_idx %arg15[%add3A_101, %broadcast_in_dim3A_993] : memref<128x128xf32, #tpu.memory_space<vmem>>[vector<16xi32>, vector<16xi32>], vector<16xf32>,
        %mul3A_995 = arith.mulf %gather3A_994, %get3A_907 : vector<16xf32>
        tpu.vector_store_idx %arg16[%add3A_101, %broadcast_in_dim3A_993], %mul3A_995 : memref<128x128xf32, #tpu.memory_space<vmem>>[vector<16xi32>, vector<16xi32>], vector<16xf32>,
        %broadcast_in_dim3A_996 = arith.constant 22 : i32
        %broadcast_in_dim3A_997 = vector.broadcast %broadcast_in_dim3A_996 : i32 to vector<16xi32>
        %gather3A_998 = tpu.vector_load_idx %arg15[%add3A_101, %broadcast_in_dim3A_997] : memref<128x128xf32, #tpu.memory_space<vmem>>[vector<16xi32>, vector<16xi32>], vector<16xf32>,
        %mul3A_999 = arith.mulf %gather3A_998, %get3A_907 : vector<16xf32>
        tpu.vector_store_idx %arg16[%add3A_101, %broadcast_in_dim3A_997], %mul3A_999 : memref<128x128xf32, #tpu.memory_space<vmem>>[vector<16xi32>, vector<16xi32>], vector<16xf32>,
        %broadcast_in_dim3A_1000 = arith.constant 23 : i32
        %broadcast_in_dim3A_1001 = vector.broadcast %broadcast_in_dim3A_1000 : i32 to vector<16xi32>
        %gather3A_1002 = tpu.vector_load_idx %arg15[%add3A_101, %broadcast_in_dim3A_1001] : memref<128x128xf32, #tpu.memory_space<vmem>>[vector<16xi32>, vector<16xi32>], vector<16xf32>,
        %mul3A_1003 = arith.mulf %gather3A_1002, %get3A_907 : vector<16xf32>
        tpu.vector_store_idx %arg16[%add3A_101, %broadcast_in_dim3A_1001], %mul3A_1003 : memref<128x128xf32, #tpu.memory_space<vmem>>[vector<16xi32>, vector<16xi32>], vector<16xf32>,
        %broadcast_in_dim3A_1004 = arith.constant 24 : i32
        %broadcast_in_dim3A_1005 = vector.broadcast %broadcast_in_dim3A_1004 : i32 to vector<16xi32>
        %gather3A_1006 = tpu.vector_load_idx %arg15[%add3A_101, %broadcast_in_dim3A_1005] : memref<128x128xf32, #tpu.memory_space<vmem>>[vector<16xi32>, vector<16xi32>], vector<16xf32>,
        %mul3A_1007 = arith.mulf %gather3A_1006, %get3A_907 : vector<16xf32>
        tpu.vector_store_idx %arg16[%add3A_101, %broadcast_in_dim3A_1005], %mul3A_1007 : memref<128x128xf32, #tpu.memory_space<vmem>>[vector<16xi32>, vector<16xi32>], vector<16xf32>,
        %broadcast_in_dim3A_1008 = arith.constant 25 : i32
        %broadcast_in_dim3A_1009 = vector.broadcast %broadcast_in_dim3A_1008 : i32 to vector<16xi32>
        %gather3A_1010 = tpu.vector_load_idx %arg15[%add3A_101, %broadcast_in_dim3A_1009] : memref<128x128xf32, #tpu.memory_space<vmem>>[vector<16xi32>, vector<16xi32>], vector<16xf32>,
        %mul3A_1011 = arith.mulf %gather3A_1010, %get3A_907 : vector<16xf32>
        tpu.vector_store_idx %arg16[%add3A_101, %broadcast_in_dim3A_1009], %mul3A_1011 : memref<128x128xf32, #tpu.memory_space<vmem>>[vector<16xi32>, vector<16xi32>], vector<16xf32>,
        %broadcast_in_dim3A_1012 = arith.constant 26 : i32
        %broadcast_in_dim3A_1013 = vector.broadcast %broadcast_in_dim3A_1012 : i32 to vector<16xi32>
        %gather3A_1014 = tpu.vector_load_idx %arg15[%add3A_101, %broadcast_in_dim3A_1013] : memref<128x128xf32, #tpu.memory_space<vmem>>[vector<16xi32>, vector<16xi32>], vector<16xf32>,
        %mul3A_1015 = arith.mulf %gather3A_1014, %get3A_907 : vector<16xf32>
        tpu.vector_store_idx %arg16[%add3A_101, %broadcast_in_dim3A_1013], %mul3A_1015 : memref<128x128xf32, #tpu.memory_space<vmem>>[vector<16xi32>, vector<16xi32>], vector<16xf32>,
        %broadcast_in_dim3A_1016 = arith.constant 27 : i32
        %broadcast_in_dim3A_1017 = vector.broadcast %broadcast_in_dim3A_1016 : i32 to vector<16xi32>
        %gather3A_1018 = tpu.vector_load_idx %arg15[%add3A_101, %broadcast_in_dim3A_1017] : memref<128x128xf32, #tpu.memory_space<vmem>>[vector<16xi32>, vector<16xi32>], vector<16xf32>,
        %mul3A_1019 = arith.mulf %gather3A_1018, %get3A_907 : vector<16xf32>
        tpu.vector_store_idx %arg16[%add3A_101, %broadcast_in_dim3A_1017], %mul3A_1019 : memref<128x128xf32, #tpu.memory_space<vmem>>[vector<16xi32>, vector<16xi32>], vector<16xf32>,
        %broadcast_in_dim3A_1020 = arith.constant 28 : i32
        %broadcast_in_dim3A_1021 = vector.broadcast %broadcast_in_dim3A_1020 : i32 to vector<16xi32>
        %gather3A_1022 = tpu.vector_load_idx %arg15[%add3A_101, %broadcast_in_dim3A_1021] : memref<128x128xf32, #tpu.memory_space<vmem>>[vector<16xi32>, vector<16xi32>], vector<16xf32>,
        %mul3A_1023 = arith.mulf %gather3A_1022, %get3A_907 : vector<16xf32>
        tpu.vector_store_idx %arg16[%add3A_101, %broadcast_in_dim3A_1021], %mul3A_1023 : memref<128x128xf32, #tpu.memory_space<vmem>>[vector<16xi32>, vector<16xi32>], vector<16xf32>,
        %broadcast_in_dim3A_1024 = arith.constant 29 : i32
        %broadcast_in_dim3A_1025 = vector.broadcast %broadcast_in_dim3A_1024 : i32 to vector<16xi32>
        %gather3A_1026 = tpu.vector_load_idx %arg15[%add3A_101, %broadcast_in_dim3A_1025] : memref<128x128xf32, #tpu.memory_space<vmem>>[vector<16xi32>, vector<16xi32>], vector<16xf32>,
        %mul3A_1027 = arith.mulf %gather3A_1026, %get3A_907 : vector<16xf32>
        tpu.vector_store_idx %arg16[%add3A_101, %broadcast_in_dim3A_1025], %mul3A_1027 : memref<128x128xf32, #tpu.memory_space<vmem>>[vector<16xi32>, vector<16xi32>], vector<16xf32>,
        %broadcast_in_dim3A_1028 = arith.constant 30 : i32
        %broadcast_in_dim3A_1029 = vector.broadcast %broadcast_in_dim3A_1028 : i32 to vector<16xi32>
        %gather3A_1030 = tpu.vector_load_idx %arg15[%add3A_101, %broadcast_in_dim3A_1029] : memref<128x128xf32, #tpu.memory_space<vmem>>[vector<16xi32>, vector<16xi32>], vector<16xf32>,
        %mul3A_1031 = arith.mulf %gather3A_1030, %get3A_907 : vector<16xf32>
        tpu.vector_store_idx %arg16[%add3A_101, %broadcast_in_dim3A_1029], %mul3A_1031 : memref<128x128xf32, #tpu.memory_space<vmem>>[vector<16xi32>, vector<16xi32>], vector<16xf32>,
        %broadcast_in_dim3A_1032 = arith.constant 31 : i32
        %broadcast_in_dim3A_1033 = vector.broadcast %broadcast_in_dim3A_1032 : i32 to vector<16xi32>
        %gather3A_1034 = tpu.vector_load_idx %arg15[%add3A_101, %broadcast_in_dim3A_1033] : memref<128x128xf32, #tpu.memory_space<vmem>>[vector<16xi32>, vector<16xi32>], vector<16xf32>,
        %mul3A_1035 = arith.mulf %gather3A_1034, %get3A_907 : vector<16xf32>
        tpu.vector_store_idx %arg16[%add3A_101, %broadcast_in_dim3A_1033], %mul3A_1035 : memref<128x128xf32, #tpu.memory_space<vmem>>[vector<16xi32>, vector<16xi32>], vector<16xf32>,
        %add3A_1036 = arith.constant 0 : i32
        %add3A_1037 = vector.broadcast %add3A_1036 : i32 to vector<16xi32>
        %add3A_1038 = arith.addi %shift_left3A_901, %add3A_1037 : vector<16xi32>
        tpu.vector_store_idx %arg17[%add3A_101, %add3A_1038], %get3A_907 : memref<128x128xf32, #tpu.memory_space<vmem>>[vector<16xi32>, vector<16xi32>], vector<16xf32>,
        %mul3A_1039 = arith.constant 16 : i32
        %mul3A_1040 = arith.muli %add3A_97, %mul3A_1039 : i32
        %get3A_1041 = arith.constant 1 : i32
        %get3A_1042 = arith.index_cast %get3A_1041 : i32 to index
        %get3A_1043 = arith.index_cast %mul3A_1040 : i32 to index
        %get3A_1044 = tpu.vector_load %arg18[%get3A_1042, %get3A_1043] {strides = array<i32>} : memref<4x128xf32, #tpu.memory_space<vmem>>, vector<16xf32>,
        %broadcast_in_dim3A_1045 = arith.constant 32 : i32
        %broadcast_in_dim3A_1046 = vector.broadcast %broadcast_in_dim3A_1045 : i32 to vector<16xi32>
        %gather3A_1047 = tpu.vector_load_idx %arg15[%add3A_101, %broadcast_in_dim3A_1046] : memref<128x128xf32, #tpu.memory_space<vmem>>[vector<16xi32>, vector<16xi32>], vector<16xf32>,
        %mul3A_1048 = arith.mulf %gather3A_1047, %get3A_1044 : vector<16xf32>
        tpu.vector_store_idx %arg16[%add3A_101, %broadcast_in_dim3A_1046], %mul3A_1048 : memref<128x128xf32, #tpu.memory_space<vmem>>[vector<16xi32>, vector<16xi32>], vector<16xf32>,
        %broadcast_in_dim3A_1049 = arith.constant 33 : i32
        %broadcast_in_dim3A_1050 = vector.broadcast %broadcast_in_dim3A_1049 : i32 to vector<16xi32>
        %gather3A_1051 = tpu.vector_load_idx %arg15[%add3A_101, %broadcast_in_dim3A_1050] : memref<128x128xf32, #tpu.memory_space<vmem>>[vector<16xi32>, vector<16xi32>], vector<16xf32>,
        %mul3A_1052 = arith.mulf %gather3A_1051, %get3A_1044 : vector<16xf32>
        tpu.vector_store_idx %arg16[%add3A_101, %broadcast_in_dim3A_1050], %mul3A_1052 : memref<128x128xf32, #tpu.memory_space<vmem>>[vector<16xi32>, vector<16xi32>], vector<16xf32>,
        %broadcast_in_dim3A_1053 = arith.constant 34 : i32
        %broadcast_in_dim3A_1054 = vector.broadcast %broadcast_in_dim3A_1053 : i32 to vector<16xi32>
        %gather3A_1055 = tpu.vector_load_idx %arg15[%add3A_101, %broadcast_in_dim3A_1054] : memref<128x128xf32, #tpu.memory_space<vmem>>[vector<16xi32>, vector<16xi32>], vector<16xf32>,
        %mul3A_1056 = arith.mulf %gather3A_1055, %get3A_1044 : vector<16xf32>
        tpu.vector_store_idx %arg16[%add3A_101, %broadcast_in_dim3A_1054], %mul3A_1056 : memref<128x128xf32, #tpu.memory_space<vmem>>[vector<16xi32>, vector<16xi32>], vector<16xf32>,
        %broadcast_in_dim3A_1057 = arith.constant 35 : i32
        %broadcast_in_dim3A_1058 = vector.broadcast %broadcast_in_dim3A_1057 : i32 to vector<16xi32>
        %gather3A_1059 = tpu.vector_load_idx %arg15[%add3A_101, %broadcast_in_dim3A_1058] : memref<128x128xf32, #tpu.memory_space<vmem>>[vector<16xi32>, vector<16xi32>], vector<16xf32>,
        %mul3A_1060 = arith.mulf %gather3A_1059, %get3A_1044 : vector<16xf32>
        tpu.vector_store_idx %arg16[%add3A_101, %broadcast_in_dim3A_1058], %mul3A_1060 : memref<128x128xf32, #tpu.memory_space<vmem>>[vector<16xi32>, vector<16xi32>], vector<16xf32>,
        %broadcast_in_dim3A_1061 = arith.constant 36 : i32
        %broadcast_in_dim3A_1062 = vector.broadcast %broadcast_in_dim3A_1061 : i32 to vector<16xi32>
        %gather3A_1063 = tpu.vector_load_idx %arg15[%add3A_101, %broadcast_in_dim3A_1062] : memref<128x128xf32, #tpu.memory_space<vmem>>[vector<16xi32>, vector<16xi32>], vector<16xf32>,
        %mul3A_1064 = arith.mulf %gather3A_1063, %get3A_1044 : vector<16xf32>
        tpu.vector_store_idx %arg16[%add3A_101, %broadcast_in_dim3A_1062], %mul3A_1064 : memref<128x128xf32, #tpu.memory_space<vmem>>[vector<16xi32>, vector<16xi32>], vector<16xf32>,
        %broadcast_in_dim3A_1065 = arith.constant 37 : i32
        %broadcast_in_dim3A_1066 = vector.broadcast %broadcast_in_dim3A_1065 : i32 to vector<16xi32>
        %gather3A_1067 = tpu.vector_load_idx %arg15[%add3A_101, %broadcast_in_dim3A_1066] : memref<128x128xf32, #tpu.memory_space<vmem>>[vector<16xi32>, vector<16xi32>], vector<16xf32>,
        %mul3A_1068 = arith.mulf %gather3A_1067, %get3A_1044 : vector<16xf32>
        tpu.vector_store_idx %arg16[%add3A_101, %broadcast_in_dim3A_1066], %mul3A_1068 : memref<128x128xf32, #tpu.memory_space<vmem>>[vector<16xi32>, vector<16xi32>], vector<16xf32>,
        %broadcast_in_dim3A_1069 = arith.constant 38 : i32
        %broadcast_in_dim3A_1070 = vector.broadcast %broadcast_in_dim3A_1069 : i32 to vector<16xi32>
        %gather3A_1071 = tpu.vector_load_idx %arg15[%add3A_101, %broadcast_in_dim3A_1070] : memref<128x128xf32, #tpu.memory_space<vmem>>[vector<16xi32>, vector<16xi32>], vector<16xf32>,
        %mul3A_1072 = arith.mulf %gather3A_1071, %get3A_1044 : vector<16xf32>
        tpu.vector_store_idx %arg16[%add3A_101, %broadcast_in_dim3A_1070], %mul3A_1072 : memref<128x128xf32, #tpu.memory_space<vmem>>[vector<16xi32>, vector<16xi32>], vector<16xf32>,
        %broadcast_in_dim3A_1073 = arith.constant 39 : i32
        %broadcast_in_dim3A_1074 = vector.broadcast %broadcast_in_dim3A_1073 : i32 to vector<16xi32>
        %gather3A_1075 = tpu.vector_load_idx %arg15[%add3A_101, %broadcast_in_dim3A_1074] : memref<128x128xf32, #tpu.memory_space<vmem>>[vector<16xi32>, vector<16xi32>], vector<16xf32>,
        %mul3A_1076 = arith.mulf %gather3A_1075, %get3A_1044 : vector<16xf32>
        tpu.vector_store_idx %arg16[%add3A_101, %broadcast_in_dim3A_1074], %mul3A_1076 : memref<128x128xf32, #tpu.memory_space<vmem>>[vector<16xi32>, vector<16xi32>], vector<16xf32>,
        %broadcast_in_dim3A_1077 = arith.constant 40 : i32
        %broadcast_in_dim3A_1078 = vector.broadcast %broadcast_in_dim3A_1077 : i32 to vector<16xi32>
        %gather3A_1079 = tpu.vector_load_idx %arg15[%add3A_101, %broadcast_in_dim3A_1078] : memref<128x128xf32, #tpu.memory_space<vmem>>[vector<16xi32>, vector<16xi32>], vector<16xf32>,
        %mul3A_1080 = arith.mulf %gather3A_1079, %get3A_1044 : vector<16xf32>
        tpu.vector_store_idx %arg16[%add3A_101, %broadcast_in_dim3A_1078], %mul3A_1080 : memref<128x128xf32, #tpu.memory_space<vmem>>[vector<16xi32>, vector<16xi32>], vector<16xf32>,
        %broadcast_in_dim3A_1081 = arith.constant 41 : i32
        %broadcast_in_dim3A_1082 = vector.broadcast %broadcast_in_dim3A_1081 : i32 to vector<16xi32>
        %gather3A_1083 = tpu.vector_load_idx %arg15[%add3A_101, %broadcast_in_dim3A_1082] : memref<128x128xf32, #tpu.memory_space<vmem>>[vector<16xi32>, vector<16xi32>], vector<16xf32>,
        %mul3A_1084 = arith.mulf %gather3A_1083, %get3A_1044 : vector<16xf32>
        tpu.vector_store_idx %arg16[%add3A_101, %broadcast_in_dim3A_1082], %mul3A_1084 : memref<128x128xf32, #tpu.memory_space<vmem>>[vector<16xi32>, vector<16xi32>], vector<16xf32>,
        %broadcast_in_dim3A_1085 = arith.constant 42 : i32
        %broadcast_in_dim3A_1086 = vector.broadcast %broadcast_in_dim3A_1085 : i32 to vector<16xi32>
        %gather3A_1087 = tpu.vector_load_idx %arg15[%add3A_101, %broadcast_in_dim3A_1086] : memref<128x128xf32, #tpu.memory_space<vmem>>[vector<16xi32>, vector<16xi32>], vector<16xf32>,
        %mul3A_1088 = arith.mulf %gather3A_1087, %get3A_1044 : vector<16xf32>
        tpu.vector_store_idx %arg16[%add3A_101, %broadcast_in_dim3A_1086], %mul3A_1088 : memref<128x128xf32, #tpu.memory_space<vmem>>[vector<16xi32>, vector<16xi32>], vector<16xf32>,
        %broadcast_in_dim3A_1089 = arith.constant 43 : i32
        %broadcast_in_dim3A_1090 = vector.broadcast %broadcast_in_dim3A_1089 : i32 to vector<16xi32>
        %gather3A_1091 = tpu.vector_load_idx %arg15[%add3A_101, %broadcast_in_dim3A_1090] : memref<128x128xf32, #tpu.memory_space<vmem>>[vector<16xi32>, vector<16xi32>], vector<16xf32>,
        %mul3A_1092 = arith.mulf %gather3A_1091, %get3A_1044 : vector<16xf32>
        tpu.vector_store_idx %arg16[%add3A_101, %broadcast_in_dim3A_1090], %mul3A_1092 : memref<128x128xf32, #tpu.memory_space<vmem>>[vector<16xi32>, vector<16xi32>], vector<16xf32>,
        %broadcast_in_dim3A_1093 = arith.constant 44 : i32
        %broadcast_in_dim3A_1094 = vector.broadcast %broadcast_in_dim3A_1093 : i32 to vector<16xi32>
        %gather3A_1095 = tpu.vector_load_idx %arg15[%add3A_101, %broadcast_in_dim3A_1094] : memref<128x128xf32, #tpu.memory_space<vmem>>[vector<16xi32>, vector<16xi32>], vector<16xf32>,
        %mul3A_1096 = arith.mulf %gather3A_1095, %get3A_1044 : vector<16xf32>
        tpu.vector_store_idx %arg16[%add3A_101, %broadcast_in_dim3A_1094], %mul3A_1096 : memref<128x128xf32, #tpu.memory_space<vmem>>[vector<16xi32>, vector<16xi32>], vector<16xf32>,
        %broadcast_in_dim3A_1097 = arith.constant 45 : i32
        %broadcast_in_dim3A_1098 = vector.broadcast %broadcast_in_dim3A_1097 : i32 to vector<16xi32>
        %gather3A_1099 = tpu.vector_load_idx %arg15[%add3A_101, %broadcast_in_dim3A_1098] : memref<128x128xf32, #tpu.memory_space<vmem>>[vector<16xi32>, vector<16xi32>], vector<16xf32>,
        %mul3A_1100 = arith.mulf %gather3A_1099, %get3A_1044 : vector<16xf32>
        tpu.vector_store_idx %arg16[%add3A_101, %broadcast_in_dim3A_1098], %mul3A_1100 : memref<128x128xf32, #tpu.memory_space<vmem>>[vector<16xi32>, vector<16xi32>], vector<16xf32>,
        %broadcast_in_dim3A_1101 = arith.constant 46 : i32
        %broadcast_in_dim3A_1102 = vector.broadcast %broadcast_in_dim3A_1101 : i32 to vector<16xi32>
        %gather3A_1103 = tpu.vector_load_idx %arg15[%add3A_101, %broadcast_in_dim3A_1102] : memref<128x128xf32, #tpu.memory_space<vmem>>[vector<16xi32>, vector<16xi32>], vector<16xf32>,
        %mul3A_1104 = arith.mulf %gather3A_1103, %get3A_1044 : vector<16xf32>
        tpu.vector_store_idx %arg16[%add3A_101, %broadcast_in_dim3A_1102], %mul3A_1104 : memref<128x128xf32, #tpu.memory_space<vmem>>[vector<16xi32>, vector<16xi32>], vector<16xf32>,
        %broadcast_in_dim3A_1105 = arith.constant 47 : i32
        %broadcast_in_dim3A_1106 = vector.broadcast %broadcast_in_dim3A_1105 : i32 to vector<16xi32>
        %gather3A_1107 = tpu.vector_load_idx %arg15[%add3A_101, %broadcast_in_dim3A_1106] : memref<128x128xf32, #tpu.memory_space<vmem>>[vector<16xi32>, vector<16xi32>], vector<16xf32>,
        %mul3A_1108 = arith.mulf %gather3A_1107, %get3A_1044 : vector<16xf32>
        tpu.vector_store_idx %arg16[%add3A_101, %broadcast_in_dim3A_1106], %mul3A_1108 : memref<128x128xf32, #tpu.memory_space<vmem>>[vector<16xi32>, vector<16xi32>], vector<16xf32>,
        %broadcast_in_dim3A_1109 = arith.constant 48 : i32
        %broadcast_in_dim3A_1110 = vector.broadcast %broadcast_in_dim3A_1109 : i32 to vector<16xi32>
        %gather3A_1111 = tpu.vector_load_idx %arg15[%add3A_101, %broadcast_in_dim3A_1110] : memref<128x128xf32, #tpu.memory_space<vmem>>[vector<16xi32>, vector<16xi32>], vector<16xf32>,
        %mul3A_1112 = arith.mulf %gather3A_1111, %get3A_1044 : vector<16xf32>
        tpu.vector_store_idx %arg16[%add3A_101, %broadcast_in_dim3A_1110], %mul3A_1112 : memref<128x128xf32, #tpu.memory_space<vmem>>[vector<16xi32>, vector<16xi32>], vector<16xf32>,
        %broadcast_in_dim3A_1113 = arith.constant 49 : i32
        %broadcast_in_dim3A_1114 = vector.broadcast %broadcast_in_dim3A_1113 : i32 to vector<16xi32>
        %gather3A_1115 = tpu.vector_load_idx %arg15[%add3A_101, %broadcast_in_dim3A_1114] : memref<128x128xf32, #tpu.memory_space<vmem>>[vector<16xi32>, vector<16xi32>], vector<16xf32>,
        %mul3A_1116 = arith.mulf %gather3A_1115, %get3A_1044 : vector<16xf32>
        tpu.vector_store_idx %arg16[%add3A_101, %broadcast_in_dim3A_1114], %mul3A_1116 : memref<128x128xf32, #tpu.memory_space<vmem>>[vector<16xi32>, vector<16xi32>], vector<16xf32>,
        %broadcast_in_dim3A_1117 = arith.constant 50 : i32
        %broadcast_in_dim3A_1118 = vector.broadcast %broadcast_in_dim3A_1117 : i32 to vector<16xi32>
        %gather3A_1119 = tpu.vector_load_idx %arg15[%add3A_101, %broadcast_in_dim3A_1118] : memref<128x128xf32, #tpu.memory_space<vmem>>[vector<16xi32>, vector<16xi32>], vector<16xf32>,
        %mul3A_1120 = arith.mulf %gather3A_1119, %get3A_1044 : vector<16xf32>
        tpu.vector_store_idx %arg16[%add3A_101, %broadcast_in_dim3A_1118], %mul3A_1120 : memref<128x128xf32, #tpu.memory_space<vmem>>[vector<16xi32>, vector<16xi32>], vector<16xf32>,
        %broadcast_in_dim3A_1121 = arith.constant 51 : i32
        %broadcast_in_dim3A_1122 = vector.broadcast %broadcast_in_dim3A_1121 : i32 to vector<16xi32>
        %gather3A_1123 = tpu.vector_load_idx %arg15[%add3A_101, %broadcast_in_dim3A_1122] : memref<128x128xf32, #tpu.memory_space<vmem>>[vector<16xi32>, vector<16xi32>], vector<16xf32>,
        %mul3A_1124 = arith.mulf %gather3A_1123, %get3A_1044 : vector<16xf32>
        tpu.vector_store_idx %arg16[%add3A_101, %broadcast_in_dim3A_1122], %mul3A_1124 : memref<128x128xf32, #tpu.memory_space<vmem>>[vector<16xi32>, vector<16xi32>], vector<16xf32>,
        %broadcast_in_dim3A_1125 = arith.constant 52 : i32
        %broadcast_in_dim3A_1126 = vector.broadcast %broadcast_in_dim3A_1125 : i32 to vector<16xi32>
        %gather3A_1127 = tpu.vector_load_idx %arg15[%add3A_101, %broadcast_in_dim3A_1126] : memref<128x128xf32, #tpu.memory_space<vmem>>[vector<16xi32>, vector<16xi32>], vector<16xf32>,
        %mul3A_1128 = arith.mulf %gather3A_1127, %get3A_1044 : vector<16xf32>
        tpu.vector_store_idx %arg16[%add3A_101, %broadcast_in_dim3A_1126], %mul3A_1128 : memref<128x128xf32, #tpu.memory_space<vmem>>[vector<16xi32>, vector<16xi32>], vector<16xf32>,
        %broadcast_in_dim3A_1129 = arith.constant 53 : i32
        %broadcast_in_dim3A_1130 = vector.broadcast %broadcast_in_dim3A_1129 : i32 to vector<16xi32>
        %gather3A_1131 = tpu.vector_load_idx %arg15[%add3A_101, %broadcast_in_dim3A_1130] : memref<128x128xf32, #tpu.memory_space<vmem>>[vector<16xi32>, vector<16xi32>], vector<16xf32>,
        %mul3A_1132 = arith.mulf %gather3A_1131, %get3A_1044 : vector<16xf32>
        tpu.vector_store_idx %arg16[%add3A_101, %broadcast_in_dim3A_1130], %mul3A_1132 : memref<128x128xf32, #tpu.memory_space<vmem>>[vector<16xi32>, vector<16xi32>], vector<16xf32>,
        %broadcast_in_dim3A_1133 = arith.constant 54 : i32
        %broadcast_in_dim3A_1134 = vector.broadcast %broadcast_in_dim3A_1133 : i32 to vector<16xi32>
        %gather3A_1135 = tpu.vector_load_idx %arg15[%add3A_101, %broadcast_in_dim3A_1134] : memref<128x128xf32, #tpu.memory_space<vmem>>[vector<16xi32>, vector<16xi32>], vector<16xf32>,
        %mul3A_1136 = arith.mulf %gather3A_1135, %get3A_1044 : vector<16xf32>
        tpu.vector_store_idx %arg16[%add3A_101, %broadcast_in_dim3A_1134], %mul3A_1136 : memref<128x128xf32, #tpu.memory_space<vmem>>[vector<16xi32>, vector<16xi32>], vector<16xf32>,
        %broadcast_in_dim3A_1137 = arith.constant 55 : i32
        %broadcast_in_dim3A_1138 = vector.broadcast %broadcast_in_dim3A_1137 : i32 to vector<16xi32>
        %gather3A_1139 = tpu.vector_load_idx %arg15[%add3A_101, %broadcast_in_dim3A_1138] : memref<128x128xf32, #tpu.memory_space<vmem>>[vector<16xi32>, vector<16xi32>], vector<16xf32>,
        %mul3A_1140 = arith.mulf %gather3A_1139, %get3A_1044 : vector<16xf32>
        tpu.vector_store_idx %arg16[%add3A_101, %broadcast_in_dim3A_1138], %mul3A_1140 : memref<128x128xf32, #tpu.memory_space<vmem>>[vector<16xi32>, vector<16xi32>], vector<16xf32>,
        %broadcast_in_dim3A_1141 = arith.constant 56 : i32
        %broadcast_in_dim3A_1142 = vector.broadcast %broadcast_in_dim3A_1141 : i32 to vector<16xi32>
        %gather3A_1143 = tpu.vector_load_idx %arg15[%add3A_101, %broadcast_in_dim3A_1142] : memref<128x128xf32, #tpu.memory_space<vmem>>[vector<16xi32>, vector<16xi32>], vector<16xf32>,
        %mul3A_1144 = arith.mulf %gather3A_1143, %get3A_1044 : vector<16xf32>
        tpu.vector_store_idx %arg16[%add3A_101, %broadcast_in_dim3A_1142], %mul3A_1144 : memref<128x128xf32, #tpu.memory_space<vmem>>[vector<16xi32>, vector<16xi32>], vector<16xf32>,
        %broadcast_in_dim3A_1145 = arith.constant 57 : i32
        %broadcast_in_dim3A_1146 = vector.broadcast %broadcast_in_dim3A_1145 : i32 to vector<16xi32>
        %gather3A_1147 = tpu.vector_load_idx %arg15[%add3A_101, %broadcast_in_dim3A_1146] : memref<128x128xf32, #tpu.memory_space<vmem>>[vector<16xi32>, vector<16xi32>], vector<16xf32>,
        %mul3A_1148 = arith.mulf %gather3A_1147, %get3A_1044 : vector<16xf32>
        tpu.vector_store_idx %arg16[%add3A_101, %broadcast_in_dim3A_1146], %mul3A_1148 : memref<128x128xf32, #tpu.memory_space<vmem>>[vector<16xi32>, vector<16xi32>], vector<16xf32>,
        %broadcast_in_dim3A_1149 = arith.constant 58 : i32
        %broadcast_in_dim3A_1150 = vector.broadcast %broadcast_in_dim3A_1149 : i32 to vector<16xi32>
        %gather3A_1151 = tpu.vector_load_idx %arg15[%add3A_101, %broadcast_in_dim3A_1150] : memref<128x128xf32, #tpu.memory_space<vmem>>[vector<16xi32>, vector<16xi32>], vector<16xf32>,
        %mul3A_1152 = arith.mulf %gather3A_1151, %get3A_1044 : vector<16xf32>
        tpu.vector_store_idx %arg16[%add3A_101, %broadcast_in_dim3A_1150], %mul3A_1152 : memref<128x128xf32, #tpu.memory_space<vmem>>[vector<16xi32>, vector<16xi32>], vector<16xf32>,
        %broadcast_in_dim3A_1153 = arith.constant 59 : i32
        %broadcast_in_dim3A_1154 = vector.broadcast %broadcast_in_dim3A_1153 : i32 to vector<16xi32>
        %gather3A_1155 = tpu.vector_load_idx %arg15[%add3A_101, %broadcast_in_dim3A_1154] : memref<128x128xf32, #tpu.memory_space<vmem>>[vector<16xi32>, vector<16xi32>], vector<16xf32>,
        %mul3A_1156 = arith.mulf %gather3A_1155, %get3A_1044 : vector<16xf32>
        tpu.vector_store_idx %arg16[%add3A_101, %broadcast_in_dim3A_1154], %mul3A_1156 : memref<128x128xf32, #tpu.memory_space<vmem>>[vector<16xi32>, vector<16xi32>], vector<16xf32>,
        %broadcast_in_dim3A_1157 = arith.constant 60 : i32
        %broadcast_in_dim3A_1158 = vector.broadcast %broadcast_in_dim3A_1157 : i32 to vector<16xi32>
        %gather3A_1159 = tpu.vector_load_idx %arg15[%add3A_101, %broadcast_in_dim3A_1158] : memref<128x128xf32, #tpu.memory_space<vmem>>[vector<16xi32>, vector<16xi32>], vector<16xf32>,
        %mul3A_1160 = arith.mulf %gather3A_1159, %get3A_1044 : vector<16xf32>
        tpu.vector_store_idx %arg16[%add3A_101, %broadcast_in_dim3A_1158], %mul3A_1160 : memref<128x128xf32, #tpu.memory_space<vmem>>[vector<16xi32>, vector<16xi32>], vector<16xf32>,
        %broadcast_in_dim3A_1161 = arith.constant 61 : i32
        %broadcast_in_dim3A_1162 = vector.broadcast %broadcast_in_dim3A_1161 : i32 to vector<16xi32>
        %gather3A_1163 = tpu.vector_load_idx %arg15[%add3A_101, %broadcast_in_dim3A_1162] : memref<128x128xf32, #tpu.memory_space<vmem>>[vector<16xi32>, vector<16xi32>], vector<16xf32>,
        %mul3A_1164 = arith.mulf %gather3A_1163, %get3A_1044 : vector<16xf32>
        tpu.vector_store_idx %arg16[%add3A_101, %broadcast_in_dim3A_1162], %mul3A_1164 : memref<128x128xf32, #tpu.memory_space<vmem>>[vector<16xi32>, vector<16xi32>], vector<16xf32>,
        %broadcast_in_dim3A_1165 = arith.constant 62 : i32
        %broadcast_in_dim3A_1166 = vector.broadcast %broadcast_in_dim3A_1165 : i32 to vector<16xi32>
        %gather3A_1167 = tpu.vector_load_idx %arg15[%add3A_101, %broadcast_in_dim3A_1166] : memref<128x128xf32, #tpu.memory_space<vmem>>[vector<16xi32>, vector<16xi32>], vector<16xf32>,
        %mul3A_1168 = arith.mulf %gather3A_1167, %get3A_1044 : vector<16xf32>
        tpu.vector_store_idx %arg16[%add3A_101, %broadcast_in_dim3A_1166], %mul3A_1168 : memref<128x128xf32, #tpu.memory_space<vmem>>[vector<16xi32>, vector<16xi32>], vector<16xf32>,
        %broadcast_in_dim3A_1169 = arith.constant 63 : i32
        %broadcast_in_dim3A_1170 = vector.broadcast %broadcast_in_dim3A_1169 : i32 to vector<16xi32>
        %gather3A_1171 = tpu.vector_load_idx %arg15[%add3A_101, %broadcast_in_dim3A_1170] : memref<128x128xf32, #tpu.memory_space<vmem>>[vector<16xi32>, vector<16xi32>], vector<16xf32>,
        %mul3A_1172 = arith.mulf %gather3A_1171, %get3A_1044 : vector<16xf32>
        tpu.vector_store_idx %arg16[%add3A_101, %broadcast_in_dim3A_1170], %mul3A_1172 : memref<128x128xf32, #tpu.memory_space<vmem>>[vector<16xi32>, vector<16xi32>], vector<16xf32>,
        %add3A_1173 = arith.constant 1 : i32
        %add3A_1174 = vector.broadcast %add3A_1173 : i32 to vector<16xi32>
        %add3A_1175 = arith.addi %shift_left3A_901, %add3A_1174 : vector<16xi32>
        tpu.vector_store_idx %arg17[%add3A_101, %add3A_1175], %get3A_1044 : memref<128x128xf32, #tpu.memory_space<vmem>>[vector<16xi32>, vector<16xi32>], vector<16xf32>,
        %mul3A_1176 = arith.constant 16 : i32
        %mul3A_1177 = arith.muli %add3A_97, %mul3A_1176 : i32
        %get3A_1178 = arith.constant 2 : i32
        %get3A_1179 = arith.index_cast %get3A_1178 : i32 to index
        %get3A_1180 = arith.index_cast %mul3A_1177 : i32 to index
        %get3A_1181 = tpu.vector_load %arg18[%get3A_1179, %get3A_1180] {strides = array<i32>} : memref<4x128xf32, #tpu.memory_space<vmem>>, vector<16xf32>,
        %broadcast_in_dim3A_1182 = arith.constant 64 : i32
        %broadcast_in_dim3A_1183 = vector.broadcast %broadcast_in_dim3A_1182 : i32 to vector<16xi32>
        %gather3A_1184 = tpu.vector_load_idx %arg15[%add3A_101, %broadcast_in_dim3A_1183] : memref<128x128xf32, #tpu.memory_space<vmem>>[vector<16xi32>, vector<16xi32>], vector<16xf32>,
        %mul3A_1185 = arith.mulf %gather3A_1184, %get3A_1181 : vector<16xf32>
        tpu.vector_store_idx %arg16[%add3A_101, %broadcast_in_dim3A_1183], %mul3A_1185 : memref<128x128xf32, #tpu.memory_space<vmem>>[vector<16xi32>, vector<16xi32>], vector<16xf32>,
        %broadcast_in_dim3A_1186 = arith.constant 65 : i32
        %broadcast_in_dim3A_1187 = vector.broadcast %broadcast_in_dim3A_1186 : i32 to vector<16xi32>
        %gather3A_1188 = tpu.vector_load_idx %arg15[%add3A_101, %broadcast_in_dim3A_1187] : memref<128x128xf32, #tpu.memory_space<vmem>>[vector<16xi32>, vector<16xi32>], vector<16xf32>,
        %mul3A_1189 = arith.mulf %gather3A_1188, %get3A_1181 : vector<16xf32>
        tpu.vector_store_idx %arg16[%add3A_101, %broadcast_in_dim3A_1187], %mul3A_1189 : memref<128x128xf32, #tpu.memory_space<vmem>>[vector<16xi32>, vector<16xi32>], vector<16xf32>,
        %broadcast_in_dim3A_1190 = arith.constant 66 : i32
        %broadcast_in_dim3A_1191 = vector.broadcast %broadcast_in_dim3A_1190 : i32 to vector<16xi32>
        %gather3A_1192 = tpu.vector_load_idx %arg15[%add3A_101, %broadcast_in_dim3A_1191] : memref<128x128xf32, #tpu.memory_space<vmem>>[vector<16xi32>, vector<16xi32>], vector<16xf32>,
        %mul3A_1193 = arith.mulf %gather3A_1192, %get3A_1181 : vector<16xf32>
        tpu.vector_store_idx %arg16[%add3A_101, %broadcast_in_dim3A_1191], %mul3A_1193 : memref<128x128xf32, #tpu.memory_space<vmem>>[vector<16xi32>, vector<16xi32>], vector<16xf32>,
        %broadcast_in_dim3A_1194 = arith.constant 67 : i32
        %broadcast_in_dim3A_1195 = vector.broadcast %broadcast_in_dim3A_1194 : i32 to vector<16xi32>
        %gather3A_1196 = tpu.vector_load_idx %arg15[%add3A_101, %broadcast_in_dim3A_1195] : memref<128x128xf32, #tpu.memory_space<vmem>>[vector<16xi32>, vector<16xi32>], vector<16xf32>,
        %mul3A_1197 = arith.mulf %gather3A_1196, %get3A_1181 : vector<16xf32>
        tpu.vector_store_idx %arg16[%add3A_101, %broadcast_in_dim3A_1195], %mul3A_1197 : memref<128x128xf32, #tpu.memory_space<vmem>>[vector<16xi32>, vector<16xi32>], vector<16xf32>,
        %broadcast_in_dim3A_1198 = arith.constant 68 : i32
        %broadcast_in_dim3A_1199 = vector.broadcast %broadcast_in_dim3A_1198 : i32 to vector<16xi32>
        %gather3A_1200 = tpu.vector_load_idx %arg15[%add3A_101, %broadcast_in_dim3A_1199] : memref<128x128xf32, #tpu.memory_space<vmem>>[vector<16xi32>, vector<16xi32>], vector<16xf32>,
        %mul3A_1201 = arith.mulf %gather3A_1200, %get3A_1181 : vector<16xf32>
        tpu.vector_store_idx %arg16[%add3A_101, %broadcast_in_dim3A_1199], %mul3A_1201 : memref<128x128xf32, #tpu.memory_space<vmem>>[vector<16xi32>, vector<16xi32>], vector<16xf32>,
        %broadcast_in_dim3A_1202 = arith.constant 69 : i32
        %broadcast_in_dim3A_1203 = vector.broadcast %broadcast_in_dim3A_1202 : i32 to vector<16xi32>
        %gather3A_1204 = tpu.vector_load_idx %arg15[%add3A_101, %broadcast_in_dim3A_1203] : memref<128x128xf32, #tpu.memory_space<vmem>>[vector<16xi32>, vector<16xi32>], vector<16xf32>,
        %mul3A_1205 = arith.mulf %gather3A_1204, %get3A_1181 : vector<16xf32>
        tpu.vector_store_idx %arg16[%add3A_101, %broadcast_in_dim3A_1203], %mul3A_1205 : memref<128x128xf32, #tpu.memory_space<vmem>>[vector<16xi32>, vector<16xi32>], vector<16xf32>,
        %broadcast_in_dim3A_1206 = arith.constant 70 : i32
        %broadcast_in_dim3A_1207 = vector.broadcast %broadcast_in_dim3A_1206 : i32 to vector<16xi32>
        %gather3A_1208 = tpu.vector_load_idx %arg15[%add3A_101, %broadcast_in_dim3A_1207] : memref<128x128xf32, #tpu.memory_space<vmem>>[vector<16xi32>, vector<16xi32>], vector<16xf32>,
        %mul3A_1209 = arith.mulf %gather3A_1208, %get3A_1181 : vector<16xf32>
        tpu.vector_store_idx %arg16[%add3A_101, %broadcast_in_dim3A_1207], %mul3A_1209 : memref<128x128xf32, #tpu.memory_space<vmem>>[vector<16xi32>, vector<16xi32>], vector<16xf32>,
        %broadcast_in_dim3A_1210 = arith.constant 71 : i32
        %broadcast_in_dim3A_1211 = vector.broadcast %broadcast_in_dim3A_1210 : i32 to vector<16xi32>
        %gather3A_1212 = tpu.vector_load_idx %arg15[%add3A_101, %broadcast_in_dim3A_1211] : memref<128x128xf32, #tpu.memory_space<vmem>>[vector<16xi32>, vector<16xi32>], vector<16xf32>,
        %mul3A_1213 = arith.mulf %gather3A_1212, %get3A_1181 : vector<16xf32>
        tpu.vector_store_idx %arg16[%add3A_101, %broadcast_in_dim3A_1211], %mul3A_1213 : memref<128x128xf32, #tpu.memory_space<vmem>>[vector<16xi32>, vector<16xi32>], vector<16xf32>,
        %broadcast_in_dim3A_1214 = arith.constant 72 : i32
        %broadcast_in_dim3A_1215 = vector.broadcast %broadcast_in_dim3A_1214 : i32 to vector<16xi32>
        %gather3A_1216 = tpu.vector_load_idx %arg15[%add3A_101, %broadcast_in_dim3A_1215] : memref<128x128xf32, #tpu.memory_space<vmem>>[vector<16xi32>, vector<16xi32>], vector<16xf32>,
        %mul3A_1217 = arith.mulf %gather3A_1216, %get3A_1181 : vector<16xf32>
        tpu.vector_store_idx %arg16[%add3A_101, %broadcast_in_dim3A_1215], %mul3A_1217 : memref<128x128xf32, #tpu.memory_space<vmem>>[vector<16xi32>, vector<16xi32>], vector<16xf32>,
        %broadcast_in_dim3A_1218 = arith.constant 73 : i32
        %broadcast_in_dim3A_1219 = vector.broadcast %broadcast_in_dim3A_1218 : i32 to vector<16xi32>
        %gather3A_1220 = tpu.vector_load_idx %arg15[%add3A_101, %broadcast_in_dim3A_1219] : memref<128x128xf32, #tpu.memory_space<vmem>>[vector<16xi32>, vector<16xi32>], vector<16xf32>,
        %mul3A_1221 = arith.mulf %gather3A_1220, %get3A_1181 : vector<16xf32>
        tpu.vector_store_idx %arg16[%add3A_101, %broadcast_in_dim3A_1219], %mul3A_1221 : memref<128x128xf32, #tpu.memory_space<vmem>>[vector<16xi32>, vector<16xi32>], vector<16xf32>,
        %broadcast_in_dim3A_1222 = arith.constant 74 : i32
        %broadcast_in_dim3A_1223 = vector.broadcast %broadcast_in_dim3A_1222 : i32 to vector<16xi32>
        %gather3A_1224 = tpu.vector_load_idx %arg15[%add3A_101, %broadcast_in_dim3A_1223] : memref<128x128xf32, #tpu.memory_space<vmem>>[vector<16xi32>, vector<16xi32>], vector<16xf32>,
        %mul3A_1225 = arith.mulf %gather3A_1224, %get3A_1181 : vector<16xf32>
        tpu.vector_store_idx %arg16[%add3A_101, %broadcast_in_dim3A_1223], %mul3A_1225 : memref<128x128xf32, #tpu.memory_space<vmem>>[vector<16xi32>, vector<16xi32>], vector<16xf32>,
        %broadcast_in_dim3A_1226 = arith.constant 75 : i32
        %broadcast_in_dim3A_1227 = vector.broadcast %broadcast_in_dim3A_1226 : i32 to vector<16xi32>
        %gather3A_1228 = tpu.vector_load_idx %arg15[%add3A_101, %broadcast_in_dim3A_1227] : memref<128x128xf32, #tpu.memory_space<vmem>>[vector<16xi32>, vector<16xi32>], vector<16xf32>,
        %mul3A_1229 = arith.mulf %gather3A_1228, %get3A_1181 : vector<16xf32>
        tpu.vector_store_idx %arg16[%add3A_101, %broadcast_in_dim3A_1227], %mul3A_1229 : memref<128x128xf32, #tpu.memory_space<vmem>>[vector<16xi32>, vector<16xi32>], vector<16xf32>,
        %broadcast_in_dim3A_1230 = arith.constant 76 : i32
        %broadcast_in_dim3A_1231 = vector.broadcast %broadcast_in_dim3A_1230 : i32 to vector<16xi32>
        %gather3A_1232 = tpu.vector_load_idx %arg15[%add3A_101, %broadcast_in_dim3A_1231] : memref<128x128xf32, #tpu.memory_space<vmem>>[vector<16xi32>, vector<16xi32>], vector<16xf32>,
        %mul3A_1233 = arith.mulf %gather3A_1232, %get3A_1181 : vector<16xf32>
        tpu.vector_store_idx %arg16[%add3A_101, %broadcast_in_dim3A_1231], %mul3A_1233 : memref<128x128xf32, #tpu.memory_space<vmem>>[vector<16xi32>, vector<16xi32>], vector<16xf32>,
        %broadcast_in_dim3A_1234 = arith.constant 77 : i32
        %broadcast_in_dim3A_1235 = vector.broadcast %broadcast_in_dim3A_1234 : i32 to vector<16xi32>
        %gather3A_1236 = tpu.vector_load_idx %arg15[%add3A_101, %broadcast_in_dim3A_1235] : memref<128x128xf32, #tpu.memory_space<vmem>>[vector<16xi32>, vector<16xi32>], vector<16xf32>,
        %mul3A_1237 = arith.mulf %gather3A_1236, %get3A_1181 : vector<16xf32>
        tpu.vector_store_idx %arg16[%add3A_101, %broadcast_in_dim3A_1235], %mul3A_1237 : memref<128x128xf32, #tpu.memory_space<vmem>>[vector<16xi32>, vector<16xi32>], vector<16xf32>,
        %broadcast_in_dim3A_1238 = arith.constant 78 : i32
        %broadcast_in_dim3A_1239 = vector.broadcast %broadcast_in_dim3A_1238 : i32 to vector<16xi32>
        %gather3A_1240 = tpu.vector_load_idx %arg15[%add3A_101, %broadcast_in_dim3A_1239] : memref<128x128xf32, #tpu.memory_space<vmem>>[vector<16xi32>, vector<16xi32>], vector<16xf32>,
        %mul3A_1241 = arith.mulf %gather3A_1240, %get3A_1181 : vector<16xf32>
        tpu.vector_store_idx %arg16[%add3A_101, %broadcast_in_dim3A_1239], %mul3A_1241 : memref<128x128xf32, #tpu.memory_space<vmem>>[vector<16xi32>, vector<16xi32>], vector<16xf32>,
        %broadcast_in_dim3A_1242 = arith.constant 79 : i32
        %broadcast_in_dim3A_1243 = vector.broadcast %broadcast_in_dim3A_1242 : i32 to vector<16xi32>
        %gather3A_1244 = tpu.vector_load_idx %arg15[%add3A_101, %broadcast_in_dim3A_1243] : memref<128x128xf32, #tpu.memory_space<vmem>>[vector<16xi32>, vector<16xi32>], vector<16xf32>,
        %mul3A_1245 = arith.mulf %gather3A_1244, %get3A_1181 : vector<16xf32>
        tpu.vector_store_idx %arg16[%add3A_101, %broadcast_in_dim3A_1243], %mul3A_1245 : memref<128x128xf32, #tpu.memory_space<vmem>>[vector<16xi32>, vector<16xi32>], vector<16xf32>,
        %broadcast_in_dim3A_1246 = arith.constant 80 : i32
        %broadcast_in_dim3A_1247 = vector.broadcast %broadcast_in_dim3A_1246 : i32 to vector<16xi32>
        %gather3A_1248 = tpu.vector_load_idx %arg15[%add3A_101, %broadcast_in_dim3A_1247] : memref<128x128xf32, #tpu.memory_space<vmem>>[vector<16xi32>, vector<16xi32>], vector<16xf32>,
        %mul3A_1249 = arith.mulf %gather3A_1248, %get3A_1181 : vector<16xf32>
        tpu.vector_store_idx %arg16[%add3A_101, %broadcast_in_dim3A_1247], %mul3A_1249 : memref<128x128xf32, #tpu.memory_space<vmem>>[vector<16xi32>, vector<16xi32>], vector<16xf32>,
        %broadcast_in_dim3A_1250 = arith.constant 81 : i32
        %broadcast_in_dim3A_1251 = vector.broadcast %broadcast_in_dim3A_1250 : i32 to vector<16xi32>
        %gather3A_1252 = tpu.vector_load_idx %arg15[%add3A_101, %broadcast_in_dim3A_1251] : memref<128x128xf32, #tpu.memory_space<vmem>>[vector<16xi32>, vector<16xi32>], vector<16xf32>,
        %mul3A_1253 = arith.mulf %gather3A_1252, %get3A_1181 : vector<16xf32>
        tpu.vector_store_idx %arg16[%add3A_101, %broadcast_in_dim3A_1251], %mul3A_1253 : memref<128x128xf32, #tpu.memory_space<vmem>>[vector<16xi32>, vector<16xi32>], vector<16xf32>,
        %broadcast_in_dim3A_1254 = arith.constant 82 : i32
        %broadcast_in_dim3A_1255 = vector.broadcast %broadcast_in_dim3A_1254 : i32 to vector<16xi32>
        %gather3A_1256 = tpu.vector_load_idx %arg15[%add3A_101, %broadcast_in_dim3A_1255] : memref<128x128xf32, #tpu.memory_space<vmem>>[vector<16xi32>, vector<16xi32>], vector<16xf32>,
        %mul3A_1257 = arith.mulf %gather3A_1256, %get3A_1181 : vector<16xf32>
        tpu.vector_store_idx %arg16[%add3A_101, %broadcast_in_dim3A_1255], %mul3A_1257 : memref<128x128xf32, #tpu.memory_space<vmem>>[vector<16xi32>, vector<16xi32>], vector<16xf32>,
        %broadcast_in_dim3A_1258 = arith.constant 83 : i32
        %broadcast_in_dim3A_1259 = vector.broadcast %broadcast_in_dim3A_1258 : i32 to vector<16xi32>
        %gather3A_1260 = tpu.vector_load_idx %arg15[%add3A_101, %broadcast_in_dim3A_1259] : memref<128x128xf32, #tpu.memory_space<vmem>>[vector<16xi32>, vector<16xi32>], vector<16xf32>,
        %mul3A_1261 = arith.mulf %gather3A_1260, %get3A_1181 : vector<16xf32>
        tpu.vector_store_idx %arg16[%add3A_101, %broadcast_in_dim3A_1259], %mul3A_1261 : memref<128x128xf32, #tpu.memory_space<vmem>>[vector<16xi32>, vector<16xi32>], vector<16xf32>,
        %broadcast_in_dim3A_1262 = arith.constant 84 : i32
        %broadcast_in_dim3A_1263 = vector.broadcast %broadcast_in_dim3A_1262 : i32 to vector<16xi32>
        %gather3A_1264 = tpu.vector_load_idx %arg15[%add3A_101, %broadcast_in_dim3A_1263] : memref<128x128xf32, #tpu.memory_space<vmem>>[vector<16xi32>, vector<16xi32>], vector<16xf32>,
        %mul3A_1265 = arith.mulf %gather3A_1264, %get3A_1181 : vector<16xf32>
        tpu.vector_store_idx %arg16[%add3A_101, %broadcast_in_dim3A_1263], %mul3A_1265 : memref<128x128xf32, #tpu.memory_space<vmem>>[vector<16xi32>, vector<16xi32>], vector<16xf32>,
        %broadcast_in_dim3A_1266 = arith.constant 85 : i32
        %broadcast_in_dim3A_1267 = vector.broadcast %broadcast_in_dim3A_1266 : i32 to vector<16xi32>
        %gather3A_1268 = tpu.vector_load_idx %arg15[%add3A_101, %broadcast_in_dim3A_1267] : memref<128x128xf32, #tpu.memory_space<vmem>>[vector<16xi32>, vector<16xi32>], vector<16xf32>,
        %mul3A_1269 = arith.mulf %gather3A_1268, %get3A_1181 : vector<16xf32>
        tpu.vector_store_idx %arg16[%add3A_101, %broadcast_in_dim3A_1267], %mul3A_1269 : memref<128x128xf32, #tpu.memory_space<vmem>>[vector<16xi32>, vector<16xi32>], vector<16xf32>,
        %broadcast_in_dim3A_1270 = arith.constant 86 : i32
        %broadcast_in_dim3A_1271 = vector.broadcast %broadcast_in_dim3A_1270 : i32 to vector<16xi32>
        %gather3A_1272 = tpu.vector_load_idx %arg15[%add3A_101, %broadcast_in_dim3A_1271] : memref<128x128xf32, #tpu.memory_space<vmem>>[vector<16xi32>, vector<16xi32>], vector<16xf32>,
        %mul3A_1273 = arith.mulf %gather3A_1272, %get3A_1181 : vector<16xf32>
        tpu.vector_store_idx %arg16[%add3A_101, %broadcast_in_dim3A_1271], %mul3A_1273 : memref<128x128xf32, #tpu.memory_space<vmem>>[vector<16xi32>, vector<16xi32>], vector<16xf32>,
        %broadcast_in_dim3A_1274 = arith.constant 87 : i32
        %broadcast_in_dim3A_1275 = vector.broadcast %broadcast_in_dim3A_1274 : i32 to vector<16xi32>
        %gather3A_1276 = tpu.vector_load_idx %arg15[%add3A_101, %broadcast_in_dim3A_1275] : memref<128x128xf32, #tpu.memory_space<vmem>>[vector<16xi32>, vector<16xi32>], vector<16xf32>,
        %mul3A_1277 = arith.mulf %gather3A_1276, %get3A_1181 : vector<16xf32>
        tpu.vector_store_idx %arg16[%add3A_101, %broadcast_in_dim3A_1275], %mul3A_1277 : memref<128x128xf32, #tpu.memory_space<vmem>>[vector<16xi32>, vector<16xi32>], vector<16xf32>,
        %broadcast_in_dim3A_1278 = arith.constant 88 : i32
        %broadcast_in_dim3A_1279 = vector.broadcast %broadcast_in_dim3A_1278 : i32 to vector<16xi32>
        %gather3A_1280 = tpu.vector_load_idx %arg15[%add3A_101, %broadcast_in_dim3A_1279] : memref<128x128xf32, #tpu.memory_space<vmem>>[vector<16xi32>, vector<16xi32>], vector<16xf32>,
        %mul3A_1281 = arith.mulf %gather3A_1280, %get3A_1181 : vector<16xf32>
        tpu.vector_store_idx %arg16[%add3A_101, %broadcast_in_dim3A_1279], %mul3A_1281 : memref<128x128xf32, #tpu.memory_space<vmem>>[vector<16xi32>, vector<16xi32>], vector<16xf32>,
        %broadcast_in_dim3A_1282 = arith.constant 89 : i32
        %broadcast_in_dim3A_1283 = vector.broadcast %broadcast_in_dim3A_1282 : i32 to vector<16xi32>
        %gather3A_1284 = tpu.vector_load_idx %arg15[%add3A_101, %broadcast_in_dim3A_1283] : memref<128x128xf32, #tpu.memory_space<vmem>>[vector<16xi32>, vector<16xi32>], vector<16xf32>,
        %mul3A_1285 = arith.mulf %gather3A_1284, %get3A_1181 : vector<16xf32>
        tpu.vector_store_idx %arg16[%add3A_101, %broadcast_in_dim3A_1283], %mul3A_1285 : memref<128x128xf32, #tpu.memory_space<vmem>>[vector<16xi32>, vector<16xi32>], vector<16xf32>,
        %broadcast_in_dim3A_1286 = arith.constant 90 : i32
        %broadcast_in_dim3A_1287 = vector.broadcast %broadcast_in_dim3A_1286 : i32 to vector<16xi32>
        %gather3A_1288 = tpu.vector_load_idx %arg15[%add3A_101, %broadcast_in_dim3A_1287] : memref<128x128xf32, #tpu.memory_space<vmem>>[vector<16xi32>, vector<16xi32>], vector<16xf32>,
        %mul3A_1289 = arith.mulf %gather3A_1288, %get3A_1181 : vector<16xf32>
        tpu.vector_store_idx %arg16[%add3A_101, %broadcast_in_dim3A_1287], %mul3A_1289 : memref<128x128xf32, #tpu.memory_space<vmem>>[vector<16xi32>, vector<16xi32>], vector<16xf32>,
        %broadcast_in_dim3A_1290 = arith.constant 91 : i32
        %broadcast_in_dim3A_1291 = vector.broadcast %broadcast_in_dim3A_1290 : i32 to vector<16xi32>
        %gather3A_1292 = tpu.vector_load_idx %arg15[%add3A_101, %broadcast_in_dim3A_1291] : memref<128x128xf32, #tpu.memory_space<vmem>>[vector<16xi32>, vector<16xi32>], vector<16xf32>,
        %mul3A_1293 = arith.mulf %gather3A_1292, %get3A_1181 : vector<16xf32>
        tpu.vector_store_idx %arg16[%add3A_101, %broadcast_in_dim3A_1291], %mul3A_1293 : memref<128x128xf32, #tpu.memory_space<vmem>>[vector<16xi32>, vector<16xi32>], vector<16xf32>,
        %broadcast_in_dim3A_1294 = arith.constant 92 : i32
        %broadcast_in_dim3A_1295 = vector.broadcast %broadcast_in_dim3A_1294 : i32 to vector<16xi32>
        %gather3A_1296 = tpu.vector_load_idx %arg15[%add3A_101, %broadcast_in_dim3A_1295] : memref<128x128xf32, #tpu.memory_space<vmem>>[vector<16xi32>, vector<16xi32>], vector<16xf32>,
        %mul3A_1297 = arith.mulf %gather3A_1296, %get3A_1181 : vector<16xf32>
        tpu.vector_store_idx %arg16[%add3A_101, %broadcast_in_dim3A_1295], %mul3A_1297 : memref<128x128xf32, #tpu.memory_space<vmem>>[vector<16xi32>, vector<16xi32>], vector<16xf32>,
        %broadcast_in_dim3A_1298 = arith.constant 93 : i32
        %broadcast_in_dim3A_1299 = vector.broadcast %broadcast_in_dim3A_1298 : i32 to vector<16xi32>
        %gather3A_1300 = tpu.vector_load_idx %arg15[%add3A_101, %broadcast_in_dim3A_1299] : memref<128x128xf32, #tpu.memory_space<vmem>>[vector<16xi32>, vector<16xi32>], vector<16xf32>,
        %mul3A_1301 = arith.mulf %gather3A_1300, %get3A_1181 : vector<16xf32>
        tpu.vector_store_idx %arg16[%add3A_101, %broadcast_in_dim3A_1299], %mul3A_1301 : memref<128x128xf32, #tpu.memory_space<vmem>>[vector<16xi32>, vector<16xi32>], vector<16xf32>,
        %broadcast_in_dim3A_1302 = arith.constant 94 : i32
        %broadcast_in_dim3A_1303 = vector.broadcast %broadcast_in_dim3A_1302 : i32 to vector<16xi32>
        %gather3A_1304 = tpu.vector_load_idx %arg15[%add3A_101, %broadcast_in_dim3A_1303] : memref<128x128xf32, #tpu.memory_space<vmem>>[vector<16xi32>, vector<16xi32>], vector<16xf32>,
        %mul3A_1305 = arith.mulf %gather3A_1304, %get3A_1181 : vector<16xf32>
        tpu.vector_store_idx %arg16[%add3A_101, %broadcast_in_dim3A_1303], %mul3A_1305 : memref<128x128xf32, #tpu.memory_space<vmem>>[vector<16xi32>, vector<16xi32>], vector<16xf32>,
        %broadcast_in_dim3A_1306 = arith.constant 95 : i32
        %broadcast_in_dim3A_1307 = vector.broadcast %broadcast_in_dim3A_1306 : i32 to vector<16xi32>
        %gather3A_1308 = tpu.vector_load_idx %arg15[%add3A_101, %broadcast_in_dim3A_1307] : memref<128x128xf32, #tpu.memory_space<vmem>>[vector<16xi32>, vector<16xi32>], vector<16xf32>,
        %mul3A_1309 = arith.mulf %gather3A_1308, %get3A_1181 : vector<16xf32>
        tpu.vector_store_idx %arg16[%add3A_101, %broadcast_in_dim3A_1307], %mul3A_1309 : memref<128x128xf32, #tpu.memory_space<vmem>>[vector<16xi32>, vector<16xi32>], vector<16xf32>,
        %add3A_1310 = arith.constant 2 : i32
        %add3A_1311 = vector.broadcast %add3A_1310 : i32 to vector<16xi32>
        %add3A_1312 = arith.addi %shift_left3A_901, %add3A_1311 : vector<16xi32>
        tpu.vector_store_idx %arg17[%add3A_101, %add3A_1312], %get3A_1181 : memref<128x128xf32, #tpu.memory_space<vmem>>[vector<16xi32>, vector<16xi32>], vector<16xf32>,
        %mul3A_1313 = arith.constant 16 : i32
        %mul3A_1314 = arith.muli %add3A_97, %mul3A_1313 : i32
        %get3A_1315 = arith.constant 3 : i32
        %get3A_1316 = arith.index_cast %get3A_1315 : i32 to index
        %get3A_1317 = arith.index_cast %mul3A_1314 : i32 to index
        %get3A_1318 = tpu.vector_load %arg18[%get3A_1316, %get3A_1317] {strides = array<i32>} : memref<4x128xf32, #tpu.memory_space<vmem>>, vector<16xf32>,
        %broadcast_in_dim3A_1319 = arith.constant 96 : i32
        %broadcast_in_dim3A_1320 = vector.broadcast %broadcast_in_dim3A_1319 : i32 to vector<16xi32>
        %gather3A_1321 = tpu.vector_load_idx %arg15[%add3A_101, %broadcast_in_dim3A_1320] : memref<128x128xf32, #tpu.memory_space<vmem>>[vector<16xi32>, vector<16xi32>], vector<16xf32>,
        %mul3A_1322 = arith.mulf %gather3A_1321, %get3A_1318 : vector<16xf32>
        tpu.vector_store_idx %arg16[%add3A_101, %broadcast_in_dim3A_1320], %mul3A_1322 : memref<128x128xf32, #tpu.memory_space<vmem>>[vector<16xi32>, vector<16xi32>], vector<16xf32>,
        %broadcast_in_dim3A_1323 = arith.constant 97 : i32
        %broadcast_in_dim3A_1324 = vector.broadcast %broadcast_in_dim3A_1323 : i32 to vector<16xi32>
        %gather3A_1325 = tpu.vector_load_idx %arg15[%add3A_101, %broadcast_in_dim3A_1324] : memref<128x128xf32, #tpu.memory_space<vmem>>[vector<16xi32>, vector<16xi32>], vector<16xf32>,
        %mul3A_1326 = arith.mulf %gather3A_1325, %get3A_1318 : vector<16xf32>
        tpu.vector_store_idx %arg16[%add3A_101, %broadcast_in_dim3A_1324], %mul3A_1326 : memref<128x128xf32, #tpu.memory_space<vmem>>[vector<16xi32>, vector<16xi32>], vector<16xf32>,
        %broadcast_in_dim3A_1327 = arith.constant 98 : i32
        %broadcast_in_dim3A_1328 = vector.broadcast %broadcast_in_dim3A_1327 : i32 to vector<16xi32>
        %gather3A_1329 = tpu.vector_load_idx %arg15[%add3A_101, %broadcast_in_dim3A_1328] : memref<128x128xf32, #tpu.memory_space<vmem>>[vector<16xi32>, vector<16xi32>], vector<16xf32>,
        %mul3A_1330 = arith.mulf %gather3A_1329, %get3A_1318 : vector<16xf32>
        tpu.vector_store_idx %arg16[%add3A_101, %broadcast_in_dim3A_1328], %mul3A_1330 : memref<128x128xf32, #tpu.memory_space<vmem>>[vector<16xi32>, vector<16xi32>], vector<16xf32>,
        %broadcast_in_dim3A_1331 = arith.constant 99 : i32
        %broadcast_in_dim3A_1332 = vector.broadcast %broadcast_in_dim3A_1331 : i32 to vector<16xi32>
        %gather3A_1333 = tpu.vector_load_idx %arg15[%add3A_101, %broadcast_in_dim3A_1332] : memref<128x128xf32, #tpu.memory_space<vmem>>[vector<16xi32>, vector<16xi32>], vector<16xf32>,
        %mul3A_1334 = arith.mulf %gather3A_1333, %get3A_1318 : vector<16xf32>
        tpu.vector_store_idx %arg16[%add3A_101, %broadcast_in_dim3A_1332], %mul3A_1334 : memref<128x128xf32, #tpu.memory_space<vmem>>[vector<16xi32>, vector<16xi32>], vector<16xf32>,
        %broadcast_in_dim3A_1335 = arith.constant 100 : i32
        %broadcast_in_dim3A_1336 = vector.broadcast %broadcast_in_dim3A_1335 : i32 to vector<16xi32>
        %gather3A_1337 = tpu.vector_load_idx %arg15[%add3A_101, %broadcast_in_dim3A_1336] : memref<128x128xf32, #tpu.memory_space<vmem>>[vector<16xi32>, vector<16xi32>], vector<16xf32>,
        %mul3A_1338 = arith.mulf %gather3A_1337, %get3A_1318 : vector<16xf32>
        tpu.vector_store_idx %arg16[%add3A_101, %broadcast_in_dim3A_1336], %mul3A_1338 : memref<128x128xf32, #tpu.memory_space<vmem>>[vector<16xi32>, vector<16xi32>], vector<16xf32>,
        %broadcast_in_dim3A_1339 = arith.constant 101 : i32
        %broadcast_in_dim3A_1340 = vector.broadcast %broadcast_in_dim3A_1339 : i32 to vector<16xi32>
        %gather3A_1341 = tpu.vector_load_idx %arg15[%add3A_101, %broadcast_in_dim3A_1340] : memref<128x128xf32, #tpu.memory_space<vmem>>[vector<16xi32>, vector<16xi32>], vector<16xf32>,
        %mul3A_1342 = arith.mulf %gather3A_1341, %get3A_1318 : vector<16xf32>
        tpu.vector_store_idx %arg16[%add3A_101, %broadcast_in_dim3A_1340], %mul3A_1342 : memref<128x128xf32, #tpu.memory_space<vmem>>[vector<16xi32>, vector<16xi32>], vector<16xf32>,
        %broadcast_in_dim3A_1343 = arith.constant 102 : i32
        %broadcast_in_dim3A_1344 = vector.broadcast %broadcast_in_dim3A_1343 : i32 to vector<16xi32>
        %gather3A_1345 = tpu.vector_load_idx %arg15[%add3A_101, %broadcast_in_dim3A_1344] : memref<128x128xf32, #tpu.memory_space<vmem>>[vector<16xi32>, vector<16xi32>], vector<16xf32>,
        %mul3A_1346 = arith.mulf %gather3A_1345, %get3A_1318 : vector<16xf32>
        tpu.vector_store_idx %arg16[%add3A_101, %broadcast_in_dim3A_1344], %mul3A_1346 : memref<128x128xf32, #tpu.memory_space<vmem>>[vector<16xi32>, vector<16xi32>], vector<16xf32>,
        %broadcast_in_dim3A_1347 = arith.constant 103 : i32
        %broadcast_in_dim3A_1348 = vector.broadcast %broadcast_in_dim3A_1347 : i32 to vector<16xi32>
        %gather3A_1349 = tpu.vector_load_idx %arg15[%add3A_101, %broadcast_in_dim3A_1348] : memref<128x128xf32, #tpu.memory_space<vmem>>[vector<16xi32>, vector<16xi32>], vector<16xf32>,
        %mul3A_1350 = arith.mulf %gather3A_1349, %get3A_1318 : vector<16xf32>
        tpu.vector_store_idx %arg16[%add3A_101, %broadcast_in_dim3A_1348], %mul3A_1350 : memref<128x128xf32, #tpu.memory_space<vmem>>[vector<16xi32>, vector<16xi32>], vector<16xf32>,
        %broadcast_in_dim3A_1351 = arith.constant 104 : i32
        %broadcast_in_dim3A_1352 = vector.broadcast %broadcast_in_dim3A_1351 : i32 to vector<16xi32>
        %gather3A_1353 = tpu.vector_load_idx %arg15[%add3A_101, %broadcast_in_dim3A_1352] : memref<128x128xf32, #tpu.memory_space<vmem>>[vector<16xi32>, vector<16xi32>], vector<16xf32>,
        %mul3A_1354 = arith.mulf %gather3A_1353, %get3A_1318 : vector<16xf32>
        tpu.vector_store_idx %arg16[%add3A_101, %broadcast_in_dim3A_1352], %mul3A_1354 : memref<128x128xf32, #tpu.memory_space<vmem>>[vector<16xi32>, vector<16xi32>], vector<16xf32>,
        %broadcast_in_dim3A_1355 = arith.constant 105 : i32
        %broadcast_in_dim3A_1356 = vector.broadcast %broadcast_in_dim3A_1355 : i32 to vector<16xi32>
        %gather3A_1357 = tpu.vector_load_idx %arg15[%add3A_101, %broadcast_in_dim3A_1356] : memref<128x128xf32, #tpu.memory_space<vmem>>[vector<16xi32>, vector<16xi32>], vector<16xf32>,
        %mul3A_1358 = arith.mulf %gather3A_1357, %get3A_1318 : vector<16xf32>
        tpu.vector_store_idx %arg16[%add3A_101, %broadcast_in_dim3A_1356], %mul3A_1358 : memref<128x128xf32, #tpu.memory_space<vmem>>[vector<16xi32>, vector<16xi32>], vector<16xf32>,
        %broadcast_in_dim3A_1359 = arith.constant 106 : i32
        %broadcast_in_dim3A_1360 = vector.broadcast %broadcast_in_dim3A_1359 : i32 to vector<16xi32>
        %gather3A_1361 = tpu.vector_load_idx %arg15[%add3A_101, %broadcast_in_dim3A_1360] : memref<128x128xf32, #tpu.memory_space<vmem>>[vector<16xi32>, vector<16xi32>], vector<16xf32>,
        %mul3A_1362 = arith.mulf %gather3A_1361, %get3A_1318 : vector<16xf32>
        tpu.vector_store_idx %arg16[%add3A_101, %broadcast_in_dim3A_1360], %mul3A_1362 : memref<128x128xf32, #tpu.memory_space<vmem>>[vector<16xi32>, vector<16xi32>], vector<16xf32>,
        %broadcast_in_dim3A_1363 = arith.constant 107 : i32
        %broadcast_in_dim3A_1364 = vector.broadcast %broadcast_in_dim3A_1363 : i32 to vector<16xi32>
        %gather3A_1365 = tpu.vector_load_idx %arg15[%add3A_101, %broadcast_in_dim3A_1364] : memref<128x128xf32, #tpu.memory_space<vmem>>[vector<16xi32>, vector<16xi32>], vector<16xf32>,
        %mul3A_1366 = arith.mulf %gather3A_1365, %get3A_1318 : vector<16xf32>
        tpu.vector_store_idx %arg16[%add3A_101, %broadcast_in_dim3A_1364], %mul3A_1366 : memref<128x128xf32, #tpu.memory_space<vmem>>[vector<16xi32>, vector<16xi32>], vector<16xf32>,
        %broadcast_in_dim3A_1367 = arith.constant 108 : i32
        %broadcast_in_dim3A_1368 = vector.broadcast %broadcast_in_dim3A_1367 : i32 to vector<16xi32>
        %gather3A_1369 = tpu.vector_load_idx %arg15[%add3A_101, %broadcast_in_dim3A_1368] : memref<128x128xf32, #tpu.memory_space<vmem>>[vector<16xi32>, vector<16xi32>], vector<16xf32>,
        %mul3A_1370 = arith.mulf %gather3A_1369, %get3A_1318 : vector<16xf32>
        tpu.vector_store_idx %arg16[%add3A_101, %broadcast_in_dim3A_1368], %mul3A_1370 : memref<128x128xf32, #tpu.memory_space<vmem>>[vector<16xi32>, vector<16xi32>], vector<16xf32>,
        %broadcast_in_dim3A_1371 = arith.constant 109 : i32
        %broadcast_in_dim3A_1372 = vector.broadcast %broadcast_in_dim3A_1371 : i32 to vector<16xi32>
        %gather3A_1373 = tpu.vector_load_idx %arg15[%add3A_101, %broadcast_in_dim3A_1372] : memref<128x128xf32, #tpu.memory_space<vmem>>[vector<16xi32>, vector<16xi32>], vector<16xf32>,
        %mul3A_1374 = arith.mulf %gather3A_1373, %get3A_1318 : vector<16xf32>
        tpu.vector_store_idx %arg16[%add3A_101, %broadcast_in_dim3A_1372], %mul3A_1374 : memref<128x128xf32, #tpu.memory_space<vmem>>[vector<16xi32>, vector<16xi32>], vector<16xf32>,
        %broadcast_in_dim3A_1375 = arith.constant 110 : i32
        %broadcast_in_dim3A_1376 = vector.broadcast %broadcast_in_dim3A_1375 : i32 to vector<16xi32>
        %gather3A_1377 = tpu.vector_load_idx %arg15[%add3A_101, %broadcast_in_dim3A_1376] : memref<128x128xf32, #tpu.memory_space<vmem>>[vector<16xi32>, vector<16xi32>], vector<16xf32>,
        %mul3A_1378 = arith.mulf %gather3A_1377, %get3A_1318 : vector<16xf32>
        tpu.vector_store_idx %arg16[%add3A_101, %broadcast_in_dim3A_1376], %mul3A_1378 : memref<128x128xf32, #tpu.memory_space<vmem>>[vector<16xi32>, vector<16xi32>], vector<16xf32>,
        %broadcast_in_dim3A_1379 = arith.constant 111 : i32
        %broadcast_in_dim3A_1380 = vector.broadcast %broadcast_in_dim3A_1379 : i32 to vector<16xi32>
        %gather3A_1381 = tpu.vector_load_idx %arg15[%add3A_101, %broadcast_in_dim3A_1380] : memref<128x128xf32, #tpu.memory_space<vmem>>[vector<16xi32>, vector<16xi32>], vector<16xf32>,
        %mul3A_1382 = arith.mulf %gather3A_1381, %get3A_1318 : vector<16xf32>
        tpu.vector_store_idx %arg16[%add3A_101, %broadcast_in_dim3A_1380], %mul3A_1382 : memref<128x128xf32, #tpu.memory_space<vmem>>[vector<16xi32>, vector<16xi32>], vector<16xf32>,
        %broadcast_in_dim3A_1383 = arith.constant 112 : i32
        %broadcast_in_dim3A_1384 = vector.broadcast %broadcast_in_dim3A_1383 : i32 to vector<16xi32>
        %gather3A_1385 = tpu.vector_load_idx %arg15[%add3A_101, %broadcast_in_dim3A_1384] : memref<128x128xf32, #tpu.memory_space<vmem>>[vector<16xi32>, vector<16xi32>], vector<16xf32>,
        %mul3A_1386 = arith.mulf %gather3A_1385, %get3A_1318 : vector<16xf32>
        tpu.vector_store_idx %arg16[%add3A_101, %broadcast_in_dim3A_1384], %mul3A_1386 : memref<128x128xf32, #tpu.memory_space<vmem>>[vector<16xi32>, vector<16xi32>], vector<16xf32>,
        %broadcast_in_dim3A_1387 = arith.constant 113 : i32
        %broadcast_in_dim3A_1388 = vector.broadcast %broadcast_in_dim3A_1387 : i32 to vector<16xi32>
        %gather3A_1389 = tpu.vector_load_idx %arg15[%add3A_101, %broadcast_in_dim3A_1388] : memref<128x128xf32, #tpu.memory_space<vmem>>[vector<16xi32>, vector<16xi32>], vector<16xf32>,
        %mul3A_1390 = arith.mulf %gather3A_1389, %get3A_1318 : vector<16xf32>
        tpu.vector_store_idx %arg16[%add3A_101, %broadcast_in_dim3A_1388], %mul3A_1390 : memref<128x128xf32, #tpu.memory_space<vmem>>[vector<16xi32>, vector<16xi32>], vector<16xf32>,
        %broadcast_in_dim3A_1391 = arith.constant 114 : i32
        %broadcast_in_dim3A_1392 = vector.broadcast %broadcast_in_dim3A_1391 : i32 to vector<16xi32>
        %gather3A_1393 = tpu.vector_load_idx %arg15[%add3A_101, %broadcast_in_dim3A_1392] : memref<128x128xf32, #tpu.memory_space<vmem>>[vector<16xi32>, vector<16xi32>], vector<16xf32>,
        %mul3A_1394 = arith.mulf %gather3A_1393, %get3A_1318 : vector<16xf32>
        tpu.vector_store_idx %arg16[%add3A_101, %broadcast_in_dim3A_1392], %mul3A_1394 : memref<128x128xf32, #tpu.memory_space<vmem>>[vector<16xi32>, vector<16xi32>], vector<16xf32>,
        %broadcast_in_dim3A_1395 = arith.constant 115 : i32
        %broadcast_in_dim3A_1396 = vector.broadcast %broadcast_in_dim3A_1395 : i32 to vector<16xi32>
        %gather3A_1397 = tpu.vector_load_idx %arg15[%add3A_101, %broadcast_in_dim3A_1396] : memref<128x128xf32, #tpu.memory_space<vmem>>[vector<16xi32>, vector<16xi32>], vector<16xf32>,
        %mul3A_1398 = arith.mulf %gather3A_1397, %get3A_1318 : vector<16xf32>
        tpu.vector_store_idx %arg16[%add3A_101, %broadcast_in_dim3A_1396], %mul3A_1398 : memref<128x128xf32, #tpu.memory_space<vmem>>[vector<16xi32>, vector<16xi32>], vector<16xf32>,
        %broadcast_in_dim3A_1399 = arith.constant 116 : i32
        %broadcast_in_dim3A_1400 = vector.broadcast %broadcast_in_dim3A_1399 : i32 to vector<16xi32>
        %gather3A_1401 = tpu.vector_load_idx %arg15[%add3A_101, %broadcast_in_dim3A_1400] : memref<128x128xf32, #tpu.memory_space<vmem>>[vector<16xi32>, vector<16xi32>], vector<16xf32>,
        %mul3A_1402 = arith.mulf %gather3A_1401, %get3A_1318 : vector<16xf32>
        tpu.vector_store_idx %arg16[%add3A_101, %broadcast_in_dim3A_1400], %mul3A_1402 : memref<128x128xf32, #tpu.memory_space<vmem>>[vector<16xi32>, vector<16xi32>], vector<16xf32>,
        %broadcast_in_dim3A_1403 = arith.constant 117 : i32
        %broadcast_in_dim3A_1404 = vector.broadcast %broadcast_in_dim3A_1403 : i32 to vector<16xi32>
        %gather3A_1405 = tpu.vector_load_idx %arg15[%add3A_101, %broadcast_in_dim3A_1404] : memref<128x128xf32, #tpu.memory_space<vmem>>[vector<16xi32>, vector<16xi32>], vector<16xf32>,
        %mul3A_1406 = arith.mulf %gather3A_1405, %get3A_1318 : vector<16xf32>
        tpu.vector_store_idx %arg16[%add3A_101, %broadcast_in_dim3A_1404], %mul3A_1406 : memref<128x128xf32, #tpu.memory_space<vmem>>[vector<16xi32>, vector<16xi32>], vector<16xf32>,
        %broadcast_in_dim3A_1407 = arith.constant 118 : i32
        %broadcast_in_dim3A_1408 = vector.broadcast %broadcast_in_dim3A_1407 : i32 to vector<16xi32>
        %gather3A_1409 = tpu.vector_load_idx %arg15[%add3A_101, %broadcast_in_dim3A_1408] : memref<128x128xf32, #tpu.memory_space<vmem>>[vector<16xi32>, vector<16xi32>], vector<16xf32>,
        %mul3A_1410 = arith.mulf %gather3A_1409, %get3A_1318 : vector<16xf32>
        tpu.vector_store_idx %arg16[%add3A_101, %broadcast_in_dim3A_1408], %mul3A_1410 : memref<128x128xf32, #tpu.memory_space<vmem>>[vector<16xi32>, vector<16xi32>], vector<16xf32>,
        %broadcast_in_dim3A_1411 = arith.constant 119 : i32
        %broadcast_in_dim3A_1412 = vector.broadcast %broadcast_in_dim3A_1411 : i32 to vector<16xi32>
        %gather3A_1413 = tpu.vector_load_idx %arg15[%add3A_101, %broadcast_in_dim3A_1412] : memref<128x128xf32, #tpu.memory_space<vmem>>[vector<16xi32>, vector<16xi32>], vector<16xf32>,
        %mul3A_1414 = arith.mulf %gather3A_1413, %get3A_1318 : vector<16xf32>
        tpu.vector_store_idx %arg16[%add3A_101, %broadcast_in_dim3A_1412], %mul3A_1414 : memref<128x128xf32, #tpu.memory_space<vmem>>[vector<16xi32>, vector<16xi32>], vector<16xf32>,
        %broadcast_in_dim3A_1415 = arith.constant 120 : i32
        %broadcast_in_dim3A_1416 = vector.broadcast %broadcast_in_dim3A_1415 : i32 to vector<16xi32>
        %gather3A_1417 = tpu.vector_load_idx %arg15[%add3A_101, %broadcast_in_dim3A_1416] : memref<128x128xf32, #tpu.memory_space<vmem>>[vector<16xi32>, vector<16xi32>], vector<16xf32>,
        %mul3A_1418 = arith.mulf %gather3A_1417, %get3A_1318 : vector<16xf32>
        tpu.vector_store_idx %arg16[%add3A_101, %broadcast_in_dim3A_1416], %mul3A_1418 : memref<128x128xf32, #tpu.memory_space<vmem>>[vector<16xi32>, vector<16xi32>], vector<16xf32>,
        %broadcast_in_dim3A_1419 = arith.constant 121 : i32
        %broadcast_in_dim3A_1420 = vector.broadcast %broadcast_in_dim3A_1419 : i32 to vector<16xi32>
        %gather3A_1421 = tpu.vector_load_idx %arg15[%add3A_101, %broadcast_in_dim3A_1420] : memref<128x128xf32, #tpu.memory_space<vmem>>[vector<16xi32>, vector<16xi32>], vector<16xf32>,
        %mul3A_1422 = arith.mulf %gather3A_1421, %get3A_1318 : vector<16xf32>
        tpu.vector_store_idx %arg16[%add3A_101, %broadcast_in_dim3A_1420], %mul3A_1422 : memref<128x128xf32, #tpu.memory_space<vmem>>[vector<16xi32>, vector<16xi32>], vector<16xf32>,
        %broadcast_in_dim3A_1423 = arith.constant 122 : i32
        %broadcast_in_dim3A_1424 = vector.broadcast %broadcast_in_dim3A_1423 : i32 to vector<16xi32>
        %gather3A_1425 = tpu.vector_load_idx %arg15[%add3A_101, %broadcast_in_dim3A_1424] : memref<128x128xf32, #tpu.memory_space<vmem>>[vector<16xi32>, vector<16xi32>], vector<16xf32>,
        %mul3A_1426 = arith.mulf %gather3A_1425, %get3A_1318 : vector<16xf32>
        tpu.vector_store_idx %arg16[%add3A_101, %broadcast_in_dim3A_1424], %mul3A_1426 : memref<128x128xf32, #tpu.memory_space<vmem>>[vector<16xi32>, vector<16xi32>], vector<16xf32>,
        %broadcast_in_dim3A_1427 = arith.constant 123 : i32
        %broadcast_in_dim3A_1428 = vector.broadcast %broadcast_in_dim3A_1427 : i32 to vector<16xi32>
        %gather3A_1429 = tpu.vector_load_idx %arg15[%add3A_101, %broadcast_in_dim3A_1428] : memref<128x128xf32, #tpu.memory_space<vmem>>[vector<16xi32>, vector<16xi32>], vector<16xf32>,
        %mul3A_1430 = arith.mulf %gather3A_1429, %get3A_1318 : vector<16xf32>
        tpu.vector_store_idx %arg16[%add3A_101, %broadcast_in_dim3A_1428], %mul3A_1430 : memref<128x128xf32, #tpu.memory_space<vmem>>[vector<16xi32>, vector<16xi32>], vector<16xf32>,
        %broadcast_in_dim3A_1431 = arith.constant 124 : i32
        %broadcast_in_dim3A_1432 = vector.broadcast %broadcast_in_dim3A_1431 : i32 to vector<16xi32>
        %gather3A_1433 = tpu.vector_load_idx %arg15[%add3A_101, %broadcast_in_dim3A_1432] : memref<128x128xf32, #tpu.memory_space<vmem>>[vector<16xi32>, vector<16xi32>], vector<16xf32>,
        %mul3A_1434 = arith.mulf %gather3A_1433, %get3A_1318 : vector<16xf32>
        tpu.vector_store_idx %arg16[%add3A_101, %broadcast_in_dim3A_1432], %mul3A_1434 : memref<128x128xf32, #tpu.memory_space<vmem>>[vector<16xi32>, vector<16xi32>], vector<16xf32>,
        %broadcast_in_dim3A_1435 = arith.constant 125 : i32
        %broadcast_in_dim3A_1436 = vector.broadcast %broadcast_in_dim3A_1435 : i32 to vector<16xi32>
        %gather3A_1437 = tpu.vector_load_idx %arg15[%add3A_101, %broadcast_in_dim3A_1436] : memref<128x128xf32, #tpu.memory_space<vmem>>[vector<16xi32>, vector<16xi32>], vector<16xf32>,
        %mul3A_1438 = arith.mulf %gather3A_1437, %get3A_1318 : vector<16xf32>
        tpu.vector_store_idx %arg16[%add3A_101, %broadcast_in_dim3A_1436], %mul3A_1438 : memref<128x128xf32, #tpu.memory_space<vmem>>[vector<16xi32>, vector<16xi32>], vector<16xf32>,
        %broadcast_in_dim3A_1439 = arith.constant 126 : i32
        %broadcast_in_dim3A_1440 = vector.broadcast %broadcast_in_dim3A_1439 : i32 to vector<16xi32>
        %gather3A_1441 = tpu.vector_load_idx %arg15[%add3A_101, %broadcast_in_dim3A_1440] : memref<128x128xf32, #tpu.memory_space<vmem>>[vector<16xi32>, vector<16xi32>], vector<16xf32>,
        %mul3A_1442 = arith.mulf %gather3A_1441, %get3A_1318 : vector<16xf32>
        tpu.vector_store_idx %arg16[%add3A_101, %broadcast_in_dim3A_1440], %mul3A_1442 : memref<128x128xf32, #tpu.memory_space<vmem>>[vector<16xi32>, vector<16xi32>], vector<16xf32>,
        %broadcast_in_dim3A_1443 = arith.constant 127 : i32
        %broadcast_in_dim3A_1444 = vector.broadcast %broadcast_in_dim3A_1443 : i32 to vector<16xi32>
        %gather3A_1445 = tpu.vector_load_idx %arg15[%add3A_101, %broadcast_in_dim3A_1444] : memref<128x128xf32, #tpu.memory_space<vmem>>[vector<16xi32>, vector<16xi32>], vector<16xf32>,
        %mul3A_1446 = arith.mulf %gather3A_1445, %get3A_1318 : vector<16xf32>
        tpu.vector_store_idx %arg16[%add3A_101, %broadcast_in_dim3A_1444], %mul3A_1446 : memref<128x128xf32, #tpu.memory_space<vmem>>[vector<16xi32>, vector<16xi32>], vector<16xf32>,
        %add3A_1447 = arith.constant 3 : i32
        %add3A_1448 = vector.broadcast %add3A_1447 : i32 to vector<16xi32>
        %add3A_1449 = arith.addi %shift_left3A_901, %add3A_1448 : vector<16xi32>
        tpu.vector_store_idx %arg17[%add3A_101, %add3A_1449], %get3A_1318 : memref<128x128xf32, #tpu.memory_space<vmem>>[vector<16xi32>, vector<16xi32>], vector<16xf32>,
      }
      %scan3A_87 = arith.constant 8 : i32
      "tpu.region"() ({
        %run_scoped3A = tpu.sem_alloc : memref<!tpu.dma_semaphore, #tpu.memory_space<semaphore_mem>>
        %dma_start3A_93 = arith.constant 0 : i32
        %dma_start3A_94 = arith.constant 0 : i32
        %dma_start3A_95 = tpu.memref_slice %arg19[%dma_start3A_93, %dma_start3A_94] : memref<5120x128xf32, #tpu.memory_space<vmem_shared>> -> memref<5120x128xf32, #tpu.memory_space<vmem_shared>>
        tpu.enqueue_indirect_dma source(%arg16 : memref<128x128xf32, #tpu.memory_space<vmem>>) target(%dma_start3A_95 : memref<5120x128xf32, #tpu.memory_space<vmem_shared>>) offsets(%arg11 : memref<128xi32, #tpu.memory_space<vmem>>) semaphore(%run_scoped3A : memref<!tpu.dma_semaphore, #tpu.memory_space<semaphore_mem>>) {add = true}
        %dma_wait3A_96 = arith.constant 0 : i32
        %dma_wait3A_97 = arith.constant 0 : i32
        %dma_wait3A_98 = tpu.memref_slice %arg19[%dma_wait3A_96, %dma_wait3A_97] : memref<5120x128xf32, #tpu.memory_space<vmem_shared>> -> memref<5120x128xf32, #tpu.memory_space<vmem_shared>>
        tpu.wait_indirect_dma semaphore(%run_scoped3A : memref<!tpu.dma_semaphore, #tpu.memory_space<semaphore_mem>>) src(%arg16 : memref<128x128xf32, #tpu.memory_space<vmem>>) dst(%dma_wait3A_98 : memref<5120x128xf32, #tpu.memory_space<vmem_shared>>)
        tpu.yield
      }) : () -> ()
      "tpu.region"() ({
        %run_scoped3A = tpu.sem_alloc : memref<!tpu.dma_semaphore, #tpu.memory_space<semaphore_mem>>
        %dma_start3A_93 = arith.constant 0 : i32
        %dma_start3A_94 = arith.constant 0 : i32
        %dma_start3A_95 = tpu.memref_slice %arg20[%dma_start3A_93, %dma_start3A_94] : memref<640x128xf32, #tpu.memory_space<vmem_shared>> -> memref<640x128xf32, #tpu.memory_space<vmem_shared>>
        tpu.enqueue_indirect_dma source(%arg17 : memref<128x128xf32, #tpu.memory_space<vmem>>) target(%dma_start3A_95 : memref<640x128xf32, #tpu.memory_space<vmem_shared>>) offsets(%arg12 : memref<128xi32, #tpu.memory_space<vmem>>) semaphore(%run_scoped3A : memref<!tpu.dma_semaphore, #tpu.memory_space<semaphore_mem>>) {add = true}
        %dma_wait3A_96 = arith.constant 0 : i32
        %dma_wait3A_97 = arith.constant 0 : i32
        %dma_wait3A_98 = tpu.memref_slice %arg20[%dma_wait3A_96, %dma_wait3A_97] : memref<640x128xf32, #tpu.memory_space<vmem_shared>> -> memref<640x128xf32, #tpu.memory_space<vmem_shared>>
        tpu.wait_indirect_dma semaphore(%run_scoped3A : memref<!tpu.dma_semaphore, #tpu.memory_space<semaphore_mem>>) src(%arg17 : memref<128x128xf32, #tpu.memory_space<vmem>>) dst(%dma_wait3A_98 : memref<640x128xf32, #tpu.memory_space<vmem_shared>>)
        tpu.yield
      }) : () -> ()
      %scan3A_88 = arith.constant 0 : i32
      %scan3A_89 = arith.constant 8 : i32
      %scan3A_90 = arith.addi %scan3A_88, %scan3A_89 : i32
      %scan3A_91 = arith.constant 1 : i32
      scf.for %scan3A_93 = %scan3A_88 to %scan3A_90 step %scan3A_91  : i32 {
        %mul3A_94 = arith.constant 1 : i32
        %mul3A_95 = arith.muli %scan3A_93, %mul3A_94 : i32
        %add3A_96 = arith.constant 0 : i32
        %add3A_97 = arith.addi %add3A_96, %mul3A_95 : i32
        %mul3A_98 = arith.constant 16 : i32
        %mul3A_99 = arith.muli %add3A_97, %mul3A_98 : i32
        %add3A_100 = vector.broadcast %mul3A_99 : i32 to vector<16xi32>
        %add3A_101 = arith.addi %iota3A, %add3A_100 : vector<16xi32>
        %mul3A_102 = arith.constant 16 : i32
        %mul3A_103 = arith.muli %add3A_97, %mul3A_102 : i32
        %get3A = arith.index_cast %mul3A_103 : i32 to index
        %get3A_104 = tpu.vector_load %arg11[%get3A] {strides = array<i32>} : memref<128xi32, #tpu.memory_space<vmem>>, vector<16xi32>,
        %and3A = arith.constant 7 : i32
        %and3A_105 = vector.broadcast %and3A : i32 to vector<16xi32>
        %and3A_106 = arith.andi %get3A_104, %and3A_105 : vector<16xi32>
        %shift_left3A = arith.constant 4 : i32
        %shift_left3A_107 = vector.broadcast %shift_left3A : i32 to vector<16xi32>
        %shift_left3A_108 = arith.shli %and3A_106, %shift_left3A_107 : vector<16xi32>
        %add3A_109 = arith.constant 0 : i32
        %add3A_110 = vector.broadcast %add3A_109 : i32 to vector<16xi32>
        %add3A_111 = arith.addi %shift_left3A_108, %add3A_110 : vector<16xi32>
        tpu.vector_store_idx %arg17[%add3A_101, %add3A_111], %broadcast_in_dim3A_3 : memref<128x128xf32, #tpu.memory_space<vmem>>[vector<16xi32>, vector<16xi32>], vector<16xf32>,
        %add3A_112 = arith.constant 1 : i32
        %add3A_113 = vector.broadcast %add3A_112 : i32 to vector<16xi32>
        %add3A_114 = arith.addi %shift_left3A_108, %add3A_113 : vector<16xi32>
        tpu.vector_store_idx %arg17[%add3A_101, %add3A_114], %broadcast_in_dim3A_3 : memref<128x128xf32, #tpu.memory_space<vmem>>[vector<16xi32>, vector<16xi32>], vector<16xf32>,
        %add3A_115 = arith.constant 2 : i32
        %add3A_116 = vector.broadcast %add3A_115 : i32 to vector<16xi32>
        %add3A_117 = arith.addi %shift_left3A_108, %add3A_116 : vector<16xi32>
        tpu.vector_store_idx %arg17[%add3A_101, %add3A_117], %broadcast_in_dim3A_3 : memref<128x128xf32, #tpu.memory_space<vmem>>[vector<16xi32>, vector<16xi32>], vector<16xf32>,
        %add3A_118 = arith.constant 3 : i32
        %add3A_119 = vector.broadcast %add3A_118 : i32 to vector<16xi32>
        %add3A_120 = arith.addi %shift_left3A_108, %add3A_119 : vector<16xi32>
        tpu.vector_store_idx %arg17[%add3A_101, %add3A_120], %broadcast_in_dim3A_3 : memref<128x128xf32, #tpu.memory_space<vmem>>[vector<16xi32>, vector<16xi32>], vector<16xf32>,
      }
      %scan3A_92 = arith.constant 8 : i32
    }
    %scan3A_28 = arith.constant 83 : i32
    %barrier3A_29 = arith.constant 0 : index
    tpu.barrier barrier_id(%barrier3A_29)
    %mul3A_30 = arith.constant 320 : i32
    %mul3A_31 = arith.muli %arg1, %mul3A_30 : i32
    %mul3A_32 = arith.constant 320 : i32
    %mul3A_33 = arith.muli %arg1, %mul3A_32 : i32
    "tpu.region"() ({
      %run_scoped3A = tpu.sem_alloc : memref<!tpu.dma_semaphore, #tpu.memory_space<semaphore_mem>>
      %dma_start3A = arith.constant 0 : i32
      %dma_start3A_54 = arith.constant 0 : i32
      %dma_start3A_55 = tpu.memref_slice %arg6[%arg0, %dma_start3A, %dma_start3A_54] : memref<2x5120x128xf32, #tpu.memory_space<hbm>> -> memref<1x5120x128xf32, #tpu.memory_space<hbm>>
      %dma_start3A_56 = tpu.memref_squeeze %dma_start3A_55 : memref<1x5120x128xf32, #tpu.memory_space<hbm>> -> memref<5120x128xf32, #tpu.memory_space<hbm>>
      %dma_start3A_57 = arith.constant 0 : i32
      %dma_start3A_58 = tpu.memref_slice %dma_start3A_56[%mul3A_33, %dma_start3A_57] : memref<5120x128xf32, #tpu.memory_space<hbm>> -> memref<128x128xf32, #tpu.memory_space<hbm>>
      %dma_start3A_59 = arith.constant 0 : i32
      %dma_start3A_60 = tpu.memref_slice %arg19[%mul3A_31, %dma_start3A_59] : memref<5120x128xf32, #tpu.memory_space<vmem_shared>> -> memref<128x128xf32, #tpu.memory_space<vmem_shared>>
      tpu.enqueue_dma source(%dma_start3A_60 : memref<128x128xf32, #tpu.memory_space<vmem_shared>>) target(%dma_start3A_58 : memref<128x128xf32, #tpu.memory_space<hbm>>) target_semaphore(%run_scoped3A : memref<!tpu.dma_semaphore, #tpu.memory_space<semaphore_mem>>)
      %dma_wait3A = arith.constant 0 : i32
      %dma_wait3A_61 = arith.constant 0 : i32
      %dma_wait3A_62 = tpu.memref_slice %arg6[%arg0, %dma_wait3A, %dma_wait3A_61] : memref<2x5120x128xf32, #tpu.memory_space<hbm>> -> memref<1x5120x128xf32, #tpu.memory_space<hbm>>
      %dma_wait3A_63 = tpu.memref_squeeze %dma_wait3A_62 : memref<1x5120x128xf32, #tpu.memory_space<hbm>> -> memref<5120x128xf32, #tpu.memory_space<hbm>>
      %dma_wait3A_64 = arith.constant 0 : i32
      %dma_wait3A_65 = tpu.memref_slice %dma_wait3A_63[%mul3A_33, %dma_wait3A_64] : memref<5120x128xf32, #tpu.memory_space<hbm>> -> memref<128x128xf32, #tpu.memory_space<hbm>>
      %dma_wait3A_66 = arith.constant 0 : i32
      %dma_wait3A_67 = tpu.memref_slice %arg19[%mul3A_31, %dma_wait3A_66] : memref<5120x128xf32, #tpu.memory_space<vmem_shared>> -> memref<128x128xf32, #tpu.memory_space<vmem_shared>>
      tpu.wait_dma2 semaphore(%run_scoped3A : memref<!tpu.dma_semaphore, #tpu.memory_space<semaphore_mem>>) src(%dma_wait3A_67 : memref<128x128xf32, #tpu.memory_space<vmem_shared>>) dst(%dma_wait3A_65 : memref<128x128xf32, #tpu.memory_space<hbm>>)
      tpu.yield
    }) : () -> ()
    %mul3A_34 = arith.constant 320 : i32
    %mul3A_35 = arith.muli %arg1, %mul3A_34 : i32
    %add3A_36 = arith.constant 128 : i32
    %add3A_37 = arith.addi %mul3A_35, %add3A_36 : i32
    %mul3A_38 = arith.constant 320 : i32
    %mul3A_39 = arith.muli %arg1, %mul3A_38 : i32
    %add3A_40 = arith.constant 128 : i32
    %add3A_41 = arith.addi %mul3A_39, %add3A_40 : i32
    "tpu.region"() ({
      %run_scoped3A = tpu.sem_alloc : memref<!tpu.dma_semaphore, #tpu.memory_space<semaphore_mem>>
      %dma_start3A = arith.constant 0 : i32
      %dma_start3A_54 = arith.constant 0 : i32
      %dma_start3A_55 = tpu.memref_slice %arg6[%arg0, %dma_start3A, %dma_start3A_54] : memref<2x5120x128xf32, #tpu.memory_space<hbm>> -> memref<1x5120x128xf32, #tpu.memory_space<hbm>>
      %dma_start3A_56 = tpu.memref_squeeze %dma_start3A_55 : memref<1x5120x128xf32, #tpu.memory_space<hbm>> -> memref<5120x128xf32, #tpu.memory_space<hbm>>
      %dma_start3A_57 = arith.constant 0 : i32
      %dma_start3A_58 = tpu.memref_slice %dma_start3A_56[%add3A_41, %dma_start3A_57] : memref<5120x128xf32, #tpu.memory_space<hbm>> -> memref<128x128xf32, #tpu.memory_space<hbm>>
      %dma_start3A_59 = arith.constant 0 : i32
      %dma_start3A_60 = tpu.memref_slice %arg19[%add3A_37, %dma_start3A_59] : memref<5120x128xf32, #tpu.memory_space<vmem_shared>> -> memref<128x128xf32, #tpu.memory_space<vmem_shared>>
      tpu.enqueue_dma source(%dma_start3A_60 : memref<128x128xf32, #tpu.memory_space<vmem_shared>>) target(%dma_start3A_58 : memref<128x128xf32, #tpu.memory_space<hbm>>) target_semaphore(%run_scoped3A : memref<!tpu.dma_semaphore, #tpu.memory_space<semaphore_mem>>)
      %dma_wait3A = arith.constant 0 : i32
      %dma_wait3A_61 = arith.constant 0 : i32
      %dma_wait3A_62 = tpu.memref_slice %arg6[%arg0, %dma_wait3A, %dma_wait3A_61] : memref<2x5120x128xf32, #tpu.memory_space<hbm>> -> memref<1x5120x128xf32, #tpu.memory_space<hbm>>
      %dma_wait3A_63 = tpu.memref_squeeze %dma_wait3A_62 : memref<1x5120x128xf32, #tpu.memory_space<hbm>> -> memref<5120x128xf32, #tpu.memory_space<hbm>>
      %dma_wait3A_64 = arith.constant 0 : i32
      %dma_wait3A_65 = tpu.memref_slice %dma_wait3A_63[%add3A_41, %dma_wait3A_64] : memref<5120x128xf32, #tpu.memory_space<hbm>> -> memref<128x128xf32, #tpu.memory_space<hbm>>
      %dma_wait3A_66 = arith.constant 0 : i32
      %dma_wait3A_67 = tpu.memref_slice %arg19[%add3A_37, %dma_wait3A_66] : memref<5120x128xf32, #tpu.memory_space<vmem_shared>> -> memref<128x128xf32, #tpu.memory_space<vmem_shared>>
      tpu.wait_dma2 semaphore(%run_scoped3A : memref<!tpu.dma_semaphore, #tpu.memory_space<semaphore_mem>>) src(%dma_wait3A_67 : memref<128x128xf32, #tpu.memory_space<vmem_shared>>) dst(%dma_wait3A_65 : memref<128x128xf32, #tpu.memory_space<hbm>>)
      tpu.yield
    }) : () -> ()
    %mul3A_42 = arith.constant 320 : i32
    %mul3A_43 = arith.muli %arg1, %mul3A_42 : i32
    %add3A_44 = arith.constant 256 : i32
    %add3A_45 = arith.addi %mul3A_43, %add3A_44 : i32
    %mul3A_46 = arith.constant 320 : i32
    %mul3A_47 = arith.muli %arg1, %mul3A_46 : i32
    %add3A_48 = arith.constant 256 : i32
    %add3A_49 = arith.addi %mul3A_47, %add3A_48 : i32
    "tpu.region"() ({
      %run_scoped3A = tpu.sem_alloc : memref<!tpu.dma_semaphore, #tpu.memory_space<semaphore_mem>>
      %dma_start3A = arith.constant 0 : i32
      %dma_start3A_54 = arith.constant 0 : i32
      %dma_start3A_55 = tpu.memref_slice %arg6[%arg0, %dma_start3A, %dma_start3A_54] : memref<2x5120x128xf32, #tpu.memory_space<hbm>> -> memref<1x5120x128xf32, #tpu.memory_space<hbm>>
      %dma_start3A_56 = tpu.memref_squeeze %dma_start3A_55 : memref<1x5120x128xf32, #tpu.memory_space<hbm>> -> memref<5120x128xf32, #tpu.memory_space<hbm>>
      %dma_start3A_57 = arith.constant 0 : i32
      %dma_start3A_58 = tpu.memref_slice %dma_start3A_56[%add3A_49, %dma_start3A_57] : memref<5120x128xf32, #tpu.memory_space<hbm>> -> memref<64x128xf32, #tpu.memory_space<hbm>>
      %dma_start3A_59 = arith.constant 0 : i32
      %dma_start3A_60 = tpu.memref_slice %arg19[%add3A_45, %dma_start3A_59] : memref<5120x128xf32, #tpu.memory_space<vmem_shared>> -> memref<64x128xf32, #tpu.memory_space<vmem_shared>>
      tpu.enqueue_dma source(%dma_start3A_60 : memref<64x128xf32, #tpu.memory_space<vmem_shared>>) target(%dma_start3A_58 : memref<64x128xf32, #tpu.memory_space<hbm>>) target_semaphore(%run_scoped3A : memref<!tpu.dma_semaphore, #tpu.memory_space<semaphore_mem>>)
      %dma_wait3A = arith.constant 0 : i32
      %dma_wait3A_61 = arith.constant 0 : i32
      %dma_wait3A_62 = tpu.memref_slice %arg6[%arg0, %dma_wait3A, %dma_wait3A_61] : memref<2x5120x128xf32, #tpu.memory_space<hbm>> -> memref<1x5120x128xf32, #tpu.memory_space<hbm>>
      %dma_wait3A_63 = tpu.memref_squeeze %dma_wait3A_62 : memref<1x5120x128xf32, #tpu.memory_space<hbm>> -> memref<5120x128xf32, #tpu.memory_space<hbm>>
      %dma_wait3A_64 = arith.constant 0 : i32
      %dma_wait3A_65 = tpu.memref_slice %dma_wait3A_63[%add3A_49, %dma_wait3A_64] : memref<5120x128xf32, #tpu.memory_space<hbm>> -> memref<64x128xf32, #tpu.memory_space<hbm>>
      %dma_wait3A_66 = arith.constant 0 : i32
      %dma_wait3A_67 = tpu.memref_slice %arg19[%add3A_45, %dma_wait3A_66] : memref<5120x128xf32, #tpu.memory_space<vmem_shared>> -> memref<64x128xf32, #tpu.memory_space<vmem_shared>>
      tpu.wait_dma2 semaphore(%run_scoped3A : memref<!tpu.dma_semaphore, #tpu.memory_space<semaphore_mem>>) src(%dma_wait3A_67 : memref<64x128xf32, #tpu.memory_space<vmem_shared>>) dst(%dma_wait3A_65 : memref<64x128xf32, #tpu.memory_space<hbm>>)
      tpu.yield
    }) : () -> ()
    %mul3A_50 = arith.constant 40 : i32
    %mul3A_51 = arith.muli %arg1, %mul3A_50 : i32
    %mul3A_52 = arith.constant 40 : i32
    %mul3A_53 = arith.muli %arg1, %mul3A_52 : i32
    "tpu.region"() ({
      %run_scoped3A = tpu.sem_alloc : memref<!tpu.dma_semaphore, #tpu.memory_space<semaphore_mem>>
      %dma_start3A = arith.constant 0 : i32
      %dma_start3A_54 = arith.constant 0 : i32
      %dma_start3A_55 = tpu.memref_slice %arg7[%arg0, %dma_start3A, %dma_start3A_54] : memref<2x640x128xf32, #tpu.memory_space<hbm>> -> memref<1x640x128xf32, #tpu.memory_space<hbm>>
      %dma_start3A_56 = tpu.memref_squeeze %dma_start3A_55 : memref<1x640x128xf32, #tpu.memory_space<hbm>> -> memref<640x128xf32, #tpu.memory_space<hbm>>
      %dma_start3A_57 = arith.constant 0 : i32
      %dma_start3A_58 = tpu.memref_slice %dma_start3A_56[%mul3A_53, %dma_start3A_57] : memref<640x128xf32, #tpu.memory_space<hbm>> -> memref<40x128xf32, #tpu.memory_space<hbm>>
      %dma_start3A_59 = arith.constant 0 : i32
      %dma_start3A_60 = tpu.memref_slice %arg20[%mul3A_51, %dma_start3A_59] : memref<640x128xf32, #tpu.memory_space<vmem_shared>> -> memref<40x128xf32, #tpu.memory_space<vmem_shared>>
      tpu.enqueue_dma source(%dma_start3A_60 : memref<40x128xf32, #tpu.memory_space<vmem_shared>>) target(%dma_start3A_58 : memref<40x128xf32, #tpu.memory_space<hbm>>) target_semaphore(%run_scoped3A : memref<!tpu.dma_semaphore, #tpu.memory_space<semaphore_mem>>)
      %dma_wait3A = arith.constant 0 : i32
      %dma_wait3A_61 = arith.constant 0 : i32
      %dma_wait3A_62 = tpu.memref_slice %arg7[%arg0, %dma_wait3A, %dma_wait3A_61] : memref<2x640x128xf32, #tpu.memory_space<hbm>> -> memref<1x640x128xf32, #tpu.memory_space<hbm>>
      %dma_wait3A_63 = tpu.memref_squeeze %dma_wait3A_62 : memref<1x640x128xf32, #tpu.memory_space<hbm>> -> memref<640x128xf32, #tpu.memory_space<hbm>>
      %dma_wait3A_64 = arith.constant 0 : i32
      %dma_wait3A_65 = tpu.memref_slice %dma_wait3A_63[%mul3A_53, %dma_wait3A_64] : memref<640x128xf32, #tpu.memory_space<hbm>> -> memref<40x128xf32, #tpu.memory_space<hbm>>
      %dma_wait3A_66 = arith.constant 0 : i32
      %dma_wait3A_67 = tpu.memref_slice %arg20[%mul3A_51, %dma_wait3A_66] : memref<640x128xf32, #tpu.memory_space<vmem_shared>> -> memref<40x128xf32, #tpu.memory_space<vmem_shared>>
      tpu.wait_dma2 semaphore(%run_scoped3A : memref<!tpu.dma_semaphore, #tpu.memory_space<semaphore_mem>>) src(%dma_wait3A_67 : memref<40x128xf32, #tpu.memory_space<vmem_shared>>) dst(%dma_wait3A_65 : memref<40x128xf32, #tpu.memory_space<hbm>>)
      tpu.yield
    }) : () -> ()
    return
  }
}

module attributes {stable_mosaic.version = 14 : i64} {
  func.func @_qkv_body(%arg0: i32, %arg1: memref<1000x128xf32, #tpu.memory_space<vmem>>, %arg2: memref<128x384xf32, #tpu.memory_space<vmem>>, %arg3: memref<1000x128xf32, #tpu.memory_space<vmem>>, %arg4: memref<1000x128xf32, #tpu.memory_space<vmem>>, %arg5: memref<1000x128xf32, #tpu.memory_space<vmem>>) attributes {dimension_semantics = [#tpu.dimension_semantics<arbitrary>], iteration_bounds = array<i64: 10>, scalar_prefetch = 0 : i64, scratch_operands = 0 : i64, tpu.core_type = #tpu.core_type<tc>, window_params = [{transform_indices = @transform_0, window_bounds = array<i64: 1000, 128>}, {pipeline_mode = #tpu.pipeline_mode<synchronous>, transform_indices = @transform_1, window_bounds = array<i64: 128, 384>}, {transform_indices = @transform_2, window_bounds = array<i64: 1000, 128>}, {transform_indices = @transform_3, window_bounds = array<i64: 1000, 128>}, {transform_indices = @transform_4, window_bounds = array<i64: 1000, 128>}]} {
    %get3A = arith.constant 0 : index
    %get3A_0 = arith.constant 0 : index
    %get3A_1 = vector.load %arg1[%get3A, %get3A_0] : memref<1000x128xf32, #tpu.memory_space<vmem>>, vector<1000x128xf32>
    %get3A_2 = arith.constant 0 : index
    %get3A_3 = arith.constant 0 : index
    %get3A_4 = vector.load %arg2[%get3A_2, %get3A_3] : memref<128x384xf32, #tpu.memory_space<vmem>>, vector<128x384xf32>
    %dot_general3A = arith.constant dense<0.000000e+00> : vector<1000x384xf32>
    %dot_general3A_5 = tpu.matmul %get3A_1, %get3A_4, %dot_general3A {dimension_numbers = #tpu.dot_dimension_numbers<[1], [0], [0], [1], [0, 0, 1, 1], [], []>, transpose_lhs_hint = false} : vector<1000x128xf32>, vector<128x384xf32>, vector<1000x384xf32> -> vector<1000x384xf32>
    %slice3A = vector.extract_strided_slice %dot_general3A_5 {offsets = [0, 0], sizes = [1000, 128], strides = [1, 1]} : vector<1000x384xf32> to vector<1000x128xf32>
    %swap3A = arith.constant 0 : index
    %swap3A_6 = arith.constant 0 : index
    %swap3A_7 = vector.load %arg3[%swap3A, %swap3A_6] : memref<1000x128xf32, #tpu.memory_space<vmem>>, vector<1000x128xf32>
    tpu.vector_store %arg3[%swap3A, %swap3A_6], %slice3A {strides = array<i32>} : memref<1000x128xf32, #tpu.memory_space<vmem>>, vector<1000x128xf32>,
    %slice3A_8 = vector.extract_strided_slice %dot_general3A_5 {offsets = [0, 128], sizes = [1000, 128], strides = [1, 1]} : vector<1000x384xf32> to vector<1000x128xf32>
    %swap3A_9 = arith.constant 0 : index
    %swap3A_10 = arith.constant 0 : index
    %swap3A_11 = vector.load %arg4[%swap3A_9, %swap3A_10] : memref<1000x128xf32, #tpu.memory_space<vmem>>, vector<1000x128xf32>
    tpu.vector_store %arg4[%swap3A_9, %swap3A_10], %slice3A_8 {strides = array<i32>} : memref<1000x128xf32, #tpu.memory_space<vmem>>, vector<1000x128xf32>,
    %slice3A_12 = vector.extract_strided_slice %dot_general3A_5 {offsets = [0, 256], sizes = [1000, 128], strides = [1, 1]} : vector<1000x384xf32> to vector<1000x128xf32>
    %swap3A_13 = arith.constant 0 : index
    %swap3A_14 = arith.constant 0 : index
    %swap3A_15 = vector.load %arg5[%swap3A_13, %swap3A_14] : memref<1000x128xf32, #tpu.memory_space<vmem>>, vector<1000x128xf32>
    tpu.vector_store %arg5[%swap3A_13, %swap3A_14], %slice3A_12 {strides = array<i32>} : memref<1000x128xf32, #tpu.memory_space<vmem>>, vector<1000x128xf32>,
    return
  }
  func.func @transform_0(%arg0: i32) -> (i32, i32) {
    %c0_i32 = arith.constant 0 : i32
    %c0_i32_0 = arith.constant 0 : i32
    return %arg0, %c0_i32 : i32, i32
  }
  func.func @transform_1(%arg0: i32) -> (i32, i32) {
    %c0_i32 = arith.constant 0 : i32
    %c0_i32_0 = arith.constant 0 : i32
    %c0_i32_1 = arith.constant 0 : i32
    return %c0_i32, %c0_i32_0 : i32, i32
  }
  func.func @transform_2(%arg0: i32) -> (i32, i32) {
    %c0_i32 = arith.constant 0 : i32
    %c0_i32_0 = arith.constant 0 : i32
    return %arg0, %c0_i32 : i32, i32
  }
  func.func @transform_3(%arg0: i32) -> (i32, i32) {
    %c0_i32 = arith.constant 0 : i32
    %c0_i32_0 = arith.constant 0 : i32
    return %arg0, %c0_i32 : i32, i32
  }
  func.func @transform_4(%arg0: i32) -> (i32, i32) {
    %c0_i32 = arith.constant 0 : i32
    %c0_i32_0 = arith.constant 0 : i32
    return %arg0, %c0_i32 : i32, i32
  }
}

module attributes {stable_mosaic.version = 14 : i64} {
  func.func @_combine_body(%arg0: i32, %arg1: memref<1000x128xf32, #tpu.memory_space<vmem>>, %arg2: memref<1000x4xf32, #tpu.memory_space<vmem>>, %arg3: memref<1000x128xf32, #tpu.memory_space<vmem>>) attributes {dimension_semantics = [#tpu.dimension_semantics<arbitrary>], iteration_bounds = array<i64: 10>, scalar_prefetch = 0 : i64, scratch_operands = 0 : i64, tpu.core_type = #tpu.core_type<tc>, window_params = [{transform_indices = @transform_0, window_bounds = array<i64: 1000, 128>}, {transform_indices = @transform_1, window_bounds = array<i64: 1000, 4>}, {transform_indices = @transform_2, window_bounds = array<i64: 1000, 128>}]} {
    %get3A = arith.constant 0 : index
    %get3A_0 = arith.constant 0 : index
    %get3A_1 = vector.load %arg1[%get3A, %get3A_0] : memref<1000x128xf32, #tpu.memory_space<vmem>>, vector<1000x128xf32>
    %get3A_2 = arith.constant 0 : index
    %get3A_3 = arith.constant 0 : index
    %get3A_4 = vector.load %arg2[%get3A_2, %get3A_3] : memref<1000x4xf32, #tpu.memory_space<vmem>>, vector<1000x4xf32>
    %slice3A = vector.extract_strided_slice %get3A_1 {offsets = [0, 0], sizes = [1000, 32], strides = [1, 1]} : vector<1000x128xf32> to vector<1000x32xf32>
    %slice3A_5 = vector.extract_strided_slice %get3A_4 {offsets = [0, 0], sizes = [1000, 1], strides = [1, 1]} : vector<1000x4xf32> to vector<1000x1xf32>
    %add3A = arith.constant 1.000000e-16 : f32
    %add3A_6 = vector.broadcast %add3A : f32 to vector<1000x1xf32>
    %add3A_7 = arith.addf %slice3A_5, %add3A_6 : vector<1000x1xf32>
    %div3A = vector.broadcast %add3A_7 : vector<1000x1xf32> to vector<1000x32xf32>
    %div3A_8 = arith.divf %slice3A, %div3A : vector<1000x32xf32>
    %swap3A = arith.constant 0 : index
    %swap3A_9 = arith.constant 0 : index
    %swap3A_10 = vector.load %arg3[%swap3A, %swap3A_9] : memref<1000x128xf32, #tpu.memory_space<vmem>>, vector<1000x32xf32>
    tpu.vector_store %arg3[%swap3A, %swap3A_9], %div3A_8 {strides = array<i32>} : memref<1000x128xf32, #tpu.memory_space<vmem>>, vector<1000x32xf32>,
    %slice3A_11 = vector.extract_strided_slice %get3A_1 {offsets = [0, 32], sizes = [1000, 32], strides = [1, 1]} : vector<1000x128xf32> to vector<1000x32xf32>
    %slice3A_12 = vector.extract_strided_slice %get3A_4 {offsets = [0, 1], sizes = [1000, 1], strides = [1, 1]} : vector<1000x4xf32> to vector<1000x1xf32>
    %add3A_13 = arith.constant 1.000000e-16 : f32
    %add3A_14 = vector.broadcast %add3A_13 : f32 to vector<1000x1xf32>
    %add3A_15 = arith.addf %slice3A_12, %add3A_14 : vector<1000x1xf32>
    %div3A_16 = vector.broadcast %add3A_15 : vector<1000x1xf32> to vector<1000x32xf32>
    %div3A_17 = arith.divf %slice3A_11, %div3A_16 : vector<1000x32xf32>
    %swap3A_18 = arith.constant 0 : index
    %swap3A_19 = arith.constant 32 : index
    %swap3A_20 = vector.load %arg3[%swap3A_18, %swap3A_19] : memref<1000x128xf32, #tpu.memory_space<vmem>>, vector<1000x32xf32>
    tpu.vector_store %arg3[%swap3A_18, %swap3A_19], %div3A_17 {strides = array<i32>} : memref<1000x128xf32, #tpu.memory_space<vmem>>, vector<1000x32xf32>,
    %slice3A_21 = vector.extract_strided_slice %get3A_1 {offsets = [0, 64], sizes = [1000, 32], strides = [1, 1]} : vector<1000x128xf32> to vector<1000x32xf32>
    %slice3A_22 = vector.extract_strided_slice %get3A_4 {offsets = [0, 2], sizes = [1000, 1], strides = [1, 1]} : vector<1000x4xf32> to vector<1000x1xf32>
    %add3A_23 = arith.constant 1.000000e-16 : f32
    %add3A_24 = vector.broadcast %add3A_23 : f32 to vector<1000x1xf32>
    %add3A_25 = arith.addf %slice3A_22, %add3A_24 : vector<1000x1xf32>
    %div3A_26 = vector.broadcast %add3A_25 : vector<1000x1xf32> to vector<1000x32xf32>
    %div3A_27 = arith.divf %slice3A_21, %div3A_26 : vector<1000x32xf32>
    %swap3A_28 = arith.constant 0 : index
    %swap3A_29 = arith.constant 64 : index
    %swap3A_30 = vector.load %arg3[%swap3A_28, %swap3A_29] : memref<1000x128xf32, #tpu.memory_space<vmem>>, vector<1000x32xf32>
    tpu.vector_store %arg3[%swap3A_28, %swap3A_29], %div3A_27 {strides = array<i32>} : memref<1000x128xf32, #tpu.memory_space<vmem>>, vector<1000x32xf32>,
    %slice3A_31 = vector.extract_strided_slice %get3A_1 {offsets = [0, 96], sizes = [1000, 32], strides = [1, 1]} : vector<1000x128xf32> to vector<1000x32xf32>
    %slice3A_32 = vector.extract_strided_slice %get3A_4 {offsets = [0, 3], sizes = [1000, 1], strides = [1, 1]} : vector<1000x4xf32> to vector<1000x1xf32>
    %add3A_33 = arith.constant 1.000000e-16 : f32
    %add3A_34 = vector.broadcast %add3A_33 : f32 to vector<1000x1xf32>
    %add3A_35 = arith.addf %slice3A_32, %add3A_34 : vector<1000x1xf32>
    %div3A_36 = vector.broadcast %add3A_35 : vector<1000x1xf32> to vector<1000x32xf32>
    %div3A_37 = arith.divf %slice3A_31, %div3A_36 : vector<1000x32xf32>
    %swap3A_38 = arith.constant 0 : index
    %swap3A_39 = arith.constant 96 : index
    %swap3A_40 = vector.load %arg3[%swap3A_38, %swap3A_39] : memref<1000x128xf32, #tpu.memory_space<vmem>>, vector<1000x32xf32>
    tpu.vector_store %arg3[%swap3A_38, %swap3A_39], %div3A_37 {strides = array<i32>} : memref<1000x128xf32, #tpu.memory_space<vmem>>, vector<1000x32xf32>,
    return
  }
  func.func @transform_0(%arg0: i32) -> (i32, i32) {
    %c0_i32 = arith.constant 0 : i32
    %c0_i32_0 = arith.constant 0 : i32
    return %arg0, %c0_i32 : i32, i32
  }
  func.func @transform_1(%arg0: i32) -> (i32, i32) {
    %c0_i32 = arith.constant 0 : i32
    %c0_i32_0 = arith.constant 0 : i32
    return %arg0, %c0_i32 : i32, i32
  }
  func.func @transform_2(%arg0: i32) -> (i32, i32) {
    %c0_i32 = arith.constant 0 : i32
    %c0_i32_0 = arith.constant 0 : i32
    return %arg0, %c0_i32 : i32, i32
  }
}

</mosaic_0001>

<sc_bundles>
// kernel: kernel.5.cloned.1.call-start
scs
__scs_entry_jumppad:
0x0: {  	(pc) =	sbr.rel $0x88, $3  }
0x1: {  	(tag) =	ssettag $0x0;
	lr =	simm.s32 $0x1  }
0x2: {  	[smem:$0x3F9C] =	sst lr;
	_ =	strace $0xD0000000  }
0x3: {  	_ = 	snop  }
0x4: {  	_ = 	snop  }
0x5: {  	_ = 	snop  }
0x6: {  	_ = 	snop  }
0x7: {  	_ = 	snop  }
__scs_overlays_trampoline_lowered:
0x8: {  	[smem:$0x3FAB] =	sst s0  }
0x9: {  	[smem:$0x3FAC] =	sst s1  }
0xa: {  	[smem:$0x3FAD] =	sst s2  }
0xb: {  	[smem:$0x3FAE] =	sst s3  }
0xc: {  	[smem:$0x3FAF] =	sst s4  }
0xd: {  	[smem:$0x3FB0] =	sst s5  }
0xe: {  	[smem:$0x3FB1] =	sst s6  }
0xf: {  	[smem:$0x3FB2] =	sst s7  }
0x10: {  	[smem:$0x3FB3] =	sst s8  }
0x11: {  	[smem:$0x3FB4] =	sst s9;
	s0 =	simm.s32 @!p0 $0x0  }
0x12: {  	s1 =	sld [smem:$0x3F9A];
	s0 =	simm.s32 @p0 $0x1  }
0x13: {  	[smem:$0x3FB5] =	sst s0;
	s0 =	simm.s32 @!p1 $0x0  }
0x14: {  	s2 =	sld [smem:$0x3F99];
	s0 =	simm.s32 @p1 $0x1  }
0x15: {  	[smem:$0x3FB6] =	sst s0;
	s0 =	simm.s32 @!p2 $0x0  }
0x16: {  	s3 =	sld [smem:$0x3FDB];
	s0 =	simm.s32 @p2 $0x1  }
0x17: {  	s4 =	simm.s32 $0x1BF5;
	[smem:$0x3FB8] =	sst s0  }
0x18: {  	s0 =	sld [smem:$0x3F9B];
	_ =	swait.ge [sflag:s4], $0x0  }
0x19: {  	s7 =	sld [smem:$0x3F9C]  }
0x1a: {  	s8 =	sadd.s32 $0xFFFFE003, lr  }
0x1b: {  	s9 =	sadd.s32 $0xFFFFFEF7, lr;
	s5 =	simm.s32 $0xFFFFFFFF;
	p2 =	slt.u32 s8, $0xFFFFF086  }
0x1c: {  	p1 =	slt.u32 s9, $0xF7A;
	s5 =	simm.s32 @!p2 $0x0  }
0x1d: {  	s5 =	simm.s32 @p1 $0x1;
	p0 =	seq.s32 s7, s2  }
0x1e: {  	s7 =	smul.u32 @!p0 $0xF7A, s2;
	p2 =	seq.s32 @!p0 s5, $0x0  }
0x1f: {  	s9 =	smul.u32 $0xF7A, s1;
	s8 =	simm.s32 @!p0 $0x1BF5;
	p2 =	por !p2, p0  }
0x20: {  	[sflag:s8] =	ssyncset.s32 @!p0 $0xFFFFF086;
	s6 =	sadd.s32 @!p0 s3, s7;
	s7 =	simm.s32 @!p0 $0x108  }
0x21: {  	s3 =	sadd.s32 s3, s9;
	s6 =	sadd.s32 @!p0 $0x88, s6;
	s7 =	simm.s32 @p2 $0x1082  }
0x22: {  	[simem:s7], [sflag:s8] =	dma.local @!p0 [hbm:s6], $0xF7A  }
0x23: {  	s9 =	sor.u32 $0xD0000000, s2;
	s6 =	simm.s32 $0x108;
	_ =	swait.ge @!p0 [sflag:s8], $0x0  }
0x24: {  	s3 =	sadd.s32 $0x88, s3;
	s6 =	simm.s32 @!p1 $0x1082;
	[sflag:s4] =	ssyncset.s32 $0xFFFFF086  }
0x25: {  	[simem:s6], [sflag:s4] =	dma.local [hbm:s3], $0xF7A  }
0x26: {  	[smem:$0x3F9C] =	sst s1;
	(tag) =	ssettag s2;
	_ =	strace s9  }
0x27: {  	s1 =	sld [smem:$0x3FAC]  }
0x28: {  	s2 =	sld [smem:$0x3FAD]  }
0x29: {  	s4 =	sld [smem:$0x3FAF]  }
0x2a: {  	p0 =	seq.s32 s5, $0x0;
	s5 =	sld [smem:$0x3FB0]  }
0x2b: {  	s6 =	sld [smem:$0x3FB1]  }
0x2c: {  	s7 =	sld [smem:$0x3FB2]  }
0x2d: {  	s3 =	simm.s32 $0x108;
	s8 =	sld [smem:$0x3FB3]  }
0x2e: {  	s3 =	simm.s32 @!p0 $0x1082;
	s9 =	sld [smem:$0x3FB4]  }
0x2f: {  	lr =	sadd.s32 s0, s3;
	s0 =	sld [smem:$0x3FAB]  }
0x30: {  	s3 =	sld [smem:$0x3FAE]  }
0x31: {  	[smem:$0x3FB7] =	sst s10  }
0x32: {  	s10 =	sld [smem:$0x3FB5];
	_ =	sdelay $0x3  }
0x33: {  	p0 =	seq.s32 s10, $0x1;
	s10 =	sld [smem:$0x3FB7];
	_ =	sdelay $0x3  }
0x34: {  	[smem:$0x3FB7] =	sst s10  }
0x35: {  	s10 =	sld [smem:$0x3FB6];
	_ =	sdelay $0x3  }
0x36: {  	p1 =	seq.s32 s10, $0x1;
	s10 =	sld [smem:$0x3FB7];
	_ =	sdelay $0x3  }
0x37: {  	[smem:$0x3FB7] =	sst s10  }
0x38: {  	s10 =	sld [smem:$0x3FB8]  }
0x39: {  	_ = 	snop;
	(pc) =	sbr.ind lr, $3  }
0x3a: {  	_ = 	snop  }
0x3b: {  	_ = 	snop  }
0x3c: {  	p2 =	seq.s32 s10, $0x1;
	s10 =	sld [smem:$0x3FB7]  }
0x3d: {  	_ =	shalt  }
0x3e: {  	_ =	shalt  }
0x3f: {  	_ =	shalt  }
0x40: {  	_ =	shalt  }
0x41: {  	_ =	shalt  }
0x42: {  	_ =	shalt  }
0x43: {  	_ =	shalt  }
0x44: {  	_ =	shalt  }
0x45: {  	_ =	shalt  }
0x46: {  	_ =	shalt  }
0x47: {  	_ =	shalt  }
0x48: {  	_ =	shalt  }
0x49: {  	_ =	shalt  }
0x4a: {  	_ =	shalt  }
0x4b: {  	_ =	shalt  }
0x4c: {  	_ =	shalt  }
0x4d: {  	_ =	shalt  }
0x4e: {  	_ =	shalt  }
0x4f: {  	_ =	shalt  }
0x50: {  	_ =	shalt  }
0x51: {  	_ =	shalt  }
0x52: {  	_ =	shalt  }
0x53: {  	_ =	shalt  }
0x54: {  	_ =	shalt  }
0x55: {  	_ =	shalt  }
0x56: {  	_ =	shalt  }
0x57: {  	_ =	shalt  }
0x58: {  	_ =	shalt  }
0x59: {  	_ =	shalt  }
0x5a: {  	_ =	shalt  }
0x5b: {  	_ =	shalt  }
0x5c: {  	_ =	shalt  }
0x5d: {  	_ =	shalt  }
0x5e: {  	_ =	shalt  }
0x5f: {  	_ =	shalt  }
0x60: {  	_ =	shalt  }
0x61: {  	_ =	shalt  }
0x62: {  	_ =	shalt  }
0x63: {  	_ =	shalt  }
0x64: {  	_ =	shalt  }
0x65: {  	_ =	shalt  }
0x66: {  	_ =	shalt  }
0x67: {  	_ =	shalt  }
0x68: {  	_ =	shalt  }
0x69: {  	_ =	shalt  }
0x6a: {  	_ =	shalt  }
0x6b: {  	_ =	shalt  }
0x6c: {  	_ =	shalt  }
0x6d: {  	_ =	shalt  }
0x6e: {  	_ =	shalt  }
0x6f: {  	_ =	shalt  }
0x70: {  	_ =	shalt  }
0x71: {  	_ =	shalt  }
0x72: {  	_ =	shalt  }
0x73: {  	_ =	shalt  }
0x74: {  	_ =	shalt  }
0x75: {  	_ =	shalt  }
0x76: {  	_ =	shalt  }
0x77: {  	_ =	shalt  }
0x78: {  	_ =	shalt  }
0x79: {  	_ =	shalt  }
0x7a: {  	_ =	shalt  }
0x7b: {  	_ =	shalt  }
0x7c: {  	_ =	shalt  }
0x7d: {  	_ =	shalt  }
0x7e: {  	_ =	shalt  }
0x7f: {  	_ =	shalt  }
0x80: {  	_ =	shalt  }
0x81: {  	_ =	shalt  }
0x82: {  	_ =	shalt  }
0x83: {  	_ =	shalt  }
0x84: {  	_ =	shalt  }
0x85: {  	_ =	shalt  }
0x86: {  	_ =	shalt  }
0x87: {  	_ =	shalt  }
.Lfunc_end0:
.L_simem_size_0:
called_computation_lowered:
.L_overlay_start_0:
0x88: {  	s2 =	sld [smem:$0x3FD9]  }
0x89: {  	s3 =	sld [smem:$0x3FFE];
	_ =	sdelay $0x1  }
0x8a: {  	s1 =	srdreg.scid  }
0x8b: {  	s0 =	sand.u32 $0x1, s1  }
0x8c: {  	s17 =	sshll.u32 s0, $0xA;
	s2 =	sadd.s32 s3, s2  }
0x8d: {  	s2 =	sadd.s32 s2, s17  }
0x8e: {  	[smem:$0x3FC3] =	sst s2  }
0x8f: {  	_ = 	snop  }
0x90: {  	s2 =	sld [smem:$0x3FD0];
	(tm) =	ssettm $0x1  }
0x91: {  	s18 =	sld [smem:$0x3FFB];
	_ =	sdelay $0x3  }
0x92: {  	_ =	strace s18  }
0x93: {  	s3 =	sld [smem:$0x3FFC];
	_ =	sdelay $0x3  }
0x94: {  	_ =	strace s3  }
0x95: {  	s3 =	sld [smem:$0x3FFD];
	_ =	sdelay $0x3  }
0x96: {  	_ =	strace s3  }
0x97: {  	_ =	strace $0x8FFFFFFF  }
0x98: {  	s19 =	sld [smem:$0x3FDB];
	_ =	sdelay $0x1  }
0x99: {  	s4 =	simm.s32 $_scs_section_size  }
0x9a: {  	s5 =	simm.s32 $_size__tile_overlayer_lowered;
	s6 =	simm.s32 $_tile_overlayer_lowered  }
0x9b: {  	s22 =	simm.s32 $0x1BFF;
	s21 =	sshll.u32 s6, $0x1;
	s3 =	sadd.s32 s4, s19  }
0x9c: {  	s7 =	simm.s32 $0x0;
	s20 =	sshll.u32 s5, $0x1;
	s5 =	sadd.s32 s21, s3  }
0x9d: {  	[timem:s7], [sflag:s22] =	dma.local [hbm:s5], s20  }
0x9e: {  	_ =	swait.ge [sflag:s22], s20  }
0x9f: {  	s4 =	ssub.s32 $0x0, s20;
	[sflag:s22] =	ssyncset.done $0x0  }
0xa0: {  	[sflag:s22] =	ssyncadd.s32 s4;
	_ =	sdelay $0x1  }
0xa1: {  	s23 =	simm.s32 $0x1B8B  }
0xa2: {  	_ =	swait.ge [sflag:s23], $0x1  }
0xa3: {  	[sflag:s23] =	ssyncset.done $0x0  }
0xa4: {  	s25 =	simm.s32 $0x1B8E;
	s24 =	sld [smem:$0x3FFE];
	[sflag:s23] =	ssyncadd.s32 $0xFFFFFFFF  }
0xa5: {  	s26 =	simm.s32 $execute0_lowered;
	[smem:$0x3FD2] =	sst s25  }
0xa6: {  	s5 =	sshll.u32 s26, $0x1;
	_ =	strace $0x80000046;
	[dreg:$0x1] =	wrdreg $0xFFFFFFFF  }
0xa7: {  	s28 =	simm.s32 $_size_execute0_lowered;
	s3 =	sadd.s32 s3, s5;
	[dreg:$0x0] =	wrdreg $0x0  }
0xa8: {  	s5 =	sshll.u32 s28, $0x1;
	[dreg:$0x2] =	wrdreg s3  }
0xa9: {  	[dreg:$0x3] =	wrdreg s5  }
0xaa: {  	[dreg:$0x4] =	wrdreg $0xC0  }
0xab: {  	_ =	task [dreg:s7], $0x5FFFF  }
0xac: {  	[dreg:$0x1] =	wrdreg $0xFFFFFFFF  }
0xad: {  	[dreg:$0x0] =	wrdreg $0x60  }
0xae: {  	[dreg:$0x2] =	wrdreg s2  }
0xaf: {  	[dreg:$0x3] =	wrdreg s24  }
0xb0: {  	[dreg:$0x4] =	wrdreg $0x144800  }
0xb1: {  	[dreg:$0x5] =	wrdreg $0x1E4800  }
0xb2: {  	[dreg:$0x6] =	wrdreg $0x9  }
0xb3: {  	_ =	task.clear_ibuf [dreg:s7], $0x7FFFF;
	_ =	strace $0x90000046  }
0xb4: {  	s29 =	simm.s32 $0x9;
	_ =	strace $0x80000048  }
0xb5: {  	_ =	swait.ge [sflag:s29], $0x1  }
0xb6: {  	[sflag:s29] =	ssyncadd.s32 $0xFFFFFFFF  }
0xb7: {  	_ =	strace $0x90000048  }
0xb8: {  	_ =	sfence  }
0xb9: {  	s30 =	sld [smem:$0x0];
	_ =	sdelay $0x2  }
0xba: {  	s31 =	sshll.u32 s1, $0xD;
	s1 =	sshrl.u32 s1, $0x2  }
0xbb: {  	s3 =	sand.u32 $0x4000, s31;
	s1 =	sadd.s32 s1, s30  }
0xbc: {  	s0 =	sor.u32 s3, s0;
	s1 =	sshll.u32 s1, $0x11  }
0xbd: {  	s0 =	sor.u32 s1, s0  }
0xbe: {  	s0 =	sadd.s32 $0x8F2B, s0  }
0xbf: {  	[sflag:s0] =	ssyncadd.remote.s32 $0x1  }
0xc0: {  	_ =	sfence.sel $0xFFFF  }
0xc1: {  	[dreg:$0x0] =	wrdreg $0xFFFFFFFF;
	(pc) =	sbr.abs _section_cstart, $3  }
0xc2: {  	[dreg:$0x1] =	wrdreg $0xFFFFFFFF  }
0xc3: {  	_ =	task.clear_ibuf [dreg:s7], $0x2FFFF;
	_ =	strace $0x9FFFFFFF  }
0xc4: {  	(tm) =	ssettm $0x7FFFFFFF  }
0xc5: {  	_ =	shalt  }
tec
execute0_lowered:
.L_overlay_start_1:
0x0: {  	(tag) =	ssettag $0x1  }
0x1: {  	s1 =	rddreg [dreg:$0x0];
	s22 =	stileid.u32  }
0x2: {  	s2 =	rddreg [dreg:$0x1];
	s11 =	smul.u32 $0x2980, s22  }
0x3: {  	s3 =	rddreg [dreg:$0x2];
	s13 =	smul.u32 $0x140, s22  }
0x4: {  	s0 =	srdreg.scid;
	s15 =	smul.u32 $0x28000, s22  }
0x5: {  	s4 =	rddreg [dreg:$0x3];
	s6 =	simm.s32 $0x0;
	s26 =	smul.u32 $0x5000, s22  }
0x6: {  	s28 =	simm.s32 $0x10280;
	s0 =	sand.u32 $0x1, s0;
	s19 =	smul.u32 $0x1400, s22  }
0x7: {  	s29 =	simm.s32 $0x200;
	s30 =	simm.s32 $0x0;
	s5 =	smul.u32 $0x14000, s0  }
0x8: {  	[smem:$0x7FF] =	sst s6;
	s7 =	sadd.s32 $0x27200, s2;
	s9 =	smul.u32 $0x2800, s0  }
0x9: {  	s8 =	sadd.s32 $0x4E400, s2;
	s10 =	smul.u32 $0x29800, s0;
	s12 =	ssub.s32 $0x2, s0  }
0xa: {  	_ =	strace $0x80000047;
	s0 =	smul.u32 $0xFFFFEC78, s0;
	s14 =	sshrl.u32 s12, $0x1  }
0xb: {  	s24 =	sshrl.u32 s15, $0x2;
	s25 =	sadd.s32 $0x80, s13;
	s17 =	sadd.s32 $0x100, s13  }
0xc: {  	s18 =	sshrl.u32 s26, $0x2;
	s15 =	simm.s32 $0xC280;
	s26 =	simm.s32 $0x1  }
0xd: {  	s5 =	sadd.s32 s5, s2;
	s16 =	sadd.s32 s9, s2;
	s14 =	ssub.s32 s12, s14  }
0xe: {  	s9 =	sadd.s32 s11, s10;
	s10 =	sadd.s32 s24, s3;
	s31 =	sshll.u32 s25, $0x7  }
0xf: {  	s13 =	sshll.u32 s17, $0x7;
	s20 =	sshll.u32 s25, $0x4;
	s21 =	sshll.u32 s17, $0x4  }
0x10: {  	s24 =	smul.u32 $0x280, s22;
	s17 =	simm.s32 $0x80;
	s22 =	simm.s32 $0x100  }
0x11: {  	s25 =	simm.s32 $0x8280;
	s11 =	sadd.s32 s31, s3;
	s12 =	sadd.s32 s13, s3  }
0x12: {  	s13 =	sadd.s32 s18, s4;
	s5 =	sadd.s32 $0x58A00, s5;
	s23 =	sadd.s32 $0x80A00, s16  }
0x13: {  	s14 =	smax.u32 s14, $0x1;
	s16 =	simm.s32 $0x2;
	s18 =	simm.s32 $0x280  }
0x14: {  	v0 =	vlaneseq.u32;
	v1 =	vmov s0;
	[dreg:$0x5] =	wrdreg s14;
	s19 =	sadd.s32 s19, s5;
	s20 =	sadd.s32 s20, s5  }
0x15: {  	v57 =	vmul.u32 $0x80, v0;
	[tilespmem:$0x1FFF0] =	vst v1;
	v1 =	vimm.f32 $0.0e+00;
	s21 =	sadd.s32 s21, s5;
	s23 =	sadd.s32 s24, s23;
	s24 =	simm.s32 $0x4280  }
.LBB2_1:
0x16: {  	s0 =	simm.s32 $0x0;
	s5 =	simm.s32 $0x200  }
.LBB2_2:
0x17: {  	p0 =	sne.s32 s5, $0xFE00;
	[tilespmem:s0+$0x102F0] =	vst v1  }
0x18: {  	[tilespmem:s0+$0xC280] =	vst v1  }
0x19: {  	[tilespmem:s0+$0x10280] =	vst v1  }
0x1a: {  	[tilespmem:s0+$0xC290] =	vst v1  }
0x1b: {  	[tilespmem:s0+$0x10290] =	vst v1  }
0x1c: {  	[tilespmem:s0+$0xC2A0] =	vst v1  }
0x1d: {  	[tilespmem:s0+$0x102A0] =	vst v1  }
0x1e: {  	[tilespmem:s0+$0xC2B0] =	vst v1  }
0x1f: {  	[tilespmem:s0+$0x102B0] =	vst v1  }
0x20: {  	[tilespmem:s0+$0xC2C0] =	vst v1  }
0x21: {  	[tilespmem:s0+$0x102C0] =	vst v1  }
.Ltmp0:
0x22: {  	[tilespmem:s0+$0xC2D0] =	vst v1;
	(pc) =	sbr.rel @p0 .LBB2_2-.Ltmp0, $4  }
0x23: {  	[tilespmem:s0+$0x102D0] =	vst v1  }
0x24: {  	[tilespmem:s0+$0xC2E0] =	vst v1  }
0x25: {  	[tilespmem:s0+$0x102E0] =	vst v1  }
0x26: {  	[tilespmem:s0+$0xC2F0] =	vst v1;
	s0 =	sshra.s32 s5, $0x2;
	s5 =	sadd.s32 $0x200, s5  }
0x27: {  	[tilespmem:s0+$0x102F0] =	vst v1  }
0x28: {  	[tilespmem:s0+$0xC280] =	vst v1  }
0x29: {  	[tilespmem:s0+$0x10280] =	vst v1  }
0x2a: {  	[tilespmem:s0+$0xC290] =	vst v1  }
0x2b: {  	[tilespmem:s0+$0x10290] =	vst v1  }
0x2c: {  	[tilespmem:s0+$0xC2A0] =	vst v1  }
0x2d: {  	[tilespmem:s0+$0x102A0] =	vst v1  }
0x2e: {  	[tilespmem:s0+$0xC2B0] =	vst v1  }
0x2f: {  	[tilespmem:s0+$0x102B0] =	vst v1  }
0x30: {  	[tilespmem:s0+$0xC2C0] =	vst v1  }
0x31: {  	[tilespmem:s0+$0x102C0] =	vst v1  }
0x32: {  	[tilespmem:s0+$0xC2D0] =	vst v1  }
0x33: {  	[tilespmem:s0+$0x102D0] =	vst v1  }
0x34: {  	[tilespmem:s0+$0xC2E0] =	vst v1  }
0x35: {  	[tilespmem:s0+$0x102E0] =	vst v1  }
0x36: {  	[tilespmem:s0+$0xC2F0] =	vst v1  }
0x37: {  	[spmem:s10] =	stream.linear.scatter [tilespmem:s15], [sflag:$0x2], $0x4000, $0x38;
	[tilespmem:$0x1F880] =	vst v63  }
0x38: {  	_ =	swait.ge [sflag:s16], $0x4000  }
0x39: {  	[sflag:s16] =	ssyncset.done $0x0  }
0x3a: {  	[sflag:s16] =	ssyncadd.s32 $0xFFFFC000  }
0x3b: {  	[spmem:s11] =	stream.linear.scatter [tilespmem:s15], [sflag:$0x2], $0x4000, $0x38;
	[tilespmem:$0x1F880] =	vst v63  }
0x3c: {  	_ =	swait.ge [sflag:s16], $0x4000  }
0x3d: {  	[sflag:s16] =	ssyncset.done $0x0  }
0x3e: {  	[sflag:s16] =	ssyncadd.s32 $0xFFFFC000  }
0x3f: {  	[spmem:s12] =	stream.linear.scatter [tilespmem:s15], [sflag:$0x2], $0x2000, $0x38;
	[tilespmem:$0x1F880] =	vst v63  }
0x40: {  	_ =	swait.ge [sflag:s16], $0x2000  }
0x41: {  	[sflag:s16] =	ssyncset.done $0x0  }
0x42: {  	[sflag:s16] =	ssyncadd.s32 $0xFFFFE000  }
0x43: {  	[spmem:s13] =	stream.linear.scatter [tilespmem:s15], [sflag:$0x2], $0x1400, $0x38;
	[tilespmem:$0x1F880] =	vst v63  }
0x44: {  	_ =	swait.ge [sflag:s16], $0x1400  }
0x45: {  	[sflag:s16] =	ssyncset.done $0x0  }
0x46: {  	[sflag:s16] =	ssyncadd.s32 $0xFFFFEC00  }
0x47: {  	s31 =	simm.s32 $0x0;
	[bflag:$0x0] =	sbarrier.arrive $0xFFFF  }
.LBB2_4:
0x48: {  	s0 =	sshll.u32 s31, $0x7  }
0x49: {  	s0 =	sadd.s32 s0, s9  }
0x4a: {  	s0 =	sshrl.u32 s0, $0x3  }
0x4b: {  	s0 =	sadd.s32 s8, s0  }
0x4c: {  	[tilespmem:s30], [sflag:$0x2] =	stream.linear.gather [hbm4b:s0+s30], $0x80, $0x38;
	[tilespmem:$0x1F880] =	vst v63  }
0x4d: {  	_ =	swait.ge [sflag:s16], $0x80  }
0x4e: {  	[sflag:s16] =	ssyncset.done $0x0  }
0x4f: {  	[sflag:s16] =	ssyncadd.s32 $0xFFFFFF80  }
0x50: {  	v0 =	vld [tilespmem:$0x0]  }
0x51: {  	v3 =	vld [tilespmem:$0x10]  }
0x52: {  	v2 =	vld [tilespmem:$0x1FFF0];
	_ =	sdelay $0x2  }
0x53: {  	v51 =	vld [tilespmem:$0x20];
	v4 =	vshra.s32 v0, $0xE;
	v0 =	vand.u32 $0x3FFF, v0  }
0x54: {  	v52 =	vshra.s32 v3, $0xE;
	v3 =	vand.u32 $0x3FFF, v3;
	[tilespmem:$0x100] =	vst v0  }
0x55: {  	v56 =	vld [tilespmem:$0x50];
	v0 =	vadd.s32 v2, v4;
	[tilespmem:$0x110] =	vst v3  }
0x56: {  	v3 =	vadd.s32 v2, v52;
	[tilespmem:$0x180] =	vst v0  }
0x57: {  	v0 =	vshra.s32 v0, $0x3;
	[tilespmem:$0x190] =	vst v3  }
0x58: {  	v53 =	vshra.s32 v51, $0xE;
	vm9 =	vlt.s32 v52, $0x270F;
	v3 =	vshra.s32 v3, $0x3;
	[tilespmem:$0x200] =	vst v0  }
0x59: {  	vm10 =	vlt.s32 v53, $0x270F;
	v0 =	vnsel vm9, $0x270F, v52;
	[tilespmem:$0x210] =	vst v3  }
0x5a: {  	v59 =	vshra.s32 v56, $0xE;
	v3 =	vnsel vm10, $0x270F, v53;
	[tilespmem:$0x90] =	vst v0;
	v0 =	vld [tilespmem:$0x30]  }
0x5b: {  	vm0 =	vlt.s32 v4, $0x270F;
	v60 =	vadd.s32 v2, v59;
	[tilespmem:$0xA0] =	vst v3;
	v3 =	vld [tilespmem:$0x40]  }
0x5c: {  	v5 =	vnsel vm0, $0x270F, v4;
	[tilespmem:$0x1D0] =	vst v60  }
0x5d: {  	v4 =	vadd.s32 v2, v53;
	[tilespmem:$0x80] =	vst v5  }
0x5e: {  	v5 =	vand.u32 $0x3FFF, v51;
	[tilespmem:$0x1A0] =	vst v4  }
0x5f: {  	[tilespmem:$0x120] =	vst v5;
	v54 =	vshra.s32 v0, $0xE;
	v0 =	vand.u32 $0x3FFF, v0  }
0x60: {  	v58 =	vshra.s32 v3, $0xE;
	v3 =	vand.u32 $0x3FFF, v3;
	[tilespmem:$0x130] =	vst v0  }
0x61: {  	v0 =	vadd.s32 v2, v54;
	[tilespmem:$0x140] =	vst v3  }
0x62: {  	v3 =	vadd.s32 v2, v58;
	[tilespmem:$0x1B0] =	vst v0  }
0x63: {  	v0 =	vshra.s32 v0, $0x3;
	[tilespmem:$0x1C0] =	vst v3  }
0x64: {  	vm12 =	vlt.s32 v58, $0x270F;
	v3 =	vshra.s32 v3, $0x3;
	[tilespmem:$0x230] =	vst v0  }
0x65: {  	vm13 =	vlt.s32 v59, $0x270F;
	v0 =	vnsel vm12, $0x270F, v58;
	[tilespmem:$0x240] =	vst v3  }
0x66: {  	v3 =	vnsel vm13, $0x270F, v59;
	[tilespmem:$0xC0] =	vst v0;
	v0 =	vld [tilespmem:$0x60]  }
0x67: {  	v4 =	vshra.s32 v4, $0x3;
	[tilespmem:$0xD0] =	vst v3;
	v3 =	vld [tilespmem:$0x70]  }
0x68: {  	[tilespmem:$0x220] =	vst v4;
	v4 =	vand.u32 $0x3FFF, v56  }
0x69: {  	[tilespmem:$0x150] =	vst v4;
	v4 =	vshra.s32 v60, $0x3;
	vm11 =	vlt.s32 v54, $0x270F  }
0x6a: {  	[tilespmem:$0x250] =	vst v4;
	v55 =	vnsel vm11, $0x270F, v54  }
0x6b: {  	[tilespmem:$0xB0] =	vst v55;
	v61 =	vshra.s32 v0, $0xE;
	v0 =	vand.u32 $0x3FFF, v0  }
0x6c: {  	v63 =	vshra.s32 v3, $0xE;
	v3 =	vand.u32 $0x3FFF, v3;
	[tilespmem:$0x160] =	vst v0  }
0x6d: {  	vm14 =	vlt.s32 v61, $0x270F;
	v0 =	vadd.s32 v2, v61;
	[tilespmem:$0x170] =	vst v3  }
0x6e: {  	v62 =	vnsel vm14, $0x270F, v61;
	[tilespmem:$0x1E0] =	vst v0  }
0x6f: {  	vm15 =	vlt.s32 v63, $0x270F;
	v0 =	vshra.s32 v0, $0x3;
	[tilespmem:$0xE0] =	vst v62  }
0x70: {  	[tilespmem:$0x260] =	vst v0;
	v0 =	vnsel vm15, $0x270F, v63  }
0x71: {  	[tilespmem:$0xF0] =	vst v0;
	v0 =	vadd.s32 v2, v63  }
0x72: {  	[tilespmem:$0x1F0] =	vst v0;
	v0 =	vshra.s32 v0, $0x3  }
0x73: {  	[tilespmem:$0x270] =	vst v0  }
0x74: {  	[tilespmem:s18], [sflag:$0x1] =	stream.indirect.gather [hbm4b:s1+s17], $0x80, s17, s17, $0xb8;
	[tilespmem:$0x1F880] =	vst v63  }
0x75: {  	_ = 	snop  }
0x76: {  	[tilespmem:s24], [sflag:$0x1] =	stream.indirect.gather [hbm4b:s2+s17], $0x80, s22, s17, $0xb8;
	[tilespmem:$0x1F880] =	vst v63  }
0x77: {  	_ = 	snop  }
0x78: {  	[tilespmem:s25], [sflag:$0x1] =	stream.indirect.gather [hbm4b:s7+s17], $0x80, s22, s17, $0xb8;
	[tilespmem:$0x1F880] =	vst v63  }
0x79: {  	_ =	swait.ge [sflag:s26], $0x4000  }
0x7a: {  	[sflag:s26] =	ssyncset.done $0x0  }
0x7b: {  	[sflag:s26] =	ssyncadd.s32 $0xFFFFC000  }
0x7c: {  	_ =	swait.ge [sflag:s26], $0x4000  }
0x7d: {  	[sflag:s26] =	ssyncset.done $0x0  }
0x7e: {  	[sflag:s26] =	ssyncadd.s32 $0xFFFFC000  }
0x7f: {  	_ =	swait.ge [sflag:s26], $0x4000  }
0x80: {  	s5 =	simm.s32 $0x14380;
	[sflag:s26] =	ssyncset.done $0x0  }
0x81: {  	s14 =	simm.s32 $0x0;
	s0 =	simm.s32 $0x180;
	[sflag:s26] =	ssyncadd.s32 $0xFFFFC000  }
.LBB2_5:
0x82: {  	v0 =	vmov s14  }
0x83: {  	v0 =	vshll.u32 v0, $0x7  }
0x84: {  	v3 =	vor.u32 v57, v0;
	v0 =	vld [tilespmem:s0+$0x0];
	_ =	sdelay $0x1  }
0x85: {  	v6 =	vor.u32 $0x1, v3;
	_ =	sdelay $0x1  }
0x86: {  	v2 =	vor.u32 $0x2, v3  }
0x87: {  	[tilespmem:$0x1FD20] =	vst v0;
	v0 =	vld.idx.msk [tilespmem:v3+s18+$0x0], $0xffff  }
0x88: {  	v9 =	vor.u32 $0x3, v3;
	v4 =	vld.idx.msk [tilespmem:v3+s24+$0x0], $0xffff  }
0x89: {  	v5 =	vld.idx.msk [tilespmem:v6+s18+$0x0], $0xffff  }
0x8a: {  	v10 =	vor.u32 $0x4, v3;
	[tilespmem:$0x1FB30] =	vst v6;
	v6 =	vld.idx.msk [tilespmem:v6+s24+$0x0], $0xffff  }
0x8b: {  	v7 =	vld.idx.msk [tilespmem:v2+s18+$0x0], $0xffff  }
0x8c: {  	v11 =	vor.u32 $0x5, v3;
	v8 =	vld.idx.msk [tilespmem:v2+s24+$0x0], $0xffff  }
0x8d: {  	v46 =	vld.idx.msk [tilespmem:v9+s18+$0x0], $0xffff;
	v0 =	vmul.f32 v4, v0  }
0x8e: {  	v12 =	vor.u32 $0x6, v3;
	[tilespmem:$0x1FB50] =	vst v9;
	v9 =	vld.idx.msk [tilespmem:v9+s24+$0x0], $0xffff  }
0x8f: {  	[tilespmem:$0x1FB40] =	vst v2;
	v47 =	vld.idx.msk [tilespmem:v10+s18+$0x0], $0xffff;
	v5 =	vmul.f32 v6, v5;
	v0 =	vadd.f32 $0.0e+00, v0  }
0x90: {  	[tilespmem:$0x1FB60] =	vst v10;
	v10 =	vld.idx.msk [tilespmem:v10+s24+$0x0], $0xffff;
	v2 =	vor.u32 $0x7, v3  }
0x91: {  	v49 =	vld.idx.msk [tilespmem:v11+s18+$0x0], $0xffff;
	v48 =	vmul.f32 v8, v7;
	v0 =	vadd.f32 v5, v0  }
0x92: {  	v51 =	vor.u32 $0x8, v3;
	v50 =	vld.idx.msk [tilespmem:v11+s24+$0x0], $0xffff  }
0x93: {  	v52 =	vld.idx.msk [tilespmem:v12+s18+$0x0], $0xffff;
	v4 =	vmul.f32 v9, v46;
	v0 =	vadd.f32 v48, v0  }
0x94: {  	v54 =	vor.u32 $0x9, v3;
	v53 =	vld.idx.msk [tilespmem:v12+s24+$0x0], $0xffff  }
0x95: {  	v55 =	vmul.f32 v10, v47;
	v56 =	vld.idx.msk [tilespmem:v2+s18+$0x0], $0xffff;
	v0 =	vadd.f32 v4, v0  }
0x96: {  	[tilespmem:$0x1FB90] =	vst v2;
	v58 =	vld.idx.msk [tilespmem:v2+s24+$0x0], $0xffff;
	v2 =	vor.u32 $0xA, v3  }
0x97: {  	v60 =	vld.idx.msk [tilespmem:v51+s18+$0x0], $0xffff;
	v59 =	vmul.f32 v50, v49;
	v0 =	vadd.f32 v55, v0  }
0x98: {  	v62 =	vor.u32 $0xB, v3;
	v61 =	vld.idx.msk [tilespmem:v51+s24+$0x0], $0xffff  }
0x99: {  	v16 =	vld.idx.msk [tilespmem:v54+s18+$0x0], $0xffff;
	v63 =	vmul.f32 v53, v52;
	v0 =	vadd.f32 v59, v0  }
0x9a: {  	v18 =	vor.u32 $0xC, v3;
	v17 =	vld.idx.msk [tilespmem:v54+s24+$0x0], $0xffff  }
0x9b: {  	v19 =	vmul.f32 v58, v56;
	v20 =	vld.idx.msk [tilespmem:v2+s18+$0x0], $0xffff;
	v0 =	vadd.f32 v63, v0  }
0x9c: {  	[tilespmem:$0x1FBC0] =	vst v2;
	v21 =	vld.idx.msk [tilespmem:v2+s24+$0x0], $0xffff;
	v2 =	vor.u32 $0xD, v3  }
0x9d: {  	v23 =	vld.idx.msk [tilespmem:v62+s18+$0x0], $0xffff;
	v22 =	vmul.f32 v61, v60;
	v0 =	vadd.f32 v19, v0  }
0x9e: {  	v25 =	vor.u32 $0xE, v3;
	v24 =	vld.idx.msk [tilespmem:v62+s24+$0x0], $0xffff  }
0x9f: {  	v27 =	vld.idx.msk [tilespmem:v18+s18+$0x0], $0xffff;
	v26 =	vmul.f32 v17, v16;
	v0 =	vadd.f32 v22, v0  }
0xa0: {  	v29 =	vor.u32 $0xF, v3;
	v28 =	vld.idx.msk [tilespmem:v18+s24+$0x0], $0xffff  }
0xa1: {  	v30 =	vmul.f32 v21, v20;
	v31 =	vld.idx.msk [tilespmem:v2+s18+$0x0], $0xffff;
	v0 =	vadd.f32 v26, v0  }
0xa2: {  	[tilespmem:$0x1FBF0] =	vst v2;
	v32 =	vld.idx.msk [tilespmem:v2+s24+$0x0], $0xffff;
	v2 =	vor.u32 $0x10, v3  }
0xa3: {  	v34 =	vld.idx.msk [tilespmem:v25+s18+$0x0], $0xffff;
	v33 =	vmul.f32 v24, v23;
	v0 =	vadd.f32 v30, v0  }
0xa4: {  	v36 =	vor.u32 $0x11, v3;
	v35 =	vld.idx.msk [tilespmem:v25+s24+$0x0], $0xffff  }
0xa5: {  	v38 =	vld.idx.msk [tilespmem:v29+s18+$0x0], $0xffff;
	v37 =	vmul.f32 v28, v27;
	v0 =	vadd.f32 v33, v0  }
0xa6: {  	v40 =	vor.u32 $0x12, v3;
	v39 =	vld.idx.msk [tilespmem:v29+s24+$0x0], $0xffff  }
0xa7: {  	v41 =	vmul.f32 v32, v31;
	v42 =	vld.idx.msk [tilespmem:v2+s18+$0x0], $0xffff;
	v0 =	vadd.f32 v37, v0  }
0xa8: {  	[tilespmem:$0x1FC20] =	vst v2;
	v43 =	vld.idx.msk [tilespmem:v2+s24+$0x0], $0xffff;
	v2 =	vor.u32 $0x13, v3  }
0xa9: {  	v45 =	vld.idx.msk [tilespmem:v36+s18+$0x0], $0xffff;
	v44 =	vmul.f32 v35, v34;
	v0 =	vadd.f32 v41, v0  }
0xaa: {  	v46 =	vld.idx.msk [tilespmem:v36+s24+$0x0], $0xffff;
	v47 =	vor.u32 $0x14, v3  }
0xab: {  	v49 =	vld.idx.msk [tilespmem:v40+s18+$0x0], $0xffff;
	v48 =	vmul.f32 v39, v38;
	v0 =	vadd.f32 v44, v0  }
0xac: {  	[tilespmem:$0x1FBA0] =	vst v51;
	v51 =	vor.u32 $0x15, v3;
	v50 =	vld.idx.msk [tilespmem:v40+s24+$0x0], $0xffff  }
0xad: {  	[tilespmem:$0x1FBB0] =	vst v54;
	v52 =	vmul.f32 v43, v42;
	v53 =	vld.idx.msk [tilespmem:v2+s18+$0x0], $0xffff;
	v0 =	vadd.f32 v48, v0  }
0xae: {  	[tilespmem:$0x1FC50] =	vst v2;
	v54 =	vld.idx.msk [tilespmem:v2+s24+$0x0], $0xffff;
	v2 =	vor.u32 $0x16, v3  }
0xaf: {  	v56 =	vld.idx.msk [tilespmem:v47+s18+$0x0], $0xffff;
	v55 =	vmul.f32 v46, v45;
	v0 =	vadd.f32 v52, v0  }
0xb0: {  	v58 =	vld.idx.msk [tilespmem:v47+s24+$0x0], $0xffff;
	v59 =	vor.u32 $0x17, v3  }
0xb1: {  	v61 =	vld.idx.msk [tilespmem:v51+s18+$0x0], $0xffff;
	v60 =	vmul.f32 v50, v49;
	v0 =	vadd.f32 v55, v0  }
0xb2: {  	[tilespmem:$0x1FBD0] =	vst v62;
	v62 =	vld.idx.msk [tilespmem:v51+s24+$0x0], $0xffff;
	v63 =	vor.u32 $0x18, v3  }
0xb3: {  	v15 =	vmul.f32 v54, v53;
	v16 =	vld.idx.msk [tilespmem:v2+s18+$0x0], $0xffff;
	v0 =	vadd.f32 v60, v0  }
0xb4: {  	[tilespmem:$0x1FC80] =	vst v2;
	v17 =	vld.idx.msk [tilespmem:v2+s24+$0x0], $0xffff;
	v2 =	vor.u32 $0x19, v3  }
0xb5: {  	[tilespmem:$0x1FBE0] =	vst v18;
	v18 =	vmul.f32 v58, v56;
	v19 =	vld.idx.msk [tilespmem:v59+s18+$0x0], $0xffff;
	v0 =	vadd.f32 v15, v0  }
0xb6: {  	v21 =	vor.u32 $0x1A, v3;
	v20 =	vld.idx.msk [tilespmem:v59+s24+$0x0], $0xffff  }
0xb7: {  	v22 =	vmul.f32 v62, v61;
	v23 =	vld.idx.msk [tilespmem:v63+s18+$0x0], $0xffff;
	v0 =	vadd.f32 v18, v0  }
0xb8: {  	[tilespmem:$0x1FC00] =	vst v25;
	v25 =	vor.u32 $0x1B, v3;
	v24 =	vld.idx.msk [tilespmem:v63+s24+$0x0], $0xffff  }
0xb9: {  	v26 =	vmul.f32 v17, v16;
	v27 =	vld.idx.msk [tilespmem:v2+s18+$0x0], $0xffff;
	v0 =	vadd.f32 v22, v0  }
0xba: {  	[tilespmem:$0x1FCB0] =	vst v2;
	v28 =	vld.idx.msk [tilespmem:v2+s24+$0x0], $0xffff;
	v2 =	vor.u32 $0x1C, v3  }
0xbb: {  	[tilespmem:$0x1FC10] =	vst v29;
	v31 =	vld.idx.msk [tilespmem:v21+s24+$0x0], $0xffff;
	v29 =	vmul.f32 v20, v19;
	v0 =	vadd.f32 v26, v0  }
0xbc: {  	v32 =	vor.u32 $0x1D, v3;
	v30 =	vld.idx.msk [tilespmem:v21+s18+$0x0], $0xffff  }
0xbd: {  	v34 =	vld.idx.msk [tilespmem:v25+s18+$0x0], $0xffff;
	v33 =	vmul.f32 v24, v23;
	v0 =	vadd.f32 v29, v0  }
0xbe: {  	[tilespmem:$0x1FC30] =	vst v36;
	v35 =	vld.idx.msk [tilespmem:v25+s24+$0x0], $0xffff;
	v36 =	vor.u32 $0x1E, v3  }
0xbf: {  	v37 =	vmul.f32 v28, v27;
	v38 =	vld.idx.msk [tilespmem:v2+s18+$0x0], $0xffff;
	v0 =	vadd.f32 v33, v0  }
0xc0: {  	[tilespmem:$0x1FCE0] =	vst v2;
	v39 =	vld.idx.msk [tilespmem:v2+s24+$0x0], $0xffff;
	v2 =	vor.u32 $0x1F, v3  }
0xc1: {  	[tilespmem:$0x1FC40] =	vst v40;
	v42 =	vld.idx.msk [tilespmem:v32+s24+$0x0], $0xffff;
	v40 =	vmul.f32 v31, v30;
	v0 =	vadd.f32 v37, v0  }
0xc2: {  	v41 =	vld.idx.msk [tilespmem:v32+s18+$0x0], $0xffff  }
0xc3: {  	v45 =	vld.idx.msk [tilespmem:v36+s24+$0x0], $0xffff;
	v43 =	vmul.f32 v35, v34;
	v0 =	vadd.f32 v40, v0  }
0xc4: {  	v44 =	vld.idx.msk [tilespmem:v36+s18+$0x0], $0xffff  }
0xc5: {  	[tilespmem:$0x1FC60] =	vst v47;
	v46 =	vmul.f32 v39, v38;
	v47 =	vld.idx.msk [tilespmem:v2+s18+$0x0], $0xffff;
	v0 =	vadd.f32 v43, v0  }
0xc6: {  	v48 =	vld.idx.msk [tilespmem:v2+s24+$0x0], $0xffff  }
0xc7: {  	v49 =	vmul.f32 v42, v41;
	v0 =	vadd.f32 v46, v0;
	_ =	sdelay $0x1  }
0xc8: {  	v50 =	vmul.f32 v45, v44;
	v0 =	vadd.f32 v49, v0;
	_ =	sdelay $0x1  }
0xc9: {  	[tilespmem:$0x1FC70] =	vst v51;
	v51 =	vmul.f32 v48, v47;
	v0 =	vadd.f32 v50, v0;
	_ =	sdelay $0x1  }
0xca: {  	v0 =	vadd.f32 v51, v0;
	_ =	sdelay $0x1  }
0xcb: {  	v0 =	vmul.f32 $1.442695020e+00, v0;
	_ =	sdelay $0x1  }
0xcc: {  	(erf) = vpow2.f32 v0;
	_ =	sdelay $0x5  }
0xcd: {  	v52 =	vor.u32 $0x20, v3  }
0xce: {  	[tilespmem:$0x1FD10] =	vst v2;
	v2 =	vor.u32 $0x21, v3;
	_ =	sdelay $0x1  }
0xcf: {  	v46 =	vpop (erf)  }
0xd0: {  	[tilespmem:s5+$0xFFFFFF00] =	vst v46  }
0xd1: {  	v0 =	vld.idx.msk [tilespmem:v52+s18+$0x0], $0xffff  }
0xd2: {  	v53 =	vor.u32 $0x22, v3;
	v55 =	vld.idx.msk [tilespmem:v2+s18+$0x0], $0xffff  }
0xd3: {  	[tilespmem:$0x1FD40] =	vst v2;
	v56 =	vld.idx.msk [tilespmem:v2+s24+$0x0], $0xffff;
	v2 =	vmov v53  }
0xd4: {  	v54 =	vor.u32 $0x23, v3;
	v4 =	vld.idx.msk [tilespmem:v52+s24+$0x0], $0xffff;
	_ =	sdelay $0x1  }
0xd5: {  	v58 =	vor.u32 $0x24, v3  }
0xd6: {  	v7 =	vld.idx.msk [tilespmem:v53+s18+$0x0], $0xffff  }
0xd7: {  	[tilespmem:$0x1FC90] =	vst v59;
	v60 =	vor.u32 $0x25, v3;
	v59 =	vld.idx.msk [tilespmem:v2+s24+$0x0], $0xffff  }
0xd8: {  	v61 =	vld.idx.msk [tilespmem:v54+s18+$0x0], $0xffff;
	v0 =	vmul.f32 v4, v0  }
0xd9: {  	v62 =	vor.u32 $0x26, v3;
	v9 =	vld.idx.msk [tilespmem:v54+s24+$0x0], $0xffff  }
0xda: {  	[tilespmem:$0x1FCA0] =	vst v63;
	v63 =	vld.idx.msk [tilespmem:v58+s18+$0x0], $0xffff;
	v5 =	vmul.f32 v56, v55;
	v0 =	vadd.f32 $0.0e+00, v0  }
0xdb: {  	v10 =	vld.idx.msk [tilespmem:v58+s24+$0x0], $0xffff;
	v2 =	vor.u32 $0x27, v3  }
0xdc: {  	v17 =	vld.idx.msk [tilespmem:v60+s18+$0x0], $0xffff;
	v0 =	vadd.f32 v5, v0;
	v16 =	vmul.f32 v59, v7  }
0xdd: {  	v19 =	vor.u32 $0x28, v3;
	v18 =	vld.idx.msk [tilespmem:v60+s24+$0x0], $0xffff  }
0xde: {  	v20 =	vld.idx.msk [tilespmem:v62+s18+$0x0], $0xffff;
	v4 =	vmul.f32 v9, v61;
	v0 =	vadd.f32 v16, v0  }
0xdf: {  	[tilespmem:$0x1FCC0] =	vst v21;
	v22 =	vor.u32 $0x29, v3;
	v21 =	vld.idx.msk [tilespmem:v62+s24+$0x0], $0xffff  }
0xe0: {  	[tilespmem:$0x1FCD0] =	vst v25;
	v23 =	vmul.f32 v10, v63;
	v24 =	vld.idx.msk [tilespmem:v2+s18+$0x0], $0xffff;
	v0 =	vadd.f32 v4, v0  }
0xe1: {  	[tilespmem:$0x1FDA0] =	vst v2;
	v25 =	vld.idx.msk [tilespmem:v2+s24+$0x0], $0xffff;
	v2 =	vor.u32 $0x2A, v3  }
0xe2: {  	v27 =	vld.idx.msk [tilespmem:v19+s18+$0x0], $0xffff;
	v26 =	vmul.f32 v18, v17;
	v0 =	vadd.f32 v23, v0  }
0xe3: {  	v29 =	vor.u32 $0x2B, v3;
	v28 =	vld.idx.msk [tilespmem:v19+s24+$0x0], $0xffff  }
0xe4: {  	v31 =	vld.idx.msk [tilespmem:v22+s18+$0x0], $0xffff;
	v30 =	vmul.f32 v21, v20;
	v0 =	vadd.f32 v26, v0  }
0xe5: {  	[tilespmem:$0x1FCF0] =	vst v32;
	v33 =	vor.u32 $0x2C, v3;
	v32 =	vld.idx.msk [tilespmem:v22+s24+$0x0], $0xffff  }
0xe6: {  	[tilespmem:$0x1FD00] =	vst v36;
	v34 =	vmul.f32 v25, v24;
	v35 =	vld.idx.msk [tilespmem:v2+s18+$0x0], $0xffff;
	v0 =	vadd.f32 v30, v0  }
0xe7: {  	[tilespmem:$0x1FDD0] =	vst v2;
	v36 =	vld.idx.msk [tilespmem:v2+s24+$0x0], $0xffff;
	v2 =	vor.u32 $0x2D, v3  }
0xe8: {  	v38 =	vld.idx.msk [tilespmem:v29+s18+$0x0], $0xffff;
	v37 =	vmul.f32 v28, v27;
	v0 =	vadd.f32 v34, v0  }
0xe9: {  	v40 =	vor.u32 $0x2E, v3;
	v39 =	vld.idx.msk [tilespmem:v29+s24+$0x0], $0xffff  }
0xea: {  	v42 =	vld.idx.msk [tilespmem:v33+s18+$0x0], $0xffff;
	v41 =	vmul.f32 v32, v31;
	v0 =	vadd.f32 v37, v0  }
0xeb: {  	v44 =	vor.u32 $0x2F, v3;
	v43 =	vld.idx.msk [tilespmem:v33+s24+$0x0], $0xffff  }
0xec: {  	v45 =	vmul.f32 v36, v35;
	v47 =	vld.idx.msk [tilespmem:v2+s18+$0x0], $0xffff;
	v0 =	vadd.f32 v41, v0  }
0xed: {  	[tilespmem:$0x1FE00] =	vst v2;
	v48 =	vld.idx.msk [tilespmem:v2+s24+$0x0], $0xffff;
	v2 =	vor.u32 $0x30, v3  }
0xee: {  	[tilespmem:$0x1FD50] =	vst v53;
	v50 =	vld.idx.msk [tilespmem:v40+s18+$0x0], $0xffff;
	v49 =	vmul.f32 v39, v38;
	v0 =	vadd.f32 v45, v0  }
0xef: {  	[tilespmem:$0x1FD30] =	vst v52;
	v51 =	vld.idx.msk [tilespmem:v40+s24+$0x0], $0xffff;
	v52 =	vor.u32 $0x31, v3  }
0xf0: {  	[tilespmem:$0x1FD60] =	vst v54;
	v54 =	vld.idx.msk [tilespmem:v44+s18+$0x0], $0xffff;
	v53 =	vmul.f32 v43, v42;
	v0 =	vadd.f32 v49, v0  }
0xf1: {  	[tilespmem:$0x1FD70] =	vst v58;
	v55 =	vld.idx.msk [tilespmem:v44+s24+$0x0], $0xffff;
	v56 =	vor.u32 $0x32, v3  }
0xf2: {  	[tilespmem:$0x1FD80] =	vst v60;
	v58 =	vmul.f32 v48, v47;
	v59 =	vld.idx.msk [tilespmem:v2+s18+$0x0], $0xffff;
	v0 =	vadd.f32 v53, v0  }
0xf3: {  	[tilespmem:$0x1FE30] =	vst v2;
	v60 =	vld.idx.msk [tilespmem:v2+s24+$0x0], $0xffff;
	v2 =	vor.u32 $0x33, v3  }
0xf4: {  	[tilespmem:$0x1FD90] =	vst v62;
	v61 =	vmul.f32 v51, v50;
	v62 =	vld.idx.msk [tilespmem:v52+s18+$0x0], $0xffff;
	v0 =	vadd.f32 v58, v0  }
0xf5: {  	v63 =	vld.idx.msk [tilespmem:v52+s24+$0x0], $0xffff;
	v16 =	vor.u32 $0x34, v3  }
0xf6: {  	[tilespmem:$0x1FB70] =	vst v11;
	v17 =	vmul.f32 v55, v54;
	v18 =	vld.idx.msk [tilespmem:v56+s18+$0x0], $0xffff;
	v0 =	vadd.f32 v61, v0  }
0xf7: {  	[tilespmem:$0x1FDB0] =	vst v19;
	v20 =	vor.u32 $0x35, v3;
	v19 =	vld.idx.msk [tilespmem:v56+s24+$0x0], $0xffff  }
0xf8: {  	[tilespmem:$0x1FDC0] =	vst v22;
	v21 =	vmul.f32 v60, v59;
	v22 =	vld.idx.msk [tilespmem:v2+s18+$0x0], $0xffff;
	v0 =	vadd.f32 v17, v0  }
0xf9: {  	[tilespmem:$0x1FE60] =	vst v2;
	v23 =	vld.idx.msk [tilespmem:v2+s24+$0x0], $0xffff;
	v2 =	vor.u32 $0x36, v3  }
0xfa: {  	[tilespmem:$0x1FB80] =	vst v12;
	v24 =	vmul.f32 v63, v62;
	v25 =	vld.idx.msk [tilespmem:v16+s18+$0x0], $0xffff;
	v0 =	vadd.f32 v21, v0  }
0xfb: {  	[tilespmem:$0x1FE20] =	vst v44;
	v27 =	vor.u32 $0x37, v3;
	v26 =	vld.idx.msk [tilespmem:v16+s24+$0x0], $0xffff  }
0xfc: {  	[tilespmem:$0x1FDE0] =	vst v29;
	v29 =	vld.idx.msk [tilespmem:v20+s18+$0x0], $0xffff;
	v28 =	vmul.f32 v19, v18;
	v0 =	vadd.f32 v24, v0  }
0xfd: {  	[tilespmem:$0x1FDF0] =	vst v33;
	v31 =	vor.u32 $0x38, v3;
	v30 =	vld.idx.msk [tilespmem:v20+s24+$0x0], $0xffff  }
0xfe: {  	[tilespmem:$0x1FE10] =	vst v40;
	v32 =	vmul.f32 v23, v22;
	v33 =	vld.idx.msk [tilespmem:v2+s18+$0x0], $0xffff;
	v0 =	vadd.f32 v28, v0  }
0xff: {  	[tilespmem:$0x1FE90] =	vst v2;
	v34 =	vld.idx.msk [tilespmem:v2+s24+$0x0], $0xffff;
	v2 =	vor.u32 $0x39, v3  }
0x100: {  	[tilespmem:$0x1FE40] =	vst v52;
	v36 =	vld.idx.msk [tilespmem:v27+s18+$0x0], $0xffff;
	v35 =	vmul.f32 v26, v25;
	v0 =	vadd.f32 v32, v0  }
0x101: {  	v38 =	vor.u32 $0x3A, v3;
	[tilespmem:$0x1FE50] =	vst v56;
	v37 =	vld.idx.msk [tilespmem:v27+s24+$0x0], $0xffff  }
0x102: {  	[tilespmem:$0x1FE80] =	vst v20;
	v40 =	vld.idx.msk [tilespmem:v31+s18+$0x0], $0xffff;
	v39 =	vmul.f32 v30, v29;
	v0 =	vadd.f32 v35, v0  }
0x103: {  	v42 =	vor.u32 $0x3B, v3;
	[tilespmem:$0x1FEA0] =	vst v27;
	v41 =	vld.idx.msk [tilespmem:v31+s24+$0x0], $0xffff  }
0x104: {  	[tilespmem:$0x1FEB0] =	vst v31;
	v43 =	vmul.f32 v34, v33;
	v44 =	vld.idx.msk [tilespmem:v2+s18+$0x0], $0xffff;
	v0 =	vadd.f32 v39, v0  }
0x105: {  	[tilespmem:$0x1FEC0] =	vst v2;
	v45 =	vld.idx.msk [tilespmem:v2+s24+$0x0], $0xffff;
	v2 =	vor.u32 $0x3C, v3  }
0x106: {  	[tilespmem:$0x1FED0] =	vst v38;
	v48 =	vld.idx.msk [tilespmem:v38+s18+$0x0], $0xffff;
	v47 =	vmul.f32 v37, v36;
	v0 =	vadd.f32 v43, v0  }
0x107: {  	v50 =	vor.u32 $0x3D, v3;
	[tilespmem:$0x1FEE0] =	vst v42;
	v49 =	vld.idx.msk [tilespmem:v38+s24+$0x0], $0xffff  }
0x108: {  	v52 =	vld.idx.msk [tilespmem:v42+s18+$0x0], $0xffff;
	[tilespmem:$0x1FE70] =	vst v16;
	v51 =	vmul.f32 v41, v40;
	v0 =	vadd.f32 v47, v0  }
0x109: {  	v54 =	vor.u32 $0x3E, v3;
	v53 =	vld.idx.msk [tilespmem:v42+s24+$0x0], $0xffff;
	[tilespmem:$0x1FEF0] =	vst v2  }
0x10a: {  	v55 =	vmul.f32 v45, v44;
	v56 =	vld.idx.msk [tilespmem:v2+s18+$0x0], $0xffff;
	v0 =	vadd.f32 v51, v0  }
0x10b: {  	v58 =	vld.idx.msk [tilespmem:v2+s24+$0x0], $0xffff;
	v2 =	vor.u32 $0x3F, v3  }
0x10c: {  	v59 =	vmul.f32 v49, v48;
	v60 =	vld.idx.msk [tilespmem:v50+s18+$0x0], $0xffff;
	v0 =	vadd.f32 v55, v0  }
0x10d: {  	v61 =	vld.idx.msk [tilespmem:v50+s24+$0x0], $0xffff  }
0x10e: {  	v62 =	vmul.f32 v53, v52;
	v63 =	vld.idx.msk [tilespmem:v54+s18+$0x0], $0xffff;
	v0 =	vadd.f32 v59, v0  }
0x10f: {  	v13 =	vld.idx.msk [tilespmem:v54+s24+$0x0], $0xffff  }
0x110: {  	v14 =	vmul.f32 v58, v56;
	v15 =	vld.idx.msk [tilespmem:v2+s18+$0x0], $0xffff;
	v0 =	vadd.f32 v62, v0  }
0x111: {  	v16 =	vld.idx.msk [tilespmem:v2+s24+$0x0], $0xffff  }
0x112: {  	v17 =	vmul.f32 v61, v60;
	v0 =	vadd.f32 v14, v0;
	_ =	sdelay $0x1  }
0x113: {  	v18 =	vmul.f32 v13, v63;
	v0 =	vadd.f32 v17, v0;
	_ =	sdelay $0x1  }
0x114: {  	v19 =	vmul.f32 v16, v15;
	v0 =	vadd.f32 v18, v0;
	_ =	sdelay $0x1  }
0x115: {  	v0 =	vadd.f32 v19, v0;
	_ =	sdelay $0x1  }
0x116: {  	v0 =	vmul.f32 $1.442695020e+00, v0;
	_ =	sdelay $0x1  }
0x117: {  	(erf) = vpow2.f32 v0;
	_ =	sdelay $0x5  }
0x118: {  	v20 =	vor.u32 $0x40, v3  }
0x119: {  	[tilespmem:$0x1FF20] =	vst v2;
	v2 =	vor.u32 $0x41, v3;
	_ =	sdelay $0x1  }
0x11a: {  	v0 =	vpop (erf)  }
0x11b: {  	[tilespmem:s5+$0xFFFFFF80] =	vst v0  }
0x11c: {  	v0 =	vld.idx.msk [tilespmem:v20+s18+$0x0], $0xffff  }
0x11d: {  	v21 =	vor.u32 $0x42, v3;
	v23 =	vld.idx.msk [tilespmem:v2+s18+$0x0], $0xffff  }
0x11e: {  	[tilespmem:$0x1FF40] =	vst v2;
	v24 =	vld.idx.msk [tilespmem:v2+s24+$0x0], $0xffff;
	v2 =	vmov v21  }
0x11f: {  	v22 =	vor.u32 $0x43, v3;
	v4 =	vld.idx.msk [tilespmem:v20+s24+$0x0], $0xffff;
	_ =	sdelay $0x1  }
0x120: {  	v25 =	vor.u32 $0x44, v3  }
0x121: {  	v7 =	vld.idx.msk [tilespmem:v21+s18+$0x0], $0xffff  }
0x122: {  	v27 =	vor.u32 $0x45, v3;
	v26 =	vld.idx.msk [tilespmem:v2+s24+$0x0], $0xffff  }
0x123: {  	v28 =	vld.idx.msk [tilespmem:v22+s18+$0x0], $0xffff;
	v0 =	vmul.f32 v4, v0  }
0x124: {  	v29 =	vor.u32 $0x46, v3;
	v9 =	vld.idx.msk [tilespmem:v22+s24+$0x0], $0xffff  }
0x125: {  	v30 =	vld.idx.msk [tilespmem:v25+s18+$0x0], $0xffff;
	v5 =	vmul.f32 v24, v23;
	v0 =	vadd.f32 $0.0e+00, v0  }
0x126: {  	v10 =	vld.idx.msk [tilespmem:v25+s24+$0x0], $0xffff;
	v2 =	vor.u32 $0x47, v3  }
0x127: {  	v32 =	vld.idx.msk [tilespmem:v27+s18+$0x0], $0xffff;
	v0 =	vadd.f32 v5, v0;
	v31 =	vmul.f32 v26, v7  }
0x128: {  	v34 =	vor.u32 $0x48, v3;
	v33 =	vld.idx.msk [tilespmem:v27+s24+$0x0], $0xffff  }
0x129: {  	v35 =	vld.idx.msk [tilespmem:v29+s18+$0x0], $0xffff;
	v4 =	vmul.f32 v9, v28;
	v0 =	vadd.f32 v31, v0  }
0x12a: {  	v37 =	vor.u32 $0x49, v3;
	v36 =	vld.idx.msk [tilespmem:v29+s24+$0x0], $0xffff  }
0x12b: {  	v38 =	vmul.f32 v10, v30;
	v39 =	vld.idx.msk [tilespmem:v2+s18+$0x0], $0xffff;
	v0 =	vadd.f32 v4, v0  }
0x12c: {  	[tilespmem:$0x1FFA0] =	vst v2;
	v40 =	vld.idx.msk [tilespmem:v2+s24+$0x0], $0xffff;
	v2 =	vor.u32 $0x4A, v3  }
0x12d: {  	v42 =	vld.idx.msk [tilespmem:v34+s18+$0x0], $0xffff;
	v41 =	vmul.f32 v33, v32;
	v0 =	vadd.f32 v38, v0  }
0x12e: {  	v44 =	vor.u32 $0x4B, v3;
	v43 =	vld.idx.msk [tilespmem:v34+s24+$0x0], $0xffff  }
0x12f: {  	v47 =	vld.idx.msk [tilespmem:v37+s18+$0x0], $0xffff;
	v45 =	vmul.f32 v36, v35;
	v0 =	vadd.f32 v41, v0  }
0x130: {  	v56 =	vor.u32 $0x4C, v3;
	v48 =	vld.idx.msk [tilespmem:v37+s24+$0x0], $0xffff  }
0x131: {  	[tilespmem:$0x1FF00] =	vst v50;
	v49 =	vmul.f32 v40, v39;
	v50 =	vld.idx.msk [tilespmem:v2+s18+$0x0], $0xffff;
	v0 =	vadd.f32 v45, v0  }
0x132: {  	v55 =	vor.u32 $0x4D, v3;
	v58 =	vld.idx.msk [tilespmem:v2+s24+$0x0], $0xffff  }
0x133: {  	v60 =	vld.idx.msk [tilespmem:v44+s18+$0x0], $0xffff;
	v59 =	vmul.f32 v43, v42;
	v0 =	vadd.f32 v49, v0  }
0x134: {  	[tilespmem:$0x1FF10] =	vst v54;
	v54 =	vor.u32 $0x4E, v3;
	v61 =	vld.idx.msk [tilespmem:v44+s24+$0x0], $0xffff  }
0x135: {  	v63 =	vld.idx.msk [tilespmem:v56+s18+$0x0], $0xffff;
	v62 =	vmul.f32 v48, v47;
	v0 =	vadd.f32 v59, v0  }
0x136: {  	v53 =	vor.u32 $0x4F, v3;
	v12 =	vld.idx.msk [tilespmem:v56+s24+$0x0], $0xffff  }
0x137: {  	v14 =	vld.idx.msk [tilespmem:v55+s18+$0x0], $0xffff;
	v13 =	vmul.f32 v58, v50;
	v0 =	vadd.f32 v62, v0  }
0x138: {  	v52 =	vor.u32 $0x50, v3;
	v15 =	vld.idx.msk [tilespmem:v55+s24+$0x0], $0xffff  }
0x139: {  	v17 =	vld.idx.msk [tilespmem:v54+s18+$0x0], $0xffff;
	v16 =	vmul.f32 v61, v60;
	v0 =	vadd.f32 v13, v0  }
0x13a: {  	v51 =	vor.u32 $0x51, v3;
	v18 =	vld.idx.msk [tilespmem:v54+s24+$0x0], $0xffff  }
0x13b: {  	[tilespmem:$0x1FF30] =	vst v20;
	v20 =	vld.idx.msk [tilespmem:v53+s18+$0x0], $0xffff;
	v19 =	vmul.f32 v12, v63;
	v0 =	vadd.f32 v16, v0  }
0x13c: {  	[tilespmem:$0x1FF50] =	vst v21;
	v21 =	vld.idx.msk [tilespmem:v53+s24+$0x0], $0xffff;
	v50 =	vor.u32 $0x52, v3  }
0x13d: {  	[tilespmem:$0x1FF60] =	vst v22;
	v22 =	vmul.f32 v15, v14;
	v23 =	vld.idx.msk [tilespmem:v52+s18+$0x0], $0xffff;
	v0 =	vadd.f32 v19, v0  }
0x13e: {  	[tilespmem:$0x1FF70] =	vst v25;
	v24 =	vld.idx.msk [tilespmem:v52+s24+$0x0], $0xffff;
	v49 =	vor.u32 $0x53, v3  }
0x13f: {  	[tilespmem:$0x1FF80] =	vst v27;
	v27 =	vld.idx.msk [tilespmem:v51+s24+$0x0], $0xffff;
	v25 =	vmul.f32 v18, v17;
	v0 =	vadd.f32 v22, v0  }
0x140: {  	v48 =	vor.u32 $0x54, v3;
	v26 =	vld.idx.msk [tilespmem:v51+s18+$0x0], $0xffff  }
0x141: {  	[tilespmem:$0x1FF90] =	vst v29;
	v28 =	vmul.f32 v21, v20;
	v29 =	vld.idx.msk [tilespmem:v50+s18+$0x0], $0xffff;
	v0 =	vadd.f32 v25, v0  }
0x142: {  	v47 =	vor.u32 $0x55, v3;
	v30 =	vld.idx.msk [tilespmem:v50+s24+$0x0], $0xffff  }
0x143: {  	v31 =	vmul.f32 v24, v23;
	v32 =	vld.idx.msk [tilespmem:v49+s18+$0x0], $0xffff;
	v0 =	vadd.f32 v28, v0  }
0x144: {  	v45 =	vor.u32 $0x56, v3;
	v33 =	vld.idx.msk [tilespmem:v49+s24+$0x0], $0xffff  }
0x145: {  	[tilespmem:$0x1FFB0] =	vst v34;
	v35 =	vld.idx.msk [tilespmem:v48+s18+$0x0], $0xffff;
	v34 =	vmul.f32 v27, v26;
	v0 =	vadd.f32 v31, v0  }
0x146: {  	[tilespmem:$0x1FFE0] =	vst v44;
	v44 =	vor.u32 $0x57, v3;
	v36 =	vld.idx.msk [tilespmem:v48+s24+$0x0], $0xffff  }
0x147: {  	[tilespmem:$0x1FFC0] =	vst v37;
	v38 =	vld.idx.msk [tilespmem:v47+s18+$0x0], $0xffff;
	v37 =	vmul.f32 v30, v29;
	v0 =	vadd.f32 v34, v0  }
0x148: {  	v43 =	vor.u32 $0x58, v3;
	v58 =	vld.idx.msk [tilespmem:v47+s24+$0x0], $0xffff  }
0x149: {  	v60 =	vld.idx.msk [tilespmem:v45+s18+$0x0], $0xffff;
	v59 =	vmul.f32 v33, v32;
	v0 =	vadd.f32 v37, v0  }
0x14a: {  	v42 =	vor.u32 $0x59, v3;
	v61 =	vld.idx.msk [tilespmem:v45+s24+$0x0], $0xffff  }
0x14b: {  	v63 =	vld.idx.msk [tilespmem:v44+s18+$0x0], $0xffff;
	v62 =	vmul.f32 v36, v35;
	v0 =	vadd.f32 v59, v0  }
0x14c: {  	v12 =	vld.idx.msk [tilespmem:v44+s24+$0x0], $0xffff;
	v41 =	vor.u32 $0x5A, v3  }
0x14d: {  	v14 =	vld.idx.msk [tilespmem:v43+s18+$0x0], $0xffff;
	v13 =	vmul.f32 v58, v38;
	v0 =	vadd.f32 v62, v0  }
0x14e: {  	v15 =	vld.idx.msk [tilespmem:v43+s24+$0x0], $0xffff;
	v40 =	vor.u32 $0x5B, v3  }
0x14f: {  	v17 =	vld.idx.msk [tilespmem:v42+s18+$0x0], $0xffff;
	v16 =	vmul.f32 v61, v60;
	v0 =	vadd.f32 v13, v0  }
0x150: {  	v18 =	vld.idx.msk [tilespmem:v42+s24+$0x0], $0xffff;
	v39 =	vor.u32 $0x5C, v3  }
0x151: {  	v20 =	vld.idx.msk [tilespmem:v41+s18+$0x0], $0xffff;
	v19 =	vmul.f32 v12, v63;
	v0 =	vadd.f32 v16, v0  }
0x152: {  	v21 =	vld.idx.msk [tilespmem:v41+s24+$0x0], $0xffff;
	v38 =	vor.u32 $0x5D, v3  }
0x153: {  	v23 =	vld.idx.msk [tilespmem:v40+s18+$0x0], $0xffff;
	v22 =	vmul.f32 v15, v14;
	v0 =	vadd.f32 v19, v0  }
0x154: {  	v24 =	vld.idx.msk [tilespmem:v40+s24+$0x0], $0xffff;
	v37 =	vor.u32 $0x5E, v3  }
0x155: {  	v26 =	vld.idx.msk [tilespmem:v39+s18+$0x0], $0xffff;
	v25 =	vmul.f32 v18, v17;
	v0 =	vadd.f32 v22, v0  }
0x156: {  	v27 =	vld.idx.msk [tilespmem:v39+s24+$0x0], $0xffff;
	v36 =	vor.u32 $0x5F, v3  }
0x157: {  	v29 =	vld.idx.msk [tilespmem:v38+s18+$0x0], $0xffff;
	v28 =	vmul.f32 v21, v20;
	v0 =	vadd.f32 v25, v0  }
0x158: {  	v30 =	vld.idx.msk [tilespmem:v38+s24+$0x0], $0xffff  }
0x159: {  	v31 =	vmul.f32 v24, v23;
	v32 =	vld.idx.msk [tilespmem:v37+s18+$0x0], $0xffff;
	v0 =	vadd.f32 v28, v0  }
0x15a: {  	v33 =	vld.idx.msk [tilespmem:v37+s24+$0x0], $0xffff  }
0x15b: {  	v35 =	vld.idx.msk [tilespmem:v36+s18+$0x0], $0xffff;
	v34 =	vmul.f32 v27, v26;
	v0 =	vadd.f32 v31, v0  }
0x15c: {  	v58 =	vld.idx.msk [tilespmem:v36+s24+$0x0], $0xffff  }
0x15d: {  	v59 =	vmul.f32 v30, v29;
	v0 =	vadd.f32 v34, v0;
	_ =	sdelay $0x1  }
0x15e: {  	v60 =	vmul.f32 v33, v32;
	v0 =	vadd.f32 v59, v0;
	_ =	sdelay $0x1  }
0x15f: {  	v61 =	vmul.f32 v58, v35;
	v0 =	vadd.f32 v60, v0;
	_ =	sdelay $0x1  }
0x160: {  	v0 =	vadd.f32 v61, v0;
	_ =	sdelay $0x1  }
0x161: {  	v0 =	vmul.f32 $1.442695020e+00, v0;
	_ =	sdelay $0x1  }
0x162: {  	(erf) = vpow2.f32 v0;
	_ =	sdelay $0x5  }
0x163: {  	v29 =	vor.u32 $0x60, v3;
	_ =	sdelay $0x1  }
0x164: {  	v33 =	vor.u32 $0x61, v3  }
0x165: {  	v0 =	vpop (erf)  }
0x166: {  	v34 =	vor.u32 $0x62, v3;
	[tilespmem:s5+$0x0] =	vst v0  }
0x167: {  	v0 =	vld.idx.msk [tilespmem:v29+s18+$0x0], $0xffff  }
0x168: {  	v35 =	vor.u32 $0x63, v3;
	v62 =	vld.idx.msk [tilespmem:v29+s24+$0x0], $0xffff  }
0x169: {  	v63 =	vld.idx.msk [tilespmem:v33+s18+$0x0], $0xffff  }
0x16a: {  	v31 =	vor.u32 $0x64, v3;
	v12 =	vld.idx.msk [tilespmem:v33+s24+$0x0], $0xffff  }
0x16b: {  	v13 =	vld.idx.msk [tilespmem:v34+s18+$0x0], $0xffff  }
0x16c: {  	v32 =	vor.u32 $0x65, v3;
	v14 =	vld.idx.msk [tilespmem:v34+s24+$0x0], $0xffff  }
0x16d: {  	v15 =	vld.idx.msk [tilespmem:v35+s18+$0x0], $0xffff;
	v0 =	vmul.f32 v62, v0  }
0x16e: {  	v30 =	vor.u32 $0x66, v3;
	v16 =	vld.idx.msk [tilespmem:v35+s24+$0x0], $0xffff  }
0x16f: {  	v17 =	vld.idx.msk [tilespmem:v31+s18+$0x0], $0xffff;
	v5 =	vmul.f32 v12, v63;
	v0 =	vadd.f32 $0.0e+00, v0  }
0x170: {  	v28 =	vor.u32 $0x67, v3;
	v18 =	vld.idx.msk [tilespmem:v31+s24+$0x0], $0xffff  }
0x171: {  	v20 =	vld.idx.msk [tilespmem:v32+s18+$0x0], $0xffff;
	v19 =	vmul.f32 v14, v13;
	v0 =	vadd.f32 v5, v0  }
0x172: {  	v27 =	vor.u32 $0x68, v3;
	v21 =	vld.idx.msk [tilespmem:v32+s24+$0x0], $0xffff  }
0x173: {  	v22 =	vld.idx.msk [tilespmem:v30+s18+$0x0], $0xffff;
	v4 =	vmul.f32 v16, v15;
	v0 =	vadd.f32 v19, v0  }
0x174: {  	v26 =	vor.u32 $0x69, v3;
	v23 =	vld.idx.msk [tilespmem:v30+s24+$0x0], $0xffff  }
0x175: {  	v59 =	vld.idx.msk [tilespmem:v28+s18+$0x0], $0xffff;
	v58 =	vmul.f32 v18, v17;
	v0 =	vadd.f32 v4, v0  }
0x176: {  	v25 =	vor.u32 $0x6A, v3;
	v60 =	vld.idx.msk [tilespmem:v28+s24+$0x0], $0xffff  }
0x177: {  	v61 =	vmul.f32 v21, v20;
	v62 =	vld.idx.msk [tilespmem:v27+s18+$0x0], $0xffff;
	v0 =	vadd.f32 v58, v0  }
0x178: {  	v24 =	vor.u32 $0x6B, v3;
	v63 =	vld.idx.msk [tilespmem:v27+s24+$0x0], $0xffff  }
0x179: {  	v12 =	vmul.f32 v23, v22;
	v13 =	vld.idx.msk [tilespmem:v26+s18+$0x0], $0xffff;
	v0 =	vadd.f32 v61, v0  }
0x17a: {  	v14 =	vld.idx.msk [tilespmem:v26+s24+$0x0], $0xffff;
	v23 =	vor.u32 $0x6C, v3  }
0x17b: {  	v15 =	vmul.f32 v60, v59;
	v16 =	vld.idx.msk [tilespmem:v25+s18+$0x0], $0xffff;
	v0 =	vadd.f32 v12, v0  }
0x17c: {  	v17 =	vld.idx.msk [tilespmem:v25+s24+$0x0], $0xffff;
	v22 =	vor.u32 $0x6D, v3  }
0x17d: {  	v59 =	vld.idx.msk [tilespmem:v24+s18+$0x0], $0xffff;
	v58 =	vmul.f32 v63, v62;
	v0 =	vadd.f32 v15, v0  }
0x17e: {  	v60 =	vld.idx.msk [tilespmem:v24+s24+$0x0], $0xffff;
	v21 =	vor.u32 $0x6E, v3  }
0x17f: {  	v62 =	vld.idx.msk [tilespmem:v23+s18+$0x0], $0xffff;
	v61 =	vmul.f32 v14, v13;
	v0 =	vadd.f32 v58, v0  }
0x180: {  	v20 =	vor.u32 $0x6F, v3;
	v63 =	vld.idx.msk [tilespmem:v23+s24+$0x0], $0xffff  }
0x181: {  	v13 =	vld.idx.msk [tilespmem:v22+s18+$0x0], $0xffff;
	v12 =	vmul.f32 v17, v16;
	v0 =	vadd.f32 v61, v0  }
0x182: {  	v19 =	vor.u32 $0x70, v3;
	v14 =	vld.idx.msk [tilespmem:v22+s24+$0x0], $0xffff  }
0x183: {  	v15 =	vmul.f32 v60, v59;
	v59 =	vld.idx.msk [tilespmem:v21+s24+$0x0], $0xffff;
	v0 =	vadd.f32 v12, v0  }
0x184: {  	v18 =	vor.u32 $0x71, v3;
	v58 =	vld.idx.msk [tilespmem:v21+s18+$0x0], $0xffff  }
0x185: {  	v5 =	vld.idx.msk [tilespmem:v20+s18+$0x0], $0xffff;
	v61 =	vmul.f32 v63, v62;
	v0 =	vadd.f32 v15, v0  }
0x186: {  	v17 =	vor.u32 $0x72, v3;
	v62 =	vld.idx.msk [tilespmem:v20+s24+$0x0], $0xffff  }
0x187: {  	v6 =	vld.idx.msk [tilespmem:v19+s18+$0x0], $0xffff;
	v60 =	vmul.f32 v14, v13;
	v0 =	vadd.f32 v61, v0  }
0x188: {  	v16 =	vor.u32 $0x73, v3;
	v61 =	vld.idx.msk [tilespmem:v19+s24+$0x0], $0xffff  }
0x189: {  	v63 =	vmul.f32 v59, v58;
	v58 =	vld.idx.msk [tilespmem:v18+s18+$0x0], $0xffff;
	v0 =	vadd.f32 v60, v0  }
0x18a: {  	v59 =	vld.idx.msk [tilespmem:v18+s24+$0x0], $0xffff;
	v15 =	vor.u32 $0x74, v3  }
0x18b: {  	v62 =	vmul.f32 v62, v5;
	v60 =	vld.idx.msk [tilespmem:v17+s24+$0x0], $0xffff;
	v0 =	vadd.f32 v63, v0  }
0x18c: {  	v14 =	vor.u32 $0x75, v3;
	v63 =	vld.idx.msk [tilespmem:v17+s18+$0x0], $0xffff  }
0x18d: {  	[tilespmem:$0x1FFD0] =	vst v2;
	v2 =	vld.idx.msk [tilespmem:v16+s24+$0x0], $0xffff;
	v61 =	vmul.f32 v61, v6;
	v0 =	vadd.f32 v62, v0  }
0x18e: {  	v13 =	vor.u32 $0x76, v3;
	v62 =	vld.idx.msk [tilespmem:v16+s18+$0x0], $0xffff  }
0x18f: {  	v58 =	vmul.f32 v59, v58;
	v7 =	vld.idx.msk [tilespmem:v15+s18+$0x0], $0xffff;
	v0 =	vadd.f32 v61, v0  }
0x190: {  	v12 =	vor.u32 $0x77, v3;
	v59 =	vld.idx.msk [tilespmem:v15+s24+$0x0], $0xffff  }
0x191: {  	v9 =	vld.idx.msk [tilespmem:v14+s24+$0x0], $0xffff;
	v63 =	vmul.f32 v60, v63;
	v0 =	vadd.f32 v58, v0  }
0x192: {  	v11 =	vor.u32 $0x78, v3;
	v5 =	vld.idx.msk [tilespmem:v14+s18+$0x0], $0xffff  }
0x193: {  	v6 =	vld.idx.msk [tilespmem:v13+s18+$0x0], $0xffff;
	v58 =	vmul.f32 v2, v62;
	v0 =	vadd.f32 v63, v0  }
0x194: {  	v10 =	vor.u32 $0x79, v3;
	v63 =	vld.idx.msk [tilespmem:v13+s24+$0x0], $0xffff  }
0x195: {  	v59 =	vmul.f32 v59, v7;
	v7 =	vld.idx.msk [tilespmem:v12+s18+$0x0], $0xffff;
	v0 =	vadd.f32 v58, v0  }
0x196: {  	v8 =	vor.u32 $0x7A, v3;
	v62 =	vld.idx.msk [tilespmem:v12+s24+$0x0], $0xffff  }
0x197: {  	v61 =	vld.idx.msk [tilespmem:v11+s24+$0x0], $0xffff;
	v58 =	vmul.f32 v9, v5;
	v0 =	vadd.f32 v59, v0  }
0x198: {  	v5 =	vld.idx.msk [tilespmem:v11+s18+$0x0], $0xffff;
	v9 =	vor.u32 $0x7B, v3  }
0x199: {  	v60 =	vld.idx.msk [tilespmem:v10+s24+$0x0], $0xffff;
	v59 =	vmul.f32 v63, v6;
	v0 =	vadd.f32 v58, v0  }
0x19a: {  	v63 =	vld.idx.msk [tilespmem:v10+s18+$0x0], $0xffff;
	v6 =	vor.u32 $0x7C, v3  }
0x19b: {  	v4 =	vmul.f32 v62, v7;
	v62 =	vld.idx.msk [tilespmem:v8+s18+$0x0], $0xffff;
	v0 =	vadd.f32 v59, v0  }
0x19c: {  	v7 =	vor.u32 $0x7D, v3;
	v59 =	vld.idx.msk [tilespmem:v8+s24+$0x0], $0xffff  }
0x19d: {  	v5 =	vmul.f32 v61, v5;
	v61 =	vld.idx.msk [tilespmem:v9+s18+$0x0], $0xffff;
	v0 =	vadd.f32 v4, v0  }
0x19e: {  	v58 =	vld.idx.msk [tilespmem:v9+s24+$0x0], $0xffff;
	v4 =	vor.u32 $0x7E, v3  }
0x19f: {  	v60 =	vmul.f32 v60, v63;
	v63 =	vld.idx.msk [tilespmem:v6+s18+$0x0], $0xffff;
	v5 =	vadd.f32 v5, v0  }
0x1a0: {  	v2 =	vor.u32 $0x7F, v3;
	v0 =	vld.idx.msk [tilespmem:v6+s24+$0x0], $0xffff  }
0x1a1: {  	v59 =	vmul.f32 v59, v62;
	v62 =	vld.idx.msk [tilespmem:v7+s24+$0x0], $0xffff;
	v5 =	vadd.f32 v60, v5  }
0x1a2: {  	v60 =	vld.idx.msk [tilespmem:v7+s18+$0x0], $0xffff  }
0x1a3: {  	v58 =	vmul.f32 v58, v61;
	v61 =	vld.idx.msk [tilespmem:v4+s24+$0x0], $0xffff;
	v5 =	vadd.f32 v59, v5  }
0x1a4: {  	v59 =	vld.idx.msk [tilespmem:v4+s18+$0x0], $0xffff  }
0x1a5: {  	v0 =	vmul.f32 v0, v63;
	v63 =	vld.idx.msk [tilespmem:v2+s24+$0x0], $0xffff;
	v5 =	vadd.f32 v58, v5  }
0x1a6: {  	v58 =	vld.idx.msk [tilespmem:v2+s18+$0x0], $0xffff  }
0x1a7: {  	v62 =	vmul.f32 v62, v60;
	v0 =	vadd.f32 v0, v5;
	_ =	sdelay $0x1  }
0x1a8: {  	v60 =	vmul.f32 v61, v59;
	v0 =	vadd.f32 v62, v0;
	_ =	sdelay $0x1  }
0x1a9: {  	v61 =	vmul.f32 v63, v58;
	v0 =	vadd.f32 v60, v0;
	_ =	sdelay $0x1  }
0x1aa: {  	v0 =	vadd.f32 v61, v0;
	_ =	sdelay $0x1  }
0x1ab: {  	v0 =	vmul.f32 $1.442695020e+00, v0;
	_ =	sdelay $0x1  }
0x1ac: {  	(erf) = vpow2.f32 v0;
	_ =	sdelay $0x8  }
0x1ad: {  	v0 =	vpop (erf)  }
0x1ae: {  	v62 =	vld [tilespmem:$0x1FB30];
	[tilespmem:s5+$0x80] =	vst v0  }
0x1af: {  	v0 =	vld.idx.msk [tilespmem:v3+s25+$0x0], $0xffff;
	_ =	sdelay $0x4  }
0x1b0: {  	v0 =	vmul.f32 v0, v46;
	_ =	sdelay $0x1  }
0x1b1: {  	v63 =	vld [tilespmem:$0x1FB40];
	[tilespmem:v3+s15+$0x0] =	vst.idx.msk $0xffff, v0  }
0x1b2: {  	v0 =	vld.idx.msk [tilespmem:v62+s25+$0x0], $0xffff;
	_ =	sdelay $0x4  }
0x1b3: {  	v0 =	vmul.f32 v0, v46;
	_ =	sdelay $0x1  }
0x1b4: {  	v58 =	vld [tilespmem:$0x1FB50];
	[tilespmem:v62+s15+$0x0] =	vst.idx.msk $0xffff, v0  }
0x1b5: {  	v0 =	vld.idx.msk [tilespmem:v63+s25+$0x0], $0xffff;
	_ =	sdelay $0x4  }
0x1b6: {  	v0 =	vmul.f32 v0, v46;
	_ =	sdelay $0x1  }
0x1b7: {  	v59 =	vld [tilespmem:$0x1FB60];
	[tilespmem:v63+s15+$0x0] =	vst.idx.msk $0xffff, v0  }
0x1b8: {  	v0 =	vld.idx.msk [tilespmem:v58+s25+$0x0], $0xffff;
	_ =	sdelay $0x4  }
0x1b9: {  	v0 =	vmul.f32 v0, v46;
	_ =	sdelay $0x1  }
0x1ba: {  	v60 =	vld [tilespmem:$0x1FB70];
	[tilespmem:v58+s15+$0x0] =	vst.idx.msk $0xffff, v0  }
0x1bb: {  	v0 =	vld.idx.msk [tilespmem:v59+s25+$0x0], $0xffff;
	_ =	sdelay $0x4  }
0x1bc: {  	v0 =	vmul.f32 v0, v46;
	_ =	sdelay $0x1  }
0x1bd: {  	v61 =	vld [tilespmem:$0x1FB80];
	[tilespmem:v59+s15+$0x0] =	vst.idx.msk $0xffff, v0  }
0x1be: {  	v0 =	vld.idx.msk [tilespmem:v60+s25+$0x0], $0xffff;
	_ =	sdelay $0x4  }
0x1bf: {  	v0 =	vmul.f32 v0, v46;
	_ =	sdelay $0x1  }
0x1c0: {  	v62 =	vld [tilespmem:$0x1FB90];
	[tilespmem:v60+s15+$0x0] =	vst.idx.msk $0xffff, v0  }
0x1c1: {  	v0 =	vld.idx.msk [tilespmem:v61+s25+$0x0], $0xffff;
	_ =	sdelay $0x4  }
0x1c2: {  	v0 =	vmul.f32 v0, v46;
	_ =	sdelay $0x1  }
0x1c3: {  	v63 =	vld [tilespmem:$0x1FBA0];
	[tilespmem:v61+s15+$0x0] =	vst.idx.msk $0xffff, v0  }
0x1c4: {  	v0 =	vld.idx.msk [tilespmem:v62+s25+$0x0], $0xffff;
	_ =	sdelay $0x4  }
0x1c5: {  	v0 =	vmul.f32 v0, v46;
	_ =	sdelay $0x1  }
0x1c6: {  	v58 =	vld [tilespmem:$0x1FBB0];
	[tilespmem:v62+s15+$0x0] =	vst.idx.msk $0xffff, v0  }
0x1c7: {  	v0 =	vld.idx.msk [tilespmem:v63+s25+$0x0], $0xffff;
	_ =	sdelay $0x4  }
0x1c8: {  	v0 =	vmul.f32 v0, v46;
	_ =	sdelay $0x1  }
0x1c9: {  	v59 =	vld [tilespmem:$0x1FBC0];
	[tilespmem:v63+s15+$0x0] =	vst.idx.msk $0xffff, v0  }
0x1ca: {  	v0 =	vld.idx.msk [tilespmem:v58+s25+$0x0], $0xffff;
	_ =	sdelay $0x4  }
0x1cb: {  	v0 =	vmul.f32 v0, v46;
	_ =	sdelay $0x1  }
0x1cc: {  	v60 =	vld [tilespmem:$0x1FBD0];
	[tilespmem:v58+s15+$0x0] =	vst.idx.msk $0xffff, v0  }
0x1cd: {  	v0 =	vld.idx.msk [tilespmem:v59+s25+$0x0], $0xffff;
	_ =	sdelay $0x4  }
0x1ce: {  	v0 =	vmul.f32 v0, v46;
	_ =	sdelay $0x1  }
0x1cf: {  	v61 =	vld [tilespmem:$0x1FBE0];
	[tilespmem:v59+s15+$0x0] =	vst.idx.msk $0xffff, v0  }
0x1d0: {  	v0 =	vld.idx.msk [tilespmem:v60+s25+$0x0], $0xffff;
	_ =	sdelay $0x4  }
0x1d1: {  	v0 =	vmul.f32 v0, v46;
	_ =	sdelay $0x1  }
0x1d2: {  	v62 =	vld [tilespmem:$0x1FBF0];
	[tilespmem:v60+s15+$0x0] =	vst.idx.msk $0xffff, v0  }
0x1d3: {  	v0 =	vld.idx.msk [tilespmem:v61+s25+$0x0], $0xffff;
	_ =	sdelay $0x4  }
0x1d4: {  	v0 =	vmul.f32 v0, v46;
	_ =	sdelay $0x1  }
0x1d5: {  	v63 =	vld [tilespmem:$0x1FC00];
	[tilespmem:v61+s15+$0x0] =	vst.idx.msk $0xffff, v0  }
0x1d6: {  	v0 =	vld.idx.msk [tilespmem:v62+s25+$0x0], $0xffff;
	_ =	sdelay $0x4  }
0x1d7: {  	v0 =	vmul.f32 v0, v46;
	_ =	sdelay $0x1  }
0x1d8: {  	v58 =	vld [tilespmem:$0x1FC10];
	[tilespmem:v62+s15+$0x0] =	vst.idx.msk $0xffff, v0  }
0x1d9: {  	v0 =	vld.idx.msk [tilespmem:v63+s25+$0x0], $0xffff;
	_ =	sdelay $0x4  }
0x1da: {  	v0 =	vmul.f32 v0, v46;
	_ =	sdelay $0x1  }
0x1db: {  	v59 =	vld [tilespmem:$0x1FC20];
	[tilespmem:v63+s15+$0x0] =	vst.idx.msk $0xffff, v0  }
0x1dc: {  	v0 =	vld.idx.msk [tilespmem:v58+s25+$0x0], $0xffff;
	_ =	sdelay $0x4  }
0x1dd: {  	v0 =	vmul.f32 v0, v46;
	_ =	sdelay $0x1  }
0x1de: {  	v60 =	vld [tilespmem:$0x1FC30];
	[tilespmem:v58+s15+$0x0] =	vst.idx.msk $0xffff, v0  }
0x1df: {  	v0 =	vld.idx.msk [tilespmem:v59+s25+$0x0], $0xffff;
	_ =	sdelay $0x4  }
0x1e0: {  	v0 =	vmul.f32 v0, v46;
	_ =	sdelay $0x1  }
0x1e1: {  	v61 =	vld [tilespmem:$0x1FC40];
	[tilespmem:v59+s15+$0x0] =	vst.idx.msk $0xffff, v0  }
0x1e2: {  	v0 =	vld.idx.msk [tilespmem:v60+s25+$0x0], $0xffff;
	_ =	sdelay $0x4  }
0x1e3: {  	v0 =	vmul.f32 v0, v46;
	_ =	sdelay $0x1  }
0x1e4: {  	v62 =	vld [tilespmem:$0x1FC50];
	[tilespmem:v60+s15+$0x0] =	vst.idx.msk $0xffff, v0  }
0x1e5: {  	v0 =	vld.idx.msk [tilespmem:v61+s25+$0x0], $0xffff;
	_ =	sdelay $0x4  }
0x1e6: {  	v0 =	vmul.f32 v0, v46;
	_ =	sdelay $0x1  }
0x1e7: {  	v63 =	vld [tilespmem:$0x1FC60];
	[tilespmem:v61+s15+$0x0] =	vst.idx.msk $0xffff, v0  }
0x1e8: {  	v0 =	vld.idx.msk [tilespmem:v62+s25+$0x0], $0xffff;
	_ =	sdelay $0x4  }
0x1e9: {  	v0 =	vmul.f32 v0, v46;
	_ =	sdelay $0x1  }
0x1ea: {  	v58 =	vld [tilespmem:$0x1FC70];
	[tilespmem:v62+s15+$0x0] =	vst.idx.msk $0xffff, v0  }
0x1eb: {  	v0 =	vld.idx.msk [tilespmem:v63+s25+$0x0], $0xffff;
	_ =	sdelay $0x4  }
0x1ec: {  	v0 =	vmul.f32 v0, v46;
	_ =	sdelay $0x1  }
0x1ed: {  	v59 =	vld [tilespmem:$0x1FC80];
	[tilespmem:v63+s15+$0x0] =	vst.idx.msk $0xffff, v0  }
0x1ee: {  	v0 =	vld.idx.msk [tilespmem:v58+s25+$0x0], $0xffff;
	_ =	sdelay $0x4  }
0x1ef: {  	v0 =	vmul.f32 v0, v46;
	_ =	sdelay $0x1  }
0x1f0: {  	v60 =	vld [tilespmem:$0x1FC90];
	[tilespmem:v58+s15+$0x0] =	vst.idx.msk $0xffff, v0  }
0x1f1: {  	v0 =	vld.idx.msk [tilespmem:v59+s25+$0x0], $0xffff;
	_ =	sdelay $0x4  }
0x1f2: {  	v0 =	vmul.f32 v0, v46;
	_ =	sdelay $0x1  }
0x1f3: {  	v61 =	vld [tilespmem:$0x1FCA0];
	[tilespmem:v59+s15+$0x0] =	vst.idx.msk $0xffff, v0  }
0x1f4: {  	v0 =	vld.idx.msk [tilespmem:v60+s25+$0x0], $0xffff;
	_ =	sdelay $0x4  }
0x1f5: {  	v0 =	vmul.f32 v0, v46;
	_ =	sdelay $0x1  }
0x1f6: {  	v62 =	vld [tilespmem:$0x1FCB0];
	[tilespmem:v60+s15+$0x0] =	vst.idx.msk $0xffff, v0  }
0x1f7: {  	v0 =	vld.idx.msk [tilespmem:v61+s25+$0x0], $0xffff;
	_ =	sdelay $0x4  }
0x1f8: {  	v0 =	vmul.f32 v0, v46;
	_ =	sdelay $0x1  }
0x1f9: {  	v63 =	vld [tilespmem:$0x1FCC0];
	[tilespmem:v61+s15+$0x0] =	vst.idx.msk $0xffff, v0  }
0x1fa: {  	v0 =	vld.idx.msk [tilespmem:v62+s25+$0x0], $0xffff;
	_ =	sdelay $0x4  }
0x1fb: {  	v0 =	vmul.f32 v0, v46;
	_ =	sdelay $0x1  }
0x1fc: {  	v58 =	vld [tilespmem:$0x1FCD0];
	[tilespmem:v62+s15+$0x0] =	vst.idx.msk $0xffff, v0  }
0x1fd: {  	v0 =	vld.idx.msk [tilespmem:v63+s25+$0x0], $0xffff;
	_ =	sdelay $0x4  }
0x1fe: {  	v0 =	vmul.f32 v0, v46;
	_ =	sdelay $0x1  }
0x1ff: {  	v59 =	vld [tilespmem:$0x1FCE0];
	[tilespmem:v63+s15+$0x0] =	vst.idx.msk $0xffff, v0  }
0x200: {  	v0 =	vld.idx.msk [tilespmem:v58+s25+$0x0], $0xffff;
	_ =	sdelay $0x4  }
0x201: {  	v0 =	vmul.f32 v0, v46;
	_ =	sdelay $0x1  }
0x202: {  	v60 =	vld [tilespmem:$0x1FCF0];
	[tilespmem:v58+s15+$0x0] =	vst.idx.msk $0xffff, v0  }
0x203: {  	v0 =	vld.idx.msk [tilespmem:v59+s25+$0x0], $0xffff;
	_ =	sdelay $0x4  }
0x204: {  	v0 =	vmul.f32 v0, v46;
	_ =	sdelay $0x1  }
0x205: {  	v61 =	vld [tilespmem:$0x1FD00];
	[tilespmem:v59+s15+$0x0] =	vst.idx.msk $0xffff, v0  }
0x206: {  	v0 =	vld.idx.msk [tilespmem:v60+s25+$0x0], $0xffff;
	_ =	sdelay $0x4  }
0x207: {  	v0 =	vmul.f32 v0, v46;
	_ =	sdelay $0x1  }
0x208: {  	v62 =	vld [tilespmem:$0x1FD10];
	[tilespmem:v60+s15+$0x0] =	vst.idx.msk $0xffff, v0  }
0x209: {  	v0 =	vld.idx.msk [tilespmem:v61+s25+$0x0], $0xffff;
	_ =	sdelay $0x3  }
0x20a: {  	v63 =	vld [tilespmem:$0x1FD20]  }
0x20b: {  	v0 =	vmul.f32 v0, v46;
	_ =	sdelay $0x1  }
0x20c: {  	[tilespmem:v61+s15+$0x0] =	vst.idx.msk $0xffff, v0  }
0x20d: {  	v0 =	vld.idx.msk [tilespmem:v62+s25+$0x0], $0xffff  }
0x20e: {  	v5 =	vshll.u32 v63, $0x4  }
0x20f: {  	v5 =	vand.u32 $0x70, v5;
	v59 =	vld [tilespmem:$0x1FD30]  }
0x210: {  	v3 =	vor.u32 v3, v5;
	_ =	sdelay $0x1  }
0x211: {  	v0 =	vmul.f32 v0, v46;
	_ =	sdelay $0x1  }
0x212: {  	[tilespmem:v62+s15+$0x0] =	vst.idx.msk $0xffff, v0  }
0x213: {  	v61 =	vld [tilespmem:$0x1FD40];
	[tilespmem:v3+s28+$0x0] =	vst.idx.msk $0xffff, v46  }
0x214: {  	v0 =	vld [tilespmem:s5+$0xFFFFFF80]  }
0x215: {  	v60 =	vld.idx.msk [tilespmem:v59+s25+$0x0], $0xffff;
	_ =	sdelay $0x4  }
0x216: {  	v5 =	vmul.f32 v60, v0;
	_ =	sdelay $0x1  }
0x217: {  	v62 =	vld [tilespmem:$0x1FD50];
	[tilespmem:v59+s15+$0x0] =	vst.idx.msk $0xffff, v5  }
0x218: {  	v5 =	vld.idx.msk [tilespmem:v61+s25+$0x0], $0xffff;
	_ =	sdelay $0x4  }
0x219: {  	v5 =	vmul.f32 v5, v0;
	_ =	sdelay $0x1  }
0x21a: {  	v63 =	vld [tilespmem:$0x1FD60];
	[tilespmem:v61+s15+$0x0] =	vst.idx.msk $0xffff, v5  }
0x21b: {  	v5 =	vld.idx.msk [tilespmem:v62+s25+$0x0], $0xffff;
	_ =	sdelay $0x4  }
0x21c: {  	v5 =	vmul.f32 v5, v0;
	_ =	sdelay $0x1  }
0x21d: {  	v58 =	vld [tilespmem:$0x1FD70];
	[tilespmem:v62+s15+$0x0] =	vst.idx.msk $0xffff, v5  }
0x21e: {  	v5 =	vld.idx.msk [tilespmem:v63+s25+$0x0], $0xffff;
	_ =	sdelay $0x4  }
0x21f: {  	v5 =	vmul.f32 v5, v0;
	_ =	sdelay $0x1  }
0x220: {  	v59 =	vld [tilespmem:$0x1FD80];
	[tilespmem:v63+s15+$0x0] =	vst.idx.msk $0xffff, v5  }
0x221: {  	v5 =	vld.idx.msk [tilespmem:v58+s25+$0x0], $0xffff;
	_ =	sdelay $0x4  }
0x222: {  	v5 =	vmul.f32 v5, v0;
	_ =	sdelay $0x1  }
0x223: {  	v60 =	vld [tilespmem:$0x1FD90];
	[tilespmem:v58+s15+$0x0] =	vst.idx.msk $0xffff, v5  }
0x224: {  	v5 =	vld.idx.msk [tilespmem:v59+s25+$0x0], $0xffff;
	_ =	sdelay $0x4  }
0x225: {  	v5 =	vmul.f32 v5, v0;
	_ =	sdelay $0x1  }
0x226: {  	v61 =	vld [tilespmem:$0x1FDA0];
	[tilespmem:v59+s15+$0x0] =	vst.idx.msk $0xffff, v5  }
0x227: {  	v5 =	vld.idx.msk [tilespmem:v60+s25+$0x0], $0xffff;
	_ =	sdelay $0x4  }
0x228: {  	v5 =	vmul.f32 v5, v0;
	_ =	sdelay $0x1  }
0x229: {  	v62 =	vld [tilespmem:$0x1FDB0];
	[tilespmem:v60+s15+$0x0] =	vst.idx.msk $0xffff, v5  }
0x22a: {  	v5 =	vld.idx.msk [tilespmem:v61+s25+$0x0], $0xffff;
	_ =	sdelay $0x4  }
0x22b: {  	v5 =	vmul.f32 v5, v0;
	_ =	sdelay $0x1  }
0x22c: {  	v63 =	vld [tilespmem:$0x1FDC0];
	[tilespmem:v61+s15+$0x0] =	vst.idx.msk $0xffff, v5  }
0x22d: {  	v5 =	vld.idx.msk [tilespmem:v62+s25+$0x0], $0xffff;
	_ =	sdelay $0x4  }
0x22e: {  	v5 =	vmul.f32 v5, v0;
	_ =	sdelay $0x1  }
0x22f: {  	v58 =	vld [tilespmem:$0x1FDD0];
	[tilespmem:v62+s15+$0x0] =	vst.idx.msk $0xffff, v5  }
0x230: {  	v5 =	vld.idx.msk [tilespmem:v63+s25+$0x0], $0xffff;
	_ =	sdelay $0x4  }
0x231: {  	v5 =	vmul.f32 v5, v0;
	_ =	sdelay $0x1  }
0x232: {  	v59 =	vld [tilespmem:$0x1FDE0];
	[tilespmem:v63+s15+$0x0] =	vst.idx.msk $0xffff, v5  }
0x233: {  	v5 =	vld.idx.msk [tilespmem:v58+s25+$0x0], $0xffff;
	_ =	sdelay $0x4  }
0x234: {  	v5 =	vmul.f32 v5, v0;
	_ =	sdelay $0x1  }
0x235: {  	v60 =	vld [tilespmem:$0x1FDF0];
	[tilespmem:v58+s15+$0x0] =	vst.idx.msk $0xffff, v5  }
0x236: {  	v5 =	vld.idx.msk [tilespmem:v59+s25+$0x0], $0xffff;
	_ =	sdelay $0x4  }
0x237: {  	v5 =	vmul.f32 v5, v0;
	_ =	sdelay $0x1  }
0x238: {  	v61 =	vld [tilespmem:$0x1FE00];
	[tilespmem:v59+s15+$0x0] =	vst.idx.msk $0xffff, v5  }
0x239: {  	v5 =	vld.idx.msk [tilespmem:v60+s25+$0x0], $0xffff;
	_ =	sdelay $0x4  }
0x23a: {  	v5 =	vmul.f32 v5, v0;
	_ =	sdelay $0x1  }
0x23b: {  	v62 =	vld [tilespmem:$0x1FE10];
	[tilespmem:v60+s15+$0x0] =	vst.idx.msk $0xffff, v5  }
0x23c: {  	v5 =	vld.idx.msk [tilespmem:v61+s25+$0x0], $0xffff;
	_ =	sdelay $0x4  }
0x23d: {  	v5 =	vmul.f32 v5, v0;
	_ =	sdelay $0x1  }
0x23e: {  	v63 =	vld [tilespmem:$0x1FE20];
	[tilespmem:v61+s15+$0x0] =	vst.idx.msk $0xffff, v5  }
0x23f: {  	v5 =	vld.idx.msk [tilespmem:v62+s25+$0x0], $0xffff;
	_ =	sdelay $0x4  }
0x240: {  	v5 =	vmul.f32 v5, v0;
	_ =	sdelay $0x1  }
0x241: {  	v58 =	vld [tilespmem:$0x1FE30];
	[tilespmem:v62+s15+$0x0] =	vst.idx.msk $0xffff, v5  }
0x242: {  	v5 =	vld.idx.msk [tilespmem:v63+s25+$0x0], $0xffff;
	_ =	sdelay $0x4  }
0x243: {  	v5 =	vmul.f32 v5, v0;
	_ =	sdelay $0x1  }
0x244: {  	v59 =	vld [tilespmem:$0x1FE40];
	[tilespmem:v63+s15+$0x0] =	vst.idx.msk $0xffff, v5  }
0x245: {  	v5 =	vld.idx.msk [tilespmem:v58+s25+$0x0], $0xffff;
	_ =	sdelay $0x4  }
0x246: {  	v5 =	vmul.f32 v5, v0;
	_ =	sdelay $0x1  }
0x247: {  	v60 =	vld [tilespmem:$0x1FE50];
	[tilespmem:v58+s15+$0x0] =	vst.idx.msk $0xffff, v5  }
0x248: {  	v5 =	vld.idx.msk [tilespmem:v59+s25+$0x0], $0xffff;
	_ =	sdelay $0x4  }
0x249: {  	v5 =	vmul.f32 v5, v0;
	_ =	sdelay $0x1  }
0x24a: {  	v61 =	vld [tilespmem:$0x1FE60];
	[tilespmem:v59+s15+$0x0] =	vst.idx.msk $0xffff, v5  }
0x24b: {  	v5 =	vld.idx.msk [tilespmem:v60+s25+$0x0], $0xffff;
	_ =	sdelay $0x4  }
0x24c: {  	v5 =	vmul.f32 v5, v0;
	_ =	sdelay $0x1  }
0x24d: {  	v62 =	vld [tilespmem:$0x1FE70];
	[tilespmem:v60+s15+$0x0] =	vst.idx.msk $0xffff, v5  }
0x24e: {  	v5 =	vld.idx.msk [tilespmem:v61+s25+$0x0], $0xffff;
	_ =	sdelay $0x4  }
0x24f: {  	v5 =	vmul.f32 v5, v0;
	_ =	sdelay $0x1  }
0x250: {  	v63 =	vld [tilespmem:$0x1FE80];
	[tilespmem:v61+s15+$0x0] =	vst.idx.msk $0xffff, v5  }
0x251: {  	v5 =	vld.idx.msk [tilespmem:v62+s25+$0x0], $0xffff;
	_ =	sdelay $0x4  }
0x252: {  	v5 =	vmul.f32 v5, v0;
	_ =	sdelay $0x1  }
0x253: {  	v58 =	vld [tilespmem:$0x1FE90];
	[tilespmem:v62+s15+$0x0] =	vst.idx.msk $0xffff, v5  }
0x254: {  	v5 =	vld.idx.msk [tilespmem:v63+s25+$0x0], $0xffff;
	_ =	sdelay $0x4  }
0x255: {  	v5 =	vmul.f32 v5, v0;
	_ =	sdelay $0x1  }
0x256: {  	v59 =	vld [tilespmem:$0x1FEA0];
	[tilespmem:v63+s15+$0x0] =	vst.idx.msk $0xffff, v5  }
0x257: {  	v5 =	vld.idx.msk [tilespmem:v58+s25+$0x0], $0xffff;
	_ =	sdelay $0x4  }
0x258: {  	v5 =	vmul.f32 v5, v0;
	_ =	sdelay $0x1  }
0x259: {  	v60 =	vld [tilespmem:$0x1FEB0];
	[tilespmem:v58+s15+$0x0] =	vst.idx.msk $0xffff, v5  }
0x25a: {  	v5 =	vld.idx.msk [tilespmem:v59+s25+$0x0], $0xffff;
	_ =	sdelay $0x4  }
0x25b: {  	v5 =	vmul.f32 v5, v0;
	_ =	sdelay $0x1  }
0x25c: {  	v61 =	vld [tilespmem:$0x1FEC0];
	[tilespmem:v59+s15+$0x0] =	vst.idx.msk $0xffff, v5  }
0x25d: {  	v5 =	vld.idx.msk [tilespmem:v60+s25+$0x0], $0xffff;
	_ =	sdelay $0x4  }
0x25e: {  	v5 =	vmul.f32 v5, v0;
	_ =	sdelay $0x1  }
0x25f: {  	v62 =	vld [tilespmem:$0x1FED0];
	[tilespmem:v60+s15+$0x0] =	vst.idx.msk $0xffff, v5  }
0x260: {  	v5 =	vld.idx.msk [tilespmem:v61+s25+$0x0], $0xffff;
	_ =	sdelay $0x4  }
0x261: {  	v5 =	vmul.f32 v5, v0;
	_ =	sdelay $0x1  }
0x262: {  	v63 =	vld [tilespmem:$0x1FEE0];
	[tilespmem:v61+s15+$0x0] =	vst.idx.msk $0xffff, v5  }
0x263: {  	v5 =	vld.idx.msk [tilespmem:v62+s25+$0x0], $0xffff;
	_ =	sdelay $0x4  }
0x264: {  	v5 =	vmul.f32 v5, v0;
	_ =	sdelay $0x1  }
0x265: {  	v58 =	vld [tilespmem:$0x1FEF0];
	[tilespmem:v62+s15+$0x0] =	vst.idx.msk $0xffff, v5  }
0x266: {  	v5 =	vld.idx.msk [tilespmem:v63+s25+$0x0], $0xffff;
	_ =	sdelay $0x4  }
0x267: {  	v5 =	vmul.f32 v5, v0;
	_ =	sdelay $0x1  }
0x268: {  	v59 =	vld [tilespmem:$0x1FF00];
	[tilespmem:v63+s15+$0x0] =	vst.idx.msk $0xffff, v5  }
0x269: {  	v5 =	vld.idx.msk [tilespmem:v58+s25+$0x0], $0xffff;
	_ =	sdelay $0x4  }
0x26a: {  	v5 =	vmul.f32 v5, v0;
	_ =	sdelay $0x1  }
0x26b: {  	v60 =	vld [tilespmem:$0x1FF10];
	[tilespmem:v58+s15+$0x0] =	vst.idx.msk $0xffff, v5  }
0x26c: {  	v5 =	vld.idx.msk [tilespmem:v59+s25+$0x0], $0xffff;
	_ =	sdelay $0x4  }
0x26d: {  	v5 =	vmul.f32 v5, v0;
	_ =	sdelay $0x1  }
0x26e: {  	v61 =	vld [tilespmem:$0x1FF20];
	[tilespmem:v59+s15+$0x0] =	vst.idx.msk $0xffff, v5  }
0x26f: {  	v5 =	vld.idx.msk [tilespmem:v60+s25+$0x0], $0xffff;
	_ =	sdelay $0x4  }
0x270: {  	v5 =	vmul.f32 v5, v0;
	_ =	sdelay $0x1  }
0x271: {  	[tilespmem:v60+s15+$0x0] =	vst.idx.msk $0xffff, v5  }
0x272: {  	v5 =	vld.idx.msk [tilespmem:v61+s25+$0x0], $0xffff;
	_ =	sdelay $0x1  }
0x273: {  	v63 =	vld [tilespmem:$0x1FF30]  }
0x274: {  	v62 =	vor.u32 $0x1, v3;
	_ =	sdelay $0x1  }
0x275: {  	v5 =	vmul.f32 v5, v0;
	_ =	sdelay $0x1  }
0x276: {  	[tilespmem:v61+s15+$0x0] =	vst.idx.msk $0xffff, v5  }
0x277: {  	v58 =	vld [tilespmem:$0x1FF40];
	[tilespmem:v62+s28+$0x0] =	vst.idx.msk $0xffff, v0  }
0x278: {  	v0 =	vld [tilespmem:s5+$0x0]  }
0x279: {  	v5 =	vld.idx.msk [tilespmem:v63+s25+$0x0], $0xffff;
	_ =	sdelay $0x4  }
0x27a: {  	v5 =	vmul.f32 v5, v0;
	_ =	sdelay $0x1  }
0x27b: {  	v59 =	vld [tilespmem:$0x1FF50];
	[tilespmem:v63+s15+$0x0] =	vst.idx.msk $0xffff, v5  }
0x27c: {  	v5 =	vld.idx.msk [tilespmem:v58+s25+$0x0], $0xffff;
	_ =	sdelay $0x4  }
0x27d: {  	v5 =	vmul.f32 v5, v0;
	_ =	sdelay $0x1  }
0x27e: {  	v60 =	vld [tilespmem:$0x1FF60];
	[tilespmem:v58+s15+$0x0] =	vst.idx.msk $0xffff, v5  }
0x27f: {  	v5 =	vld.idx.msk [tilespmem:v59+s25+$0x0], $0xffff;
	_ =	sdelay $0x4  }
0x280: {  	v5 =	vmul.f32 v5, v0;
	_ =	sdelay $0x1  }
0x281: {  	v61 =	vld [tilespmem:$0x1FF70];
	[tilespmem:v59+s15+$0x0] =	vst.idx.msk $0xffff, v5  }
0x282: {  	v5 =	vld.idx.msk [tilespmem:v60+s25+$0x0], $0xffff;
	_ =	sdelay $0x4  }
0x283: {  	v5 =	vmul.f32 v5, v0;
	_ =	sdelay $0x1  }
0x284: {  	v62 =	vld [tilespmem:$0x1FF80];
	[tilespmem:v60+s15+$0x0] =	vst.idx.msk $0xffff, v5  }
0x285: {  	v5 =	vld.idx.msk [tilespmem:v61+s25+$0x0], $0xffff;
	_ =	sdelay $0x4  }
0x286: {  	v5 =	vmul.f32 v5, v0;
	_ =	sdelay $0x1  }
0x287: {  	v63 =	vld [tilespmem:$0x1FF90];
	[tilespmem:v61+s15+$0x0] =	vst.idx.msk $0xffff, v5  }
0x288: {  	v5 =	vld.idx.msk [tilespmem:v62+s25+$0x0], $0xffff;
	_ =	sdelay $0x4  }
0x289: {  	v5 =	vmul.f32 v5, v0;
	_ =	sdelay $0x1  }
0x28a: {  	v58 =	vld [tilespmem:$0x1FFA0];
	[tilespmem:v62+s15+$0x0] =	vst.idx.msk $0xffff, v5  }
0x28b: {  	v5 =	vld.idx.msk [tilespmem:v63+s25+$0x0], $0xffff;
	_ =	sdelay $0x4  }
0x28c: {  	v5 =	vmul.f32 v5, v0;
	_ =	sdelay $0x1  }
0x28d: {  	v59 =	vld [tilespmem:$0x1FFB0];
	[tilespmem:v63+s15+$0x0] =	vst.idx.msk $0xffff, v5  }
0x28e: {  	v5 =	vld.idx.msk [tilespmem:v58+s25+$0x0], $0xffff;
	_ =	sdelay $0x4  }
0x28f: {  	v5 =	vmul.f32 v5, v0;
	_ =	sdelay $0x1  }
0x290: {  	v60 =	vld [tilespmem:$0x1FFC0];
	[tilespmem:v58+s15+$0x0] =	vst.idx.msk $0xffff, v5  }
0x291: {  	v5 =	vld.idx.msk [tilespmem:v59+s25+$0x0], $0xffff;
	_ =	sdelay $0x4  }
0x292: {  	v5 =	vmul.f32 v5, v0;
	_ =	sdelay $0x1  }
0x293: {  	v61 =	vld [tilespmem:$0x1FFD0];
	[tilespmem:v59+s15+$0x0] =	vst.idx.msk $0xffff, v5  }
0x294: {  	v5 =	vld.idx.msk [tilespmem:v60+s25+$0x0], $0xffff;
	_ =	sdelay $0x4  }
0x295: {  	v5 =	vmul.f32 v5, v0;
	_ =	sdelay $0x1  }
0x296: {  	v62 =	vld [tilespmem:$0x1FFE0];
	[tilespmem:v60+s15+$0x0] =	vst.idx.msk $0xffff, v5  }
0x297: {  	v5 =	vld.idx.msk [tilespmem:v61+s25+$0x0], $0xffff;
	_ =	sdelay $0x4  }
0x298: {  	v5 =	vmul.f32 v5, v0;
	_ =	sdelay $0x1  }
0x299: {  	[tilespmem:v61+s15+$0x0] =	vst.idx.msk $0xffff, v5  }
0x29a: {  	v5 =	vld.idx.msk [tilespmem:v62+s25+$0x0], $0xffff;
	_ =	sdelay $0x4  }
0x29b: {  	v5 =	vmul.f32 v5, v0;
	_ =	sdelay $0x1  }
0x29c: {  	[tilespmem:v62+s15+$0x0] =	vst.idx.msk $0xffff, v5  }
0x29d: {  	v5 =	vld.idx.msk [tilespmem:v56+s25+$0x0], $0xffff;
	_ =	sdelay $0x4  }
0x29e: {  	v5 =	vmul.f32 v5, v0;
	_ =	sdelay $0x1  }
0x29f: {  	[tilespmem:v56+s15+$0x0] =	vst.idx.msk $0xffff, v5  }
0x2a0: {  	v5 =	vld.idx.msk [tilespmem:v55+s25+$0x0], $0xffff;
	_ =	sdelay $0x4  }
0x2a1: {  	v5 =	vmul.f32 v5, v0;
	_ =	sdelay $0x1  }
0x2a2: {  	[tilespmem:v55+s15+$0x0] =	vst.idx.msk $0xffff, v5  }
0x2a3: {  	v5 =	vld.idx.msk [tilespmem:v54+s25+$0x0], $0xffff;
	_ =	sdelay $0x4  }
0x2a4: {  	v5 =	vmul.f32 v5, v0;
	_ =	sdelay $0x1  }
0x2a5: {  	[tilespmem:v54+s15+$0x0] =	vst.idx.msk $0xffff, v5  }
0x2a6: {  	v5 =	vld.idx.msk [tilespmem:v53+s25+$0x0], $0xffff;
	_ =	sdelay $0x4  }
0x2a7: {  	v5 =	vmul.f32 v5, v0;
	_ =	sdelay $0x1  }
0x2a8: {  	[tilespmem:v53+s15+$0x0] =	vst.idx.msk $0xffff, v5  }
0x2a9: {  	v5 =	vld.idx.msk [tilespmem:v52+s25+$0x0], $0xffff;
	_ =	sdelay $0x4  }
0x2aa: {  	v5 =	vmul.f32 v5, v0;
	_ =	sdelay $0x1  }
0x2ab: {  	[tilespmem:v52+s15+$0x0] =	vst.idx.msk $0xffff, v5  }
0x2ac: {  	v5 =	vld.idx.msk [tilespmem:v51+s25+$0x0], $0xffff;
	_ =	sdelay $0x4  }
0x2ad: {  	v5 =	vmul.f32 v5, v0;
	_ =	sdelay $0x1  }
0x2ae: {  	[tilespmem:v51+s15+$0x0] =	vst.idx.msk $0xffff, v5  }
0x2af: {  	v5 =	vld.idx.msk [tilespmem:v50+s25+$0x0], $0xffff;
	_ =	sdelay $0x4  }
0x2b0: {  	v5 =	vmul.f32 v5, v0;
	_ =	sdelay $0x1  }
0x2b1: {  	[tilespmem:v50+s15+$0x0] =	vst.idx.msk $0xffff, v5  }
0x2b2: {  	v5 =	vld.idx.msk [tilespmem:v49+s25+$0x0], $0xffff;
	_ =	sdelay $0x4  }
0x2b3: {  	v5 =	vmul.f32 v5, v0;
	_ =	sdelay $0x1  }
0x2b4: {  	[tilespmem:v49+s15+$0x0] =	vst.idx.msk $0xffff, v5  }
0x2b5: {  	v5 =	vld.idx.msk [tilespmem:v48+s25+$0x0], $0xffff;
	_ =	sdelay $0x4  }
0x2b6: {  	v5 =	vmul.f32 v5, v0;
	_ =	sdelay $0x1  }
0x2b7: {  	[tilespmem:v48+s15+$0x0] =	vst.idx.msk $0xffff, v5  }
0x2b8: {  	v5 =	vld.idx.msk [tilespmem:v47+s25+$0x0], $0xffff;
	_ =	sdelay $0x4  }
0x2b9: {  	v5 =	vmul.f32 v5, v0;
	_ =	sdelay $0x1  }
0x2ba: {  	[tilespmem:v47+s15+$0x0] =	vst.idx.msk $0xffff, v5  }
0x2bb: {  	v5 =	vld.idx.msk [tilespmem:v45+s25+$0x0], $0xffff;
	_ =	sdelay $0x4  }
0x2bc: {  	v5 =	vmul.f32 v5, v0;
	_ =	sdelay $0x1  }
0x2bd: {  	[tilespmem:v45+s15+$0x0] =	vst.idx.msk $0xffff, v5  }
0x2be: {  	v5 =	vld.idx.msk [tilespmem:v44+s25+$0x0], $0xffff;
	_ =	sdelay $0x4  }
0x2bf: {  	v5 =	vmul.f32 v5, v0;
	_ =	sdelay $0x1  }
0x2c0: {  	[tilespmem:v44+s15+$0x0] =	vst.idx.msk $0xffff, v5  }
0x2c1: {  	v5 =	vld.idx.msk [tilespmem:v43+s25+$0x0], $0xffff;
	_ =	sdelay $0x4  }
0x2c2: {  	v5 =	vmul.f32 v5, v0;
	_ =	sdelay $0x1  }
0x2c3: {  	[tilespmem:v43+s15+$0x0] =	vst.idx.msk $0xffff, v5  }
0x2c4: {  	v5 =	vld.idx.msk [tilespmem:v42+s25+$0x0], $0xffff;
	_ =	sdelay $0x4  }
0x2c5: {  	v5 =	vmul.f32 v5, v0;
	_ =	sdelay $0x1  }
0x2c6: {  	[tilespmem:v42+s15+$0x0] =	vst.idx.msk $0xffff, v5  }
0x2c7: {  	v5 =	vld.idx.msk [tilespmem:v41+s25+$0x0], $0xffff;
	_ =	sdelay $0x4  }
0x2c8: {  	v5 =	vmul.f32 v5, v0;
	_ =	sdelay $0x1  }
0x2c9: {  	[tilespmem:v41+s15+$0x0] =	vst.idx.msk $0xffff, v5  }
0x2ca: {  	v5 =	vld.idx.msk [tilespmem:v40+s25+$0x0], $0xffff;
	_ =	sdelay $0x4  }
0x2cb: {  	v5 =	vmul.f32 v5, v0;
	_ =	sdelay $0x1  }
0x2cc: {  	[tilespmem:v40+s15+$0x0] =	vst.idx.msk $0xffff, v5  }
0x2cd: {  	v5 =	vld.idx.msk [tilespmem:v39+s25+$0x0], $0xffff;
	_ =	sdelay $0x4  }
0x2ce: {  	v5 =	vmul.f32 v5, v0;
	_ =	sdelay $0x1  }
0x2cf: {  	[tilespmem:v39+s15+$0x0] =	vst.idx.msk $0xffff, v5  }
0x2d0: {  	v5 =	vld.idx.msk [tilespmem:v38+s25+$0x0], $0xffff;
	_ =	sdelay $0x4  }
0x2d1: {  	v5 =	vmul.f32 v5, v0;
	_ =	sdelay $0x1  }
0x2d2: {  	[tilespmem:v38+s15+$0x0] =	vst.idx.msk $0xffff, v5  }
0x2d3: {  	v5 =	vld.idx.msk [tilespmem:v37+s25+$0x0], $0xffff;
	_ =	sdelay $0x4  }
0x2d4: {  	v5 =	vmul.f32 v5, v0;
	_ =	sdelay $0x1  }
0x2d5: {  	[tilespmem:v37+s15+$0x0] =	vst.idx.msk $0xffff, v5  }
0x2d6: {  	v5 =	vld.idx.msk [tilespmem:v36+s25+$0x0], $0xffff;
	_ =	sdelay $0x2  }
0x2d7: {  	v63 =	vor.u32 $0x2, v3;
	_ =	sdelay $0x1  }
0x2d8: {  	v5 =	vmul.f32 v5, v0;
	_ =	sdelay $0x1  }
0x2d9: {  	[tilespmem:v36+s15+$0x0] =	vst.idx.msk $0xffff, v5  }
0x2da: {  	[tilespmem:v63+s28+$0x0] =	vst.idx.msk $0xffff, v0  }
0x2db: {  	v0 =	vld [tilespmem:s5+$0x80]  }
0x2dc: {  	v5 =	vld.idx.msk [tilespmem:v29+s25+$0x0], $0xffff;
	_ =	sdelay $0x4  }
0x2dd: {  	v5 =	vmul.f32 v5, v0;
	_ =	sdelay $0x1  }
0x2de: {  	[tilespmem:v29+s15+$0x0] =	vst.idx.msk $0xffff, v5  }
0x2df: {  	v5 =	vld.idx.msk [tilespmem:v33+s25+$0x0], $0xffff;
	_ =	sdelay $0x4  }
0x2e0: {  	v5 =	vmul.f32 v5, v0;
	_ =	sdelay $0x1  }
0x2e1: {  	[tilespmem:v33+s15+$0x0] =	vst.idx.msk $0xffff, v5  }
0x2e2: {  	v5 =	vld.idx.msk [tilespmem:v34+s25+$0x0], $0xffff;
	_ =	sdelay $0x4  }
0x2e3: {  	v5 =	vmul.f32 v5, v0;
	_ =	sdelay $0x1  }
0x2e4: {  	[tilespmem:v34+s15+$0x0] =	vst.idx.msk $0xffff, v5  }
0x2e5: {  	v5 =	vld.idx.msk [tilespmem:v35+s25+$0x0], $0xffff;
	_ =	sdelay $0x4  }
0x2e6: {  	v5 =	vmul.f32 v5, v0;
	_ =	sdelay $0x1  }
0x2e7: {  	[tilespmem:v35+s15+$0x0] =	vst.idx.msk $0xffff, v5  }
0x2e8: {  	v5 =	vld.idx.msk [tilespmem:v31+s25+$0x0], $0xffff;
	_ =	sdelay $0x4  }
0x2e9: {  	v5 =	vmul.f32 v5, v0;
	_ =	sdelay $0x1  }
0x2ea: {  	[tilespmem:v31+s15+$0x0] =	vst.idx.msk $0xffff, v5  }
0x2eb: {  	v5 =	vld.idx.msk [tilespmem:v32+s25+$0x0], $0xffff;
	_ =	sdelay $0x4  }
0x2ec: {  	v5 =	vmul.f32 v5, v0;
	_ =	sdelay $0x1  }
0x2ed: {  	[tilespmem:v32+s15+$0x0] =	vst.idx.msk $0xffff, v5  }
0x2ee: {  	v5 =	vld.idx.msk [tilespmem:v30+s25+$0x0], $0xffff;
	_ =	sdelay $0x4  }
0x2ef: {  	v5 =	vmul.f32 v5, v0;
	_ =	sdelay $0x1  }
0x2f0: {  	[tilespmem:v30+s15+$0x0] =	vst.idx.msk $0xffff, v5  }
0x2f1: {  	v5 =	vld.idx.msk [tilespmem:v28+s25+$0x0], $0xffff;
	_ =	sdelay $0x4  }
0x2f2: {  	v5 =	vmul.f32 v5, v0;
	_ =	sdelay $0x1  }
0x2f3: {  	[tilespmem:v28+s15+$0x0] =	vst.idx.msk $0xffff, v5  }
0x2f4: {  	v5 =	vld.idx.msk [tilespmem:v27+s25+$0x0], $0xffff;
	_ =	sdelay $0x4  }
0x2f5: {  	v5 =	vmul.f32 v5, v0;
	_ =	sdelay $0x1  }
0x2f6: {  	[tilespmem:v27+s15+$0x0] =	vst.idx.msk $0xffff, v5  }
0x2f7: {  	v5 =	vld.idx.msk [tilespmem:v26+s25+$0x0], $0xffff;
	_ =	sdelay $0x4  }
0x2f8: {  	v5 =	vmul.f32 v5, v0;
	_ =	sdelay $0x1  }
0x2f9: {  	[tilespmem:v26+s15+$0x0] =	vst.idx.msk $0xffff, v5  }
0x2fa: {  	v5 =	vld.idx.msk [tilespmem:v25+s25+$0x0], $0xffff;
	_ =	sdelay $0x4  }
0x2fb: {  	v5 =	vmul.f32 v5, v0;
	_ =	sdelay $0x1  }
0x2fc: {  	[tilespmem:v25+s15+$0x0] =	vst.idx.msk $0xffff, v5  }
0x2fd: {  	v5 =	vld.idx.msk [tilespmem:v24+s25+$0x0], $0xffff;
	_ =	sdelay $0x4  }
0x2fe: {  	v5 =	vmul.f32 v5, v0;
	_ =	sdelay $0x1  }
0x2ff: {  	[tilespmem:v24+s15+$0x0] =	vst.idx.msk $0xffff, v5  }
0x300: {  	v5 =	vld.idx.msk [tilespmem:v23+s25+$0x0], $0xffff;
	_ =	sdelay $0x4  }
0x301: {  	v5 =	vmul.f32 v5, v0;
	_ =	sdelay $0x1  }
0x302: {  	[tilespmem:v23+s15+$0x0] =	vst.idx.msk $0xffff, v5  }
0x303: {  	v5 =	vld.idx.msk [tilespmem:v22+s25+$0x0], $0xffff;
	_ =	sdelay $0x4  }
0x304: {  	v5 =	vmul.f32 v5, v0;
	_ =	sdelay $0x1  }
0x305: {  	[tilespmem:v22+s15+$0x0] =	vst.idx.msk $0xffff, v5  }
0x306: {  	v5 =	vld.idx.msk [tilespmem:v21+s25+$0x0], $0xffff;
	_ =	sdelay $0x4  }
0x307: {  	v5 =	vmul.f32 v5, v0;
	_ =	sdelay $0x1  }
0x308: {  	[tilespmem:v21+s15+$0x0] =	vst.idx.msk $0xffff, v5  }
0x309: {  	v5 =	vld.idx.msk [tilespmem:v20+s25+$0x0], $0xffff;
	_ =	sdelay $0x4  }
0x30a: {  	v5 =	vmul.f32 v5, v0;
	_ =	sdelay $0x1  }
0x30b: {  	[tilespmem:v20+s15+$0x0] =	vst.idx.msk $0xffff, v5  }
0x30c: {  	v5 =	vld.idx.msk [tilespmem:v19+s25+$0x0], $0xffff;
	_ =	sdelay $0x4  }
0x30d: {  	v5 =	vmul.f32 v5, v0;
	_ =	sdelay $0x1  }
0x30e: {  	[tilespmem:v19+s15+$0x0] =	vst.idx.msk $0xffff, v5  }
0x30f: {  	v5 =	vld.idx.msk [tilespmem:v18+s25+$0x0], $0xffff;
	_ =	sdelay $0x4  }
0x310: {  	v5 =	vmul.f32 v5, v0;
	_ =	sdelay $0x1  }
0x311: {  	[tilespmem:v18+s15+$0x0] =	vst.idx.msk $0xffff, v5  }
0x312: {  	v5 =	vld.idx.msk [tilespmem:v17+s25+$0x0], $0xffff;
	_ =	sdelay $0x4  }
0x313: {  	v5 =	vmul.f32 v5, v0;
	_ =	sdelay $0x1  }
0x314: {  	[tilespmem:v17+s15+$0x0] =	vst.idx.msk $0xffff, v5  }
0x315: {  	v5 =	vld.idx.msk [tilespmem:v16+s25+$0x0], $0xffff;
	_ =	sdelay $0x4  }
0x316: {  	v5 =	vmul.f32 v5, v0;
	_ =	sdelay $0x1  }
0x317: {  	[tilespmem:v16+s15+$0x0] =	vst.idx.msk $0xffff, v5  }
0x318: {  	v5 =	vld.idx.msk [tilespmem:v15+s25+$0x0], $0xffff;
	_ =	sdelay $0x4  }
0x319: {  	v5 =	vmul.f32 v5, v0;
	_ =	sdelay $0x1  }
0x31a: {  	[tilespmem:v15+s15+$0x0] =	vst.idx.msk $0xffff, v5  }
0x31b: {  	v5 =	vld.idx.msk [tilespmem:v14+s25+$0x0], $0xffff;
	_ =	sdelay $0x4  }
0x31c: {  	v5 =	vmul.f32 v5, v0;
	_ =	sdelay $0x1  }
0x31d: {  	[tilespmem:v14+s15+$0x0] =	vst.idx.msk $0xffff, v5  }
0x31e: {  	v5 =	vld.idx.msk [tilespmem:v13+s25+$0x0], $0xffff;
	_ =	sdelay $0x4  }
0x31f: {  	v5 =	vmul.f32 v5, v0;
	_ =	sdelay $0x1  }
0x320: {  	[tilespmem:v13+s15+$0x0] =	vst.idx.msk $0xffff, v5  }
0x321: {  	v5 =	vld.idx.msk [tilespmem:v12+s25+$0x0], $0xffff;
	_ =	sdelay $0x4  }
0x322: {  	v5 =	vmul.f32 v5, v0;
	_ =	sdelay $0x1  }
0x323: {  	[tilespmem:v12+s15+$0x0] =	vst.idx.msk $0xffff, v5  }
0x324: {  	v5 =	vld.idx.msk [tilespmem:v11+s25+$0x0], $0xffff;
	_ =	sdelay $0x4  }
0x325: {  	v5 =	vmul.f32 v5, v0;
	_ =	sdelay $0x1  }
0x326: {  	[tilespmem:v11+s15+$0x0] =	vst.idx.msk $0xffff, v5  }
0x327: {  	v5 =	vld.idx.msk [tilespmem:v10+s25+$0x0], $0xffff;
	_ =	sdelay $0x4  }
0x328: {  	v5 =	vmul.f32 v5, v0;
	_ =	sdelay $0x1  }
0x329: {  	[tilespmem:v10+s15+$0x0] =	vst.idx.msk $0xffff, v5  }
0x32a: {  	v5 =	vld.idx.msk [tilespmem:v8+s25+$0x0], $0xffff;
	_ =	sdelay $0x4  }
0x32b: {  	v5 =	vmul.f32 v5, v0;
	_ =	sdelay $0x1  }
0x32c: {  	[tilespmem:v8+s15+$0x0] =	vst.idx.msk $0xffff, v5  }
0x32d: {  	v5 =	vld.idx.msk [tilespmem:v9+s25+$0x0], $0xffff;
	_ =	sdelay $0x4  }
0x32e: {  	v5 =	vmul.f32 v5, v0;
	_ =	sdelay $0x1  }
0x32f: {  	[tilespmem:v9+s15+$0x0] =	vst.idx.msk $0xffff, v5  }
0x330: {  	v5 =	vld.idx.msk [tilespmem:v6+s25+$0x0], $0xffff;
	_ =	sdelay $0x4  }
0x331: {  	v5 =	vmul.f32 v5, v0;
	_ =	sdelay $0x1  }
0x332: {  	[tilespmem:v6+s15+$0x0] =	vst.idx.msk $0xffff, v5  }
0x333: {  	v5 =	vld.idx.msk [tilespmem:v7+s25+$0x0], $0xffff;
	_ =	sdelay $0x4  }
0x334: {  	v5 =	vmul.f32 v5, v0;
	_ =	sdelay $0x1  }
0x335: {  	[tilespmem:v7+s15+$0x0] =	vst.idx.msk $0xffff, v5  }
0x336: {  	v5 =	vld.idx.msk [tilespmem:v4+s25+$0x0], $0xffff;
	_ =	sdelay $0x4  }
0x337: {  	v5 =	vmul.f32 v5, v0;
	_ =	sdelay $0x1  }
0x338: {  	[tilespmem:v4+s15+$0x0] =	vst.idx.msk $0xffff, v5  }
0x339: {  	v4 =	vld.idx.msk [tilespmem:v2+s25+$0x0], $0xffff;
	_ =	sdelay $0x2  }
0x33a: {  	p0 =	sne.s32 s14, $0x70;
	v3 =	vor.u32 $0x3, v3  }
.Ltmp1:
0x33b: {  	_ = 	snop;
	(pc) =	sbr.rel @p0 .LBB2_5-.Ltmp1, $3  }
0x33c: {  	v4 =	vmul.f32 v4, v0;
	_ =	sdelay $0x1  }
0x33d: {  	[tilespmem:v2+s15+$0x0] =	vst.idx.msk $0xffff, v4  }
0x33e: {  	s14 =	sadd.s32 $0x10, s14;
	s0 =	sadd.s32 $0x10, s0;
	s5 =	sadd.s32 $0x10, s5;
	[tilespmem:v3+s28+$0x0] =	vst.idx.msk $0xffff, v0  }
0x33f: {  	s0 =	simm.s32 $0x180  }
0x340: {  	[spmem:s3] =	stream.indirect.scatter.add.f32 [tilespmem:s15], [sflag:$0x2], $0x80, s0, s17, $0xb8;
	[tilespmem:$0x1F880] =	vst v63  }
0x341: {  	_ =	swait.ge [sflag:s16], $0x4000  }
0x342: {  	[sflag:s16] =	ssyncset.done $0x0  }
0x343: {  	[sflag:s16] =	ssyncadd.s32 $0xFFFFC000  }
0x344: {  	[spmem:s4] =	stream.indirect.scatter.add.f32 [tilespmem:s28], [sflag:$0x2], $0x80, s29, s17, $0xb8;
	[tilespmem:$0x1F880] =	vst v63  }
0x345: {  	_ =	swait.ge [sflag:s16], $0x4000  }
0x346: {  	[sflag:s16] =	ssyncset.done $0x0  }
0x347: {  	[sflag:s16] =	ssyncadd.s32 $0xFFFFC000  }
0x348: {  	v0 =	vld [tilespmem:s0+$0x0];
	_ =	sdelay $0x2  }
0x349: {  	s5 =	simm.s32 $0x0  }
0x34a: {  	v2 =	vmov s5  }
0x34b: {  	v2 =	vshll.u32 v2, $0x7;
	v0 =	vshll.u32 v0, $0x4  }
0x34c: {  	v2 =	vor.u32 v57, v2;
	v0 =	vand.u32 $0x70, v0  }
0x34d: {  	v0 =	vor.u32 v2, v0;
	_ =	sdelay $0x1  }
0x34e: {  	v2 =	vor.u32 $0x1, v0  }
0x34f: {  	v3 =	vor.u32 $0x2, v0;
	_ =	sdelay $0x1  }
0x350: {  	[tilespmem:v0+s28+$0x0] =	vst.idx.msk $0xffff, v1;
	v0 =	vor.u32 $0x3, v0;
	_ =	sdelay $0x1  }
0x351: {  	[tilespmem:v2+s28+$0x0] =	vst.idx.msk $0xffff, v1  }
0x352: {  	s5 =	simm.s32 $0x10;
	[tilespmem:v3+s28+$0x0] =	vst.idx.msk $0xffff, v1  }
.LBB2_7:
0x353: {  	p0 =	sne.s32 s5, $0x70  }
0x354: {  	[tilespmem:v0+s28+$0x0] =	vst.idx.msk $0xffff, v1;
	s0 =	sadd.s32 $0x10, s0;
	s14 =	smov.u32 s5;
	s5 =	sadd.s32 $0x10, s5  }
0x355: {  	v0 =	vld [tilespmem:s0+$0x0];
	_ =	sdelay $0x3  }
0x356: {  	v2 =	vmov s14  }
0x357: {  	v2 =	vshll.u32 v2, $0x7;
	v0 =	vshll.u32 v0, $0x4  }
0x358: {  	v2 =	vor.u32 v57, v2;
	v0 =	vand.u32 $0x70, v0  }
0x359: {  	v2 =	vor.u32 v2, v0  }
0x35a: {  	v3 =	vor.u32 $0x1, v2  }
0x35b: {  	v4 =	vor.u32 $0x2, v2  }
.Ltmp2:
0x35c: {  	v0 =	vor.u32 $0x3, v2;
	(pc) =	sbr.rel @p0 .LBB2_7-.Ltmp2, $4  }
0x35d: {  	_ = 	snop  }
0x35e: {  	[tilespmem:v2+s28+$0x0] =	vst.idx.msk $0xffff, v1  }
0x35f: {  	[tilespmem:v3+s28+$0x0] =	vst.idx.msk $0xffff, v1  }
0x360: {  	[tilespmem:v4+s28+$0x0] =	vst.idx.msk $0xffff, v1  }
0x361: {  	s31 =	sadd.s32 $0x1, s31  }
0x362: {  	p0 =	sne.s32 s31, $0x53  }
.Ltmp3:
0x363: {  	_ = 	snop;
	(pc) =	sbr.rel @p0 .LBB2_4-.Ltmp3, $2  }
0x364: {  	_ =	sdelay $0x2  }
0x365: {  	[tilespmem:v0+s28+$0x0] =	vst.idx.msk $0xffff, v1  }
0x366: {  	s0 =	stileid.u32  }
0x367: {  	s0 =	sshll.u32 s0, $0x6  }
0x368: {  	[bflag:$0x0] =	sbarrier.arrive $0xFFFF;
	s5 =	sshrl.u32 s10, $0x3;
	s0 =	sor.u32 $0x1C02, s0  }
0x369: {  	[hbm:s19], [sflag:s0] =	dma.local [spmem:s5], $0x800  }
0x36a: {  	_ =	swait.ge [sflag:s16], $0x800  }
0x36b: {  	[sflag:s16] =	ssyncset.done $0x0  }
0x36c: {  	s14 =	sshrl.u32 s11, $0x3;
	[sflag:s16] =	ssyncadd.s32 $0xFFFFF800  }
0x36d: {  	[hbm:s20], [sflag:s0] =	dma.local [spmem:s14], $0x800  }
0x36e: {  	_ =	swait.ge [sflag:s16], $0x800  }
0x36f: {  	[sflag:s16] =	ssyncset.done $0x0  }
0x370: {  	s31 =	sshrl.u32 s12, $0x3;
	[sflag:s16] =	ssyncadd.s32 $0xFFFFF800  }
0x371: {  	[hbm:s21], [sflag:s0] =	dma.local [spmem:s31], $0x400  }
0x372: {  	_ =	swait.ge [sflag:s16], $0x400  }
0x373: {  	[sflag:s16] =	ssyncset.done $0x0  }
0x374: {  	s14 =	sshrl.u32 s13, $0x3;
	[sflag:s16] =	ssyncadd.s32 $0xFFFFFC00  }
0x375: {  	[hbm:s23], [sflag:s0] =	dma.local [spmem:s14], $0x280  }
0x376: {  	_ =	swait.ge [sflag:s16], $0x280  }
0x377: {  	s6 =	sadd.s32 $0x1, s6;
	s31 =	rddreg [dreg:$0x5]  }
0x378: {  	p0 =	sne.s32 s6, s31  }
.Ltmp4:
0x379: {  	_ = 	snop;
	(pc) =	sbr.rel @p0 .LBB2_1-.Ltmp4, $3  }
0x37a: {  	_ =	sdelay $0x1  }
0x37b: {  	[sflag:s16] =	ssyncset.done $0x0  }
0x37c: {  	[sflag:s16] =	ssyncadd.s32 $0xFFFFFD80  }
0x37d: {  	_ =	sfence.sel $0x180000  }
0x37e: {  	[bflag:$0x0] =	sbarrier.arrive $0xFFFF  }
0x37f: {  	_ =	strace $0x90000047  }
0x380: {  	s0 =	stileid.u32;
	[bflag:$0x2] =	sbarrier.arrive $0xFFFF  }
0x381: {  	p0 =	sne.s32 s0, $0x0;
	s0 =	rddreg [dreg:$0x4]  }
0x382: {  	s0 =	sadd.s32 @!p0 $0x100000, s0  }
0x383: {  	[sflag:s0] =	ssyncadd.tile.s32 @!p0 $0x1;
	_ =	shalt  }
.Lfunc_end2:
_tile_overlayer_lowered:
.L_overlay_start_2:
0x384: {  	(tag) =	ssettag $0x2  }
0x385: {  	s0 =	rddreg [dreg:$0x0];
	s2 =	stileid.u32  }
0x386: {  	s1 =	rddreg [dreg:$0x1];
	p0 =	sne.s32 s2, $0x0  }
0x387: {  	s3 =	rddreg [dreg:$0x2];
	[bflag:$0x3] =	sbarrier.arrive $0xFFFF;
	s2 =	simm.s32 @!p0 $0x1C02  }
0x388: {  	[timem:s3], [sflag:s2] =	dma.local @!p0 [hbm:s0], s1  }
0x389: {  	s0 =	simm.s32 @!p0 $0x2  }
0x38a: {  	_ =	swait.ge @!p0 [sflag:s0], s1  }
0x38b: {  	s1 =	ssub.s32 @!p0 $0x0, s1;
	[sflag:s0] =	ssyncset.done @!p0 $0x0  }
0x38c: {  	[sflag:s0] =	ssyncadd.s32 @!p0 s1  }
0x38d: {  	[bflag:$0x3] =	sbarrier.arrive $0xFFFF  }
0x38e: {  	_ =	shalt  }

</sc_bundles>
